<compile_context>
chip_gen: v7x
topology: tpu7x:2x2x1
jax: 0.10.2.dev20260603
libtpu: 0.0.44.dev20260713+nightly
codegen_flags: <defaults>
</compile_context>

<pallas_src>
import functools

import jax
import jax.numpy as jnp
from jax import lax
from jax.experimental import pallas as pl
from jax.experimental.pallas import tpu as pltpu
from jax.experimental.pallas import tpu_sc as plsc

_N = 10000
_E = 320000
_D = 128
_DE = 16
_OUT = 64

_NC = 2
_NS = 16
_NW = _NC * _NS
_EPW = _E // _NW
_C = 80
_NCH = _EPW // _C
_NP = 10240
_RPS = _NP // _NS

_EB = 3200


def _edge_body(ea_ref, w1, b1, w2, b2, ee_ref):
    ea = ea_ref[...]
    t = jnp.maximum(jnp.dot(ea, w1[...], preferred_element_type=jnp.float32) + b1[...], 0.0)
    ee_ref[...] = jnp.dot(t, w2[...], preferred_element_type=jnp.float32) + b2[...]


def _edge_encoder(ea, w1, b1, w2, b2):
    wspec = lambda a: pl.BlockSpec(a.shape, lambda i: tuple(0 for _ in a.shape))
    args = (w1, b1, w2, b2)
    return pl.pallas_call(
        _edge_body,
        grid=(_E // _EB,),
        in_specs=[pl.BlockSpec((_EB, _DE), lambda i: (i, 0))] + [wspec(a) for a in args],
        out_specs=pl.BlockSpec((_EB, _D), lambda i: (i, 0)),
        out_shape=jax.ShapeDtypeStruct((_E, _D), jnp.float32),
    )(ea, *args)


def _node_body(x_ref, p_ref, eps_ref, wm1, bm1, wm2, bm2, g_ref, b_ref, out_ref):
    agg = p_ref[0, :_N] + p_ref[1, :_N]
    h = x_ref[...] * (1.0 + eps_ref[...]) + agg
    t = jnp.maximum(jnp.dot(h, wm1[...], preferred_element_type=jnp.float32) + bm1[...], 0.0)
    z = jnp.dot(t, wm2[...], preferred_element_type=jnp.float32) + bm2[...]
    z = jnp.maximum(z, 0.0)
    m = jnp.mean(z, axis=0, keepdims=True)
    v = jnp.mean((z - m) * (z - m), axis=0, keepdims=True)
    out_ref[...] = (z - m) * lax.rsqrt(v + 1e-5) * g_ref[...] + b_ref[...]


def _node_update(x, parts, eps, wm1, bm1, wm2, bm2, gamma, beta):
    return pl.pallas_call(
        _node_body,
        out_shape=jax.ShapeDtypeStruct((_N, _D), jnp.float32),
    )(x, parts, eps, wm1, bm1, wm2, bm2, gamma, beta)


def _readout_body(h1_ref, h2_ref, wa, wb, b1, w2, b2, out_ref):
    xf = (jnp.dot(h1_ref[...], wa[...], preferred_element_type=jnp.float32)
          + jnp.dot(h2_ref[...], wb[...], preferred_element_type=jnp.float32) + b1[...])
    xf = jnp.maximum(xf, 0.0)
    out_ref[...] = jnp.dot(xf, w2[...], preferred_element_type=jnp.float32) + b2[...]


def _readout(h1, h2, wfc1, bfc1, wfc2, bfc2):
    return pl.pallas_call(
        _readout_body,
        out_shape=jax.ShapeDtypeStruct((_N, _OUT), jnp.float32),
    )(h1, h2, wfc1[:_D], wfc1[_D:], bfc1, wfc2, bfc2)


def _sc_body(table, ee, src, dst, parts, idxb, rows_v, ee_v, acc_sh,
             isem0, isem1, gsem0, gsem1, esem0, esem1):
    c = lax.axis_index("c")
    s = lax.axis_index("s")
    wid = c * _NS + s
    isem = (isem0, isem1)
    gsem = (gsem0, gsem1)
    esem = (esem0, esem1)

    def zfill(i, _):
        for j in range(_D // 16):
            rows_v[0, i, pl.ds(j * 16, 16)] = jnp.zeros((16,), jnp.float32)
        return 0

    lax.fori_loop(0, _C, zfill, 0)

    def zcopy(k, _):
        pltpu.sync_copy(rows_v.at[0], acc_sh.at[pl.ds(s * _RPS + k * _C, _C)])
        return 0

    lax.fori_loop(0, _RPS // _C, zcopy, 0)
    plsc.subcore_barrier()

    ebase = wid * _EPW

    def issue_idx(k, b):
        base = ebase + k * _C
        pltpu.async_copy(src.at[pl.ds(base, _C)], idxb.at[b, 0], isem[b])
        pltpu.async_copy(dst.at[pl.ds(base, _C)], idxb.at[b, 1], isem[b])

    def wait_idx(b):
        pltpu.make_async_copy(src.at[pl.ds(0, _C)], idxb.at[b, 0], isem[b]).wait()
        pltpu.make_async_copy(dst.at[pl.ds(0, _C)], idxb.at[b, 1], isem[b]).wait()

    def issue_data(k, b):
        pltpu.async_copy(table.at[idxb.at[b, 0]], rows_v.at[b], gsem[b])
        pltpu.async_copy(ee.at[pl.ds(ebase + k * _C, _C)], ee_v.at[b], esem[b])

    def wait_data(b):
        pltpu.make_async_copy(ee.at[pl.ds(0, _C)], rows_v.at[b], gsem[b]).wait()
        pltpu.make_async_copy(ee.at[pl.ds(0, _C)], ee_v.at[b], esem[b]).wait()

    def process(b):
        def combine(i, _):
            for j in range(_D // 16):
                sl = pl.ds(j * 16, 16)
                rows_v[b, i, sl] = jnp.maximum(rows_v[b, i, sl] + ee_v[b, i, sl], 0.0)
            return 0

        lax.fori_loop(0, _C, combine, 0)
        pltpu.sync_copy(rows_v.at[b], acc_sh.at[idxb.at[b, 1]], add=True)

    issue_idx(0, 0)
    wait_idx(0)
    issue_data(0, 0)
    issue_idx(1, 1)

    def pair(i, _):
        for b in (0, 1):
            k = 2 * i + b
            nb = 1 - b
            wait_idx(nb)
            issue_data(k + 1, nb)
            wait_data(b)
            process(b)
            issue_idx(k + 2, b)
        return 0

    lax.fori_loop(0, (_NCH - 1) // 2, pair, 0)
    wait_data(0)
    process(0)
    wait_idx(1)

    plsc.subcore_barrier()
    pltpu.sync_copy(acc_sh.at[pl.ds(s * _RPS, _RPS)],
                    parts.at[c, pl.ds(s * _RPS, _RPS)])


_sc_gather_scatter = functools.partial(
    pl.kernel,
    out_type=jax.ShapeDtypeStruct((_NC, _NP, _D), jnp.float32),
    mesh=plsc.VectorSubcoreMesh(core_axis_name="c", subcore_axis_name="s"),
    scratch_types=[
        pltpu.VMEM((2, 2, _C), jnp.int32),
        pltpu.VMEM((2, _C, _D), jnp.float32),
        pltpu.VMEM((2, _C, _D), jnp.float32),
        pltpu.VMEM_SHARED((_NP, _D), jnp.float32),
        pltpu.SemaphoreType.DMA,
        pltpu.SemaphoreType.DMA,
        pltpu.SemaphoreType.DMA,
        pltpu.SemaphoreType.DMA,
        pltpu.SemaphoreType.DMA,
        pltpu.SemaphoreType.DMA,
    ],
)(_sc_body)


def kernel(x, edge_index, edge_attr,
           eps1, Wb1_1, bb1_1, Wb2_1, bb2_1, Wm1_1, bm1_1, Wm2_1, bm2_1, gamma1, beta1,
           eps2, Wb1_2, bb1_2, Wb2_2, bb2_2, Wm1_2, bm1_2, Wm2_2, bm2_2, gamma2, beta2,
           Wfc1, bfc1, Wfc2, bfc2):
    pad = jnp.zeros((1, _C), jnp.int32)
    ei = jnp.concatenate([edge_index, jnp.broadcast_to(pad, (2, _C))], axis=1)
    r = lambda a: a.reshape(1, -1)
    ee1 = _edge_encoder(edge_attr, Wb1_1, r(bb1_1), Wb2_1, r(bb2_1))
    ee2 = _edge_encoder(edge_attr, Wb1_2, r(bb1_2), Wb2_2, r(bb2_2))
    parts1 = _sc_gather_scatter(x, ee1, ei[0], ei[1])
    h1 = _node_update(x, parts1, eps1.reshape(1, 1), Wm1_1, r(bm1_1), Wm2_1,
                      r(bm2_1), r(gamma1), r(beta1))
    parts2 = _sc_gather_scatter(h1, ee2, ei[0], ei[1])
    h2 = _node_update(h1, parts2, eps2.reshape(1, 1), Wm1_2, r(bm1_2), Wm2_2,
                      r(bm2_2), r(gamma2), r(beta2))
    return _readout(h1, h2, Wfc1, r(bfc1), Wfc2, r(bfc2))

# --- scband reference (transcript-rebuilt; emitter-appended) ---
"""Pipeline reference for scband-node-gine-19808389169617 (READ-ONLY COPY).

The authoritative reference and input builder live on the scoring server;
editing this copy changes nothing except your own understanding.
"""

import jax, jax.numpy as jnp
import numpy as np

N = 10000
E = 320000
D = 128   # node_size / d_feat
DE = 16   # edge_size / d_edge
H = 128   # hidden_size
OUT = 64  # out_size


def _lin(k, fi, fo):
    return jax.random.normal(k, (fi, fo), dtype=jnp.float32) / np.sqrt(fi)


def setup_inputs(seed: int = 0) -> dict:
    key = jax.random.key(seed)
    ks = jax.random.split(key, 24)
    inp = {}
    inp["x"] = jax.random.normal(ks[0], (N, D), dtype=jnp.float32)
    inp["edge_index"] = jax.random.randint(ks[1], (2, E), 0, N, dtype=jnp.int32)
    inp["edge_attr"] = jax.random.normal(ks[2], (E, DE), dtype=jnp.float32)
    # Layer 1: GINConv(emb_dim=DE, dim1=D, dim2=H)
    inp["eps1"] = jnp.zeros((), dtype=jnp.float32)
    inp["Wb1_1"] = _lin(ks[3], DE, D); inp["bb1_1"] = jnp.zeros((D,), jnp.float32)
    inp["Wb2_1"] = _lin(ks[4], D, D);  inp["bb2_1"] = jnp.zeros((D,), jnp.float32)
    inp["Wm1_1"] = _lin(ks[5], D, D);  inp["bm1_1"] = jnp.zeros((D,), jnp.float32)
    inp["Wm2_1"] = _lin(ks[6], D, H);  inp["bm2_1"] = jnp.zeros((H,), jnp.float32)
    inp["gamma1"] = jnp.ones((H,), jnp.float32); inp["beta1"] = jnp.zeros((H,), jnp.float32)
    # Layer 2: GINConv(emb_dim=DE, dim1=H, dim2=H)
    inp["eps2"] = jnp.zeros((), dtype=jnp.float32)
    inp["Wb1_2"] = _lin(ks[7], DE, H); inp["bb1_2"] = jnp.zeros((H,), jnp.float32)
    inp["Wb2_2"] = _lin(ks[8], H, H);  inp["bb2_2"] = jnp.zeros((H,), jnp.float32)
    inp["Wm1_2"] = _lin(ks[9], H, H);  inp["bm1_2"] = jnp.zeros((H,), jnp.float32)
    inp["Wm2_2"] = _lin(ks[10], H, H); inp["bm2_2"] = jnp.zeros((H,), jnp.float32)
    inp["gamma2"] = jnp.ones((H,), jnp.float32); inp["beta2"] = jnp.zeros((H,), jnp.float32)
    # readout
    inp["Wfc1"] = _lin(ks[11], 2 * H, H); inp["bfc1"] = jnp.zeros((H,), jnp.float32)
    inp["Wfc2"] = _lin(ks[12], H, OUT);   inp["bfc2"] = jnp.zeros((OUT,), jnp.float32)
    return inp


def _gin_conv(x, edge_index, edge_attr, eps, Wb1, bb1, Wb2, bb2, Wm1, bm1, Wm2, bm2):
    # bond encoder: Linear -> ReLU -> Linear
    ee = jnp.maximum(edge_attr @ Wb1 + bb1, 0.0) @ Wb2 + bb2
    src = edge_index[0]
    dst = edge_index[1]
    msg = jnp.maximum(x[src] + ee, 0.0)          # message: relu(x_j + edge_attr)
    agg = jax.ops.segment_sum(msg, dst, num_segments=x.shape[0])  # aggr='add'
    h = (1.0 + eps) * x + agg
    return jnp.maximum(h @ Wm1 + bm1, 0.0) @ Wm2 + bm2


def _batch_norm(x, gamma, beta, eps=1e-5):
    m = jnp.mean(x, axis=0)
    v = jnp.var(x, axis=0)
    return (x - m) / jnp.sqrt(v + eps) * gamma + beta


def reference(x, edge_index, edge_attr,
              eps1, Wb1_1, bb1_1, Wb2_1, bb2_1, Wm1_1, bm1_1, Wm2_1, bm2_1, gamma1, beta1,
              eps2, Wb1_2, bb1_2, Wb2_2, bb2_2, Wm1_2, bm1_2, Wm2_2, bm2_2, gamma2, beta2,
              Wfc1, bfc1, Wfc2, bfc2):
    h1 = _gin_conv(x, edge_index, edge_attr, eps1, Wb1_1, bb1_1, Wb2_1, bb2_1, Wm1_1, bm1_1, Wm2_1, bm2_1)
    h1 = _batch_norm(jnp.maximum(h1, 0.0), gamma1, beta1)
    h2 = _gin_conv(h1, edge_index, edge_attr, eps2, Wb1_2, bb1_2, Wb2_2, bb2_2, Wm1_2, bm1_2, Wm2_2, bm2_2)
    h2 = _batch_norm(jnp.maximum(h2, 0.0), gamma2, beta2)
    xc = jnp.concatenate([h1, h2], axis=-1)
    xf = jnp.maximum(xc @ Wfc1 + bfc1, 0.0)
    # dropout treated as identity (eval-mode determinism)
    return xf @ Wfc2 + bfc2

if __name__ == "__main__":
    import jax
    _d = setup_inputs()
    print(jax.jit(kernel)(*tuple(_d.values())))

</pallas_src>

<mosaic_0001>
#map = affine_map<(d0, d1) -> (0, 0)>
#map1 = affine_map<(d0, d1) -> (0)>
#map2 = affine_map<(d0, d1) -> (0, 0, 0)>
module attributes {stable_mosaic.version = 14 : i64} {
  func.func @_sc_body(%arg0: i32, %arg1: i32, %arg2: memref<10000x128xf32, #tpu.memory_space<hbm>>, %arg3: memref<320000x128xf32, #tpu.memory_space<hbm>>, %arg4: memref<320080xi32, #tpu.memory_space<hbm>>, %arg5: memref<320080xi32, #tpu.memory_space<hbm>>, %arg6: memref<2x10240x128xf32, #tpu.memory_space<hbm>>, %arg7: memref<2x2x80xi32, #tpu.memory_space<vmem>>, %arg8: memref<2x80x128xf32, #tpu.memory_space<vmem>>, %arg9: memref<2x80x128xf32, #tpu.memory_space<vmem>>, %arg10: memref<10240x128xf32, #tpu.memory_space<vmem_shared>>, %arg11: memref<!tpu.dma_semaphore, #tpu.memory_space<semaphore_mem>>, %arg12: memref<!tpu.dma_semaphore, #tpu.memory_space<semaphore_mem>>, %arg13: memref<!tpu.dma_semaphore, #tpu.memory_space<semaphore_mem>>, %arg14: memref<!tpu.dma_semaphore, #tpu.memory_space<semaphore_mem>>, %arg15: memref<!tpu.dma_semaphore, #tpu.memory_space<semaphore_mem>>, %arg16: memref<!tpu.dma_semaphore, #tpu.memory_space<semaphore_mem>>) attributes {dimension_semantics = [#tpu.dimension_semantics<core_parallel>, #tpu.dimension_semantics<subcore_parallel>], iteration_bounds = array<i64: 2, 16>, scalar_prefetch = 0 : i64, scratch_operands = 10 : i64, tpu.core_type = #tpu.core_type<sc_vector_subcore>, window_params = [{transform_indices = #map}, {transform_indices = #map}, {transform_indices = #map1}, {transform_indices = #map1}, {transform_indices = #map2}]} {
    %mul3A = arith.constant 16 : i32
    %mul3A_0 = arith.muli %arg0, %mul3A : i32
    %add3A = arith.addi %mul3A_0, %arg1 : i32
    %scan3A = arith.constant 0 : i32
    %scan3A_1 = arith.constant 0 : i32
    %scan3A_2 = arith.constant 80 : i32
    %scan3A_3 = arith.addi %scan3A_1, %scan3A_2 : i32
    %scan3A_4 = arith.constant 1 : i32
    %scan3A_5 = scf.for %scan3A_185 = %scan3A_1 to %scan3A_3 step %scan3A_4 iter_args(%scan3A_186 = %scan3A) -> (i32)  : i32 {
      %broadcast_in_dim3A = arith.constant 0.000000e+00 : f32
      %broadcast_in_dim3A_187 = vector.broadcast %broadcast_in_dim3A : f32 to vector<16xf32>
      %swap3A = arith.constant 0 : i32
      %swap3A_188 = arith.index_cast %swap3A : i32 to index
      %swap3A_189 = arith.index_cast %scan3A_185 : i32 to index
      %swap3A_190 = arith.constant 0 : index
      %swap3A_191 = tpu.vector_load %arg8[%swap3A_188, %swap3A_189, %swap3A_190] {strides = array<i32>} : memref<2x80x128xf32, #tpu.memory_space<vmem>>, vector<1x1x16xf32>,
      %swap3A_192 = vector.shape_cast %swap3A_191 : vector<1x1x16xf32> to vector<16xf32>
      %swap3A_193 = vector.shape_cast %broadcast_in_dim3A_187 : vector<16xf32> to vector<1x1x16xf32>
      tpu.vector_store %arg8[%swap3A_188, %swap3A_189, %swap3A_190], %swap3A_193 {strides = array<i32>} : memref<2x80x128xf32, #tpu.memory_space<vmem>>, vector<1x1x16xf32>,
      %broadcast_in_dim3A_194 = arith.constant 0.000000e+00 : f32
      %broadcast_in_dim3A_195 = vector.broadcast %broadcast_in_dim3A_194 : f32 to vector<16xf32>
      %swap3A_196 = arith.constant 0 : i32
      %swap3A_197 = arith.index_cast %swap3A_196 : i32 to index
      %swap3A_198 = arith.index_cast %scan3A_185 : i32 to index
      %swap3A_199 = arith.constant 16 : index
      %swap3A_200 = tpu.vector_load %arg8[%swap3A_197, %swap3A_198, %swap3A_199] {strides = array<i32>} : memref<2x80x128xf32, #tpu.memory_space<vmem>>, vector<1x1x16xf32>,
      %swap3A_201 = vector.shape_cast %swap3A_200 : vector<1x1x16xf32> to vector<16xf32>
      %swap3A_202 = vector.shape_cast %broadcast_in_dim3A_195 : vector<16xf32> to vector<1x1x16xf32>
      tpu.vector_store %arg8[%swap3A_197, %swap3A_198, %swap3A_199], %swap3A_202 {strides = array<i32>} : memref<2x80x128xf32, #tpu.memory_space<vmem>>, vector<1x1x16xf32>,
      %broadcast_in_dim3A_203 = arith.constant 0.000000e+00 : f32
      %broadcast_in_dim3A_204 = vector.broadcast %broadcast_in_dim3A_203 : f32 to vector<16xf32>
      %swap3A_205 = arith.constant 0 : i32
      %swap3A_206 = arith.index_cast %swap3A_205 : i32 to index
      %swap3A_207 = arith.index_cast %scan3A_185 : i32 to index
      %swap3A_208 = arith.constant 32 : index
      %swap3A_209 = tpu.vector_load %arg8[%swap3A_206, %swap3A_207, %swap3A_208] {strides = array<i32>} : memref<2x80x128xf32, #tpu.memory_space<vmem>>, vector<1x1x16xf32>,
      %swap3A_210 = vector.shape_cast %swap3A_209 : vector<1x1x16xf32> to vector<16xf32>
      %swap3A_211 = vector.shape_cast %broadcast_in_dim3A_204 : vector<16xf32> to vector<1x1x16xf32>
      tpu.vector_store %arg8[%swap3A_206, %swap3A_207, %swap3A_208], %swap3A_211 {strides = array<i32>} : memref<2x80x128xf32, #tpu.memory_space<vmem>>, vector<1x1x16xf32>,
      %broadcast_in_dim3A_212 = arith.constant 0.000000e+00 : f32
      %broadcast_in_dim3A_213 = vector.broadcast %broadcast_in_dim3A_212 : f32 to vector<16xf32>
      %swap3A_214 = arith.constant 0 : i32
      %swap3A_215 = arith.index_cast %swap3A_214 : i32 to index
      %swap3A_216 = arith.index_cast %scan3A_185 : i32 to index
      %swap3A_217 = arith.constant 48 : index
      %swap3A_218 = tpu.vector_load %arg8[%swap3A_215, %swap3A_216, %swap3A_217] {strides = array<i32>} : memref<2x80x128xf32, #tpu.memory_space<vmem>>, vector<1x1x16xf32>,
      %swap3A_219 = vector.shape_cast %swap3A_218 : vector<1x1x16xf32> to vector<16xf32>
      %swap3A_220 = vector.shape_cast %broadcast_in_dim3A_213 : vector<16xf32> to vector<1x1x16xf32>
      tpu.vector_store %arg8[%swap3A_215, %swap3A_216, %swap3A_217], %swap3A_220 {strides = array<i32>} : memref<2x80x128xf32, #tpu.memory_space<vmem>>, vector<1x1x16xf32>,
      %broadcast_in_dim3A_221 = arith.constant 0.000000e+00 : f32
      %broadcast_in_dim3A_222 = vector.broadcast %broadcast_in_dim3A_221 : f32 to vector<16xf32>
      %swap3A_223 = arith.constant 0 : i32
      %swap3A_224 = arith.index_cast %swap3A_223 : i32 to index
      %swap3A_225 = arith.index_cast %scan3A_185 : i32 to index
      %swap3A_226 = arith.constant 64 : index
      %swap3A_227 = tpu.vector_load %arg8[%swap3A_224, %swap3A_225, %swap3A_226] {strides = array<i32>} : memref<2x80x128xf32, #tpu.memory_space<vmem>>, vector<1x1x16xf32>,
      %swap3A_228 = vector.shape_cast %swap3A_227 : vector<1x1x16xf32> to vector<16xf32>
      %swap3A_229 = vector.shape_cast %broadcast_in_dim3A_222 : vector<16xf32> to vector<1x1x16xf32>
      tpu.vector_store %arg8[%swap3A_224, %swap3A_225, %swap3A_226], %swap3A_229 {strides = array<i32>} : memref<2x80x128xf32, #tpu.memory_space<vmem>>, vector<1x1x16xf32>,
      %broadcast_in_dim3A_230 = arith.constant 0.000000e+00 : f32
      %broadcast_in_dim3A_231 = vector.broadcast %broadcast_in_dim3A_230 : f32 to vector<16xf32>
      %swap3A_232 = arith.constant 0 : i32
      %swap3A_233 = arith.index_cast %swap3A_232 : i32 to index
      %swap3A_234 = arith.index_cast %scan3A_185 : i32 to index
      %swap3A_235 = arith.constant 80 : index
      %swap3A_236 = tpu.vector_load %arg8[%swap3A_233, %swap3A_234, %swap3A_235] {strides = array<i32>} : memref<2x80x128xf32, #tpu.memory_space<vmem>>, vector<1x1x16xf32>,
      %swap3A_237 = vector.shape_cast %swap3A_236 : vector<1x1x16xf32> to vector<16xf32>
      %swap3A_238 = vector.shape_cast %broadcast_in_dim3A_231 : vector<16xf32> to vector<1x1x16xf32>
      tpu.vector_store %arg8[%swap3A_233, %swap3A_234, %swap3A_235], %swap3A_238 {strides = array<i32>} : memref<2x80x128xf32, #tpu.memory_space<vmem>>, vector<1x1x16xf32>,
      %broadcast_in_dim3A_239 = arith.constant 0.000000e+00 : f32
      %broadcast_in_dim3A_240 = vector.broadcast %broadcast_in_dim3A_239 : f32 to vector<16xf32>
      %swap3A_241 = arith.constant 0 : i32
      %swap3A_242 = arith.index_cast %swap3A_241 : i32 to index
      %swap3A_243 = arith.index_cast %scan3A_185 : i32 to index
      %swap3A_244 = arith.constant 96 : index
      %swap3A_245 = tpu.vector_load %arg8[%swap3A_242, %swap3A_243, %swap3A_244] {strides = array<i32>} : memref<2x80x128xf32, #tpu.memory_space<vmem>>, vector<1x1x16xf32>,
      %swap3A_246 = vector.shape_cast %swap3A_245 : vector<1x1x16xf32> to vector<16xf32>
      %swap3A_247 = vector.shape_cast %broadcast_in_dim3A_240 : vector<16xf32> to vector<1x1x16xf32>
      tpu.vector_store %arg8[%swap3A_242, %swap3A_243, %swap3A_244], %swap3A_247 {strides = array<i32>} : memref<2x80x128xf32, #tpu.memory_space<vmem>>, vector<1x1x16xf32>,
      %broadcast_in_dim3A_248 = arith.constant 0.000000e+00 : f32
      %broadcast_in_dim3A_249 = vector.broadcast %broadcast_in_dim3A_248 : f32 to vector<16xf32>
      %swap3A_250 = arith.constant 0 : i32
      %swap3A_251 = arith.index_cast %swap3A_250 : i32 to index
      %swap3A_252 = arith.index_cast %scan3A_185 : i32 to index
      %swap3A_253 = arith.constant 112 : index
      %swap3A_254 = tpu.vector_load %arg8[%swap3A_251, %swap3A_252, %swap3A_253] {strides = array<i32>} : memref<2x80x128xf32, #tpu.memory_space<vmem>>, vector<1x1x16xf32>,
      %swap3A_255 = vector.shape_cast %swap3A_254 : vector<1x1x16xf32> to vector<16xf32>
      %swap3A_256 = vector.shape_cast %broadcast_in_dim3A_249 : vector<16xf32> to vector<1x1x16xf32>
      tpu.vector_store %arg8[%swap3A_251, %swap3A_252, %swap3A_253], %swap3A_256 {strides = array<i32>} : memref<2x80x128xf32, #tpu.memory_space<vmem>>, vector<1x1x16xf32>,
      %scan3A_257 = arith.constant 0 : i32
      scf.yield %scan3A_257 : i32
    }
    %scan3A_6 = arith.constant 80 : i32
    %scan3A_7 = arith.constant 0 : i32
    %scan3A_8 = arith.constant 0 : i32
    %scan3A_9 = arith.constant 8 : i32
    %scan3A_10 = arith.addi %scan3A_8, %scan3A_9 : i32
    %scan3A_11 = arith.constant 1 : i32
    %scan3A_12 = scf.for %scan3A_185 = %scan3A_8 to %scan3A_10 step %scan3A_11 iter_args(%scan3A_186 = %scan3A_7) -> (i32)  : i32 {
      %mul3A_187 = arith.constant 640 : i32
      %mul3A_188 = arith.muli %arg1, %mul3A_187 : i32
      %mul3A_189 = arith.constant 80 : i32
      %mul3A_190 = arith.muli %scan3A_185, %mul3A_189 : i32
      %add3A_191 = arith.addi %mul3A_188, %mul3A_190 : i32
      %run_scoped3A_192 = arith.constant 0 : i32
      "tpu.region"() ({
        %run_scoped3A_194 = tpu.sem_alloc : memref<!tpu.dma_semaphore, #tpu.memory_space<semaphore_mem>>
        %dma_start3A_195 = arith.constant 0 : i32
        %dma_start3A_196 = arith.constant 0 : i32
        %dma_start3A_197 = tpu.memref_slice %arg8[%run_scoped3A_192, %dma_start3A_195, %dma_start3A_196] : memref<2x80x128xf32, #tpu.memory_space<vmem>> -> memref<1x80x128xf32, #tpu.memory_space<vmem>>
        %dma_start3A_198 = tpu.memref_squeeze %dma_start3A_197 : memref<1x80x128xf32, #tpu.memory_space<vmem>> -> memref<80x128xf32, #tpu.memory_space<vmem>>
        %dma_start3A_199 = arith.constant 0 : i32
        %dma_start3A_200 = tpu.memref_slice %arg10[%add3A_191, %dma_start3A_199] : memref<10240x128xf32, #tpu.memory_space<vmem_shared>> -> memref<80x128xf32, #tpu.memory_space<vmem_shared>>
        %dma_start3A_201 = arith.constant 0 : i32
        %dma_start3A_202 = tpu.memref_slice %arg10[%add3A_191, %dma_start3A_201] : memref<10240x128xf32, #tpu.memory_space<vmem_shared>> -> memref<80x128xf32, #tpu.memory_space<vmem_shared>>
        %dma_start3A_203 = arith.constant 0 : i32
        %dma_start3A_204 = arith.constant 0 : i32
        %dma_start3A_205 = tpu.memref_slice %arg8[%run_scoped3A_192, %dma_start3A_203, %dma_start3A_204] : memref<2x80x128xf32, #tpu.memory_space<vmem>> -> memref<1x80x128xf32, #tpu.memory_space<vmem>>
        %dma_start3A_206 = tpu.memref_squeeze %dma_start3A_205 : memref<1x80x128xf32, #tpu.memory_space<vmem>> -> memref<80x128xf32, #tpu.memory_space<vmem>>
        tpu.enqueue_dma source(%dma_start3A_206 : memref<80x128xf32, #tpu.memory_space<vmem>>) target(%dma_start3A_202 : memref<80x128xf32, #tpu.memory_space<vmem_shared>>) target_semaphore(%run_scoped3A_194 : memref<!tpu.dma_semaphore, #tpu.memory_space<semaphore_mem>>)
        %dma_wait3A_207 = arith.constant 0 : i32
        %dma_wait3A_208 = arith.constant 0 : i32
        %dma_wait3A_209 = tpu.memref_slice %arg8[%run_scoped3A_192, %dma_wait3A_207, %dma_wait3A_208] : memref<2x80x128xf32, #tpu.memory_space<vmem>> -> memref<1x80x128xf32, #tpu.memory_space<vmem>>
        %dma_wait3A_210 = tpu.memref_squeeze %dma_wait3A_209 : memref<1x80x128xf32, #tpu.memory_space<vmem>> -> memref<80x128xf32, #tpu.memory_space<vmem>>
        %dma_wait3A_211 = arith.constant 0 : i32
        %dma_wait3A_212 = tpu.memref_slice %arg10[%add3A_191, %dma_wait3A_211] : memref<10240x128xf32, #tpu.memory_space<vmem_shared>> -> memref<80x128xf32, #tpu.memory_space<vmem_shared>>
        %dma_wait3A_213 = arith.constant 0 : i32
        %dma_wait3A_214 = tpu.memref_slice %arg10[%add3A_191, %dma_wait3A_213] : memref<10240x128xf32, #tpu.memory_space<vmem_shared>> -> memref<80x128xf32, #tpu.memory_space<vmem_shared>>
        %dma_wait3A_215 = arith.constant 0 : i32
        %dma_wait3A_216 = arith.constant 0 : i32
        %dma_wait3A_217 = tpu.memref_slice %arg8[%run_scoped3A_192, %dma_wait3A_215, %dma_wait3A_216] : memref<2x80x128xf32, #tpu.memory_space<vmem>> -> memref<1x80x128xf32, #tpu.memory_space<vmem>>
        %dma_wait3A_218 = tpu.memref_squeeze %dma_wait3A_217 : memref<1x80x128xf32, #tpu.memory_space<vmem>> -> memref<80x128xf32, #tpu.memory_space<vmem>>
        tpu.wait_dma2 semaphore(%run_scoped3A_194 : memref<!tpu.dma_semaphore, #tpu.memory_space<semaphore_mem>>) src(%dma_wait3A_218 : memref<80x128xf32, #tpu.memory_space<vmem>>) dst(%dma_wait3A_214 : memref<80x128xf32, #tpu.memory_space<vmem_shared>>)
        tpu.yield
      }) : () -> ()
      %scan3A_193 = arith.constant 0 : i32
      scf.yield %scan3A_193 : i32
    }
    %scan3A_13 = arith.constant 8 : i32
    %barrier3A = arith.constant 0 : index
    tpu.barrier barrier_id(%barrier3A)
    %mul3A_14 = arith.constant 10000 : i32
    %mul3A_15 = arith.muli %add3A, %mul3A_14 : i32
    %add3A_16 = arith.constant 0 : i32
    %add3A_17 = arith.addi %mul3A_15, %add3A_16 : i32
    %dma_start3A = arith.constant 0 : i32
    %dma_start3A_18 = arith.constant 0 : i32
    %dma_start3A_19 = arith.constant 0 : i32
    %dma_start3A_20 = tpu.memref_slice %arg7[%dma_start3A, %dma_start3A_18, %dma_start3A_19] : memref<2x2x80xi32, #tpu.memory_space<vmem>> -> memref<1x1x80xi32, #tpu.memory_space<vmem>>
    %dma_start3A_21 = tpu.memref_squeeze %dma_start3A_20 : memref<1x1x80xi32, #tpu.memory_space<vmem>> -> memref<80xi32, #tpu.memory_space<vmem>>
    %dma_start3A_22 = tpu.memref_slice %arg4[%add3A_17] : memref<320080xi32, #tpu.memory_space<hbm>> -> memref<80xi32, #tpu.memory_space<hbm>>
    %dma_start3A_23 = arith.constant 0 : i32
    %dma_start3A_24 = tpu.memref_slice %arg7[%dma_start3A, %dma_start3A_18, %dma_start3A_23] : memref<2x2x80xi32, #tpu.memory_space<vmem>> -> memref<1x1x80xi32, #tpu.memory_space<vmem>>
    %dma_start3A_25 = tpu.memref_squeeze %dma_start3A_24 : memref<1x1x80xi32, #tpu.memory_space<vmem>> -> memref<80xi32, #tpu.memory_space<vmem>>
    %dma_start3A_26 = tpu.memref_slice %arg4[%add3A_17] : memref<320080xi32, #tpu.memory_space<hbm>> -> memref<80xi32, #tpu.memory_space<hbm>>
    tpu.enqueue_dma source(%dma_start3A_26 : memref<80xi32, #tpu.memory_space<hbm>>) target(%dma_start3A_25 : memref<80xi32, #tpu.memory_space<vmem>>) target_semaphore(%arg11 : memref<!tpu.dma_semaphore, #tpu.memory_space<semaphore_mem>>)
    %dma_start3A_27 = arith.constant 0 : i32
    %dma_start3A_28 = arith.constant 1 : i32
    %dma_start3A_29 = arith.constant 0 : i32
    %dma_start3A_30 = tpu.memref_slice %arg7[%dma_start3A_27, %dma_start3A_28, %dma_start3A_29] : memref<2x2x80xi32, #tpu.memory_space<vmem>> -> memref<1x1x80xi32, #tpu.memory_space<vmem>>
    %dma_start3A_31 = tpu.memref_squeeze %dma_start3A_30 : memref<1x1x80xi32, #tpu.memory_space<vmem>> -> memref<80xi32, #tpu.memory_space<vmem>>
    %dma_start3A_32 = tpu.memref_slice %arg5[%add3A_17] : memref<320080xi32, #tpu.memory_space<hbm>> -> memref<80xi32, #tpu.memory_space<hbm>>
    %dma_start3A_33 = arith.constant 0 : i32
    %dma_start3A_34 = tpu.memref_slice %arg7[%dma_start3A_27, %dma_start3A_28, %dma_start3A_33] : memref<2x2x80xi32, #tpu.memory_space<vmem>> -> memref<1x1x80xi32, #tpu.memory_space<vmem>>
    %dma_start3A_35 = tpu.memref_squeeze %dma_start3A_34 : memref<1x1x80xi32, #tpu.memory_space<vmem>> -> memref<80xi32, #tpu.memory_space<vmem>>
    %dma_start3A_36 = tpu.memref_slice %arg5[%add3A_17] : memref<320080xi32, #tpu.memory_space<hbm>> -> memref<80xi32, #tpu.memory_space<hbm>>
    tpu.enqueue_dma source(%dma_start3A_36 : memref<80xi32, #tpu.memory_space<hbm>>) target(%dma_start3A_35 : memref<80xi32, #tpu.memory_space<vmem>>) target_semaphore(%arg11 : memref<!tpu.dma_semaphore, #tpu.memory_space<semaphore_mem>>)
    %dma_wait3A = arith.constant 0 : i32
    %dma_wait3A_37 = arith.constant 0 : i32
    %dma_wait3A_38 = arith.constant 0 : i32
    %dma_wait3A_39 = tpu.memref_slice %arg7[%dma_wait3A, %dma_wait3A_37, %dma_wait3A_38] : memref<2x2x80xi32, #tpu.memory_space<vmem>> -> memref<1x1x80xi32, #tpu.memory_space<vmem>>
    %dma_wait3A_40 = tpu.memref_squeeze %dma_wait3A_39 : memref<1x1x80xi32, #tpu.memory_space<vmem>> -> memref<80xi32, #tpu.memory_space<vmem>>
    %dma_wait3A_41 = arith.constant 0 : i32
    %dma_wait3A_42 = tpu.memref_slice %arg4[%dma_wait3A_41] : memref<320080xi32, #tpu.memory_space<hbm>> -> memref<80xi32, #tpu.memory_space<hbm>>
    %dma_wait3A_43 = arith.constant 0 : i32
    %dma_wait3A_44 = tpu.memref_slice %arg7[%dma_wait3A, %dma_wait3A_37, %dma_wait3A_43] : memref<2x2x80xi32, #tpu.memory_space<vmem>> -> memref<1x1x80xi32, #tpu.memory_space<vmem>>
    %dma_wait3A_45 = tpu.memref_squeeze %dma_wait3A_44 : memref<1x1x80xi32, #tpu.memory_space<vmem>> -> memref<80xi32, #tpu.memory_space<vmem>>
    %dma_wait3A_46 = arith.constant 0 : i32
    %dma_wait3A_47 = tpu.memref_slice %arg4[%dma_wait3A_46] : memref<320080xi32, #tpu.memory_space<hbm>> -> memref<80xi32, #tpu.memory_space<hbm>>
    tpu.wait_dma2 semaphore(%arg11 : memref<!tpu.dma_semaphore, #tpu.memory_space<semaphore_mem>>) src(%dma_wait3A_47 : memref<80xi32, #tpu.memory_space<hbm>>) dst(%dma_wait3A_45 : memref<80xi32, #tpu.memory_space<vmem>>)
    %dma_wait3A_48 = arith.constant 0 : i32
    %dma_wait3A_49 = arith.constant 1 : i32
    %dma_wait3A_50 = arith.constant 0 : i32
    %dma_wait3A_51 = tpu.memref_slice %arg7[%dma_wait3A_48, %dma_wait3A_49, %dma_wait3A_50] : memref<2x2x80xi32, #tpu.memory_space<vmem>> -> memref<1x1x80xi32, #tpu.memory_space<vmem>>
    %dma_wait3A_52 = tpu.memref_squeeze %dma_wait3A_51 : memref<1x1x80xi32, #tpu.memory_space<vmem>> -> memref<80xi32, #tpu.memory_space<vmem>>
    %dma_wait3A_53 = arith.constant 0 : i32
    %dma_wait3A_54 = tpu.memref_slice %arg5[%dma_wait3A_53] : memref<320080xi32, #tpu.memory_space<hbm>> -> memref<80xi32, #tpu.memory_space<hbm>>
    %dma_wait3A_55 = arith.constant 0 : i32
    %dma_wait3A_56 = tpu.memref_slice %arg7[%dma_wait3A_48, %dma_wait3A_49, %dma_wait3A_55] : memref<2x2x80xi32, #tpu.memory_space<vmem>> -> memref<1x1x80xi32, #tpu.memory_space<vmem>>
    %dma_wait3A_57 = tpu.memref_squeeze %dma_wait3A_56 : memref<1x1x80xi32, #tpu.memory_space<vmem>> -> memref<80xi32, #tpu.memory_space<vmem>>
    %dma_wait3A_58 = arith.constant 0 : i32
    %dma_wait3A_59 = tpu.memref_slice %arg5[%dma_wait3A_58] : memref<320080xi32, #tpu.memory_space<hbm>> -> memref<80xi32, #tpu.memory_space<hbm>>
    tpu.wait_dma2 semaphore(%arg11 : memref<!tpu.dma_semaphore, #tpu.memory_space<semaphore_mem>>) src(%dma_wait3A_59 : memref<80xi32, #tpu.memory_space<hbm>>) dst(%dma_wait3A_57 : memref<80xi32, #tpu.memory_space<vmem>>)
    %dma_start3A_60 = arith.constant 0 : i32
    %dma_start3A_61 = arith.constant 0 : i32
    %dma_start3A_62 = arith.constant 0 : i32
    %dma_start3A_63 = arith.constant 0 : i32
    %dma_start3A_64 = arith.constant 0 : i32
    %dma_start3A_65 = tpu.memref_slice %arg8[%dma_start3A_62, %dma_start3A_63, %dma_start3A_64] : memref<2x80x128xf32, #tpu.memory_space<vmem>> -> memref<1x80x128xf32, #tpu.memory_space<vmem>>
    %dma_start3A_66 = tpu.memref_squeeze %dma_start3A_65 : memref<1x80x128xf32, #tpu.memory_space<vmem>> -> memref<80x128xf32, #tpu.memory_space<vmem>>
    %dma_start3A_67 = arith.constant 0 : i32
    %dma_start3A_68 = tpu.memref_slice %arg7[%dma_start3A_60, %dma_start3A_61, %dma_start3A_67] : memref<2x2x80xi32, #tpu.memory_space<vmem>> -> memref<1x1x80xi32, #tpu.memory_space<vmem>>
    %dma_start3A_69 = tpu.memref_squeeze %dma_start3A_68 : memref<1x1x80xi32, #tpu.memory_space<vmem>> -> memref<80xi32, #tpu.memory_space<vmem>>
    %dma_start3A_70 = arith.constant 0 : i32
    %dma_start3A_71 = arith.constant 0 : i32
    %dma_start3A_72 = tpu.memref_slice %arg2[%dma_start3A_70, %dma_start3A_71] : memref<10000x128xf32, #tpu.memory_space<hbm>> -> memref<10000x128xf32, #tpu.memory_space<hbm>>
    tpu.enqueue_indirect_dma source(%dma_start3A_72 : memref<10000x128xf32, #tpu.memory_space<hbm>>) target(%dma_start3A_66 : memref<80x128xf32, #tpu.memory_space<vmem>>) offsets(%dma_start3A_69 : memref<80xi32, #tpu.memory_space<vmem>>) semaphore(%arg13 : memref<!tpu.dma_semaphore, #tpu.memory_space<semaphore_mem>>)
    %add3A_73 = arith.constant 0 : i32
    %add3A_74 = arith.addi %mul3A_15, %add3A_73 : i32
    %dma_start3A_75 = arith.constant 0 : i32
    %dma_start3A_76 = arith.constant 0 : i32
    %dma_start3A_77 = arith.constant 0 : i32
    %dma_start3A_78 = tpu.memref_slice %arg9[%dma_start3A_75, %dma_start3A_76, %dma_start3A_77] : memref<2x80x128xf32, #tpu.memory_space<vmem>> -> memref<1x80x128xf32, #tpu.memory_space<vmem>>
    %dma_start3A_79 = tpu.memref_squeeze %dma_start3A_78 : memref<1x80x128xf32, #tpu.memory_space<vmem>> -> memref<80x128xf32, #tpu.memory_space<vmem>>
    %dma_start3A_80 = arith.constant 0 : i32
    %dma_start3A_81 = tpu.memref_slice %arg3[%add3A_74, %dma_start3A_80] : memref<320000x128xf32, #tpu.memory_space<hbm>> -> memref<80x128xf32, #tpu.memory_space<hbm>>
    %dma_start3A_82 = arith.constant 0 : i32
    %dma_start3A_83 = arith.constant 0 : i32
    %dma_start3A_84 = tpu.memref_slice %arg9[%dma_start3A_75, %dma_start3A_82, %dma_start3A_83] : memref<2x80x128xf32, #tpu.memory_space<vmem>> -> memref<1x80x128xf32, #tpu.memory_space<vmem>>
    %dma_start3A_85 = tpu.memref_squeeze %dma_start3A_84 : memref<1x80x128xf32, #tpu.memory_space<vmem>> -> memref<80x128xf32, #tpu.memory_space<vmem>>
    %dma_start3A_86 = arith.constant 0 : i32
    %dma_start3A_87 = tpu.memref_slice %arg3[%add3A_74, %dma_start3A_86] : memref<320000x128xf32, #tpu.memory_space<hbm>> -> memref<80x128xf32, #tpu.memory_space<hbm>>
    tpu.enqueue_dma source(%dma_start3A_87 : memref<80x128xf32, #tpu.memory_space<hbm>>) target(%dma_start3A_85 : memref<80x128xf32, #tpu.memory_space<vmem>>) target_semaphore(%arg15 : memref<!tpu.dma_semaphore, #tpu.memory_space<semaphore_mem>>)
    %add3A_88 = arith.constant 80 : i32
    %add3A_89 = arith.addi %mul3A_15, %add3A_88 : i32
    %dma_start3A_90 = arith.constant 1 : i32
    %dma_start3A_91 = arith.constant 0 : i32
    %dma_start3A_92 = arith.constant 0 : i32
    %dma_start3A_93 = tpu.memref_slice %arg7[%dma_start3A_90, %dma_start3A_91, %dma_start3A_92] : memref<2x2x80xi32, #tpu.memory_space<vmem>> -> memref<1x1x80xi32, #tpu.memory_space<vmem>>
    %dma_start3A_94 = tpu.memref_squeeze %dma_start3A_93 : memref<1x1x80xi32, #tpu.memory_space<vmem>> -> memref<80xi32, #tpu.memory_space<vmem>>
    %dma_start3A_95 = tpu.memref_slice %arg4[%add3A_89] : memref<320080xi32, #tpu.memory_space<hbm>> -> memref<80xi32, #tpu.memory_space<hbm>>
    %dma_start3A_96 = arith.constant 0 : i32
    %dma_start3A_97 = tpu.memref_slice %arg7[%dma_start3A_90, %dma_start3A_91, %dma_start3A_96] : memref<2x2x80xi32, #tpu.memory_space<vmem>> -> memref<1x1x80xi32, #tpu.memory_space<vmem>>
    %dma_start3A_98 = tpu.memref_squeeze %dma_start3A_97 : memref<1x1x80xi32, #tpu.memory_space<vmem>> -> memref<80xi32, #tpu.memory_space<vmem>>
    %dma_start3A_99 = tpu.memref_slice %arg4[%add3A_89] : memref<320080xi32, #tpu.memory_space<hbm>> -> memref<80xi32, #tpu.memory_space<hbm>>
    tpu.enqueue_dma source(%dma_start3A_99 : memref<80xi32, #tpu.memory_space<hbm>>) target(%dma_start3A_98 : memref<80xi32, #tpu.memory_space<vmem>>) target_semaphore(%arg12 : memref<!tpu.dma_semaphore, #tpu.memory_space<semaphore_mem>>)
    %dma_start3A_100 = arith.constant 1 : i32
    %dma_start3A_101 = arith.constant 1 : i32
    %dma_start3A_102 = arith.constant 0 : i32
    %dma_start3A_103 = tpu.memref_slice %arg7[%dma_start3A_100, %dma_start3A_101, %dma_start3A_102] : memref<2x2x80xi32, #tpu.memory_space<vmem>> -> memref<1x1x80xi32, #tpu.memory_space<vmem>>
    %dma_start3A_104 = tpu.memref_squeeze %dma_start3A_103 : memref<1x1x80xi32, #tpu.memory_space<vmem>> -> memref<80xi32, #tpu.memory_space<vmem>>
    %dma_start3A_105 = tpu.memref_slice %arg5[%add3A_89] : memref<320080xi32, #tpu.memory_space<hbm>> -> memref<80xi32, #tpu.memory_space<hbm>>
    %dma_start3A_106 = arith.constant 0 : i32
    %dma_start3A_107 = tpu.memref_slice %arg7[%dma_start3A_100, %dma_start3A_101, %dma_start3A_106] : memref<2x2x80xi32, #tpu.memory_space<vmem>> -> memref<1x1x80xi32, #tpu.memory_space<vmem>>
    %dma_start3A_108 = tpu.memref_squeeze %dma_start3A_107 : memref<1x1x80xi32, #tpu.memory_space<vmem>> -> memref<80xi32, #tpu.memory_space<vmem>>
    %dma_start3A_109 = tpu.memref_slice %arg5[%add3A_89] : memref<320080xi32, #tpu.memory_space<hbm>> -> memref<80xi32, #tpu.memory_space<hbm>>
    tpu.enqueue_dma source(%dma_start3A_109 : memref<80xi32, #tpu.memory_space<hbm>>) target(%dma_start3A_108 : memref<80xi32, #tpu.memory_space<vmem>>) target_semaphore(%arg12 : memref<!tpu.dma_semaphore, #tpu.memory_space<semaphore_mem>>)
    %scan3A_110 = arith.constant 0 : i32
    %scan3A_111 = arith.constant 0 : i32
    %scan3A_112 = arith.constant 62 : i32
    %scan3A_113 = arith.addi %scan3A_111, %scan3A_112 : i32
    %scan3A_114 = arith.constant 1 : i32
    %scan3A_115 = scf.for %scan3A_185 = %scan3A_111 to %scan3A_113 step %scan3A_114 iter_args(%scan3A_186 = %scan3A_110) -> (i32)  : i32 {
      %mul3A_187 = arith.constant 2 : i32
      %mul3A_188 = arith.muli %mul3A_187, %scan3A_185 : i32
      %add3A_189 = arith.constant 0 : i32
      %add3A_190 = arith.addi %mul3A_188, %add3A_189 : i32
      %dma_wait3A_191 = arith.constant 1 : i32
      %dma_wait3A_192 = arith.constant 0 : i32
      %dma_wait3A_193 = arith.constant 0 : i32
      %dma_wait3A_194 = tpu.memref_slice %arg7[%dma_wait3A_191, %dma_wait3A_192, %dma_wait3A_193] : memref<2x2x80xi32, #tpu.memory_space<vmem>> -> memref<1x1x80xi32, #tpu.memory_space<vmem>>
      %dma_wait3A_195 = tpu.memref_squeeze %dma_wait3A_194 : memref<1x1x80xi32, #tpu.memory_space<vmem>> -> memref<80xi32, #tpu.memory_space<vmem>>
      %dma_wait3A_196 = arith.constant 0 : i32
      %dma_wait3A_197 = tpu.memref_slice %arg4[%dma_wait3A_196] : memref<320080xi32, #tpu.memory_space<hbm>> -> memref<80xi32, #tpu.memory_space<hbm>>
      %dma_wait3A_198 = arith.constant 0 : i32
      %dma_wait3A_199 = tpu.memref_slice %arg7[%dma_wait3A_191, %dma_wait3A_192, %dma_wait3A_198] : memref<2x2x80xi32, #tpu.memory_space<vmem>> -> memref<1x1x80xi32, #tpu.memory_space<vmem>>
      %dma_wait3A_200 = tpu.memref_squeeze %dma_wait3A_199 : memref<1x1x80xi32, #tpu.memory_space<vmem>> -> memref<80xi32, #tpu.memory_space<vmem>>
      %dma_wait3A_201 = arith.constant 0 : i32
      %dma_wait3A_202 = tpu.memref_slice %arg4[%dma_wait3A_201] : memref<320080xi32, #tpu.memory_space<hbm>> -> memref<80xi32, #tpu.memory_space<hbm>>
      tpu.wait_dma2 semaphore(%arg12 : memref<!tpu.dma_semaphore, #tpu.memory_space<semaphore_mem>>) src(%dma_wait3A_202 : memref<80xi32, #tpu.memory_space<hbm>>) dst(%dma_wait3A_200 : memref<80xi32, #tpu.memory_space<vmem>>)
      %dma_wait3A_203 = arith.constant 1 : i32
      %dma_wait3A_204 = arith.constant 1 : i32
      %dma_wait3A_205 = arith.constant 0 : i32
      %dma_wait3A_206 = tpu.memref_slice %arg7[%dma_wait3A_203, %dma_wait3A_204, %dma_wait3A_205] : memref<2x2x80xi32, #tpu.memory_space<vmem>> -> memref<1x1x80xi32, #tpu.memory_space<vmem>>
      %dma_wait3A_207 = tpu.memref_squeeze %dma_wait3A_206 : memref<1x1x80xi32, #tpu.memory_space<vmem>> -> memref<80xi32, #tpu.memory_space<vmem>>
      %dma_wait3A_208 = arith.constant 0 : i32
      %dma_wait3A_209 = tpu.memref_slice %arg5[%dma_wait3A_208] : memref<320080xi32, #tpu.memory_space<hbm>> -> memref<80xi32, #tpu.memory_space<hbm>>
      %dma_wait3A_210 = arith.constant 0 : i32
      %dma_wait3A_211 = tpu.memref_slice %arg7[%dma_wait3A_203, %dma_wait3A_204, %dma_wait3A_210] : memref<2x2x80xi32, #tpu.memory_space<vmem>> -> memref<1x1x80xi32, #tpu.memory_space<vmem>>
      %dma_wait3A_212 = tpu.memref_squeeze %dma_wait3A_211 : memref<1x1x80xi32, #tpu.memory_space<vmem>> -> memref<80xi32, #tpu.memory_space<vmem>>
      %dma_wait3A_213 = arith.constant 0 : i32
      %dma_wait3A_214 = tpu.memref_slice %arg5[%dma_wait3A_213] : memref<320080xi32, #tpu.memory_space<hbm>> -> memref<80xi32, #tpu.memory_space<hbm>>
      tpu.wait_dma2 semaphore(%arg12 : memref<!tpu.dma_semaphore, #tpu.memory_space<semaphore_mem>>) src(%dma_wait3A_214 : memref<80xi32, #tpu.memory_space<hbm>>) dst(%dma_wait3A_212 : memref<80xi32, #tpu.memory_space<vmem>>)
      %add3A_215 = arith.constant 1 : i32
      %add3A_216 = arith.addi %add3A_190, %add3A_215 : i32
      %dma_start3A_217 = arith.constant 1 : i32
      %dma_start3A_218 = arith.constant 0 : i32
      %dma_start3A_219 = arith.constant 1 : i32
      %dma_start3A_220 = arith.constant 0 : i32
      %dma_start3A_221 = arith.constant 0 : i32
      %dma_start3A_222 = tpu.memref_slice %arg8[%dma_start3A_219, %dma_start3A_220, %dma_start3A_221] : memref<2x80x128xf32, #tpu.memory_space<vmem>> -> memref<1x80x128xf32, #tpu.memory_space<vmem>>
      %dma_start3A_223 = tpu.memref_squeeze %dma_start3A_222 : memref<1x80x128xf32, #tpu.memory_space<vmem>> -> memref<80x128xf32, #tpu.memory_space<vmem>>
      %dma_start3A_224 = arith.constant 0 : i32
      %dma_start3A_225 = tpu.memref_slice %arg7[%dma_start3A_217, %dma_start3A_218, %dma_start3A_224] : memref<2x2x80xi32, #tpu.memory_space<vmem>> -> memref<1x1x80xi32, #tpu.memory_space<vmem>>
      %dma_start3A_226 = tpu.memref_squeeze %dma_start3A_225 : memref<1x1x80xi32, #tpu.memory_space<vmem>> -> memref<80xi32, #tpu.memory_space<vmem>>
      %dma_start3A_227 = arith.constant 0 : i32
      %dma_start3A_228 = arith.constant 0 : i32
      %dma_start3A_229 = tpu.memref_slice %arg2[%dma_start3A_227, %dma_start3A_228] : memref<10000x128xf32, #tpu.memory_space<hbm>> -> memref<10000x128xf32, #tpu.memory_space<hbm>>
      tpu.enqueue_indirect_dma source(%dma_start3A_229 : memref<10000x128xf32, #tpu.memory_space<hbm>>) target(%dma_start3A_223 : memref<80x128xf32, #tpu.memory_space<vmem>>) offsets(%dma_start3A_226 : memref<80xi32, #tpu.memory_space<vmem>>) semaphore(%arg14 : memref<!tpu.dma_semaphore, #tpu.memory_space<semaphore_mem>>)
      %mul3A_230 = arith.constant 80 : i32
      %mul3A_231 = arith.muli %add3A_216, %mul3A_230 : i32
      %add3A_232 = arith.addi %mul3A_15, %mul3A_231 : i32
      %dma_start3A_233 = arith.constant 1 : i32
      %dma_start3A_234 = arith.constant 0 : i32
      %dma_start3A_235 = arith.constant 0 : i32
      %dma_start3A_236 = tpu.memref_slice %arg9[%dma_start3A_233, %dma_start3A_234, %dma_start3A_235] : memref<2x80x128xf32, #tpu.memory_space<vmem>> -> memref<1x80x128xf32, #tpu.memory_space<vmem>>
      %dma_start3A_237 = tpu.memref_squeeze %dma_start3A_236 : memref<1x80x128xf32, #tpu.memory_space<vmem>> -> memref<80x128xf32, #tpu.memory_space<vmem>>
      %dma_start3A_238 = arith.constant 0 : i32
      %dma_start3A_239 = tpu.memref_slice %arg3[%add3A_232, %dma_start3A_238] : memref<320000x128xf32, #tpu.memory_space<hbm>> -> memref<80x128xf32, #tpu.memory_space<hbm>>
      %dma_start3A_240 = arith.constant 0 : i32
      %dma_start3A_241 = arith.constant 0 : i32
      %dma_start3A_242 = tpu.memref_slice %arg9[%dma_start3A_233, %dma_start3A_240, %dma_start3A_241] : memref<2x80x128xf32, #tpu.memory_space<vmem>> -> memref<1x80x128xf32, #tpu.memory_space<vmem>>
      %dma_start3A_243 = tpu.memref_squeeze %dma_start3A_242 : memref<1x80x128xf32, #tpu.memory_space<vmem>> -> memref<80x128xf32, #tpu.memory_space<vmem>>
      %dma_start3A_244 = arith.constant 0 : i32
      %dma_start3A_245 = tpu.memref_slice %arg3[%add3A_232, %dma_start3A_244] : memref<320000x128xf32, #tpu.memory_space<hbm>> -> memref<80x128xf32, #tpu.memory_space<hbm>>
      tpu.enqueue_dma source(%dma_start3A_245 : memref<80x128xf32, #tpu.memory_space<hbm>>) target(%dma_start3A_243 : memref<80x128xf32, #tpu.memory_space<vmem>>) target_semaphore(%arg16 : memref<!tpu.dma_semaphore, #tpu.memory_space<semaphore_mem>>)
      %dma_wait3A_246 = arith.constant 0 : i32
      %dma_wait3A_247 = arith.constant 0 : i32
      %dma_wait3A_248 = arith.constant 0 : i32
      %dma_wait3A_249 = tpu.memref_slice %arg8[%dma_wait3A_246, %dma_wait3A_247, %dma_wait3A_248] : memref<2x80x128xf32, #tpu.memory_space<vmem>> -> memref<1x80x128xf32, #tpu.memory_space<vmem>>
      %dma_wait3A_250 = tpu.memref_squeeze %dma_wait3A_249 : memref<1x80x128xf32, #tpu.memory_space<vmem>> -> memref<80x128xf32, #tpu.memory_space<vmem>>
      %dma_wait3A_251 = arith.constant 0 : i32
      %dma_wait3A_252 = arith.constant 0 : i32
      %dma_wait3A_253 = tpu.memref_slice %arg3[%dma_wait3A_251, %dma_wait3A_252] : memref<320000x128xf32, #tpu.memory_space<hbm>> -> memref<80x128xf32, #tpu.memory_space<hbm>>
      %dma_wait3A_254 = arith.constant 0 : i32
      %dma_wait3A_255 = arith.constant 0 : i32
      %dma_wait3A_256 = tpu.memref_slice %arg8[%dma_wait3A_246, %dma_wait3A_254, %dma_wait3A_255] : memref<2x80x128xf32, #tpu.memory_space<vmem>> -> memref<1x80x128xf32, #tpu.memory_space<vmem>>
      %dma_wait3A_257 = tpu.memref_squeeze %dma_wait3A_256 : memref<1x80x128xf32, #tpu.memory_space<vmem>> -> memref<80x128xf32, #tpu.memory_space<vmem>>
      %dma_wait3A_258 = arith.constant 0 : i32
      %dma_wait3A_259 = arith.constant 0 : i32
      %dma_wait3A_260 = tpu.memref_slice %arg3[%dma_wait3A_258, %dma_wait3A_259] : memref<320000x128xf32, #tpu.memory_space<hbm>> -> memref<80x128xf32, #tpu.memory_space<hbm>>
      tpu.wait_dma2 semaphore(%arg13 : memref<!tpu.dma_semaphore, #tpu.memory_space<semaphore_mem>>) src(%dma_wait3A_260 : memref<80x128xf32, #tpu.memory_space<hbm>>) dst(%dma_wait3A_257 : memref<80x128xf32, #tpu.memory_space<vmem>>)
      %dma_wait3A_261 = arith.constant 0 : i32
      %dma_wait3A_262 = arith.constant 0 : i32
      %dma_wait3A_263 = arith.constant 0 : i32
      %dma_wait3A_264 = tpu.memref_slice %arg9[%dma_wait3A_261, %dma_wait3A_262, %dma_wait3A_263] : memref<2x80x128xf32, #tpu.memory_space<vmem>> -> memref<1x80x128xf32, #tpu.memory_space<vmem>>
      %dma_wait3A_265 = tpu.memref_squeeze %dma_wait3A_264 : memref<1x80x128xf32, #tpu.memory_space<vmem>> -> memref<80x128xf32, #tpu.memory_space<vmem>>
      %dma_wait3A_266 = arith.constant 0 : i32
      %dma_wait3A_267 = arith.constant 0 : i32
      %dma_wait3A_268 = tpu.memref_slice %arg3[%dma_wait3A_266, %dma_wait3A_267] : memref<320000x128xf32, #tpu.memory_space<hbm>> -> memref<80x128xf32, #tpu.memory_space<hbm>>
      %dma_wait3A_269 = arith.constant 0 : i32
      %dma_wait3A_270 = arith.constant 0 : i32
      %dma_wait3A_271 = tpu.memref_slice %arg9[%dma_wait3A_261, %dma_wait3A_269, %dma_wait3A_270] : memref<2x80x128xf32, #tpu.memory_space<vmem>> -> memref<1x80x128xf32, #tpu.memory_space<vmem>>
      %dma_wait3A_272 = tpu.memref_squeeze %dma_wait3A_271 : memref<1x80x128xf32, #tpu.memory_space<vmem>> -> memref<80x128xf32, #tpu.memory_space<vmem>>
      %dma_wait3A_273 = arith.constant 0 : i32
      %dma_wait3A_274 = arith.constant 0 : i32
      %dma_wait3A_275 = tpu.memref_slice %arg3[%dma_wait3A_273, %dma_wait3A_274] : memref<320000x128xf32, #tpu.memory_space<hbm>> -> memref<80x128xf32, #tpu.memory_space<hbm>>
      tpu.wait_dma2 semaphore(%arg15 : memref<!tpu.dma_semaphore, #tpu.memory_space<semaphore_mem>>) src(%dma_wait3A_275 : memref<80x128xf32, #tpu.memory_space<hbm>>) dst(%dma_wait3A_272 : memref<80x128xf32, #tpu.memory_space<vmem>>)
      %scan3A_276 = arith.constant 0 : i32
      %scan3A_277 = arith.constant 0 : i32
      %scan3A_278 = arith.constant 80 : i32
      %scan3A_279 = arith.addi %scan3A_277, %scan3A_278 : i32
      %scan3A_280 = arith.constant 1 : i32
      %scan3A_281 = scf.for %scan3A_436 = %scan3A_277 to %scan3A_279 step %scan3A_280 iter_args(%scan3A_437 = %scan3A_276) -> (i32)  : i32 {
        %get3A = arith.constant 0 : i32
        %get3A_438 = arith.index_cast %get3A : i32 to index
        %get3A_439 = arith.index_cast %scan3A_436 : i32 to index
        %get3A_440 = arith.constant 0 : index
        %get3A_441 = tpu.vector_load %arg8[%get3A_438, %get3A_439, %get3A_440] {strides = array<i32>} : memref<2x80x128xf32, #tpu.memory_space<vmem>>, vector<1x1x16xf32>,
        %get3A_442 = vector.shape_cast %get3A_441 : vector<1x1x16xf32> to vector<16xf32>
        %get3A_443 = arith.constant 0 : i32
        %get3A_444 = arith.index_cast %get3A_443 : i32 to index
        %get3A_445 = arith.index_cast %scan3A_436 : i32 to index
        %get3A_446 = arith.constant 0 : index
        %get3A_447 = tpu.vector_load %arg9[%get3A_444, %get3A_445, %get3A_446] {strides = array<i32>} : memref<2x80x128xf32, #tpu.memory_space<vmem>>, vector<1x1x16xf32>,
        %get3A_448 = vector.shape_cast %get3A_447 : vector<1x1x16xf32> to vector<16xf32>
        %add3A_449 = arith.addf %get3A_442, %get3A_448 : vector<16xf32>
        %max3A = arith.constant 0.000000e+00 : f32
        %max3A_450 = vector.broadcast %max3A : f32 to vector<16xf32>
        %max3A_451 = arith.maximumf %add3A_449, %max3A_450 : vector<16xf32>
        %swap3A = arith.constant 0 : i32
        %swap3A_452 = arith.index_cast %swap3A : i32 to index
        %swap3A_453 = arith.index_cast %scan3A_436 : i32 to index
        %swap3A_454 = arith.constant 0 : index
        %swap3A_455 = tpu.vector_load %arg8[%swap3A_452, %swap3A_453, %swap3A_454] {strides = array<i32>} : memref<2x80x128xf32, #tpu.memory_space<vmem>>, vector<1x1x16xf32>,
        %swap3A_456 = vector.shape_cast %swap3A_455 : vector<1x1x16xf32> to vector<16xf32>
        %swap3A_457 = vector.shape_cast %max3A_451 : vector<16xf32> to vector<1x1x16xf32>
        tpu.vector_store %arg8[%swap3A_452, %swap3A_453, %swap3A_454], %swap3A_457 {strides = array<i32>} : memref<2x80x128xf32, #tpu.memory_space<vmem>>, vector<1x1x16xf32>,
        %get3A_458 = arith.constant 0 : i32
        %get3A_459 = arith.index_cast %get3A_458 : i32 to index
        %get3A_460 = arith.index_cast %scan3A_436 : i32 to index
        %get3A_461 = arith.constant 16 : index
        %get3A_462 = tpu.vector_load %arg8[%get3A_459, %get3A_460, %get3A_461] {strides = array<i32>} : memref<2x80x128xf32, #tpu.memory_space<vmem>>, vector<1x1x16xf32>,
        %get3A_463 = vector.shape_cast %get3A_462 : vector<1x1x16xf32> to vector<16xf32>
        %get3A_464 = arith.constant 0 : i32
        %get3A_465 = arith.index_cast %get3A_464 : i32 to index
        %get3A_466 = arith.index_cast %scan3A_436 : i32 to index
        %get3A_467 = arith.constant 16 : index
        %get3A_468 = tpu.vector_load %arg9[%get3A_465, %get3A_466, %get3A_467] {strides = array<i32>} : memref<2x80x128xf32, #tpu.memory_space<vmem>>, vector<1x1x16xf32>,
        %get3A_469 = vector.shape_cast %get3A_468 : vector<1x1x16xf32> to vector<16xf32>
        %add3A_470 = arith.addf %get3A_463, %get3A_469 : vector<16xf32>
        %max3A_471 = arith.constant 0.000000e+00 : f32
        %max3A_472 = vector.broadcast %max3A_471 : f32 to vector<16xf32>
        %max3A_473 = arith.maximumf %add3A_470, %max3A_472 : vector<16xf32>
        %swap3A_474 = arith.constant 0 : i32
        %swap3A_475 = arith.index_cast %swap3A_474 : i32 to index
        %swap3A_476 = arith.index_cast %scan3A_436 : i32 to index
        %swap3A_477 = arith.constant 16 : index
        %swap3A_478 = tpu.vector_load %arg8[%swap3A_475, %swap3A_476, %swap3A_477] {strides = array<i32>} : memref<2x80x128xf32, #tpu.memory_space<vmem>>, vector<1x1x16xf32>,
        %swap3A_479 = vector.shape_cast %swap3A_478 : vector<1x1x16xf32> to vector<16xf32>
        %swap3A_480 = vector.shape_cast %max3A_473 : vector<16xf32> to vector<1x1x16xf32>
        tpu.vector_store %arg8[%swap3A_475, %swap3A_476, %swap3A_477], %swap3A_480 {strides = array<i32>} : memref<2x80x128xf32, #tpu.memory_space<vmem>>, vector<1x1x16xf32>,
        %get3A_481 = arith.constant 0 : i32
        %get3A_482 = arith.index_cast %get3A_481 : i32 to index
        %get3A_483 = arith.index_cast %scan3A_436 : i32 to index
        %get3A_484 = arith.constant 32 : index
        %get3A_485 = tpu.vector_load %arg8[%get3A_482, %get3A_483, %get3A_484] {strides = array<i32>} : memref<2x80x128xf32, #tpu.memory_space<vmem>>, vector<1x1x16xf32>,
        %get3A_486 = vector.shape_cast %get3A_485 : vector<1x1x16xf32> to vector<16xf32>
        %get3A_487 = arith.constant 0 : i32
        %get3A_488 = arith.index_cast %get3A_487 : i32 to index
        %get3A_489 = arith.index_cast %scan3A_436 : i32 to index
        %get3A_490 = arith.constant 32 : index
        %get3A_491 = tpu.vector_load %arg9[%get3A_488, %get3A_489, %get3A_490] {strides = array<i32>} : memref<2x80x128xf32, #tpu.memory_space<vmem>>, vector<1x1x16xf32>,
        %get3A_492 = vector.shape_cast %get3A_491 : vector<1x1x16xf32> to vector<16xf32>
        %add3A_493 = arith.addf %get3A_486, %get3A_492 : vector<16xf32>
        %max3A_494 = arith.constant 0.000000e+00 : f32
        %max3A_495 = vector.broadcast %max3A_494 : f32 to vector<16xf32>
        %max3A_496 = arith.maximumf %add3A_493, %max3A_495 : vector<16xf32>
        %swap3A_497 = arith.constant 0 : i32
        %swap3A_498 = arith.index_cast %swap3A_497 : i32 to index
        %swap3A_499 = arith.index_cast %scan3A_436 : i32 to index
        %swap3A_500 = arith.constant 32 : index
        %swap3A_501 = tpu.vector_load %arg8[%swap3A_498, %swap3A_499, %swap3A_500] {strides = array<i32>} : memref<2x80x128xf32, #tpu.memory_space<vmem>>, vector<1x1x16xf32>,
        %swap3A_502 = vector.shape_cast %swap3A_501 : vector<1x1x16xf32> to vector<16xf32>
        %swap3A_503 = vector.shape_cast %max3A_496 : vector<16xf32> to vector<1x1x16xf32>
        tpu.vector_store %arg8[%swap3A_498, %swap3A_499, %swap3A_500], %swap3A_503 {strides = array<i32>} : memref<2x80x128xf32, #tpu.memory_space<vmem>>, vector<1x1x16xf32>,
        %get3A_504 = arith.constant 0 : i32
        %get3A_505 = arith.index_cast %get3A_504 : i32 to index
        %get3A_506 = arith.index_cast %scan3A_436 : i32 to index
        %get3A_507 = arith.constant 48 : index
        %get3A_508 = tpu.vector_load %arg8[%get3A_505, %get3A_506, %get3A_507] {strides = array<i32>} : memref<2x80x128xf32, #tpu.memory_space<vmem>>, vector<1x1x16xf32>,
        %get3A_509 = vector.shape_cast %get3A_508 : vector<1x1x16xf32> to vector<16xf32>
        %get3A_510 = arith.constant 0 : i32
        %get3A_511 = arith.index_cast %get3A_510 : i32 to index
        %get3A_512 = arith.index_cast %scan3A_436 : i32 to index
        %get3A_513 = arith.constant 48 : index
        %get3A_514 = tpu.vector_load %arg9[%get3A_511, %get3A_512, %get3A_513] {strides = array<i32>} : memref<2x80x128xf32, #tpu.memory_space<vmem>>, vector<1x1x16xf32>,
        %get3A_515 = vector.shape_cast %get3A_514 : vector<1x1x16xf32> to vector<16xf32>
        %add3A_516 = arith.addf %get3A_509, %get3A_515 : vector<16xf32>
        %max3A_517 = arith.constant 0.000000e+00 : f32
        %max3A_518 = vector.broadcast %max3A_517 : f32 to vector<16xf32>
        %max3A_519 = arith.maximumf %add3A_516, %max3A_518 : vector<16xf32>
        %swap3A_520 = arith.constant 0 : i32
        %swap3A_521 = arith.index_cast %swap3A_520 : i32 to index
        %swap3A_522 = arith.index_cast %scan3A_436 : i32 to index
        %swap3A_523 = arith.constant 48 : index
        %swap3A_524 = tpu.vector_load %arg8[%swap3A_521, %swap3A_522, %swap3A_523] {strides = array<i32>} : memref<2x80x128xf32, #tpu.memory_space<vmem>>, vector<1x1x16xf32>,
        %swap3A_525 = vector.shape_cast %swap3A_524 : vector<1x1x16xf32> to vector<16xf32>
        %swap3A_526 = vector.shape_cast %max3A_519 : vector<16xf32> to vector<1x1x16xf32>
        tpu.vector_store %arg8[%swap3A_521, %swap3A_522, %swap3A_523], %swap3A_526 {strides = array<i32>} : memref<2x80x128xf32, #tpu.memory_space<vmem>>, vector<1x1x16xf32>,
        %get3A_527 = arith.constant 0 : i32
        %get3A_528 = arith.index_cast %get3A_527 : i32 to index
        %get3A_529 = arith.index_cast %scan3A_436 : i32 to index
        %get3A_530 = arith.constant 64 : index
        %get3A_531 = tpu.vector_load %arg8[%get3A_528, %get3A_529, %get3A_530] {strides = array<i32>} : memref<2x80x128xf32, #tpu.memory_space<vmem>>, vector<1x1x16xf32>,
        %get3A_532 = vector.shape_cast %get3A_531 : vector<1x1x16xf32> to vector<16xf32>
        %get3A_533 = arith.constant 0 : i32
        %get3A_534 = arith.index_cast %get3A_533 : i32 to index
        %get3A_535 = arith.index_cast %scan3A_436 : i32 to index
        %get3A_536 = arith.constant 64 : index
        %get3A_537 = tpu.vector_load %arg9[%get3A_534, %get3A_535, %get3A_536] {strides = array<i32>} : memref<2x80x128xf32, #tpu.memory_space<vmem>>, vector<1x1x16xf32>,
        %get3A_538 = vector.shape_cast %get3A_537 : vector<1x1x16xf32> to vector<16xf32>
        %add3A_539 = arith.addf %get3A_532, %get3A_538 : vector<16xf32>
        %max3A_540 = arith.constant 0.000000e+00 : f32
        %max3A_541 = vector.broadcast %max3A_540 : f32 to vector<16xf32>
        %max3A_542 = arith.maximumf %add3A_539, %max3A_541 : vector<16xf32>
        %swap3A_543 = arith.constant 0 : i32
        %swap3A_544 = arith.index_cast %swap3A_543 : i32 to index
        %swap3A_545 = arith.index_cast %scan3A_436 : i32 to index
        %swap3A_546 = arith.constant 64 : index
        %swap3A_547 = tpu.vector_load %arg8[%swap3A_544, %swap3A_545, %swap3A_546] {strides = array<i32>} : memref<2x80x128xf32, #tpu.memory_space<vmem>>, vector<1x1x16xf32>,
        %swap3A_548 = vector.shape_cast %swap3A_547 : vector<1x1x16xf32> to vector<16xf32>
        %swap3A_549 = vector.shape_cast %max3A_542 : vector<16xf32> to vector<1x1x16xf32>
        tpu.vector_store %arg8[%swap3A_544, %swap3A_545, %swap3A_546], %swap3A_549 {strides = array<i32>} : memref<2x80x128xf32, #tpu.memory_space<vmem>>, vector<1x1x16xf32>,
        %get3A_550 = arith.constant 0 : i32
        %get3A_551 = arith.index_cast %get3A_550 : i32 to index
        %get3A_552 = arith.index_cast %scan3A_436 : i32 to index
        %get3A_553 = arith.constant 80 : index
        %get3A_554 = tpu.vector_load %arg8[%get3A_551, %get3A_552, %get3A_553] {strides = array<i32>} : memref<2x80x128xf32, #tpu.memory_space<vmem>>, vector<1x1x16xf32>,
        %get3A_555 = vector.shape_cast %get3A_554 : vector<1x1x16xf32> to vector<16xf32>
        %get3A_556 = arith.constant 0 : i32
        %get3A_557 = arith.index_cast %get3A_556 : i32 to index
        %get3A_558 = arith.index_cast %scan3A_436 : i32 to index
        %get3A_559 = arith.constant 80 : index
        %get3A_560 = tpu.vector_load %arg9[%get3A_557, %get3A_558, %get3A_559] {strides = array<i32>} : memref<2x80x128xf32, #tpu.memory_space<vmem>>, vector<1x1x16xf32>,
        %get3A_561 = vector.shape_cast %get3A_560 : vector<1x1x16xf32> to vector<16xf32>
        %add3A_562 = arith.addf %get3A_555, %get3A_561 : vector<16xf32>
        %max3A_563 = arith.constant 0.000000e+00 : f32
        %max3A_564 = vector.broadcast %max3A_563 : f32 to vector<16xf32>
        %max3A_565 = arith.maximumf %add3A_562, %max3A_564 : vector<16xf32>
        %swap3A_566 = arith.constant 0 : i32
        %swap3A_567 = arith.index_cast %swap3A_566 : i32 to index
        %swap3A_568 = arith.index_cast %scan3A_436 : i32 to index
        %swap3A_569 = arith.constant 80 : index
        %swap3A_570 = tpu.vector_load %arg8[%swap3A_567, %swap3A_568, %swap3A_569] {strides = array<i32>} : memref<2x80x128xf32, #tpu.memory_space<vmem>>, vector<1x1x16xf32>,
        %swap3A_571 = vector.shape_cast %swap3A_570 : vector<1x1x16xf32> to vector<16xf32>
        %swap3A_572 = vector.shape_cast %max3A_565 : vector<16xf32> to vector<1x1x16xf32>
        tpu.vector_store %arg8[%swap3A_567, %swap3A_568, %swap3A_569], %swap3A_572 {strides = array<i32>} : memref<2x80x128xf32, #tpu.memory_space<vmem>>, vector<1x1x16xf32>,
        %get3A_573 = arith.constant 0 : i32
        %get3A_574 = arith.index_cast %get3A_573 : i32 to index
        %get3A_575 = arith.index_cast %scan3A_436 : i32 to index
        %get3A_576 = arith.constant 96 : index
        %get3A_577 = tpu.vector_load %arg8[%get3A_574, %get3A_575, %get3A_576] {strides = array<i32>} : memref<2x80x128xf32, #tpu.memory_space<vmem>>, vector<1x1x16xf32>,
        %get3A_578 = vector.shape_cast %get3A_577 : vector<1x1x16xf32> to vector<16xf32>
        %get3A_579 = arith.constant 0 : i32
        %get3A_580 = arith.index_cast %get3A_579 : i32 to index
        %get3A_581 = arith.index_cast %scan3A_436 : i32 to index
        %get3A_582 = arith.constant 96 : index
        %get3A_583 = tpu.vector_load %arg9[%get3A_580, %get3A_581, %get3A_582] {strides = array<i32>} : memref<2x80x128xf32, #tpu.memory_space<vmem>>, vector<1x1x16xf32>,
        %get3A_584 = vector.shape_cast %get3A_583 : vector<1x1x16xf32> to vector<16xf32>
        %add3A_585 = arith.addf %get3A_578, %get3A_584 : vector<16xf32>
        %max3A_586 = arith.constant 0.000000e+00 : f32
        %max3A_587 = vector.broadcast %max3A_586 : f32 to vector<16xf32>
        %max3A_588 = arith.maximumf %add3A_585, %max3A_587 : vector<16xf32>
        %swap3A_589 = arith.constant 0 : i32
        %swap3A_590 = arith.index_cast %swap3A_589 : i32 to index
        %swap3A_591 = arith.index_cast %scan3A_436 : i32 to index
        %swap3A_592 = arith.constant 96 : index
        %swap3A_593 = tpu.vector_load %arg8[%swap3A_590, %swap3A_591, %swap3A_592] {strides = array<i32>} : memref<2x80x128xf32, #tpu.memory_space<vmem>>, vector<1x1x16xf32>,
        %swap3A_594 = vector.shape_cast %swap3A_593 : vector<1x1x16xf32> to vector<16xf32>
        %swap3A_595 = vector.shape_cast %max3A_588 : vector<16xf32> to vector<1x1x16xf32>
        tpu.vector_store %arg8[%swap3A_590, %swap3A_591, %swap3A_592], %swap3A_595 {strides = array<i32>} : memref<2x80x128xf32, #tpu.memory_space<vmem>>, vector<1x1x16xf32>,
        %get3A_596 = arith.constant 0 : i32
        %get3A_597 = arith.index_cast %get3A_596 : i32 to index
        %get3A_598 = arith.index_cast %scan3A_436 : i32 to index
        %get3A_599 = arith.constant 112 : index
        %get3A_600 = tpu.vector_load %arg8[%get3A_597, %get3A_598, %get3A_599] {strides = array<i32>} : memref<2x80x128xf32, #tpu.memory_space<vmem>>, vector<1x1x16xf32>,
        %get3A_601 = vector.shape_cast %get3A_600 : vector<1x1x16xf32> to vector<16xf32>
        %get3A_602 = arith.constant 0 : i32
        %get3A_603 = arith.index_cast %get3A_602 : i32 to index
        %get3A_604 = arith.index_cast %scan3A_436 : i32 to index
        %get3A_605 = arith.constant 112 : index
        %get3A_606 = tpu.vector_load %arg9[%get3A_603, %get3A_604, %get3A_605] {strides = array<i32>} : memref<2x80x128xf32, #tpu.memory_space<vmem>>, vector<1x1x16xf32>,
        %get3A_607 = vector.shape_cast %get3A_606 : vector<1x1x16xf32> to vector<16xf32>
        %add3A_608 = arith.addf %get3A_601, %get3A_607 : vector<16xf32>
        %max3A_609 = arith.constant 0.000000e+00 : f32
        %max3A_610 = vector.broadcast %max3A_609 : f32 to vector<16xf32>
        %max3A_611 = arith.maximumf %add3A_608, %max3A_610 : vector<16xf32>
        %swap3A_612 = arith.constant 0 : i32
        %swap3A_613 = arith.index_cast %swap3A_612 : i32 to index
        %swap3A_614 = arith.index_cast %scan3A_436 : i32 to index
        %swap3A_615 = arith.constant 112 : index
        %swap3A_616 = tpu.vector_load %arg8[%swap3A_613, %swap3A_614, %swap3A_615] {strides = array<i32>} : memref<2x80x128xf32, #tpu.memory_space<vmem>>, vector<1x1x16xf32>,
        %swap3A_617 = vector.shape_cast %swap3A_616 : vector<1x1x16xf32> to vector<16xf32>
        %swap3A_618 = vector.shape_cast %max3A_611 : vector<16xf32> to vector<1x1x16xf32>
        tpu.vector_store %arg8[%swap3A_613, %swap3A_614, %swap3A_615], %swap3A_618 {strides = array<i32>} : memref<2x80x128xf32, #tpu.memory_space<vmem>>, vector<1x1x16xf32>,
        %scan3A_619 = arith.constant 0 : i32
        scf.yield %scan3A_619 : i32
      }
      %scan3A_282 = arith.constant 80 : i32
      %run_scoped3A_283 = arith.constant 0 : i32
      %run_scoped3A_284 = arith.constant 0 : i32
      %run_scoped3A_285 = arith.constant 1 : i32
      "tpu.region"() ({
        %run_scoped3A_436 = tpu.sem_alloc : memref<!tpu.dma_semaphore, #tpu.memory_space<semaphore_mem>>
        %dma_start3A_437 = arith.constant 0 : i32
        %dma_start3A_438 = arith.constant 0 : i32
        %dma_start3A_439 = tpu.memref_slice %arg8[%run_scoped3A_283, %dma_start3A_437, %dma_start3A_438] : memref<2x80x128xf32, #tpu.memory_space<vmem>> -> memref<1x80x128xf32, #tpu.memory_space<vmem>>
        %dma_start3A_440 = tpu.memref_squeeze %dma_start3A_439 : memref<1x80x128xf32, #tpu.memory_space<vmem>> -> memref<80x128xf32, #tpu.memory_space<vmem>>
        %dma_start3A_441 = arith.constant 0 : i32
        %dma_start3A_442 = tpu.memref_slice %arg7[%run_scoped3A_284, %run_scoped3A_285, %dma_start3A_441] : memref<2x2x80xi32, #tpu.memory_space<vmem>> -> memref<1x1x80xi32, #tpu.memory_space<vmem>>
        %dma_start3A_443 = tpu.memref_squeeze %dma_start3A_442 : memref<1x1x80xi32, #tpu.memory_space<vmem>> -> memref<80xi32, #tpu.memory_space<vmem>>
        %dma_start3A_444 = arith.constant 0 : i32
        %dma_start3A_445 = arith.constant 0 : i32
        %dma_start3A_446 = tpu.memref_slice %arg10[%dma_start3A_444, %dma_start3A_445] : memref<10240x128xf32, #tpu.memory_space<vmem_shared>> -> memref<10240x128xf32, #tpu.memory_space<vmem_shared>>
        tpu.enqueue_indirect_dma source(%dma_start3A_440 : memref<80x128xf32, #tpu.memory_space<vmem>>) target(%dma_start3A_446 : memref<10240x128xf32, #tpu.memory_space<vmem_shared>>) offsets(%dma_start3A_443 : memref<80xi32, #tpu.memory_space<vmem>>) semaphore(%run_scoped3A_436 : memref<!tpu.dma_semaphore, #tpu.memory_space<semaphore_mem>>) {add = true}
        %dma_wait3A_447 = arith.constant 0 : i32
        %dma_wait3A_448 = arith.constant 0 : i32
        %dma_wait3A_449 = tpu.memref_slice %arg8[%run_scoped3A_283, %dma_wait3A_447, %dma_wait3A_448] : memref<2x80x128xf32, #tpu.memory_space<vmem>> -> memref<1x80x128xf32, #tpu.memory_space<vmem>>
        %dma_wait3A_450 = tpu.memref_squeeze %dma_wait3A_449 : memref<1x80x128xf32, #tpu.memory_space<vmem>> -> memref<80x128xf32, #tpu.memory_space<vmem>>
        %dma_wait3A_451 = arith.constant 0 : i32
        %dma_wait3A_452 = tpu.memref_slice %arg7[%run_scoped3A_284, %run_scoped3A_285, %dma_wait3A_451] : memref<2x2x80xi32, #tpu.memory_space<vmem>> -> memref<1x1x80xi32, #tpu.memory_space<vmem>>
        %dma_wait3A_453 = tpu.memref_squeeze %dma_wait3A_452 : memref<1x1x80xi32, #tpu.memory_space<vmem>> -> memref<80xi32, #tpu.memory_space<vmem>>
        %dma_wait3A_454 = arith.constant 0 : i32
        %dma_wait3A_455 = arith.constant 0 : i32
        %dma_wait3A_456 = tpu.memref_slice %arg10[%dma_wait3A_454, %dma_wait3A_455] : memref<10240x128xf32, #tpu.memory_space<vmem_shared>> -> memref<10240x128xf32, #tpu.memory_space<vmem_shared>>
        tpu.wait_indirect_dma semaphore(%run_scoped3A_436 : memref<!tpu.dma_semaphore, #tpu.memory_space<semaphore_mem>>) src(%dma_wait3A_450 : memref<80x128xf32, #tpu.memory_space<vmem>>) dst(%dma_wait3A_456 : memref<10240x128xf32, #tpu.memory_space<vmem_shared>>)
        tpu.yield
      }) : () -> ()
      %add3A_286 = arith.constant 2 : i32
      %add3A_287 = arith.addi %add3A_190, %add3A_286 : i32
      %mul3A_288 = arith.constant 80 : i32
      %mul3A_289 = arith.muli %add3A_287, %mul3A_288 : i32
      %add3A_290 = arith.addi %mul3A_15, %mul3A_289 : i32
      %dma_start3A_291 = arith.constant 0 : i32
      %dma_start3A_292 = arith.constant 0 : i32
      %dma_start3A_293 = arith.constant 0 : i32
      %dma_start3A_294 = tpu.memref_slice %arg7[%dma_start3A_291, %dma_start3A_292, %dma_start3A_293] : memref<2x2x80xi32, #tpu.memory_space<vmem>> -> memref<1x1x80xi32, #tpu.memory_space<vmem>>
      %dma_start3A_295 = tpu.memref_squeeze %dma_start3A_294 : memref<1x1x80xi32, #tpu.memory_space<vmem>> -> memref<80xi32, #tpu.memory_space<vmem>>
      %dma_start3A_296 = tpu.memref_slice %arg4[%add3A_290] : memref<320080xi32, #tpu.memory_space<hbm>> -> memref<80xi32, #tpu.memory_space<hbm>>
      %dma_start3A_297 = arith.constant 0 : i32
      %dma_start3A_298 = tpu.memref_slice %arg7[%dma_start3A_291, %dma_start3A_292, %dma_start3A_297] : memref<2x2x80xi32, #tpu.memory_space<vmem>> -> memref<1x1x80xi32, #tpu.memory_space<vmem>>
      %dma_start3A_299 = tpu.memref_squeeze %dma_start3A_298 : memref<1x1x80xi32, #tpu.memory_space<vmem>> -> memref<80xi32, #tpu.memory_space<vmem>>
      %dma_start3A_300 = tpu.memref_slice %arg4[%add3A_290] : memref<320080xi32, #tpu.memory_space<hbm>> -> memref<80xi32, #tpu.memory_space<hbm>>
      tpu.enqueue_dma source(%dma_start3A_300 : memref<80xi32, #tpu.memory_space<hbm>>) target(%dma_start3A_299 : memref<80xi32, #tpu.memory_space<vmem>>) target_semaphore(%arg11 : memref<!tpu.dma_semaphore, #tpu.memory_space<semaphore_mem>>)
      %dma_start3A_301 = arith.constant 0 : i32
      %dma_start3A_302 = arith.constant 1 : i32
      %dma_start3A_303 = arith.constant 0 : i32
      %dma_start3A_304 = tpu.memref_slice %arg7[%dma_start3A_301, %dma_start3A_302, %dma_start3A_303] : memref<2x2x80xi32, #tpu.memory_space<vmem>> -> memref<1x1x80xi32, #tpu.memory_space<vmem>>
      %dma_start3A_305 = tpu.memref_squeeze %dma_start3A_304 : memref<1x1x80xi32, #tpu.memory_space<vmem>> -> memref<80xi32, #tpu.memory_space<vmem>>
      %dma_start3A_306 = tpu.memref_slice %arg5[%add3A_290] : memref<320080xi32, #tpu.memory_space<hbm>> -> memref<80xi32, #tpu.memory_space<hbm>>
      %dma_start3A_307 = arith.constant 0 : i32
      %dma_start3A_308 = tpu.memref_slice %arg7[%dma_start3A_301, %dma_start3A_302, %dma_start3A_307] : memref<2x2x80xi32, #tpu.memory_space<vmem>> -> memref<1x1x80xi32, #tpu.memory_space<vmem>>
      %dma_start3A_309 = tpu.memref_squeeze %dma_start3A_308 : memref<1x1x80xi32, #tpu.memory_space<vmem>> -> memref<80xi32, #tpu.memory_space<vmem>>
      %dma_start3A_310 = tpu.memref_slice %arg5[%add3A_290] : memref<320080xi32, #tpu.memory_space<hbm>> -> memref<80xi32, #tpu.memory_space<hbm>>
      tpu.enqueue_dma source(%dma_start3A_310 : memref<80xi32, #tpu.memory_space<hbm>>) target(%dma_start3A_309 : memref<80xi32, #tpu.memory_space<vmem>>) target_semaphore(%arg11 : memref<!tpu.dma_semaphore, #tpu.memory_space<semaphore_mem>>)
      %mul3A_311 = arith.constant 2 : i32
      %mul3A_312 = arith.muli %mul3A_311, %scan3A_185 : i32
      %add3A_313 = arith.constant 1 : i32
      %add3A_314 = arith.addi %mul3A_312, %add3A_313 : i32
      %dma_wait3A_315 = arith.constant 0 : i32
      %dma_wait3A_316 = arith.constant 0 : i32
      %dma_wait3A_317 = arith.constant 0 : i32
      %dma_wait3A_318 = tpu.memref_slice %arg7[%dma_wait3A_315, %dma_wait3A_316, %dma_wait3A_317] : memref<2x2x80xi32, #tpu.memory_space<vmem>> -> memref<1x1x80xi32, #tpu.memory_space<vmem>>
      %dma_wait3A_319 = tpu.memref_squeeze %dma_wait3A_318 : memref<1x1x80xi32, #tpu.memory_space<vmem>> -> memref<80xi32, #tpu.memory_space<vmem>>
      %dma_wait3A_320 = arith.constant 0 : i32
      %dma_wait3A_321 = tpu.memref_slice %arg4[%dma_wait3A_320] : memref<320080xi32, #tpu.memory_space<hbm>> -> memref<80xi32, #tpu.memory_space<hbm>>
      %dma_wait3A_322 = arith.constant 0 : i32
      %dma_wait3A_323 = tpu.memref_slice %arg7[%dma_wait3A_315, %dma_wait3A_316, %dma_wait3A_322] : memref<2x2x80xi32, #tpu.memory_space<vmem>> -> memref<1x1x80xi32, #tpu.memory_space<vmem>>
      %dma_wait3A_324 = tpu.memref_squeeze %dma_wait3A_323 : memref<1x1x80xi32, #tpu.memory_space<vmem>> -> memref<80xi32, #tpu.memory_space<vmem>>
      %dma_wait3A_325 = arith.constant 0 : i32
      %dma_wait3A_326 = tpu.memref_slice %arg4[%dma_wait3A_325] : memref<320080xi32, #tpu.memory_space<hbm>> -> memref<80xi32, #tpu.memory_space<hbm>>
      tpu.wait_dma2 semaphore(%arg11 : memref<!tpu.dma_semaphore, #tpu.memory_space<semaphore_mem>>) src(%dma_wait3A_326 : memref<80xi32, #tpu.memory_space<hbm>>) dst(%dma_wait3A_324 : memref<80xi32, #tpu.memory_space<vmem>>)
      %dma_wait3A_327 = arith.constant 0 : i32
      %dma_wait3A_328 = arith.constant 1 : i32
      %dma_wait3A_329 = arith.constant 0 : i32
      %dma_wait3A_330 = tpu.memref_slice %arg7[%dma_wait3A_327, %dma_wait3A_328, %dma_wait3A_329] : memref<2x2x80xi32, #tpu.memory_space<vmem>> -> memref<1x1x80xi32, #tpu.memory_space<vmem>>
      %dma_wait3A_331 = tpu.memref_squeeze %dma_wait3A_330 : memref<1x1x80xi32, #tpu.memory_space<vmem>> -> memref<80xi32, #tpu.memory_space<vmem>>
      %dma_wait3A_332 = arith.constant 0 : i32
      %dma_wait3A_333 = tpu.memref_slice %arg5[%dma_wait3A_332] : memref<320080xi32, #tpu.memory_space<hbm>> -> memref<80xi32, #tpu.memory_space<hbm>>
      %dma_wait3A_334 = arith.constant 0 : i32
      %dma_wait3A_335 = tpu.memref_slice %arg7[%dma_wait3A_327, %dma_wait3A_328, %dma_wait3A_334] : memref<2x2x80xi32, #tpu.memory_space<vmem>> -> memref<1x1x80xi32, #tpu.memory_space<vmem>>
      %dma_wait3A_336 = tpu.memref_squeeze %dma_wait3A_335 : memref<1x1x80xi32, #tpu.memory_space<vmem>> -> memref<80xi32, #tpu.memory_space<vmem>>
      %dma_wait3A_337 = arith.constant 0 : i32
      %dma_wait3A_338 = tpu.memref_slice %arg5[%dma_wait3A_337] : memref<320080xi32, #tpu.memory_space<hbm>> -> memref<80xi32, #tpu.memory_space<hbm>>
      tpu.wait_dma2 semaphore(%arg11 : memref<!tpu.dma_semaphore, #tpu.memory_space<semaphore_mem>>) src(%dma_wait3A_338 : memref<80xi32, #tpu.memory_space<hbm>>) dst(%dma_wait3A_336 : memref<80xi32, #tpu.memory_space<vmem>>)
      %add3A_339 = arith.constant 1 : i32
      %add3A_340 = arith.addi %add3A_314, %add3A_339 : i32
      %dma_start3A_341 = arith.constant 0 : i32
      %dma_start3A_342 = arith.constant 0 : i32
      %dma_start3A_343 = arith.constant 0 : i32
      %dma_start3A_344 = arith.constant 0 : i32
      %dma_start3A_345 = arith.constant 0 : i32
      %dma_start3A_346 = tpu.memref_slice %arg8[%dma_start3A_343, %dma_start3A_344, %dma_start3A_345] : memref<2x80x128xf32, #tpu.memory_space<vmem>> -> memref<1x80x128xf32, #tpu.memory_space<vmem>>
      %dma_start3A_347 = tpu.memref_squeeze %dma_start3A_346 : memref<1x80x128xf32, #tpu.memory_space<vmem>> -> memref<80x128xf32, #tpu.memory_space<vmem>>
      %dma_start3A_348 = arith.constant 0 : i32
      %dma_start3A_349 = tpu.memref_slice %arg7[%dma_start3A_341, %dma_start3A_342, %dma_start3A_348] : memref<2x2x80xi32, #tpu.memory_space<vmem>> -> memref<1x1x80xi32, #tpu.memory_space<vmem>>
      %dma_start3A_350 = tpu.memref_squeeze %dma_start3A_349 : memref<1x1x80xi32, #tpu.memory_space<vmem>> -> memref<80xi32, #tpu.memory_space<vmem>>
      %dma_start3A_351 = arith.constant 0 : i32
      %dma_start3A_352 = arith.constant 0 : i32
      %dma_start3A_353 = tpu.memref_slice %arg2[%dma_start3A_351, %dma_start3A_352] : memref<10000x128xf32, #tpu.memory_space<hbm>> -> memref<10000x128xf32, #tpu.memory_space<hbm>>
      tpu.enqueue_indirect_dma source(%dma_start3A_353 : memref<10000x128xf32, #tpu.memory_space<hbm>>) target(%dma_start3A_347 : memref<80x128xf32, #tpu.memory_space<vmem>>) offsets(%dma_start3A_350 : memref<80xi32, #tpu.memory_space<vmem>>) semaphore(%arg13 : memref<!tpu.dma_semaphore, #tpu.memory_space<semaphore_mem>>)
      %mul3A_354 = arith.constant 80 : i32
      %mul3A_355 = arith.muli %add3A_340, %mul3A_354 : i32
      %add3A_356 = arith.addi %mul3A_15, %mul3A_355 : i32
      %dma_start3A_357 = arith.constant 0 : i32
      %dma_start3A_358 = arith.constant 0 : i32
      %dma_start3A_359 = arith.constant 0 : i32
      %dma_start3A_360 = tpu.memref_slice %arg9[%dma_start3A_357, %dma_start3A_358, %dma_start3A_359] : memref<2x80x128xf32, #tpu.memory_space<vmem>> -> memref<1x80x128xf32, #tpu.memory_space<vmem>>
      %dma_start3A_361 = tpu.memref_squeeze %dma_start3A_360 : memref<1x80x128xf32, #tpu.memory_space<vmem>> -> memref<80x128xf32, #tpu.memory_space<vmem>>
      %dma_start3A_362 = arith.constant 0 : i32
      %dma_start3A_363 = tpu.memref_slice %arg3[%add3A_356, %dma_start3A_362] : memref<320000x128xf32, #tpu.memory_space<hbm>> -> memref<80x128xf32, #tpu.memory_space<hbm>>
      %dma_start3A_364 = arith.constant 0 : i32
      %dma_start3A_365 = arith.constant 0 : i32
      %dma_start3A_366 = tpu.memref_slice %arg9[%dma_start3A_357, %dma_start3A_364, %dma_start3A_365] : memref<2x80x128xf32, #tpu.memory_space<vmem>> -> memref<1x80x128xf32, #tpu.memory_space<vmem>>
      %dma_start3A_367 = tpu.memref_squeeze %dma_start3A_366 : memref<1x80x128xf32, #tpu.memory_space<vmem>> -> memref<80x128xf32, #tpu.memory_space<vmem>>
      %dma_start3A_368 = arith.constant 0 : i32
      %dma_start3A_369 = tpu.memref_slice %arg3[%add3A_356, %dma_start3A_368] : memref<320000x128xf32, #tpu.memory_space<hbm>> -> memref<80x128xf32, #tpu.memory_space<hbm>>
      tpu.enqueue_dma source(%dma_start3A_369 : memref<80x128xf32, #tpu.memory_space<hbm>>) target(%dma_start3A_367 : memref<80x128xf32, #tpu.memory_space<vmem>>) target_semaphore(%arg15 : memref<!tpu.dma_semaphore, #tpu.memory_space<semaphore_mem>>)
      %dma_wait3A_370 = arith.constant 1 : i32
      %dma_wait3A_371 = arith.constant 0 : i32
      %dma_wait3A_372 = arith.constant 0 : i32
      %dma_wait3A_373 = tpu.memref_slice %arg8[%dma_wait3A_370, %dma_wait3A_371, %dma_wait3A_372] : memref<2x80x128xf32, #tpu.memory_space<vmem>> -> memref<1x80x128xf32, #tpu.memory_space<vmem>>
      %dma_wait3A_374 = tpu.memref_squeeze %dma_wait3A_373 : memref<1x80x128xf32, #tpu.memory_space<vmem>> -> memref<80x128xf32, #tpu.memory_space<vmem>>
      %dma_wait3A_375 = arith.constant 0 : i32
      %dma_wait3A_376 = arith.constant 0 : i32
      %dma_wait3A_377 = tpu.memref_slice %arg3[%dma_wait3A_375, %dma_wait3A_376] : memref<320000x128xf32, #tpu.memory_space<hbm>> -> memref<80x128xf32, #tpu.memory_space<hbm>>
      %dma_wait3A_378 = arith.constant 0 : i32
      %dma_wait3A_379 = arith.constant 0 : i32
      %dma_wait3A_380 = tpu.memref_slice %arg8[%dma_wait3A_370, %dma_wait3A_378, %dma_wait3A_379] : memref<2x80x128xf32, #tpu.memory_space<vmem>> -> memref<1x80x128xf32, #tpu.memory_space<vmem>>
      %dma_wait3A_381 = tpu.memref_squeeze %dma_wait3A_380 : memref<1x80x128xf32, #tpu.memory_space<vmem>> -> memref<80x128xf32, #tpu.memory_space<vmem>>
      %dma_wait3A_382 = arith.constant 0 : i32
      %dma_wait3A_383 = arith.constant 0 : i32
      %dma_wait3A_384 = tpu.memref_slice %arg3[%dma_wait3A_382, %dma_wait3A_383] : memref<320000x128xf32, #tpu.memory_space<hbm>> -> memref<80x128xf32, #tpu.memory_space<hbm>>
      tpu.wait_dma2 semaphore(%arg14 : memref<!tpu.dma_semaphore, #tpu.memory_space<semaphore_mem>>) src(%dma_wait3A_384 : memref<80x128xf32, #tpu.memory_space<hbm>>) dst(%dma_wait3A_381 : memref<80x128xf32, #tpu.memory_space<vmem>>)
      %dma_wait3A_385 = arith.constant 1 : i32
      %dma_wait3A_386 = arith.constant 0 : i32
      %dma_wait3A_387 = arith.constant 0 : i32
      %dma_wait3A_388 = tpu.memref_slice %arg9[%dma_wait3A_385, %dma_wait3A_386, %dma_wait3A_387] : memref<2x80x128xf32, #tpu.memory_space<vmem>> -> memref<1x80x128xf32, #tpu.memory_space<vmem>>
      %dma_wait3A_389 = tpu.memref_squeeze %dma_wait3A_388 : memref<1x80x128xf32, #tpu.memory_space<vmem>> -> memref<80x128xf32, #tpu.memory_space<vmem>>
      %dma_wait3A_390 = arith.constant 0 : i32
      %dma_wait3A_391 = arith.constant 0 : i32
      %dma_wait3A_392 = tpu.memref_slice %arg3[%dma_wait3A_390, %dma_wait3A_391] : memref<320000x128xf32, #tpu.memory_space<hbm>> -> memref<80x128xf32, #tpu.memory_space<hbm>>
      %dma_wait3A_393 = arith.constant 0 : i32
      %dma_wait3A_394 = arith.constant 0 : i32
      %dma_wait3A_395 = tpu.memref_slice %arg9[%dma_wait3A_385, %dma_wait3A_393, %dma_wait3A_394] : memref<2x80x128xf32, #tpu.memory_space<vmem>> -> memref<1x80x128xf32, #tpu.memory_space<vmem>>
      %dma_wait3A_396 = tpu.memref_squeeze %dma_wait3A_395 : memref<1x80x128xf32, #tpu.memory_space<vmem>> -> memref<80x128xf32, #tpu.memory_space<vmem>>
      %dma_wait3A_397 = arith.constant 0 : i32
      %dma_wait3A_398 = arith.constant 0 : i32
      %dma_wait3A_399 = tpu.memref_slice %arg3[%dma_wait3A_397, %dma_wait3A_398] : memref<320000x128xf32, #tpu.memory_space<hbm>> -> memref<80x128xf32, #tpu.memory_space<hbm>>
      tpu.wait_dma2 semaphore(%arg16 : memref<!tpu.dma_semaphore, #tpu.memory_space<semaphore_mem>>) src(%dma_wait3A_399 : memref<80x128xf32, #tpu.memory_space<hbm>>) dst(%dma_wait3A_396 : memref<80x128xf32, #tpu.memory_space<vmem>>)
      %scan3A_400 = arith.constant 0 : i32
      %scan3A_401 = arith.constant 0 : i32
      %scan3A_402 = arith.constant 80 : i32
      %scan3A_403 = arith.addi %scan3A_401, %scan3A_402 : i32
      %scan3A_404 = arith.constant 1 : i32
      %scan3A_405 = scf.for %scan3A_436 = %scan3A_401 to %scan3A_403 step %scan3A_404 iter_args(%scan3A_437 = %scan3A_400) -> (i32)  : i32 {
        %get3A = arith.constant 1 : i32
        %get3A_438 = arith.index_cast %get3A : i32 to index
        %get3A_439 = arith.index_cast %scan3A_436 : i32 to index
        %get3A_440 = arith.constant 0 : index
        %get3A_441 = tpu.vector_load %arg8[%get3A_438, %get3A_439, %get3A_440] {strides = array<i32>} : memref<2x80x128xf32, #tpu.memory_space<vmem>>, vector<1x1x16xf32>,
        %get3A_442 = vector.shape_cast %get3A_441 : vector<1x1x16xf32> to vector<16xf32>
        %get3A_443 = arith.constant 1 : i32
        %get3A_444 = arith.index_cast %get3A_443 : i32 to index
        %get3A_445 = arith.index_cast %scan3A_436 : i32 to index
        %get3A_446 = arith.constant 0 : index
        %get3A_447 = tpu.vector_load %arg9[%get3A_444, %get3A_445, %get3A_446] {strides = array<i32>} : memref<2x80x128xf32, #tpu.memory_space<vmem>>, vector<1x1x16xf32>,
        %get3A_448 = vector.shape_cast %get3A_447 : vector<1x1x16xf32> to vector<16xf32>
        %add3A_449 = arith.addf %get3A_442, %get3A_448 : vector<16xf32>
        %max3A = arith.constant 0.000000e+00 : f32
        %max3A_450 = vector.broadcast %max3A : f32 to vector<16xf32>
        %max3A_451 = arith.maximumf %add3A_449, %max3A_450 : vector<16xf32>
        %swap3A = arith.constant 1 : i32
        %swap3A_452 = arith.index_cast %swap3A : i32 to index
        %swap3A_453 = arith.index_cast %scan3A_436 : i32 to index
        %swap3A_454 = arith.constant 0 : index
        %swap3A_455 = tpu.vector_load %arg8[%swap3A_452, %swap3A_453, %swap3A_454] {strides = array<i32>} : memref<2x80x128xf32, #tpu.memory_space<vmem>>, vector<1x1x16xf32>,
        %swap3A_456 = vector.shape_cast %swap3A_455 : vector<1x1x16xf32> to vector<16xf32>
        %swap3A_457 = vector.shape_cast %max3A_451 : vector<16xf32> to vector<1x1x16xf32>
        tpu.vector_store %arg8[%swap3A_452, %swap3A_453, %swap3A_454], %swap3A_457 {strides = array<i32>} : memref<2x80x128xf32, #tpu.memory_space<vmem>>, vector<1x1x16xf32>,
        %get3A_458 = arith.constant 1 : i32
        %get3A_459 = arith.index_cast %get3A_458 : i32 to index
        %get3A_460 = arith.index_cast %scan3A_436 : i32 to index
        %get3A_461 = arith.constant 16 : index
        %get3A_462 = tpu.vector_load %arg8[%get3A_459, %get3A_460, %get3A_461] {strides = array<i32>} : memref<2x80x128xf32, #tpu.memory_space<vmem>>, vector<1x1x16xf32>,
        %get3A_463 = vector.shape_cast %get3A_462 : vector<1x1x16xf32> to vector<16xf32>
        %get3A_464 = arith.constant 1 : i32
        %get3A_465 = arith.index_cast %get3A_464 : i32 to index
        %get3A_466 = arith.index_cast %scan3A_436 : i32 to index
        %get3A_467 = arith.constant 16 : index
        %get3A_468 = tpu.vector_load %arg9[%get3A_465, %get3A_466, %get3A_467] {strides = array<i32>} : memref<2x80x128xf32, #tpu.memory_space<vmem>>, vector<1x1x16xf32>,
        %get3A_469 = vector.shape_cast %get3A_468 : vector<1x1x16xf32> to vector<16xf32>
        %add3A_470 = arith.addf %get3A_463, %get3A_469 : vector<16xf32>
        %max3A_471 = arith.constant 0.000000e+00 : f32
        %max3A_472 = vector.broadcast %max3A_471 : f32 to vector<16xf32>
        %max3A_473 = arith.maximumf %add3A_470, %max3A_472 : vector<16xf32>
        %swap3A_474 = arith.constant 1 : i32
        %swap3A_475 = arith.index_cast %swap3A_474 : i32 to index
        %swap3A_476 = arith.index_cast %scan3A_436 : i32 to index
        %swap3A_477 = arith.constant 16 : index
        %swap3A_478 = tpu.vector_load %arg8[%swap3A_475, %swap3A_476, %swap3A_477] {strides = array<i32>} : memref<2x80x128xf32, #tpu.memory_space<vmem>>, vector<1x1x16xf32>,
        %swap3A_479 = vector.shape_cast %swap3A_478 : vector<1x1x16xf32> to vector<16xf32>
        %swap3A_480 = vector.shape_cast %max3A_473 : vector<16xf32> to vector<1x1x16xf32>
        tpu.vector_store %arg8[%swap3A_475, %swap3A_476, %swap3A_477], %swap3A_480 {strides = array<i32>} : memref<2x80x128xf32, #tpu.memory_space<vmem>>, vector<1x1x16xf32>,
        %get3A_481 = arith.constant 1 : i32
        %get3A_482 = arith.index_cast %get3A_481 : i32 to index
        %get3A_483 = arith.index_cast %scan3A_436 : i32 to index
        %get3A_484 = arith.constant 32 : index
        %get3A_485 = tpu.vector_load %arg8[%get3A_482, %get3A_483, %get3A_484] {strides = array<i32>} : memref<2x80x128xf32, #tpu.memory_space<vmem>>, vector<1x1x16xf32>,
        %get3A_486 = vector.shape_cast %get3A_485 : vector<1x1x16xf32> to vector<16xf32>
        %get3A_487 = arith.constant 1 : i32
        %get3A_488 = arith.index_cast %get3A_487 : i32 to index
        %get3A_489 = arith.index_cast %scan3A_436 : i32 to index
        %get3A_490 = arith.constant 32 : index
        %get3A_491 = tpu.vector_load %arg9[%get3A_488, %get3A_489, %get3A_490] {strides = array<i32>} : memref<2x80x128xf32, #tpu.memory_space<vmem>>, vector<1x1x16xf32>,
        %get3A_492 = vector.shape_cast %get3A_491 : vector<1x1x16xf32> to vector<16xf32>
        %add3A_493 = arith.addf %get3A_486, %get3A_492 : vector<16xf32>
        %max3A_494 = arith.constant 0.000000e+00 : f32
        %max3A_495 = vector.broadcast %max3A_494 : f32 to vector<16xf32>
        %max3A_496 = arith.maximumf %add3A_493, %max3A_495 : vector<16xf32>
        %swap3A_497 = arith.constant 1 : i32
        %swap3A_498 = arith.index_cast %swap3A_497 : i32 to index
        %swap3A_499 = arith.index_cast %scan3A_436 : i32 to index
        %swap3A_500 = arith.constant 32 : index
        %swap3A_501 = tpu.vector_load %arg8[%swap3A_498, %swap3A_499, %swap3A_500] {strides = array<i32>} : memref<2x80x128xf32, #tpu.memory_space<vmem>>, vector<1x1x16xf32>,
        %swap3A_502 = vector.shape_cast %swap3A_501 : vector<1x1x16xf32> to vector<16xf32>
        %swap3A_503 = vector.shape_cast %max3A_496 : vector<16xf32> to vector<1x1x16xf32>
        tpu.vector_store %arg8[%swap3A_498, %swap3A_499, %swap3A_500], %swap3A_503 {strides = array<i32>} : memref<2x80x128xf32, #tpu.memory_space<vmem>>, vector<1x1x16xf32>,
        %get3A_504 = arith.constant 1 : i32
        %get3A_505 = arith.index_cast %get3A_504 : i32 to index
        %get3A_506 = arith.index_cast %scan3A_436 : i32 to index
        %get3A_507 = arith.constant 48 : index
        %get3A_508 = tpu.vector_load %arg8[%get3A_505, %get3A_506, %get3A_507] {strides = array<i32>} : memref<2x80x128xf32, #tpu.memory_space<vmem>>, vector<1x1x16xf32>,
        %get3A_509 = vector.shape_cast %get3A_508 : vector<1x1x16xf32> to vector<16xf32>
        %get3A_510 = arith.constant 1 : i32
        %get3A_511 = arith.index_cast %get3A_510 : i32 to index
        %get3A_512 = arith.index_cast %scan3A_436 : i32 to index
        %get3A_513 = arith.constant 48 : index
        %get3A_514 = tpu.vector_load %arg9[%get3A_511, %get3A_512, %get3A_513] {strides = array<i32>} : memref<2x80x128xf32, #tpu.memory_space<vmem>>, vector<1x1x16xf32>,
        %get3A_515 = vector.shape_cast %get3A_514 : vector<1x1x16xf32> to vector<16xf32>
        %add3A_516 = arith.addf %get3A_509, %get3A_515 : vector<16xf32>
        %max3A_517 = arith.constant 0.000000e+00 : f32
        %max3A_518 = vector.broadcast %max3A_517 : f32 to vector<16xf32>
        %max3A_519 = arith.maximumf %add3A_516, %max3A_518 : vector<16xf32>
        %swap3A_520 = arith.constant 1 : i32
        %swap3A_521 = arith.index_cast %swap3A_520 : i32 to index
        %swap3A_522 = arith.index_cast %scan3A_436 : i32 to index
        %swap3A_523 = arith.constant 48 : index
        %swap3A_524 = tpu.vector_load %arg8[%swap3A_521, %swap3A_522, %swap3A_523] {strides = array<i32>} : memref<2x80x128xf32, #tpu.memory_space<vmem>>, vector<1x1x16xf32>,
        %swap3A_525 = vector.shape_cast %swap3A_524 : vector<1x1x16xf32> to vector<16xf32>
        %swap3A_526 = vector.shape_cast %max3A_519 : vector<16xf32> to vector<1x1x16xf32>
        tpu.vector_store %arg8[%swap3A_521, %swap3A_522, %swap3A_523], %swap3A_526 {strides = array<i32>} : memref<2x80x128xf32, #tpu.memory_space<vmem>>, vector<1x1x16xf32>,
        %get3A_527 = arith.constant 1 : i32
        %get3A_528 = arith.index_cast %get3A_527 : i32 to index
        %get3A_529 = arith.index_cast %scan3A_436 : i32 to index
        %get3A_530 = arith.constant 64 : index
        %get3A_531 = tpu.vector_load %arg8[%get3A_528, %get3A_529, %get3A_530] {strides = array<i32>} : memref<2x80x128xf32, #tpu.memory_space<vmem>>, vector<1x1x16xf32>,
        %get3A_532 = vector.shape_cast %get3A_531 : vector<1x1x16xf32> to vector<16xf32>
        %get3A_533 = arith.constant 1 : i32
        %get3A_534 = arith.index_cast %get3A_533 : i32 to index
        %get3A_535 = arith.index_cast %scan3A_436 : i32 to index
        %get3A_536 = arith.constant 64 : index
        %get3A_537 = tpu.vector_load %arg9[%get3A_534, %get3A_535, %get3A_536] {strides = array<i32>} : memref<2x80x128xf32, #tpu.memory_space<vmem>>, vector<1x1x16xf32>,
        %get3A_538 = vector.shape_cast %get3A_537 : vector<1x1x16xf32> to vector<16xf32>
        %add3A_539 = arith.addf %get3A_532, %get3A_538 : vector<16xf32>
        %max3A_540 = arith.constant 0.000000e+00 : f32
        %max3A_541 = vector.broadcast %max3A_540 : f32 to vector<16xf32>
        %max3A_542 = arith.maximumf %add3A_539, %max3A_541 : vector<16xf32>
        %swap3A_543 = arith.constant 1 : i32
        %swap3A_544 = arith.index_cast %swap3A_543 : i32 to index
        %swap3A_545 = arith.index_cast %scan3A_436 : i32 to index
        %swap3A_546 = arith.constant 64 : index
        %swap3A_547 = tpu.vector_load %arg8[%swap3A_544, %swap3A_545, %swap3A_546] {strides = array<i32>} : memref<2x80x128xf32, #tpu.memory_space<vmem>>, vector<1x1x16xf32>,
        %swap3A_548 = vector.shape_cast %swap3A_547 : vector<1x1x16xf32> to vector<16xf32>
        %swap3A_549 = vector.shape_cast %max3A_542 : vector<16xf32> to vector<1x1x16xf32>
        tpu.vector_store %arg8[%swap3A_544, %swap3A_545, %swap3A_546], %swap3A_549 {strides = array<i32>} : memref<2x80x128xf32, #tpu.memory_space<vmem>>, vector<1x1x16xf32>,
        %get3A_550 = arith.constant 1 : i32
        %get3A_551 = arith.index_cast %get3A_550 : i32 to index
        %get3A_552 = arith.index_cast %scan3A_436 : i32 to index
        %get3A_553 = arith.constant 80 : index
        %get3A_554 = tpu.vector_load %arg8[%get3A_551, %get3A_552, %get3A_553] {strides = array<i32>} : memref<2x80x128xf32, #tpu.memory_space<vmem>>, vector<1x1x16xf32>,
        %get3A_555 = vector.shape_cast %get3A_554 : vector<1x1x16xf32> to vector<16xf32>
        %get3A_556 = arith.constant 1 : i32
        %get3A_557 = arith.index_cast %get3A_556 : i32 to index
        %get3A_558 = arith.index_cast %scan3A_436 : i32 to index
        %get3A_559 = arith.constant 80 : index
        %get3A_560 = tpu.vector_load %arg9[%get3A_557, %get3A_558, %get3A_559] {strides = array<i32>} : memref<2x80x128xf32, #tpu.memory_space<vmem>>, vector<1x1x16xf32>,
        %get3A_561 = vector.shape_cast %get3A_560 : vector<1x1x16xf32> to vector<16xf32>
        %add3A_562 = arith.addf %get3A_555, %get3A_561 : vector<16xf32>
        %max3A_563 = arith.constant 0.000000e+00 : f32
        %max3A_564 = vector.broadcast %max3A_563 : f32 to vector<16xf32>
        %max3A_565 = arith.maximumf %add3A_562, %max3A_564 : vector<16xf32>
        %swap3A_566 = arith.constant 1 : i32
        %swap3A_567 = arith.index_cast %swap3A_566 : i32 to index
        %swap3A_568 = arith.index_cast %scan3A_436 : i32 to index
        %swap3A_569 = arith.constant 80 : index
        %swap3A_570 = tpu.vector_load %arg8[%swap3A_567, %swap3A_568, %swap3A_569] {strides = array<i32>} : memref<2x80x128xf32, #tpu.memory_space<vmem>>, vector<1x1x16xf32>,
        %swap3A_571 = vector.shape_cast %swap3A_570 : vector<1x1x16xf32> to vector<16xf32>
        %swap3A_572 = vector.shape_cast %max3A_565 : vector<16xf32> to vector<1x1x16xf32>
        tpu.vector_store %arg8[%swap3A_567, %swap3A_568, %swap3A_569], %swap3A_572 {strides = array<i32>} : memref<2x80x128xf32, #tpu.memory_space<vmem>>, vector<1x1x16xf32>,
        %get3A_573 = arith.constant 1 : i32
        %get3A_574 = arith.index_cast %get3A_573 : i32 to index
        %get3A_575 = arith.index_cast %scan3A_436 : i32 to index
        %get3A_576 = arith.constant 96 : index
        %get3A_577 = tpu.vector_load %arg8[%get3A_574, %get3A_575, %get3A_576] {strides = array<i32>} : memref<2x80x128xf32, #tpu.memory_space<vmem>>, vector<1x1x16xf32>,
        %get3A_578 = vector.shape_cast %get3A_577 : vector<1x1x16xf32> to vector<16xf32>
        %get3A_579 = arith.constant 1 : i32
        %get3A_580 = arith.index_cast %get3A_579 : i32 to index
        %get3A_581 = arith.index_cast %scan3A_436 : i32 to index
        %get3A_582 = arith.constant 96 : index
        %get3A_583 = tpu.vector_load %arg9[%get3A_580, %get3A_581, %get3A_582] {strides = array<i32>} : memref<2x80x128xf32, #tpu.memory_space<vmem>>, vector<1x1x16xf32>,
        %get3A_584 = vector.shape_cast %get3A_583 : vector<1x1x16xf32> to vector<16xf32>
        %add3A_585 = arith.addf %get3A_578, %get3A_584 : vector<16xf32>
        %max3A_586 = arith.constant 0.000000e+00 : f32
        %max3A_587 = vector.broadcast %max3A_586 : f32 to vector<16xf32>
        %max3A_588 = arith.maximumf %add3A_585, %max3A_587 : vector<16xf32>
        %swap3A_589 = arith.constant 1 : i32
        %swap3A_590 = arith.index_cast %swap3A_589 : i32 to index
        %swap3A_591 = arith.index_cast %scan3A_436 : i32 to index
        %swap3A_592 = arith.constant 96 : index
        %swap3A_593 = tpu.vector_load %arg8[%swap3A_590, %swap3A_591, %swap3A_592] {strides = array<i32>} : memref<2x80x128xf32, #tpu.memory_space<vmem>>, vector<1x1x16xf32>,
        %swap3A_594 = vector.shape_cast %swap3A_593 : vector<1x1x16xf32> to vector<16xf32>
        %swap3A_595 = vector.shape_cast %max3A_588 : vector<16xf32> to vector<1x1x16xf32>
        tpu.vector_store %arg8[%swap3A_590, %swap3A_591, %swap3A_592], %swap3A_595 {strides = array<i32>} : memref<2x80x128xf32, #tpu.memory_space<vmem>>, vector<1x1x16xf32>,
        %get3A_596 = arith.constant 1 : i32
        %get3A_597 = arith.index_cast %get3A_596 : i32 to index
        %get3A_598 = arith.index_cast %scan3A_436 : i32 to index
        %get3A_599 = arith.constant 112 : index
        %get3A_600 = tpu.vector_load %arg8[%get3A_597, %get3A_598, %get3A_599] {strides = array<i32>} : memref<2x80x128xf32, #tpu.memory_space<vmem>>, vector<1x1x16xf32>,
        %get3A_601 = vector.shape_cast %get3A_600 : vector<1x1x16xf32> to vector<16xf32>
        %get3A_602 = arith.constant 1 : i32
        %get3A_603 = arith.index_cast %get3A_602 : i32 to index
        %get3A_604 = arith.index_cast %scan3A_436 : i32 to index
        %get3A_605 = arith.constant 112 : index
        %get3A_606 = tpu.vector_load %arg9[%get3A_603, %get3A_604, %get3A_605] {strides = array<i32>} : memref<2x80x128xf32, #tpu.memory_space<vmem>>, vector<1x1x16xf32>,
        %get3A_607 = vector.shape_cast %get3A_606 : vector<1x1x16xf32> to vector<16xf32>
        %add3A_608 = arith.addf %get3A_601, %get3A_607 : vector<16xf32>
        %max3A_609 = arith.constant 0.000000e+00 : f32
        %max3A_610 = vector.broadcast %max3A_609 : f32 to vector<16xf32>
        %max3A_611 = arith.maximumf %add3A_608, %max3A_610 : vector<16xf32>
        %swap3A_612 = arith.constant 1 : i32
        %swap3A_613 = arith.index_cast %swap3A_612 : i32 to index
        %swap3A_614 = arith.index_cast %scan3A_436 : i32 to index
        %swap3A_615 = arith.constant 112 : index
        %swap3A_616 = tpu.vector_load %arg8[%swap3A_613, %swap3A_614, %swap3A_615] {strides = array<i32>} : memref<2x80x128xf32, #tpu.memory_space<vmem>>, vector<1x1x16xf32>,
        %swap3A_617 = vector.shape_cast %swap3A_616 : vector<1x1x16xf32> to vector<16xf32>
        %swap3A_618 = vector.shape_cast %max3A_611 : vector<16xf32> to vector<1x1x16xf32>
        tpu.vector_store %arg8[%swap3A_613, %swap3A_614, %swap3A_615], %swap3A_618 {strides = array<i32>} : memref<2x80x128xf32, #tpu.memory_space<vmem>>, vector<1x1x16xf32>,
        %scan3A_619 = arith.constant 0 : i32
        scf.yield %scan3A_619 : i32
      }
      %scan3A_406 = arith.constant 80 : i32
      %run_scoped3A_407 = arith.constant 1 : i32
      %run_scoped3A_408 = arith.constant 1 : i32
      %run_scoped3A_409 = arith.constant 1 : i32
      "tpu.region"() ({
        %run_scoped3A_436 = tpu.sem_alloc : memref<!tpu.dma_semaphore, #tpu.memory_space<semaphore_mem>>
        %dma_start3A_437 = arith.constant 0 : i32
        %dma_start3A_438 = arith.constant 0 : i32
        %dma_start3A_439 = tpu.memref_slice %arg8[%run_scoped3A_407, %dma_start3A_437, %dma_start3A_438] : memref<2x80x128xf32, #tpu.memory_space<vmem>> -> memref<1x80x128xf32, #tpu.memory_space<vmem>>
        %dma_start3A_440 = tpu.memref_squeeze %dma_start3A_439 : memref<1x80x128xf32, #tpu.memory_space<vmem>> -> memref<80x128xf32, #tpu.memory_space<vmem>>
        %dma_start3A_441 = arith.constant 0 : i32
        %dma_start3A_442 = tpu.memref_slice %arg7[%run_scoped3A_408, %run_scoped3A_409, %dma_start3A_441] : memref<2x2x80xi32, #tpu.memory_space<vmem>> -> memref<1x1x80xi32, #tpu.memory_space<vmem>>
        %dma_start3A_443 = tpu.memref_squeeze %dma_start3A_442 : memref<1x1x80xi32, #tpu.memory_space<vmem>> -> memref<80xi32, #tpu.memory_space<vmem>>
        %dma_start3A_444 = arith.constant 0 : i32
        %dma_start3A_445 = arith.constant 0 : i32
        %dma_start3A_446 = tpu.memref_slice %arg10[%dma_start3A_444, %dma_start3A_445] : memref<10240x128xf32, #tpu.memory_space<vmem_shared>> -> memref<10240x128xf32, #tpu.memory_space<vmem_shared>>
        tpu.enqueue_indirect_dma source(%dma_start3A_440 : memref<80x128xf32, #tpu.memory_space<vmem>>) target(%dma_start3A_446 : memref<10240x128xf32, #tpu.memory_space<vmem_shared>>) offsets(%dma_start3A_443 : memref<80xi32, #tpu.memory_space<vmem>>) semaphore(%run_scoped3A_436 : memref<!tpu.dma_semaphore, #tpu.memory_space<semaphore_mem>>) {add = true}
        %dma_wait3A_447 = arith.constant 0 : i32
        %dma_wait3A_448 = arith.constant 0 : i32
        %dma_wait3A_449 = tpu.memref_slice %arg8[%run_scoped3A_407, %dma_wait3A_447, %dma_wait3A_448] : memref<2x80x128xf32, #tpu.memory_space<vmem>> -> memref<1x80x128xf32, #tpu.memory_space<vmem>>
        %dma_wait3A_450 = tpu.memref_squeeze %dma_wait3A_449 : memref<1x80x128xf32, #tpu.memory_space<vmem>> -> memref<80x128xf32, #tpu.memory_space<vmem>>
        %dma_wait3A_451 = arith.constant 0 : i32
        %dma_wait3A_452 = tpu.memref_slice %arg7[%run_scoped3A_408, %run_scoped3A_409, %dma_wait3A_451] : memref<2x2x80xi32, #tpu.memory_space<vmem>> -> memref<1x1x80xi32, #tpu.memory_space<vmem>>
        %dma_wait3A_453 = tpu.memref_squeeze %dma_wait3A_452 : memref<1x1x80xi32, #tpu.memory_space<vmem>> -> memref<80xi32, #tpu.memory_space<vmem>>
        %dma_wait3A_454 = arith.constant 0 : i32
        %dma_wait3A_455 = arith.constant 0 : i32
        %dma_wait3A_456 = tpu.memref_slice %arg10[%dma_wait3A_454, %dma_wait3A_455] : memref<10240x128xf32, #tpu.memory_space<vmem_shared>> -> memref<10240x128xf32, #tpu.memory_space<vmem_shared>>
        tpu.wait_indirect_dma semaphore(%run_scoped3A_436 : memref<!tpu.dma_semaphore, #tpu.memory_space<semaphore_mem>>) src(%dma_wait3A_450 : memref<80x128xf32, #tpu.memory_space<vmem>>) dst(%dma_wait3A_456 : memref<10240x128xf32, #tpu.memory_space<vmem_shared>>)
        tpu.yield
      }) : () -> ()
      %add3A_410 = arith.constant 2 : i32
      %add3A_411 = arith.addi %add3A_314, %add3A_410 : i32
      %mul3A_412 = arith.constant 80 : i32
      %mul3A_413 = arith.muli %add3A_411, %mul3A_412 : i32
      %add3A_414 = arith.addi %mul3A_15, %mul3A_413 : i32
      %dma_start3A_415 = arith.constant 1 : i32
      %dma_start3A_416 = arith.constant 0 : i32
      %dma_start3A_417 = arith.constant 0 : i32
      %dma_start3A_418 = tpu.memref_slice %arg7[%dma_start3A_415, %dma_start3A_416, %dma_start3A_417] : memref<2x2x80xi32, #tpu.memory_space<vmem>> -> memref<1x1x80xi32, #tpu.memory_space<vmem>>
      %dma_start3A_419 = tpu.memref_squeeze %dma_start3A_418 : memref<1x1x80xi32, #tpu.memory_space<vmem>> -> memref<80xi32, #tpu.memory_space<vmem>>
      %dma_start3A_420 = tpu.memref_slice %arg4[%add3A_414] : memref<320080xi32, #tpu.memory_space<hbm>> -> memref<80xi32, #tpu.memory_space<hbm>>
      %dma_start3A_421 = arith.constant 0 : i32
      %dma_start3A_422 = tpu.memref_slice %arg7[%dma_start3A_415, %dma_start3A_416, %dma_start3A_421] : memref<2x2x80xi32, #tpu.memory_space<vmem>> -> memref<1x1x80xi32, #tpu.memory_space<vmem>>
      %dma_start3A_423 = tpu.memref_squeeze %dma_start3A_422 : memref<1x1x80xi32, #tpu.memory_space<vmem>> -> memref<80xi32, #tpu.memory_space<vmem>>
      %dma_start3A_424 = tpu.memref_slice %arg4[%add3A_414] : memref<320080xi32, #tpu.memory_space<hbm>> -> memref<80xi32, #tpu.memory_space<hbm>>
      tpu.enqueue_dma source(%dma_start3A_424 : memref<80xi32, #tpu.memory_space<hbm>>) target(%dma_start3A_423 : memref<80xi32, #tpu.memory_space<vmem>>) target_semaphore(%arg12 : memref<!tpu.dma_semaphore, #tpu.memory_space<semaphore_mem>>)
      %dma_start3A_425 = arith.constant 1 : i32
      %dma_start3A_426 = arith.constant 1 : i32
      %dma_start3A_427 = arith.constant 0 : i32
      %dma_start3A_428 = tpu.memref_slice %arg7[%dma_start3A_425, %dma_start3A_426, %dma_start3A_427] : memref<2x2x80xi32, #tpu.memory_space<vmem>> -> memref<1x1x80xi32, #tpu.memory_space<vmem>>
      %dma_start3A_429 = tpu.memref_squeeze %dma_start3A_428 : memref<1x1x80xi32, #tpu.memory_space<vmem>> -> memref<80xi32, #tpu.memory_space<vmem>>
      %dma_start3A_430 = tpu.memref_slice %arg5[%add3A_414] : memref<320080xi32, #tpu.memory_space<hbm>> -> memref<80xi32, #tpu.memory_space<hbm>>
      %dma_start3A_431 = arith.constant 0 : i32
      %dma_start3A_432 = tpu.memref_slice %arg7[%dma_start3A_425, %dma_start3A_426, %dma_start3A_431] : memref<2x2x80xi32, #tpu.memory_space<vmem>> -> memref<1x1x80xi32, #tpu.memory_space<vmem>>
      %dma_start3A_433 = tpu.memref_squeeze %dma_start3A_432 : memref<1x1x80xi32, #tpu.memory_space<vmem>> -> memref<80xi32, #tpu.memory_space<vmem>>
      %dma_start3A_434 = tpu.memref_slice %arg5[%add3A_414] : memref<320080xi32, #tpu.memory_space<hbm>> -> memref<80xi32, #tpu.memory_space<hbm>>
      tpu.enqueue_dma source(%dma_start3A_434 : memref<80xi32, #tpu.memory_space<hbm>>) target(%dma_start3A_433 : memref<80xi32, #tpu.memory_space<vmem>>) target_semaphore(%arg12 : memref<!tpu.dma_semaphore, #tpu.memory_space<semaphore_mem>>)
      %scan3A_435 = arith.constant 0 : i32
      scf.yield %scan3A_435 : i32
    }
    %scan3A_116 = arith.constant 62 : i32
    %dma_wait3A_117 = arith.constant 0 : i32
    %dma_wait3A_118 = arith.constant 0 : i32
    %dma_wait3A_119 = arith.constant 0 : i32
    %dma_wait3A_120 = tpu.memref_slice %arg8[%dma_wait3A_117, %dma_wait3A_118, %dma_wait3A_119] : memref<2x80x128xf32, #tpu.memory_space<vmem>> -> memref<1x80x128xf32, #tpu.memory_space<vmem>>
    %dma_wait3A_121 = tpu.memref_squeeze %dma_wait3A_120 : memref<1x80x128xf32, #tpu.memory_space<vmem>> -> memref<80x128xf32, #tpu.memory_space<vmem>>
    %dma_wait3A_122 = arith.constant 0 : i32
    %dma_wait3A_123 = arith.constant 0 : i32
    %dma_wait3A_124 = tpu.memref_slice %arg3[%dma_wait3A_122, %dma_wait3A_123] : memref<320000x128xf32, #tpu.memory_space<hbm>> -> memref<80x128xf32, #tpu.memory_space<hbm>>
    %dma_wait3A_125 = arith.constant 0 : i32
    %dma_wait3A_126 = arith.constant 0 : i32
    %dma_wait3A_127 = tpu.memref_slice %arg8[%dma_wait3A_117, %dma_wait3A_125, %dma_wait3A_126] : memref<2x80x128xf32, #tpu.memory_space<vmem>> -> memref<1x80x128xf32, #tpu.memory_space<vmem>>
    %dma_wait3A_128 = tpu.memref_squeeze %dma_wait3A_127 : memref<1x80x128xf32, #tpu.memory_space<vmem>> -> memref<80x128xf32, #tpu.memory_space<vmem>>
    %dma_wait3A_129 = arith.constant 0 : i32
    %dma_wait3A_130 = arith.constant 0 : i32
    %dma_wait3A_131 = tpu.memref_slice %arg3[%dma_wait3A_129, %dma_wait3A_130] : memref<320000x128xf32, #tpu.memory_space<hbm>> -> memref<80x128xf32, #tpu.memory_space<hbm>>
    tpu.wait_dma2 semaphore(%arg13 : memref<!tpu.dma_semaphore, #tpu.memory_space<semaphore_mem>>) src(%dma_wait3A_131 : memref<80x128xf32, #tpu.memory_space<hbm>>) dst(%dma_wait3A_128 : memref<80x128xf32, #tpu.memory_space<vmem>>)
    %dma_wait3A_132 = arith.constant 0 : i32
    %dma_wait3A_133 = arith.constant 0 : i32
    %dma_wait3A_134 = arith.constant 0 : i32
    %dma_wait3A_135 = tpu.memref_slice %arg9[%dma_wait3A_132, %dma_wait3A_133, %dma_wait3A_134] : memref<2x80x128xf32, #tpu.memory_space<vmem>> -> memref<1x80x128xf32, #tpu.memory_space<vmem>>
    %dma_wait3A_136 = tpu.memref_squeeze %dma_wait3A_135 : memref<1x80x128xf32, #tpu.memory_space<vmem>> -> memref<80x128xf32, #tpu.memory_space<vmem>>
    %dma_wait3A_137 = arith.constant 0 : i32
    %dma_wait3A_138 = arith.constant 0 : i32
    %dma_wait3A_139 = tpu.memref_slice %arg3[%dma_wait3A_137, %dma_wait3A_138] : memref<320000x128xf32, #tpu.memory_space<hbm>> -> memref<80x128xf32, #tpu.memory_space<hbm>>
    %dma_wait3A_140 = arith.constant 0 : i32
    %dma_wait3A_141 = arith.constant 0 : i32
    %dma_wait3A_142 = tpu.memref_slice %arg9[%dma_wait3A_132, %dma_wait3A_140, %dma_wait3A_141] : memref<2x80x128xf32, #tpu.memory_space<vmem>> -> memref<1x80x128xf32, #tpu.memory_space<vmem>>
    %dma_wait3A_143 = tpu.memref_squeeze %dma_wait3A_142 : memref<1x80x128xf32, #tpu.memory_space<vmem>> -> memref<80x128xf32, #tpu.memory_space<vmem>>
    %dma_wait3A_144 = arith.constant 0 : i32
    %dma_wait3A_145 = arith.constant 0 : i32
    %dma_wait3A_146 = tpu.memref_slice %arg3[%dma_wait3A_144, %dma_wait3A_145] : memref<320000x128xf32, #tpu.memory_space<hbm>> -> memref<80x128xf32, #tpu.memory_space<hbm>>
    tpu.wait_dma2 semaphore(%arg15 : memref<!tpu.dma_semaphore, #tpu.memory_space<semaphore_mem>>) src(%dma_wait3A_146 : memref<80x128xf32, #tpu.memory_space<hbm>>) dst(%dma_wait3A_143 : memref<80x128xf32, #tpu.memory_space<vmem>>)
    %scan3A_147 = arith.constant 0 : i32
    %scan3A_148 = arith.constant 0 : i32
    %scan3A_149 = arith.constant 80 : i32
    %scan3A_150 = arith.addi %scan3A_148, %scan3A_149 : i32
    %scan3A_151 = arith.constant 1 : i32
    %scan3A_152 = scf.for %scan3A_185 = %scan3A_148 to %scan3A_150 step %scan3A_151 iter_args(%scan3A_186 = %scan3A_147) -> (i32)  : i32 {
      %get3A = arith.constant 0 : i32
      %get3A_187 = arith.index_cast %get3A : i32 to index
      %get3A_188 = arith.index_cast %scan3A_185 : i32 to index
      %get3A_189 = arith.constant 0 : index
      %get3A_190 = tpu.vector_load %arg8[%get3A_187, %get3A_188, %get3A_189] {strides = array<i32>} : memref<2x80x128xf32, #tpu.memory_space<vmem>>, vector<1x1x16xf32>,
      %get3A_191 = vector.shape_cast %get3A_190 : vector<1x1x16xf32> to vector<16xf32>
      %get3A_192 = arith.constant 0 : i32
      %get3A_193 = arith.index_cast %get3A_192 : i32 to index
      %get3A_194 = arith.index_cast %scan3A_185 : i32 to index
      %get3A_195 = arith.constant 0 : index
      %get3A_196 = tpu.vector_load %arg9[%get3A_193, %get3A_194, %get3A_195] {strides = array<i32>} : memref<2x80x128xf32, #tpu.memory_space<vmem>>, vector<1x1x16xf32>,
      %get3A_197 = vector.shape_cast %get3A_196 : vector<1x1x16xf32> to vector<16xf32>
      %add3A_198 = arith.addf %get3A_191, %get3A_197 : vector<16xf32>
      %max3A = arith.constant 0.000000e+00 : f32
      %max3A_199 = vector.broadcast %max3A : f32 to vector<16xf32>
      %max3A_200 = arith.maximumf %add3A_198, %max3A_199 : vector<16xf32>
      %swap3A = arith.constant 0 : i32
      %swap3A_201 = arith.index_cast %swap3A : i32 to index
      %swap3A_202 = arith.index_cast %scan3A_185 : i32 to index
      %swap3A_203 = arith.constant 0 : index
      %swap3A_204 = tpu.vector_load %arg8[%swap3A_201, %swap3A_202, %swap3A_203] {strides = array<i32>} : memref<2x80x128xf32, #tpu.memory_space<vmem>>, vector<1x1x16xf32>,
      %swap3A_205 = vector.shape_cast %swap3A_204 : vector<1x1x16xf32> to vector<16xf32>
      %swap3A_206 = vector.shape_cast %max3A_200 : vector<16xf32> to vector<1x1x16xf32>
      tpu.vector_store %arg8[%swap3A_201, %swap3A_202, %swap3A_203], %swap3A_206 {strides = array<i32>} : memref<2x80x128xf32, #tpu.memory_space<vmem>>, vector<1x1x16xf32>,
      %get3A_207 = arith.constant 0 : i32
      %get3A_208 = arith.index_cast %get3A_207 : i32 to index
      %get3A_209 = arith.index_cast %scan3A_185 : i32 to index
      %get3A_210 = arith.constant 16 : index
      %get3A_211 = tpu.vector_load %arg8[%get3A_208, %get3A_209, %get3A_210] {strides = array<i32>} : memref<2x80x128xf32, #tpu.memory_space<vmem>>, vector<1x1x16xf32>,
      %get3A_212 = vector.shape_cast %get3A_211 : vector<1x1x16xf32> to vector<16xf32>
      %get3A_213 = arith.constant 0 : i32
      %get3A_214 = arith.index_cast %get3A_213 : i32 to index
      %get3A_215 = arith.index_cast %scan3A_185 : i32 to index
      %get3A_216 = arith.constant 16 : index
      %get3A_217 = tpu.vector_load %arg9[%get3A_214, %get3A_215, %get3A_216] {strides = array<i32>} : memref<2x80x128xf32, #tpu.memory_space<vmem>>, vector<1x1x16xf32>,
      %get3A_218 = vector.shape_cast %get3A_217 : vector<1x1x16xf32> to vector<16xf32>
      %add3A_219 = arith.addf %get3A_212, %get3A_218 : vector<16xf32>
      %max3A_220 = arith.constant 0.000000e+00 : f32
      %max3A_221 = vector.broadcast %max3A_220 : f32 to vector<16xf32>
      %max3A_222 = arith.maximumf %add3A_219, %max3A_221 : vector<16xf32>
      %swap3A_223 = arith.constant 0 : i32
      %swap3A_224 = arith.index_cast %swap3A_223 : i32 to index
      %swap3A_225 = arith.index_cast %scan3A_185 : i32 to index
      %swap3A_226 = arith.constant 16 : index
      %swap3A_227 = tpu.vector_load %arg8[%swap3A_224, %swap3A_225, %swap3A_226] {strides = array<i32>} : memref<2x80x128xf32, #tpu.memory_space<vmem>>, vector<1x1x16xf32>,
      %swap3A_228 = vector.shape_cast %swap3A_227 : vector<1x1x16xf32> to vector<16xf32>
      %swap3A_229 = vector.shape_cast %max3A_222 : vector<16xf32> to vector<1x1x16xf32>
      tpu.vector_store %arg8[%swap3A_224, %swap3A_225, %swap3A_226], %swap3A_229 {strides = array<i32>} : memref<2x80x128xf32, #tpu.memory_space<vmem>>, vector<1x1x16xf32>,
      %get3A_230 = arith.constant 0 : i32
      %get3A_231 = arith.index_cast %get3A_230 : i32 to index
      %get3A_232 = arith.index_cast %scan3A_185 : i32 to index
      %get3A_233 = arith.constant 32 : index
      %get3A_234 = tpu.vector_load %arg8[%get3A_231, %get3A_232, %get3A_233] {strides = array<i32>} : memref<2x80x128xf32, #tpu.memory_space<vmem>>, vector<1x1x16xf32>,
      %get3A_235 = vector.shape_cast %get3A_234 : vector<1x1x16xf32> to vector<16xf32>
      %get3A_236 = arith.constant 0 : i32
      %get3A_237 = arith.index_cast %get3A_236 : i32 to index
      %get3A_238 = arith.index_cast %scan3A_185 : i32 to index
      %get3A_239 = arith.constant 32 : index
      %get3A_240 = tpu.vector_load %arg9[%get3A_237, %get3A_238, %get3A_239] {strides = array<i32>} : memref<2x80x128xf32, #tpu.memory_space<vmem>>, vector<1x1x16xf32>,
      %get3A_241 = vector.shape_cast %get3A_240 : vector<1x1x16xf32> to vector<16xf32>
      %add3A_242 = arith.addf %get3A_235, %get3A_241 : vector<16xf32>
      %max3A_243 = arith.constant 0.000000e+00 : f32
      %max3A_244 = vector.broadcast %max3A_243 : f32 to vector<16xf32>
      %max3A_245 = arith.maximumf %add3A_242, %max3A_244 : vector<16xf32>
      %swap3A_246 = arith.constant 0 : i32
      %swap3A_247 = arith.index_cast %swap3A_246 : i32 to index
      %swap3A_248 = arith.index_cast %scan3A_185 : i32 to index
      %swap3A_249 = arith.constant 32 : index
      %swap3A_250 = tpu.vector_load %arg8[%swap3A_247, %swap3A_248, %swap3A_249] {strides = array<i32>} : memref<2x80x128xf32, #tpu.memory_space<vmem>>, vector<1x1x16xf32>,
      %swap3A_251 = vector.shape_cast %swap3A_250 : vector<1x1x16xf32> to vector<16xf32>
      %swap3A_252 = vector.shape_cast %max3A_245 : vector<16xf32> to vector<1x1x16xf32>
      tpu.vector_store %arg8[%swap3A_247, %swap3A_248, %swap3A_249], %swap3A_252 {strides = array<i32>} : memref<2x80x128xf32, #tpu.memory_space<vmem>>, vector<1x1x16xf32>,
      %get3A_253 = arith.constant 0 : i32
      %get3A_254 = arith.index_cast %get3A_253 : i32 to index
      %get3A_255 = arith.index_cast %scan3A_185 : i32 to index
      %get3A_256 = arith.constant 48 : index
      %get3A_257 = tpu.vector_load %arg8[%get3A_254, %get3A_255, %get3A_256] {strides = array<i32>} : memref<2x80x128xf32, #tpu.memory_space<vmem>>, vector<1x1x16xf32>,
      %get3A_258 = vector.shape_cast %get3A_257 : vector<1x1x16xf32> to vector<16xf32>
      %get3A_259 = arith.constant 0 : i32
      %get3A_260 = arith.index_cast %get3A_259 : i32 to index
      %get3A_261 = arith.index_cast %scan3A_185 : i32 to index
      %get3A_262 = arith.constant 48 : index
      %get3A_263 = tpu.vector_load %arg9[%get3A_260, %get3A_261, %get3A_262] {strides = array<i32>} : memref<2x80x128xf32, #tpu.memory_space<vmem>>, vector<1x1x16xf32>,
      %get3A_264 = vector.shape_cast %get3A_263 : vector<1x1x16xf32> to vector<16xf32>
      %add3A_265 = arith.addf %get3A_258, %get3A_264 : vector<16xf32>
      %max3A_266 = arith.constant 0.000000e+00 : f32
      %max3A_267 = vector.broadcast %max3A_266 : f32 to vector<16xf32>
      %max3A_268 = arith.maximumf %add3A_265, %max3A_267 : vector<16xf32>
      %swap3A_269 = arith.constant 0 : i32
      %swap3A_270 = arith.index_cast %swap3A_269 : i32 to index
      %swap3A_271 = arith.index_cast %scan3A_185 : i32 to index
      %swap3A_272 = arith.constant 48 : index
      %swap3A_273 = tpu.vector_load %arg8[%swap3A_270, %swap3A_271, %swap3A_272] {strides = array<i32>} : memref<2x80x128xf32, #tpu.memory_space<vmem>>, vector<1x1x16xf32>,
      %swap3A_274 = vector.shape_cast %swap3A_273 : vector<1x1x16xf32> to vector<16xf32>
      %swap3A_275 = vector.shape_cast %max3A_268 : vector<16xf32> to vector<1x1x16xf32>
      tpu.vector_store %arg8[%swap3A_270, %swap3A_271, %swap3A_272], %swap3A_275 {strides = array<i32>} : memref<2x80x128xf32, #tpu.memory_space<vmem>>, vector<1x1x16xf32>,
      %get3A_276 = arith.constant 0 : i32
      %get3A_277 = arith.index_cast %get3A_276 : i32 to index
      %get3A_278 = arith.index_cast %scan3A_185 : i32 to index
      %get3A_279 = arith.constant 64 : index
      %get3A_280 = tpu.vector_load %arg8[%get3A_277, %get3A_278, %get3A_279] {strides = array<i32>} : memref<2x80x128xf32, #tpu.memory_space<vmem>>, vector<1x1x16xf32>,
      %get3A_281 = vector.shape_cast %get3A_280 : vector<1x1x16xf32> to vector<16xf32>
      %get3A_282 = arith.constant 0 : i32
      %get3A_283 = arith.index_cast %get3A_282 : i32 to index
      %get3A_284 = arith.index_cast %scan3A_185 : i32 to index
      %get3A_285 = arith.constant 64 : index
      %get3A_286 = tpu.vector_load %arg9[%get3A_283, %get3A_284, %get3A_285] {strides = array<i32>} : memref<2x80x128xf32, #tpu.memory_space<vmem>>, vector<1x1x16xf32>,
      %get3A_287 = vector.shape_cast %get3A_286 : vector<1x1x16xf32> to vector<16xf32>
      %add3A_288 = arith.addf %get3A_281, %get3A_287 : vector<16xf32>
      %max3A_289 = arith.constant 0.000000e+00 : f32
      %max3A_290 = vector.broadcast %max3A_289 : f32 to vector<16xf32>
      %max3A_291 = arith.maximumf %add3A_288, %max3A_290 : vector<16xf32>
      %swap3A_292 = arith.constant 0 : i32
      %swap3A_293 = arith.index_cast %swap3A_292 : i32 to index
      %swap3A_294 = arith.index_cast %scan3A_185 : i32 to index
      %swap3A_295 = arith.constant 64 : index
      %swap3A_296 = tpu.vector_load %arg8[%swap3A_293, %swap3A_294, %swap3A_295] {strides = array<i32>} : memref<2x80x128xf32, #tpu.memory_space<vmem>>, vector<1x1x16xf32>,
      %swap3A_297 = vector.shape_cast %swap3A_296 : vector<1x1x16xf32> to vector<16xf32>
      %swap3A_298 = vector.shape_cast %max3A_291 : vector<16xf32> to vector<1x1x16xf32>
      tpu.vector_store %arg8[%swap3A_293, %swap3A_294, %swap3A_295], %swap3A_298 {strides = array<i32>} : memref<2x80x128xf32, #tpu.memory_space<vmem>>, vector<1x1x16xf32>,
      %get3A_299 = arith.constant 0 : i32
      %get3A_300 = arith.index_cast %get3A_299 : i32 to index
      %get3A_301 = arith.index_cast %scan3A_185 : i32 to index
      %get3A_302 = arith.constant 80 : index
      %get3A_303 = tpu.vector_load %arg8[%get3A_300, %get3A_301, %get3A_302] {strides = array<i32>} : memref<2x80x128xf32, #tpu.memory_space<vmem>>, vector<1x1x16xf32>,
      %get3A_304 = vector.shape_cast %get3A_303 : vector<1x1x16xf32> to vector<16xf32>
      %get3A_305 = arith.constant 0 : i32
      %get3A_306 = arith.index_cast %get3A_305 : i32 to index
      %get3A_307 = arith.index_cast %scan3A_185 : i32 to index
      %get3A_308 = arith.constant 80 : index
      %get3A_309 = tpu.vector_load %arg9[%get3A_306, %get3A_307, %get3A_308] {strides = array<i32>} : memref<2x80x128xf32, #tpu.memory_space<vmem>>, vector<1x1x16xf32>,
      %get3A_310 = vector.shape_cast %get3A_309 : vector<1x1x16xf32> to vector<16xf32>
      %add3A_311 = arith.addf %get3A_304, %get3A_310 : vector<16xf32>
      %max3A_312 = arith.constant 0.000000e+00 : f32
      %max3A_313 = vector.broadcast %max3A_312 : f32 to vector<16xf32>
      %max3A_314 = arith.maximumf %add3A_311, %max3A_313 : vector<16xf32>
      %swap3A_315 = arith.constant 0 : i32
      %swap3A_316 = arith.index_cast %swap3A_315 : i32 to index
      %swap3A_317 = arith.index_cast %scan3A_185 : i32 to index
      %swap3A_318 = arith.constant 80 : index
      %swap3A_319 = tpu.vector_load %arg8[%swap3A_316, %swap3A_317, %swap3A_318] {strides = array<i32>} : memref<2x80x128xf32, #tpu.memory_space<vmem>>, vector<1x1x16xf32>,
      %swap3A_320 = vector.shape_cast %swap3A_319 : vector<1x1x16xf32> to vector<16xf32>
      %swap3A_321 = vector.shape_cast %max3A_314 : vector<16xf32> to vector<1x1x16xf32>
      tpu.vector_store %arg8[%swap3A_316, %swap3A_317, %swap3A_318], %swap3A_321 {strides = array<i32>} : memref<2x80x128xf32, #tpu.memory_space<vmem>>, vector<1x1x16xf32>,
      %get3A_322 = arith.constant 0 : i32
      %get3A_323 = arith.index_cast %get3A_322 : i32 to index
      %get3A_324 = arith.index_cast %scan3A_185 : i32 to index
      %get3A_325 = arith.constant 96 : index
      %get3A_326 = tpu.vector_load %arg8[%get3A_323, %get3A_324, %get3A_325] {strides = array<i32>} : memref<2x80x128xf32, #tpu.memory_space<vmem>>, vector<1x1x16xf32>,
      %get3A_327 = vector.shape_cast %get3A_326 : vector<1x1x16xf32> to vector<16xf32>
      %get3A_328 = arith.constant 0 : i32
      %get3A_329 = arith.index_cast %get3A_328 : i32 to index
      %get3A_330 = arith.index_cast %scan3A_185 : i32 to index
      %get3A_331 = arith.constant 96 : index
      %get3A_332 = tpu.vector_load %arg9[%get3A_329, %get3A_330, %get3A_331] {strides = array<i32>} : memref<2x80x128xf32, #tpu.memory_space<vmem>>, vector<1x1x16xf32>,
      %get3A_333 = vector.shape_cast %get3A_332 : vector<1x1x16xf32> to vector<16xf32>
      %add3A_334 = arith.addf %get3A_327, %get3A_333 : vector<16xf32>
      %max3A_335 = arith.constant 0.000000e+00 : f32
      %max3A_336 = vector.broadcast %max3A_335 : f32 to vector<16xf32>
      %max3A_337 = arith.maximumf %add3A_334, %max3A_336 : vector<16xf32>
      %swap3A_338 = arith.constant 0 : i32
      %swap3A_339 = arith.index_cast %swap3A_338 : i32 to index
      %swap3A_340 = arith.index_cast %scan3A_185 : i32 to index
      %swap3A_341 = arith.constant 96 : index
      %swap3A_342 = tpu.vector_load %arg8[%swap3A_339, %swap3A_340, %swap3A_341] {strides = array<i32>} : memref<2x80x128xf32, #tpu.memory_space<vmem>>, vector<1x1x16xf32>,
      %swap3A_343 = vector.shape_cast %swap3A_342 : vector<1x1x16xf32> to vector<16xf32>
      %swap3A_344 = vector.shape_cast %max3A_337 : vector<16xf32> to vector<1x1x16xf32>
      tpu.vector_store %arg8[%swap3A_339, %swap3A_340, %swap3A_341], %swap3A_344 {strides = array<i32>} : memref<2x80x128xf32, #tpu.memory_space<vmem>>, vector<1x1x16xf32>,
      %get3A_345 = arith.constant 0 : i32
      %get3A_346 = arith.index_cast %get3A_345 : i32 to index
      %get3A_347 = arith.index_cast %scan3A_185 : i32 to index
      %get3A_348 = arith.constant 112 : index
      %get3A_349 = tpu.vector_load %arg8[%get3A_346, %get3A_347, %get3A_348] {strides = array<i32>} : memref<2x80x128xf32, #tpu.memory_space<vmem>>, vector<1x1x16xf32>,
      %get3A_350 = vector.shape_cast %get3A_349 : vector<1x1x16xf32> to vector<16xf32>
      %get3A_351 = arith.constant 0 : i32
      %get3A_352 = arith.index_cast %get3A_351 : i32 to index
      %get3A_353 = arith.index_cast %scan3A_185 : i32 to index
      %get3A_354 = arith.constant 112 : index
      %get3A_355 = tpu.vector_load %arg9[%get3A_352, %get3A_353, %get3A_354] {strides = array<i32>} : memref<2x80x128xf32, #tpu.memory_space<vmem>>, vector<1x1x16xf32>,
      %get3A_356 = vector.shape_cast %get3A_355 : vector<1x1x16xf32> to vector<16xf32>
      %add3A_357 = arith.addf %get3A_350, %get3A_356 : vector<16xf32>
      %max3A_358 = arith.constant 0.000000e+00 : f32
      %max3A_359 = vector.broadcast %max3A_358 : f32 to vector<16xf32>
      %max3A_360 = arith.maximumf %add3A_357, %max3A_359 : vector<16xf32>
      %swap3A_361 = arith.constant 0 : i32
      %swap3A_362 = arith.index_cast %swap3A_361 : i32 to index
      %swap3A_363 = arith.index_cast %scan3A_185 : i32 to index
      %swap3A_364 = arith.constant 112 : index
      %swap3A_365 = tpu.vector_load %arg8[%swap3A_362, %swap3A_363, %swap3A_364] {strides = array<i32>} : memref<2x80x128xf32, #tpu.memory_space<vmem>>, vector<1x1x16xf32>,
      %swap3A_366 = vector.shape_cast %swap3A_365 : vector<1x1x16xf32> to vector<16xf32>
      %swap3A_367 = vector.shape_cast %max3A_360 : vector<16xf32> to vector<1x1x16xf32>
      tpu.vector_store %arg8[%swap3A_362, %swap3A_363, %swap3A_364], %swap3A_367 {strides = array<i32>} : memref<2x80x128xf32, #tpu.memory_space<vmem>>, vector<1x1x16xf32>,
      %scan3A_368 = arith.constant 0 : i32
      scf.yield %scan3A_368 : i32
    }
    %scan3A_153 = arith.constant 80 : i32
    %run_scoped3A = arith.constant 0 : i32
    %run_scoped3A_154 = arith.constant 0 : i32
    %run_scoped3A_155 = arith.constant 1 : i32
    "tpu.region"() ({
      %run_scoped3A_185 = tpu.sem_alloc : memref<!tpu.dma_semaphore, #tpu.memory_space<semaphore_mem>>
      %dma_start3A_186 = arith.constant 0 : i32
      %dma_start3A_187 = arith.constant 0 : i32
      %dma_start3A_188 = tpu.memref_slice %arg8[%run_scoped3A, %dma_start3A_186, %dma_start3A_187] : memref<2x80x128xf32, #tpu.memory_space<vmem>> -> memref<1x80x128xf32, #tpu.memory_space<vmem>>
      %dma_start3A_189 = tpu.memref_squeeze %dma_start3A_188 : memref<1x80x128xf32, #tpu.memory_space<vmem>> -> memref<80x128xf32, #tpu.memory_space<vmem>>
      %dma_start3A_190 = arith.constant 0 : i32
      %dma_start3A_191 = tpu.memref_slice %arg7[%run_scoped3A_154, %run_scoped3A_155, %dma_start3A_190] : memref<2x2x80xi32, #tpu.memory_space<vmem>> -> memref<1x1x80xi32, #tpu.memory_space<vmem>>
      %dma_start3A_192 = tpu.memref_squeeze %dma_start3A_191 : memref<1x1x80xi32, #tpu.memory_space<vmem>> -> memref<80xi32, #tpu.memory_space<vmem>>
      %dma_start3A_193 = arith.constant 0 : i32
      %dma_start3A_194 = arith.constant 0 : i32
      %dma_start3A_195 = tpu.memref_slice %arg10[%dma_start3A_193, %dma_start3A_194] : memref<10240x128xf32, #tpu.memory_space<vmem_shared>> -> memref<10240x128xf32, #tpu.memory_space<vmem_shared>>
      tpu.enqueue_indirect_dma source(%dma_start3A_189 : memref<80x128xf32, #tpu.memory_space<vmem>>) target(%dma_start3A_195 : memref<10240x128xf32, #tpu.memory_space<vmem_shared>>) offsets(%dma_start3A_192 : memref<80xi32, #tpu.memory_space<vmem>>) semaphore(%run_scoped3A_185 : memref<!tpu.dma_semaphore, #tpu.memory_space<semaphore_mem>>) {add = true}
      %dma_wait3A_196 = arith.constant 0 : i32
      %dma_wait3A_197 = arith.constant 0 : i32
      %dma_wait3A_198 = tpu.memref_slice %arg8[%run_scoped3A, %dma_wait3A_196, %dma_wait3A_197] : memref<2x80x128xf32, #tpu.memory_space<vmem>> -> memref<1x80x128xf32, #tpu.memory_space<vmem>>
      %dma_wait3A_199 = tpu.memref_squeeze %dma_wait3A_198 : memref<1x80x128xf32, #tpu.memory_space<vmem>> -> memref<80x128xf32, #tpu.memory_space<vmem>>
      %dma_wait3A_200 = arith.constant 0 : i32
      %dma_wait3A_201 = tpu.memref_slice %arg7[%run_scoped3A_154, %run_scoped3A_155, %dma_wait3A_200] : memref<2x2x80xi32, #tpu.memory_space<vmem>> -> memref<1x1x80xi32, #tpu.memory_space<vmem>>
      %dma_wait3A_202 = tpu.memref_squeeze %dma_wait3A_201 : memref<1x1x80xi32, #tpu.memory_space<vmem>> -> memref<80xi32, #tpu.memory_space<vmem>>
      %dma_wait3A_203 = arith.constant 0 : i32
      %dma_wait3A_204 = arith.constant 0 : i32
      %dma_wait3A_205 = tpu.memref_slice %arg10[%dma_wait3A_203, %dma_wait3A_204] : memref<10240x128xf32, #tpu.memory_space<vmem_shared>> -> memref<10240x128xf32, #tpu.memory_space<vmem_shared>>
      tpu.wait_indirect_dma semaphore(%run_scoped3A_185 : memref<!tpu.dma_semaphore, #tpu.memory_space<semaphore_mem>>) src(%dma_wait3A_199 : memref<80x128xf32, #tpu.memory_space<vmem>>) dst(%dma_wait3A_205 : memref<10240x128xf32, #tpu.memory_space<vmem_shared>>)
      tpu.yield
    }) : () -> ()
    %dma_wait3A_156 = arith.constant 1 : i32
    %dma_wait3A_157 = arith.constant 0 : i32
    %dma_wait3A_158 = arith.constant 0 : i32
    %dma_wait3A_159 = tpu.memref_slice %arg7[%dma_wait3A_156, %dma_wait3A_157, %dma_wait3A_158] : memref<2x2x80xi32, #tpu.memory_space<vmem>> -> memref<1x1x80xi32, #tpu.memory_space<vmem>>
    %dma_wait3A_160 = tpu.memref_squeeze %dma_wait3A_159 : memref<1x1x80xi32, #tpu.memory_space<vmem>> -> memref<80xi32, #tpu.memory_space<vmem>>
    %dma_wait3A_161 = arith.constant 0 : i32
    %dma_wait3A_162 = tpu.memref_slice %arg4[%dma_wait3A_161] : memref<320080xi32, #tpu.memory_space<hbm>> -> memref<80xi32, #tpu.memory_space<hbm>>
    %dma_wait3A_163 = arith.constant 0 : i32
    %dma_wait3A_164 = tpu.memref_slice %arg7[%dma_wait3A_156, %dma_wait3A_157, %dma_wait3A_163] : memref<2x2x80xi32, #tpu.memory_space<vmem>> -> memref<1x1x80xi32, #tpu.memory_space<vmem>>
    %dma_wait3A_165 = tpu.memref_squeeze %dma_wait3A_164 : memref<1x1x80xi32, #tpu.memory_space<vmem>> -> memref<80xi32, #tpu.memory_space<vmem>>
    %dma_wait3A_166 = arith.constant 0 : i32
    %dma_wait3A_167 = tpu.memref_slice %arg4[%dma_wait3A_166] : memref<320080xi32, #tpu.memory_space<hbm>> -> memref<80xi32, #tpu.memory_space<hbm>>
    tpu.wait_dma2 semaphore(%arg12 : memref<!tpu.dma_semaphore, #tpu.memory_space<semaphore_mem>>) src(%dma_wait3A_167 : memref<80xi32, #tpu.memory_space<hbm>>) dst(%dma_wait3A_165 : memref<80xi32, #tpu.memory_space<vmem>>)
    %dma_wait3A_168 = arith.constant 1 : i32
    %dma_wait3A_169 = arith.constant 1 : i32
    %dma_wait3A_170 = arith.constant 0 : i32
    %dma_wait3A_171 = tpu.memref_slice %arg7[%dma_wait3A_168, %dma_wait3A_169, %dma_wait3A_170] : memref<2x2x80xi32, #tpu.memory_space<vmem>> -> memref<1x1x80xi32, #tpu.memory_space<vmem>>
    %dma_wait3A_172 = tpu.memref_squeeze %dma_wait3A_171 : memref<1x1x80xi32, #tpu.memory_space<vmem>> -> memref<80xi32, #tpu.memory_space<vmem>>
    %dma_wait3A_173 = arith.constant 0 : i32
    %dma_wait3A_174 = tpu.memref_slice %arg5[%dma_wait3A_173] : memref<320080xi32, #tpu.memory_space<hbm>> -> memref<80xi32, #tpu.memory_space<hbm>>
    %dma_wait3A_175 = arith.constant 0 : i32
    %dma_wait3A_176 = tpu.memref_slice %arg7[%dma_wait3A_168, %dma_wait3A_169, %dma_wait3A_175] : memref<2x2x80xi32, #tpu.memory_space<vmem>> -> memref<1x1x80xi32, #tpu.memory_space<vmem>>
    %dma_wait3A_177 = tpu.memref_squeeze %dma_wait3A_176 : memref<1x1x80xi32, #tpu.memory_space<vmem>> -> memref<80xi32, #tpu.memory_space<vmem>>
    %dma_wait3A_178 = arith.constant 0 : i32
    %dma_wait3A_179 = tpu.memref_slice %arg5[%dma_wait3A_178] : memref<320080xi32, #tpu.memory_space<hbm>> -> memref<80xi32, #tpu.memory_space<hbm>>
    tpu.wait_dma2 semaphore(%arg12 : memref<!tpu.dma_semaphore, #tpu.memory_space<semaphore_mem>>) src(%dma_wait3A_179 : memref<80xi32, #tpu.memory_space<hbm>>) dst(%dma_wait3A_177 : memref<80xi32, #tpu.memory_space<vmem>>)
    %barrier3A_180 = arith.constant 0 : index
    tpu.barrier barrier_id(%barrier3A_180)
    %mul3A_181 = arith.constant 640 : i32
    %mul3A_182 = arith.muli %arg1, %mul3A_181 : i32
    %mul3A_183 = arith.constant 640 : i32
    %mul3A_184 = arith.muli %arg1, %mul3A_183 : i32
    "tpu.region"() ({
      %run_scoped3A_185 = tpu.sem_alloc : memref<!tpu.dma_semaphore, #tpu.memory_space<semaphore_mem>>
      %dma_start3A_186 = arith.constant 0 : i32
      %dma_start3A_187 = tpu.memref_slice %arg6[%arg0, %mul3A_184, %dma_start3A_186] : memref<2x10240x128xf32, #tpu.memory_space<hbm>> -> memref<1x640x128xf32, #tpu.memory_space<hbm>>
      %dma_start3A_188 = tpu.memref_squeeze %dma_start3A_187 : memref<1x640x128xf32, #tpu.memory_space<hbm>> -> memref<640x128xf32, #tpu.memory_space<hbm>>
      %dma_start3A_189 = arith.constant 0 : i32
      %dma_start3A_190 = tpu.memref_slice %arg10[%mul3A_182, %dma_start3A_189] : memref<10240x128xf32, #tpu.memory_space<vmem_shared>> -> memref<640x128xf32, #tpu.memory_space<vmem_shared>>
      tpu.enqueue_dma source(%dma_start3A_190 : memref<640x128xf32, #tpu.memory_space<vmem_shared>>) target(%dma_start3A_188 : memref<640x128xf32, #tpu.memory_space<hbm>>) target_semaphore(%run_scoped3A_185 : memref<!tpu.dma_semaphore, #tpu.memory_space<semaphore_mem>>)
      %dma_wait3A_191 = arith.constant 0 : i32
      %dma_wait3A_192 = tpu.memref_slice %arg6[%arg0, %mul3A_184, %dma_wait3A_191] : memref<2x10240x128xf32, #tpu.memory_space<hbm>> -> memref<1x640x128xf32, #tpu.memory_space<hbm>>
      %dma_wait3A_193 = tpu.memref_squeeze %dma_wait3A_192 : memref<1x640x128xf32, #tpu.memory_space<hbm>> -> memref<640x128xf32, #tpu.memory_space<hbm>>
      %dma_wait3A_194 = arith.constant 0 : i32
      %dma_wait3A_195 = tpu.memref_slice %arg10[%mul3A_182, %dma_wait3A_194] : memref<10240x128xf32, #tpu.memory_space<vmem_shared>> -> memref<640x128xf32, #tpu.memory_space<vmem_shared>>
      tpu.wait_dma2 semaphore(%run_scoped3A_185 : memref<!tpu.dma_semaphore, #tpu.memory_space<semaphore_mem>>) src(%dma_wait3A_195 : memref<640x128xf32, #tpu.memory_space<vmem_shared>>) dst(%dma_wait3A_193 : memref<640x128xf32, #tpu.memory_space<hbm>>)
      tpu.yield
    }) : () -> ()
    return
  }
}

#map = affine_map<(d0, d1) -> (0, 0)>
#map1 = affine_map<(d0, d1) -> (0)>
#map2 = affine_map<(d0, d1) -> (0, 0, 0)>
module attributes {stable_mosaic.version = 14 : i64} {
  func.func @_sc_body(%arg0: i32, %arg1: i32, %arg2: memref<10000x128xf32, #tpu.memory_space<hbm>>, %arg3: memref<320000x128xf32, #tpu.memory_space<hbm>>, %arg4: memref<320080xi32, #tpu.memory_space<hbm>>, %arg5: memref<320080xi32, #tpu.memory_space<hbm>>, %arg6: memref<2x10240x128xf32, #tpu.memory_space<hbm>>, %arg7: memref<2x2x80xi32, #tpu.memory_space<vmem>>, %arg8: memref<2x80x128xf32, #tpu.memory_space<vmem>>, %arg9: memref<2x80x128xf32, #tpu.memory_space<vmem>>, %arg10: memref<10240x128xf32, #tpu.memory_space<vmem_shared>>, %arg11: memref<!tpu.dma_semaphore, #tpu.memory_space<semaphore_mem>>, %arg12: memref<!tpu.dma_semaphore, #tpu.memory_space<semaphore_mem>>, %arg13: memref<!tpu.dma_semaphore, #tpu.memory_space<semaphore_mem>>, %arg14: memref<!tpu.dma_semaphore, #tpu.memory_space<semaphore_mem>>, %arg15: memref<!tpu.dma_semaphore, #tpu.memory_space<semaphore_mem>>, %arg16: memref<!tpu.dma_semaphore, #tpu.memory_space<semaphore_mem>>) attributes {dimension_semantics = [#tpu.dimension_semantics<core_parallel>, #tpu.dimension_semantics<subcore_parallel>], iteration_bounds = array<i64: 2, 16>, scalar_prefetch = 0 : i64, scratch_operands = 10 : i64, tpu.core_type = #tpu.core_type<sc_vector_subcore>, window_params = [{transform_indices = #map}, {transform_indices = #map}, {transform_indices = #map1}, {transform_indices = #map1}, {transform_indices = #map2}]} {
    %mul3A = arith.constant 16 : i32
    %mul3A_0 = arith.muli %arg0, %mul3A : i32
    %add3A = arith.addi %mul3A_0, %arg1 : i32
    %scan3A = arith.constant 0 : i32
    %scan3A_1 = arith.constant 0 : i32
    %scan3A_2 = arith.constant 80 : i32
    %scan3A_3 = arith.addi %scan3A_1, %scan3A_2 : i32
    %scan3A_4 = arith.constant 1 : i32
    %scan3A_5 = scf.for %scan3A_185 = %scan3A_1 to %scan3A_3 step %scan3A_4 iter_args(%scan3A_186 = %scan3A) -> (i32)  : i32 {
      %broadcast_in_dim3A = arith.constant 0.000000e+00 : f32
      %broadcast_in_dim3A_187 = vector.broadcast %broadcast_in_dim3A : f32 to vector<16xf32>
      %swap3A = arith.constant 0 : i32
      %swap3A_188 = arith.index_cast %swap3A : i32 to index
      %swap3A_189 = arith.index_cast %scan3A_185 : i32 to index
      %swap3A_190 = arith.constant 0 : index
      %swap3A_191 = tpu.vector_load %arg8[%swap3A_188, %swap3A_189, %swap3A_190] {strides = array<i32>} : memref<2x80x128xf32, #tpu.memory_space<vmem>>, vector<1x1x16xf32>,
      %swap3A_192 = vector.shape_cast %swap3A_191 : vector<1x1x16xf32> to vector<16xf32>
      %swap3A_193 = vector.shape_cast %broadcast_in_dim3A_187 : vector<16xf32> to vector<1x1x16xf32>
      tpu.vector_store %arg8[%swap3A_188, %swap3A_189, %swap3A_190], %swap3A_193 {strides = array<i32>} : memref<2x80x128xf32, #tpu.memory_space<vmem>>, vector<1x1x16xf32>,
      %broadcast_in_dim3A_194 = arith.constant 0.000000e+00 : f32
      %broadcast_in_dim3A_195 = vector.broadcast %broadcast_in_dim3A_194 : f32 to vector<16xf32>
      %swap3A_196 = arith.constant 0 : i32
      %swap3A_197 = arith.index_cast %swap3A_196 : i32 to index
      %swap3A_198 = arith.index_cast %scan3A_185 : i32 to index
      %swap3A_199 = arith.constant 16 : index
      %swap3A_200 = tpu.vector_load %arg8[%swap3A_197, %swap3A_198, %swap3A_199] {strides = array<i32>} : memref<2x80x128xf32, #tpu.memory_space<vmem>>, vector<1x1x16xf32>,
      %swap3A_201 = vector.shape_cast %swap3A_200 : vector<1x1x16xf32> to vector<16xf32>
      %swap3A_202 = vector.shape_cast %broadcast_in_dim3A_195 : vector<16xf32> to vector<1x1x16xf32>
      tpu.vector_store %arg8[%swap3A_197, %swap3A_198, %swap3A_199], %swap3A_202 {strides = array<i32>} : memref<2x80x128xf32, #tpu.memory_space<vmem>>, vector<1x1x16xf32>,
      %broadcast_in_dim3A_203 = arith.constant 0.000000e+00 : f32
      %broadcast_in_dim3A_204 = vector.broadcast %broadcast_in_dim3A_203 : f32 to vector<16xf32>
      %swap3A_205 = arith.constant 0 : i32
      %swap3A_206 = arith.index_cast %swap3A_205 : i32 to index
      %swap3A_207 = arith.index_cast %scan3A_185 : i32 to index
      %swap3A_208 = arith.constant 32 : index
      %swap3A_209 = tpu.vector_load %arg8[%swap3A_206, %swap3A_207, %swap3A_208] {strides = array<i32>} : memref<2x80x128xf32, #tpu.memory_space<vmem>>, vector<1x1x16xf32>,
      %swap3A_210 = vector.shape_cast %swap3A_209 : vector<1x1x16xf32> to vector<16xf32>
      %swap3A_211 = vector.shape_cast %broadcast_in_dim3A_204 : vector<16xf32> to vector<1x1x16xf32>
      tpu.vector_store %arg8[%swap3A_206, %swap3A_207, %swap3A_208], %swap3A_211 {strides = array<i32>} : memref<2x80x128xf32, #tpu.memory_space<vmem>>, vector<1x1x16xf32>,
      %broadcast_in_dim3A_212 = arith.constant 0.000000e+00 : f32
      %broadcast_in_dim3A_213 = vector.broadcast %broadcast_in_dim3A_212 : f32 to vector<16xf32>
      %swap3A_214 = arith.constant 0 : i32
      %swap3A_215 = arith.index_cast %swap3A_214 : i32 to index
      %swap3A_216 = arith.index_cast %scan3A_185 : i32 to index
      %swap3A_217 = arith.constant 48 : index
      %swap3A_218 = tpu.vector_load %arg8[%swap3A_215, %swap3A_216, %swap3A_217] {strides = array<i32>} : memref<2x80x128xf32, #tpu.memory_space<vmem>>, vector<1x1x16xf32>,
      %swap3A_219 = vector.shape_cast %swap3A_218 : vector<1x1x16xf32> to vector<16xf32>
      %swap3A_220 = vector.shape_cast %broadcast_in_dim3A_213 : vector<16xf32> to vector<1x1x16xf32>
      tpu.vector_store %arg8[%swap3A_215, %swap3A_216, %swap3A_217], %swap3A_220 {strides = array<i32>} : memref<2x80x128xf32, #tpu.memory_space<vmem>>, vector<1x1x16xf32>,
      %broadcast_in_dim3A_221 = arith.constant 0.000000e+00 : f32
      %broadcast_in_dim3A_222 = vector.broadcast %broadcast_in_dim3A_221 : f32 to vector<16xf32>
      %swap3A_223 = arith.constant 0 : i32
      %swap3A_224 = arith.index_cast %swap3A_223 : i32 to index
      %swap3A_225 = arith.index_cast %scan3A_185 : i32 to index
      %swap3A_226 = arith.constant 64 : index
      %swap3A_227 = tpu.vector_load %arg8[%swap3A_224, %swap3A_225, %swap3A_226] {strides = array<i32>} : memref<2x80x128xf32, #tpu.memory_space<vmem>>, vector<1x1x16xf32>,
      %swap3A_228 = vector.shape_cast %swap3A_227 : vector<1x1x16xf32> to vector<16xf32>
      %swap3A_229 = vector.shape_cast %broadcast_in_dim3A_222 : vector<16xf32> to vector<1x1x16xf32>
      tpu.vector_store %arg8[%swap3A_224, %swap3A_225, %swap3A_226], %swap3A_229 {strides = array<i32>} : memref<2x80x128xf32, #tpu.memory_space<vmem>>, vector<1x1x16xf32>,
      %broadcast_in_dim3A_230 = arith.constant 0.000000e+00 : f32
      %broadcast_in_dim3A_231 = vector.broadcast %broadcast_in_dim3A_230 : f32 to vector<16xf32>
      %swap3A_232 = arith.constant 0 : i32
      %swap3A_233 = arith.index_cast %swap3A_232 : i32 to index
      %swap3A_234 = arith.index_cast %scan3A_185 : i32 to index
      %swap3A_235 = arith.constant 80 : index
      %swap3A_236 = tpu.vector_load %arg8[%swap3A_233, %swap3A_234, %swap3A_235] {strides = array<i32>} : memref<2x80x128xf32, #tpu.memory_space<vmem>>, vector<1x1x16xf32>,
      %swap3A_237 = vector.shape_cast %swap3A_236 : vector<1x1x16xf32> to vector<16xf32>
      %swap3A_238 = vector.shape_cast %broadcast_in_dim3A_231 : vector<16xf32> to vector<1x1x16xf32>
      tpu.vector_store %arg8[%swap3A_233, %swap3A_234, %swap3A_235], %swap3A_238 {strides = array<i32>} : memref<2x80x128xf32, #tpu.memory_space<vmem>>, vector<1x1x16xf32>,
      %broadcast_in_dim3A_239 = arith.constant 0.000000e+00 : f32
      %broadcast_in_dim3A_240 = vector.broadcast %broadcast_in_dim3A_239 : f32 to vector<16xf32>
      %swap3A_241 = arith.constant 0 : i32
      %swap3A_242 = arith.index_cast %swap3A_241 : i32 to index
      %swap3A_243 = arith.index_cast %scan3A_185 : i32 to index
      %swap3A_244 = arith.constant 96 : index
      %swap3A_245 = tpu.vector_load %arg8[%swap3A_242, %swap3A_243, %swap3A_244] {strides = array<i32>} : memref<2x80x128xf32, #tpu.memory_space<vmem>>, vector<1x1x16xf32>,
      %swap3A_246 = vector.shape_cast %swap3A_245 : vector<1x1x16xf32> to vector<16xf32>
      %swap3A_247 = vector.shape_cast %broadcast_in_dim3A_240 : vector<16xf32> to vector<1x1x16xf32>
      tpu.vector_store %arg8[%swap3A_242, %swap3A_243, %swap3A_244], %swap3A_247 {strides = array<i32>} : memref<2x80x128xf32, #tpu.memory_space<vmem>>, vector<1x1x16xf32>,
      %broadcast_in_dim3A_248 = arith.constant 0.000000e+00 : f32
      %broadcast_in_dim3A_249 = vector.broadcast %broadcast_in_dim3A_248 : f32 to vector<16xf32>
      %swap3A_250 = arith.constant 0 : i32
      %swap3A_251 = arith.index_cast %swap3A_250 : i32 to index
      %swap3A_252 = arith.index_cast %scan3A_185 : i32 to index
      %swap3A_253 = arith.constant 112 : index
      %swap3A_254 = tpu.vector_load %arg8[%swap3A_251, %swap3A_252, %swap3A_253] {strides = array<i32>} : memref<2x80x128xf32, #tpu.memory_space<vmem>>, vector<1x1x16xf32>,
      %swap3A_255 = vector.shape_cast %swap3A_254 : vector<1x1x16xf32> to vector<16xf32>
      %swap3A_256 = vector.shape_cast %broadcast_in_dim3A_249 : vector<16xf32> to vector<1x1x16xf32>
      tpu.vector_store %arg8[%swap3A_251, %swap3A_252, %swap3A_253], %swap3A_256 {strides = array<i32>} : memref<2x80x128xf32, #tpu.memory_space<vmem>>, vector<1x1x16xf32>,
      %scan3A_257 = arith.constant 0 : i32
      scf.yield %scan3A_257 : i32
    }
    %scan3A_6 = arith.constant 80 : i32
    %scan3A_7 = arith.constant 0 : i32
    %scan3A_8 = arith.constant 0 : i32
    %scan3A_9 = arith.constant 8 : i32
    %scan3A_10 = arith.addi %scan3A_8, %scan3A_9 : i32
    %scan3A_11 = arith.constant 1 : i32
    %scan3A_12 = scf.for %scan3A_185 = %scan3A_8 to %scan3A_10 step %scan3A_11 iter_args(%scan3A_186 = %scan3A_7) -> (i32)  : i32 {
      %mul3A_187 = arith.constant 640 : i32
      %mul3A_188 = arith.muli %arg1, %mul3A_187 : i32
      %mul3A_189 = arith.constant 80 : i32
      %mul3A_190 = arith.muli %scan3A_185, %mul3A_189 : i32
      %add3A_191 = arith.addi %mul3A_188, %mul3A_190 : i32
      %run_scoped3A_192 = arith.constant 0 : i32
      "tpu.region"() ({
        %run_scoped3A_194 = tpu.sem_alloc : memref<!tpu.dma_semaphore, #tpu.memory_space<semaphore_mem>>
        %dma_start3A_195 = arith.constant 0 : i32
        %dma_start3A_196 = arith.constant 0 : i32
        %dma_start3A_197 = tpu.memref_slice %arg8[%run_scoped3A_192, %dma_start3A_195, %dma_start3A_196] : memref<2x80x128xf32, #tpu.memory_space<vmem>> -> memref<1x80x128xf32, #tpu.memory_space<vmem>>
        %dma_start3A_198 = tpu.memref_squeeze %dma_start3A_197 : memref<1x80x128xf32, #tpu.memory_space<vmem>> -> memref<80x128xf32, #tpu.memory_space<vmem>>
        %dma_start3A_199 = arith.constant 0 : i32
        %dma_start3A_200 = tpu.memref_slice %arg10[%add3A_191, %dma_start3A_199] : memref<10240x128xf32, #tpu.memory_space<vmem_shared>> -> memref<80x128xf32, #tpu.memory_space<vmem_shared>>
        %dma_start3A_201 = arith.constant 0 : i32
        %dma_start3A_202 = tpu.memref_slice %arg10[%add3A_191, %dma_start3A_201] : memref<10240x128xf32, #tpu.memory_space<vmem_shared>> -> memref<80x128xf32, #tpu.memory_space<vmem_shared>>
        %dma_start3A_203 = arith.constant 0 : i32
        %dma_start3A_204 = arith.constant 0 : i32
        %dma_start3A_205 = tpu.memref_slice %arg8[%run_scoped3A_192, %dma_start3A_203, %dma_start3A_204] : memref<2x80x128xf32, #tpu.memory_space<vmem>> -> memref<1x80x128xf32, #tpu.memory_space<vmem>>
        %dma_start3A_206 = tpu.memref_squeeze %dma_start3A_205 : memref<1x80x128xf32, #tpu.memory_space<vmem>> -> memref<80x128xf32, #tpu.memory_space<vmem>>
        tpu.enqueue_dma source(%dma_start3A_206 : memref<80x128xf32, #tpu.memory_space<vmem>>) target(%dma_start3A_202 : memref<80x128xf32, #tpu.memory_space<vmem_shared>>) target_semaphore(%run_scoped3A_194 : memref<!tpu.dma_semaphore, #tpu.memory_space<semaphore_mem>>)
        %dma_wait3A_207 = arith.constant 0 : i32
        %dma_wait3A_208 = arith.constant 0 : i32
        %dma_wait3A_209 = tpu.memref_slice %arg8[%run_scoped3A_192, %dma_wait3A_207, %dma_wait3A_208] : memref<2x80x128xf32, #tpu.memory_space<vmem>> -> memref<1x80x128xf32, #tpu.memory_space<vmem>>
        %dma_wait3A_210 = tpu.memref_squeeze %dma_wait3A_209 : memref<1x80x128xf32, #tpu.memory_space<vmem>> -> memref<80x128xf32, #tpu.memory_space<vmem>>
        %dma_wait3A_211 = arith.constant 0 : i32
        %dma_wait3A_212 = tpu.memref_slice %arg10[%add3A_191, %dma_wait3A_211] : memref<10240x128xf32, #tpu.memory_space<vmem_shared>> -> memref<80x128xf32, #tpu.memory_space<vmem_shared>>
        %dma_wait3A_213 = arith.constant 0 : i32
        %dma_wait3A_214 = tpu.memref_slice %arg10[%add3A_191, %dma_wait3A_213] : memref<10240x128xf32, #tpu.memory_space<vmem_shared>> -> memref<80x128xf32, #tpu.memory_space<vmem_shared>>
        %dma_wait3A_215 = arith.constant 0 : i32
        %dma_wait3A_216 = arith.constant 0 : i32
        %dma_wait3A_217 = tpu.memref_slice %arg8[%run_scoped3A_192, %dma_wait3A_215, %dma_wait3A_216] : memref<2x80x128xf32, #tpu.memory_space<vmem>> -> memref<1x80x128xf32, #tpu.memory_space<vmem>>
        %dma_wait3A_218 = tpu.memref_squeeze %dma_wait3A_217 : memref<1x80x128xf32, #tpu.memory_space<vmem>> -> memref<80x128xf32, #tpu.memory_space<vmem>>
        tpu.wait_dma2 semaphore(%run_scoped3A_194 : memref<!tpu.dma_semaphore, #tpu.memory_space<semaphore_mem>>) src(%dma_wait3A_218 : memref<80x128xf32, #tpu.memory_space<vmem>>) dst(%dma_wait3A_214 : memref<80x128xf32, #tpu.memory_space<vmem_shared>>)
        tpu.yield
      }) : () -> ()
      %scan3A_193 = arith.constant 0 : i32
      scf.yield %scan3A_193 : i32
    }
    %scan3A_13 = arith.constant 8 : i32
    %barrier3A = arith.constant 0 : index
    tpu.barrier barrier_id(%barrier3A)
    %mul3A_14 = arith.constant 10000 : i32
    %mul3A_15 = arith.muli %add3A, %mul3A_14 : i32
    %add3A_16 = arith.constant 0 : i32
    %add3A_17 = arith.addi %mul3A_15, %add3A_16 : i32
    %dma_start3A = arith.constant 0 : i32
    %dma_start3A_18 = arith.constant 0 : i32
    %dma_start3A_19 = arith.constant 0 : i32
    %dma_start3A_20 = tpu.memref_slice %arg7[%dma_start3A, %dma_start3A_18, %dma_start3A_19] : memref<2x2x80xi32, #tpu.memory_space<vmem>> -> memref<1x1x80xi32, #tpu.memory_space<vmem>>
    %dma_start3A_21 = tpu.memref_squeeze %dma_start3A_20 : memref<1x1x80xi32, #tpu.memory_space<vmem>> -> memref<80xi32, #tpu.memory_space<vmem>>
    %dma_start3A_22 = tpu.memref_slice %arg4[%add3A_17] : memref<320080xi32, #tpu.memory_space<hbm>> -> memref<80xi32, #tpu.memory_space<hbm>>
    %dma_start3A_23 = arith.constant 0 : i32
    %dma_start3A_24 = tpu.memref_slice %arg7[%dma_start3A, %dma_start3A_18, %dma_start3A_23] : memref<2x2x80xi32, #tpu.memory_space<vmem>> -> memref<1x1x80xi32, #tpu.memory_space<vmem>>
    %dma_start3A_25 = tpu.memref_squeeze %dma_start3A_24 : memref<1x1x80xi32, #tpu.memory_space<vmem>> -> memref<80xi32, #tpu.memory_space<vmem>>
    %dma_start3A_26 = tpu.memref_slice %arg4[%add3A_17] : memref<320080xi32, #tpu.memory_space<hbm>> -> memref<80xi32, #tpu.memory_space<hbm>>
    tpu.enqueue_dma source(%dma_start3A_26 : memref<80xi32, #tpu.memory_space<hbm>>) target(%dma_start3A_25 : memref<80xi32, #tpu.memory_space<vmem>>) target_semaphore(%arg11 : memref<!tpu.dma_semaphore, #tpu.memory_space<semaphore_mem>>)
    %dma_start3A_27 = arith.constant 0 : i32
    %dma_start3A_28 = arith.constant 1 : i32
    %dma_start3A_29 = arith.constant 0 : i32
    %dma_start3A_30 = tpu.memref_slice %arg7[%dma_start3A_27, %dma_start3A_28, %dma_start3A_29] : memref<2x2x80xi32, #tpu.memory_space<vmem>> -> memref<1x1x80xi32, #tpu.memory_space<vmem>>
    %dma_start3A_31 = tpu.memref_squeeze %dma_start3A_30 : memref<1x1x80xi32, #tpu.memory_space<vmem>> -> memref<80xi32, #tpu.memory_space<vmem>>
    %dma_start3A_32 = tpu.memref_slice %arg5[%add3A_17] : memref<320080xi32, #tpu.memory_space<hbm>> -> memref<80xi32, #tpu.memory_space<hbm>>
    %dma_start3A_33 = arith.constant 0 : i32
    %dma_start3A_34 = tpu.memref_slice %arg7[%dma_start3A_27, %dma_start3A_28, %dma_start3A_33] : memref<2x2x80xi32, #tpu.memory_space<vmem>> -> memref<1x1x80xi32, #tpu.memory_space<vmem>>
    %dma_start3A_35 = tpu.memref_squeeze %dma_start3A_34 : memref<1x1x80xi32, #tpu.memory_space<vmem>> -> memref<80xi32, #tpu.memory_space<vmem>>
    %dma_start3A_36 = tpu.memref_slice %arg5[%add3A_17] : memref<320080xi32, #tpu.memory_space<hbm>> -> memref<80xi32, #tpu.memory_space<hbm>>
    tpu.enqueue_dma source(%dma_start3A_36 : memref<80xi32, #tpu.memory_space<hbm>>) target(%dma_start3A_35 : memref<80xi32, #tpu.memory_space<vmem>>) target_semaphore(%arg11 : memref<!tpu.dma_semaphore, #tpu.memory_space<semaphore_mem>>)
    %dma_wait3A = arith.constant 0 : i32
    %dma_wait3A_37 = arith.constant 0 : i32
    %dma_wait3A_38 = arith.constant 0 : i32
    %dma_wait3A_39 = tpu.memref_slice %arg7[%dma_wait3A, %dma_wait3A_37, %dma_wait3A_38] : memref<2x2x80xi32, #tpu.memory_space<vmem>> -> memref<1x1x80xi32, #tpu.memory_space<vmem>>
    %dma_wait3A_40 = tpu.memref_squeeze %dma_wait3A_39 : memref<1x1x80xi32, #tpu.memory_space<vmem>> -> memref<80xi32, #tpu.memory_space<vmem>>
    %dma_wait3A_41 = arith.constant 0 : i32
    %dma_wait3A_42 = tpu.memref_slice %arg4[%dma_wait3A_41] : memref<320080xi32, #tpu.memory_space<hbm>> -> memref<80xi32, #tpu.memory_space<hbm>>
    %dma_wait3A_43 = arith.constant 0 : i32
    %dma_wait3A_44 = tpu.memref_slice %arg7[%dma_wait3A, %dma_wait3A_37, %dma_wait3A_43] : memref<2x2x80xi32, #tpu.memory_space<vmem>> -> memref<1x1x80xi32, #tpu.memory_space<vmem>>
    %dma_wait3A_45 = tpu.memref_squeeze %dma_wait3A_44 : memref<1x1x80xi32, #tpu.memory_space<vmem>> -> memref<80xi32, #tpu.memory_space<vmem>>
    %dma_wait3A_46 = arith.constant 0 : i32
    %dma_wait3A_47 = tpu.memref_slice %arg4[%dma_wait3A_46] : memref<320080xi32, #tpu.memory_space<hbm>> -> memref<80xi32, #tpu.memory_space<hbm>>
    tpu.wait_dma2 semaphore(%arg11 : memref<!tpu.dma_semaphore, #tpu.memory_space<semaphore_mem>>) src(%dma_wait3A_47 : memref<80xi32, #tpu.memory_space<hbm>>) dst(%dma_wait3A_45 : memref<80xi32, #tpu.memory_space<vmem>>)
    %dma_wait3A_48 = arith.constant 0 : i32
    %dma_wait3A_49 = arith.constant 1 : i32
    %dma_wait3A_50 = arith.constant 0 : i32
    %dma_wait3A_51 = tpu.memref_slice %arg7[%dma_wait3A_48, %dma_wait3A_49, %dma_wait3A_50] : memref<2x2x80xi32, #tpu.memory_space<vmem>> -> memref<1x1x80xi32, #tpu.memory_space<vmem>>
    %dma_wait3A_52 = tpu.memref_squeeze %dma_wait3A_51 : memref<1x1x80xi32, #tpu.memory_space<vmem>> -> memref<80xi32, #tpu.memory_space<vmem>>
    %dma_wait3A_53 = arith.constant 0 : i32
    %dma_wait3A_54 = tpu.memref_slice %arg5[%dma_wait3A_53] : memref<320080xi32, #tpu.memory_space<hbm>> -> memref<80xi32, #tpu.memory_space<hbm>>
    %dma_wait3A_55 = arith.constant 0 : i32
    %dma_wait3A_56 = tpu.memref_slice %arg7[%dma_wait3A_48, %dma_wait3A_49, %dma_wait3A_55] : memref<2x2x80xi32, #tpu.memory_space<vmem>> -> memref<1x1x80xi32, #tpu.memory_space<vmem>>
    %dma_wait3A_57 = tpu.memref_squeeze %dma_wait3A_56 : memref<1x1x80xi32, #tpu.memory_space<vmem>> -> memref<80xi32, #tpu.memory_space<vmem>>
    %dma_wait3A_58 = arith.constant 0 : i32
    %dma_wait3A_59 = tpu.memref_slice %arg5[%dma_wait3A_58] : memref<320080xi32, #tpu.memory_space<hbm>> -> memref<80xi32, #tpu.memory_space<hbm>>
    tpu.wait_dma2 semaphore(%arg11 : memref<!tpu.dma_semaphore, #tpu.memory_space<semaphore_mem>>) src(%dma_wait3A_59 : memref<80xi32, #tpu.memory_space<hbm>>) dst(%dma_wait3A_57 : memref<80xi32, #tpu.memory_space<vmem>>)
    %dma_start3A_60 = arith.constant 0 : i32
    %dma_start3A_61 = arith.constant 0 : i32
    %dma_start3A_62 = arith.constant 0 : i32
    %dma_start3A_63 = arith.constant 0 : i32
    %dma_start3A_64 = arith.constant 0 : i32
    %dma_start3A_65 = tpu.memref_slice %arg8[%dma_start3A_62, %dma_start3A_63, %dma_start3A_64] : memref<2x80x128xf32, #tpu.memory_space<vmem>> -> memref<1x80x128xf32, #tpu.memory_space<vmem>>
    %dma_start3A_66 = tpu.memref_squeeze %dma_start3A_65 : memref<1x80x128xf32, #tpu.memory_space<vmem>> -> memref<80x128xf32, #tpu.memory_space<vmem>>
    %dma_start3A_67 = arith.constant 0 : i32
    %dma_start3A_68 = tpu.memref_slice %arg7[%dma_start3A_60, %dma_start3A_61, %dma_start3A_67] : memref<2x2x80xi32, #tpu.memory_space<vmem>> -> memref<1x1x80xi32, #tpu.memory_space<vmem>>
    %dma_start3A_69 = tpu.memref_squeeze %dma_start3A_68 : memref<1x1x80xi32, #tpu.memory_space<vmem>> -> memref<80xi32, #tpu.memory_space<vmem>>
    %dma_start3A_70 = arith.constant 0 : i32
    %dma_start3A_71 = arith.constant 0 : i32
    %dma_start3A_72 = tpu.memref_slice %arg2[%dma_start3A_70, %dma_start3A_71] : memref<10000x128xf32, #tpu.memory_space<hbm>> -> memref<10000x128xf32, #tpu.memory_space<hbm>>
    tpu.enqueue_indirect_dma source(%dma_start3A_72 : memref<10000x128xf32, #tpu.memory_space<hbm>>) target(%dma_start3A_66 : memref<80x128xf32, #tpu.memory_space<vmem>>) offsets(%dma_start3A_69 : memref<80xi32, #tpu.memory_space<vmem>>) semaphore(%arg13 : memref<!tpu.dma_semaphore, #tpu.memory_space<semaphore_mem>>)
    %add3A_73 = arith.constant 0 : i32
    %add3A_74 = arith.addi %mul3A_15, %add3A_73 : i32
    %dma_start3A_75 = arith.constant 0 : i32
    %dma_start3A_76 = arith.constant 0 : i32
    %dma_start3A_77 = arith.constant 0 : i32
    %dma_start3A_78 = tpu.memref_slice %arg9[%dma_start3A_75, %dma_start3A_76, %dma_start3A_77] : memref<2x80x128xf32, #tpu.memory_space<vmem>> -> memref<1x80x128xf32, #tpu.memory_space<vmem>>
    %dma_start3A_79 = tpu.memref_squeeze %dma_start3A_78 : memref<1x80x128xf32, #tpu.memory_space<vmem>> -> memref<80x128xf32, #tpu.memory_space<vmem>>
    %dma_start3A_80 = arith.constant 0 : i32
    %dma_start3A_81 = tpu.memref_slice %arg3[%add3A_74, %dma_start3A_80] : memref<320000x128xf32, #tpu.memory_space<hbm>> -> memref<80x128xf32, #tpu.memory_space<hbm>>
    %dma_start3A_82 = arith.constant 0 : i32
    %dma_start3A_83 = arith.constant 0 : i32
    %dma_start3A_84 = tpu.memref_slice %arg9[%dma_start3A_75, %dma_start3A_82, %dma_start3A_83] : memref<2x80x128xf32, #tpu.memory_space<vmem>> -> memref<1x80x128xf32, #tpu.memory_space<vmem>>
    %dma_start3A_85 = tpu.memref_squeeze %dma_start3A_84 : memref<1x80x128xf32, #tpu.memory_space<vmem>> -> memref<80x128xf32, #tpu.memory_space<vmem>>
    %dma_start3A_86 = arith.constant 0 : i32
    %dma_start3A_87 = tpu.memref_slice %arg3[%add3A_74, %dma_start3A_86] : memref<320000x128xf32, #tpu.memory_space<hbm>> -> memref<80x128xf32, #tpu.memory_space<hbm>>
    tpu.enqueue_dma source(%dma_start3A_87 : memref<80x128xf32, #tpu.memory_space<hbm>>) target(%dma_start3A_85 : memref<80x128xf32, #tpu.memory_space<vmem>>) target_semaphore(%arg15 : memref<!tpu.dma_semaphore, #tpu.memory_space<semaphore_mem>>)
    %add3A_88 = arith.constant 80 : i32
    %add3A_89 = arith.addi %mul3A_15, %add3A_88 : i32
    %dma_start3A_90 = arith.constant 1 : i32
    %dma_start3A_91 = arith.constant 0 : i32
    %dma_start3A_92 = arith.constant 0 : i32
    %dma_start3A_93 = tpu.memref_slice %arg7[%dma_start3A_90, %dma_start3A_91, %dma_start3A_92] : memref<2x2x80xi32, #tpu.memory_space<vmem>> -> memref<1x1x80xi32, #tpu.memory_space<vmem>>
    %dma_start3A_94 = tpu.memref_squeeze %dma_start3A_93 : memref<1x1x80xi32, #tpu.memory_space<vmem>> -> memref<80xi32, #tpu.memory_space<vmem>>
    %dma_start3A_95 = tpu.memref_slice %arg4[%add3A_89] : memref<320080xi32, #tpu.memory_space<hbm>> -> memref<80xi32, #tpu.memory_space<hbm>>
    %dma_start3A_96 = arith.constant 0 : i32
    %dma_start3A_97 = tpu.memref_slice %arg7[%dma_start3A_90, %dma_start3A_91, %dma_start3A_96] : memref<2x2x80xi32, #tpu.memory_space<vmem>> -> memref<1x1x80xi32, #tpu.memory_space<vmem>>
    %dma_start3A_98 = tpu.memref_squeeze %dma_start3A_97 : memref<1x1x80xi32, #tpu.memory_space<vmem>> -> memref<80xi32, #tpu.memory_space<vmem>>
    %dma_start3A_99 = tpu.memref_slice %arg4[%add3A_89] : memref<320080xi32, #tpu.memory_space<hbm>> -> memref<80xi32, #tpu.memory_space<hbm>>
    tpu.enqueue_dma source(%dma_start3A_99 : memref<80xi32, #tpu.memory_space<hbm>>) target(%dma_start3A_98 : memref<80xi32, #tpu.memory_space<vmem>>) target_semaphore(%arg12 : memref<!tpu.dma_semaphore, #tpu.memory_space<semaphore_mem>>)
    %dma_start3A_100 = arith.constant 1 : i32
    %dma_start3A_101 = arith.constant 1 : i32
    %dma_start3A_102 = arith.constant 0 : i32
    %dma_start3A_103 = tpu.memref_slice %arg7[%dma_start3A_100, %dma_start3A_101, %dma_start3A_102] : memref<2x2x80xi32, #tpu.memory_space<vmem>> -> memref<1x1x80xi32, #tpu.memory_space<vmem>>
    %dma_start3A_104 = tpu.memref_squeeze %dma_start3A_103 : memref<1x1x80xi32, #tpu.memory_space<vmem>> -> memref<80xi32, #tpu.memory_space<vmem>>
    %dma_start3A_105 = tpu.memref_slice %arg5[%add3A_89] : memref<320080xi32, #tpu.memory_space<hbm>> -> memref<80xi32, #tpu.memory_space<hbm>>
    %dma_start3A_106 = arith.constant 0 : i32
    %dma_start3A_107 = tpu.memref_slice %arg7[%dma_start3A_100, %dma_start3A_101, %dma_start3A_106] : memref<2x2x80xi32, #tpu.memory_space<vmem>> -> memref<1x1x80xi32, #tpu.memory_space<vmem>>
    %dma_start3A_108 = tpu.memref_squeeze %dma_start3A_107 : memref<1x1x80xi32, #tpu.memory_space<vmem>> -> memref<80xi32, #tpu.memory_space<vmem>>
    %dma_start3A_109 = tpu.memref_slice %arg5[%add3A_89] : memref<320080xi32, #tpu.memory_space<hbm>> -> memref<80xi32, #tpu.memory_space<hbm>>
    tpu.enqueue_dma source(%dma_start3A_109 : memref<80xi32, #tpu.memory_space<hbm>>) target(%dma_start3A_108 : memref<80xi32, #tpu.memory_space<vmem>>) target_semaphore(%arg12 : memref<!tpu.dma_semaphore, #tpu.memory_space<semaphore_mem>>)
    %scan3A_110 = arith.constant 0 : i32
    %scan3A_111 = arith.constant 0 : i32
    %scan3A_112 = arith.constant 62 : i32
    %scan3A_113 = arith.addi %scan3A_111, %scan3A_112 : i32
    %scan3A_114 = arith.constant 1 : i32
    %scan3A_115 = scf.for %scan3A_185 = %scan3A_111 to %scan3A_113 step %scan3A_114 iter_args(%scan3A_186 = %scan3A_110) -> (i32)  : i32 {
      %mul3A_187 = arith.constant 2 : i32
      %mul3A_188 = arith.muli %mul3A_187, %scan3A_185 : i32
      %add3A_189 = arith.constant 0 : i32
      %add3A_190 = arith.addi %mul3A_188, %add3A_189 : i32
      %dma_wait3A_191 = arith.constant 1 : i32
      %dma_wait3A_192 = arith.constant 0 : i32
      %dma_wait3A_193 = arith.constant 0 : i32
      %dma_wait3A_194 = tpu.memref_slice %arg7[%dma_wait3A_191, %dma_wait3A_192, %dma_wait3A_193] : memref<2x2x80xi32, #tpu.memory_space<vmem>> -> memref<1x1x80xi32, #tpu.memory_space<vmem>>
      %dma_wait3A_195 = tpu.memref_squeeze %dma_wait3A_194 : memref<1x1x80xi32, #tpu.memory_space<vmem>> -> memref<80xi32, #tpu.memory_space<vmem>>
      %dma_wait3A_196 = arith.constant 0 : i32
      %dma_wait3A_197 = tpu.memref_slice %arg4[%dma_wait3A_196] : memref<320080xi32, #tpu.memory_space<hbm>> -> memref<80xi32, #tpu.memory_space<hbm>>
      %dma_wait3A_198 = arith.constant 0 : i32
      %dma_wait3A_199 = tpu.memref_slice %arg7[%dma_wait3A_191, %dma_wait3A_192, %dma_wait3A_198] : memref<2x2x80xi32, #tpu.memory_space<vmem>> -> memref<1x1x80xi32, #tpu.memory_space<vmem>>
      %dma_wait3A_200 = tpu.memref_squeeze %dma_wait3A_199 : memref<1x1x80xi32, #tpu.memory_space<vmem>> -> memref<80xi32, #tpu.memory_space<vmem>>
      %dma_wait3A_201 = arith.constant 0 : i32
      %dma_wait3A_202 = tpu.memref_slice %arg4[%dma_wait3A_201] : memref<320080xi32, #tpu.memory_space<hbm>> -> memref<80xi32, #tpu.memory_space<hbm>>
      tpu.wait_dma2 semaphore(%arg12 : memref<!tpu.dma_semaphore, #tpu.memory_space<semaphore_mem>>) src(%dma_wait3A_202 : memref<80xi32, #tpu.memory_space<hbm>>) dst(%dma_wait3A_200 : memref<80xi32, #tpu.memory_space<vmem>>)
      %dma_wait3A_203 = arith.constant 1 : i32
      %dma_wait3A_204 = arith.constant 1 : i32
      %dma_wait3A_205 = arith.constant 0 : i32
      %dma_wait3A_206 = tpu.memref_slice %arg7[%dma_wait3A_203, %dma_wait3A_204, %dma_wait3A_205] : memref<2x2x80xi32, #tpu.memory_space<vmem>> -> memref<1x1x80xi32, #tpu.memory_space<vmem>>
      %dma_wait3A_207 = tpu.memref_squeeze %dma_wait3A_206 : memref<1x1x80xi32, #tpu.memory_space<vmem>> -> memref<80xi32, #tpu.memory_space<vmem>>
      %dma_wait3A_208 = arith.constant 0 : i32
      %dma_wait3A_209 = tpu.memref_slice %arg5[%dma_wait3A_208] : memref<320080xi32, #tpu.memory_space<hbm>> -> memref<80xi32, #tpu.memory_space<hbm>>
      %dma_wait3A_210 = arith.constant 0 : i32
      %dma_wait3A_211 = tpu.memref_slice %arg7[%dma_wait3A_203, %dma_wait3A_204, %dma_wait3A_210] : memref<2x2x80xi32, #tpu.memory_space<vmem>> -> memref<1x1x80xi32, #tpu.memory_space<vmem>>
      %dma_wait3A_212 = tpu.memref_squeeze %dma_wait3A_211 : memref<1x1x80xi32, #tpu.memory_space<vmem>> -> memref<80xi32, #tpu.memory_space<vmem>>
      %dma_wait3A_213 = arith.constant 0 : i32
      %dma_wait3A_214 = tpu.memref_slice %arg5[%dma_wait3A_213] : memref<320080xi32, #tpu.memory_space<hbm>> -> memref<80xi32, #tpu.memory_space<hbm>>
      tpu.wait_dma2 semaphore(%arg12 : memref<!tpu.dma_semaphore, #tpu.memory_space<semaphore_mem>>) src(%dma_wait3A_214 : memref<80xi32, #tpu.memory_space<hbm>>) dst(%dma_wait3A_212 : memref<80xi32, #tpu.memory_space<vmem>>)
      %add3A_215 = arith.constant 1 : i32
      %add3A_216 = arith.addi %add3A_190, %add3A_215 : i32
      %dma_start3A_217 = arith.constant 1 : i32
      %dma_start3A_218 = arith.constant 0 : i32
      %dma_start3A_219 = arith.constant 1 : i32
      %dma_start3A_220 = arith.constant 0 : i32
      %dma_start3A_221 = arith.constant 0 : i32
      %dma_start3A_222 = tpu.memref_slice %arg8[%dma_start3A_219, %dma_start3A_220, %dma_start3A_221] : memref<2x80x128xf32, #tpu.memory_space<vmem>> -> memref<1x80x128xf32, #tpu.memory_space<vmem>>
      %dma_start3A_223 = tpu.memref_squeeze %dma_start3A_222 : memref<1x80x128xf32, #tpu.memory_space<vmem>> -> memref<80x128xf32, #tpu.memory_space<vmem>>
      %dma_start3A_224 = arith.constant 0 : i32
      %dma_start3A_225 = tpu.memref_slice %arg7[%dma_start3A_217, %dma_start3A_218, %dma_start3A_224] : memref<2x2x80xi32, #tpu.memory_space<vmem>> -> memref<1x1x80xi32, #tpu.memory_space<vmem>>
      %dma_start3A_226 = tpu.memref_squeeze %dma_start3A_225 : memref<1x1x80xi32, #tpu.memory_space<vmem>> -> memref<80xi32, #tpu.memory_space<vmem>>
      %dma_start3A_227 = arith.constant 0 : i32
      %dma_start3A_228 = arith.constant 0 : i32
      %dma_start3A_229 = tpu.memref_slice %arg2[%dma_start3A_227, %dma_start3A_228] : memref<10000x128xf32, #tpu.memory_space<hbm>> -> memref<10000x128xf32, #tpu.memory_space<hbm>>
      tpu.enqueue_indirect_dma source(%dma_start3A_229 : memref<10000x128xf32, #tpu.memory_space<hbm>>) target(%dma_start3A_223 : memref<80x128xf32, #tpu.memory_space<vmem>>) offsets(%dma_start3A_226 : memref<80xi32, #tpu.memory_space<vmem>>) semaphore(%arg14 : memref<!tpu.dma_semaphore, #tpu.memory_space<semaphore_mem>>)
      %mul3A_230 = arith.constant 80 : i32
      %mul3A_231 = arith.muli %add3A_216, %mul3A_230 : i32
      %add3A_232 = arith.addi %mul3A_15, %mul3A_231 : i32
      %dma_start3A_233 = arith.constant 1 : i32
      %dma_start3A_234 = arith.constant 0 : i32
      %dma_start3A_235 = arith.constant 0 : i32
      %dma_start3A_236 = tpu.memref_slice %arg9[%dma_start3A_233, %dma_start3A_234, %dma_start3A_235] : memref<2x80x128xf32, #tpu.memory_space<vmem>> -> memref<1x80x128xf32, #tpu.memory_space<vmem>>
      %dma_start3A_237 = tpu.memref_squeeze %dma_start3A_236 : memref<1x80x128xf32, #tpu.memory_space<vmem>> -> memref<80x128xf32, #tpu.memory_space<vmem>>
      %dma_start3A_238 = arith.constant 0 : i32
      %dma_start3A_239 = tpu.memref_slice %arg3[%add3A_232, %dma_start3A_238] : memref<320000x128xf32, #tpu.memory_space<hbm>> -> memref<80x128xf32, #tpu.memory_space<hbm>>
      %dma_start3A_240 = arith.constant 0 : i32
      %dma_start3A_241 = arith.constant 0 : i32
      %dma_start3A_242 = tpu.memref_slice %arg9[%dma_start3A_233, %dma_start3A_240, %dma_start3A_241] : memref<2x80x128xf32, #tpu.memory_space<vmem>> -> memref<1x80x128xf32, #tpu.memory_space<vmem>>
      %dma_start3A_243 = tpu.memref_squeeze %dma_start3A_242 : memref<1x80x128xf32, #tpu.memory_space<vmem>> -> memref<80x128xf32, #tpu.memory_space<vmem>>
      %dma_start3A_244 = arith.constant 0 : i32
      %dma_start3A_245 = tpu.memref_slice %arg3[%add3A_232, %dma_start3A_244] : memref<320000x128xf32, #tpu.memory_space<hbm>> -> memref<80x128xf32, #tpu.memory_space<hbm>>
      tpu.enqueue_dma source(%dma_start3A_245 : memref<80x128xf32, #tpu.memory_space<hbm>>) target(%dma_start3A_243 : memref<80x128xf32, #tpu.memory_space<vmem>>) target_semaphore(%arg16 : memref<!tpu.dma_semaphore, #tpu.memory_space<semaphore_mem>>)
      %dma_wait3A_246 = arith.constant 0 : i32
      %dma_wait3A_247 = arith.constant 0 : i32
      %dma_wait3A_248 = arith.constant 0 : i32
      %dma_wait3A_249 = tpu.memref_slice %arg8[%dma_wait3A_246, %dma_wait3A_247, %dma_wait3A_248] : memref<2x80x128xf32, #tpu.memory_space<vmem>> -> memref<1x80x128xf32, #tpu.memory_space<vmem>>
      %dma_wait3A_250 = tpu.memref_squeeze %dma_wait3A_249 : memref<1x80x128xf32, #tpu.memory_space<vmem>> -> memref<80x128xf32, #tpu.memory_space<vmem>>
      %dma_wait3A_251 = arith.constant 0 : i32
      %dma_wait3A_252 = arith.constant 0 : i32
      %dma_wait3A_253 = tpu.memref_slice %arg3[%dma_wait3A_251, %dma_wait3A_252] : memref<320000x128xf32, #tpu.memory_space<hbm>> -> memref<80x128xf32, #tpu.memory_space<hbm>>
      %dma_wait3A_254 = arith.constant 0 : i32
      %dma_wait3A_255 = arith.constant 0 : i32
      %dma_wait3A_256 = tpu.memref_slice %arg8[%dma_wait3A_246, %dma_wait3A_254, %dma_wait3A_255] : memref<2x80x128xf32, #tpu.memory_space<vmem>> -> memref<1x80x128xf32, #tpu.memory_space<vmem>>
      %dma_wait3A_257 = tpu.memref_squeeze %dma_wait3A_256 : memref<1x80x128xf32, #tpu.memory_space<vmem>> -> memref<80x128xf32, #tpu.memory_space<vmem>>
      %dma_wait3A_258 = arith.constant 0 : i32
      %dma_wait3A_259 = arith.constant 0 : i32
      %dma_wait3A_260 = tpu.memref_slice %arg3[%dma_wait3A_258, %dma_wait3A_259] : memref<320000x128xf32, #tpu.memory_space<hbm>> -> memref<80x128xf32, #tpu.memory_space<hbm>>
      tpu.wait_dma2 semaphore(%arg13 : memref<!tpu.dma_semaphore, #tpu.memory_space<semaphore_mem>>) src(%dma_wait3A_260 : memref<80x128xf32, #tpu.memory_space<hbm>>) dst(%dma_wait3A_257 : memref<80x128xf32, #tpu.memory_space<vmem>>)
      %dma_wait3A_261 = arith.constant 0 : i32
      %dma_wait3A_262 = arith.constant 0 : i32
      %dma_wait3A_263 = arith.constant 0 : i32
      %dma_wait3A_264 = tpu.memref_slice %arg9[%dma_wait3A_261, %dma_wait3A_262, %dma_wait3A_263] : memref<2x80x128xf32, #tpu.memory_space<vmem>> -> memref<1x80x128xf32, #tpu.memory_space<vmem>>
      %dma_wait3A_265 = tpu.memref_squeeze %dma_wait3A_264 : memref<1x80x128xf32, #tpu.memory_space<vmem>> -> memref<80x128xf32, #tpu.memory_space<vmem>>
      %dma_wait3A_266 = arith.constant 0 : i32
      %dma_wait3A_267 = arith.constant 0 : i32
      %dma_wait3A_268 = tpu.memref_slice %arg3[%dma_wait3A_266, %dma_wait3A_267] : memref<320000x128xf32, #tpu.memory_space<hbm>> -> memref<80x128xf32, #tpu.memory_space<hbm>>
      %dma_wait3A_269 = arith.constant 0 : i32
      %dma_wait3A_270 = arith.constant 0 : i32
      %dma_wait3A_271 = tpu.memref_slice %arg9[%dma_wait3A_261, %dma_wait3A_269, %dma_wait3A_270] : memref<2x80x128xf32, #tpu.memory_space<vmem>> -> memref<1x80x128xf32, #tpu.memory_space<vmem>>
      %dma_wait3A_272 = tpu.memref_squeeze %dma_wait3A_271 : memref<1x80x128xf32, #tpu.memory_space<vmem>> -> memref<80x128xf32, #tpu.memory_space<vmem>>
      %dma_wait3A_273 = arith.constant 0 : i32
      %dma_wait3A_274 = arith.constant 0 : i32
      %dma_wait3A_275 = tpu.memref_slice %arg3[%dma_wait3A_273, %dma_wait3A_274] : memref<320000x128xf32, #tpu.memory_space<hbm>> -> memref<80x128xf32, #tpu.memory_space<hbm>>
      tpu.wait_dma2 semaphore(%arg15 : memref<!tpu.dma_semaphore, #tpu.memory_space<semaphore_mem>>) src(%dma_wait3A_275 : memref<80x128xf32, #tpu.memory_space<hbm>>) dst(%dma_wait3A_272 : memref<80x128xf32, #tpu.memory_space<vmem>>)
      %scan3A_276 = arith.constant 0 : i32
      %scan3A_277 = arith.constant 0 : i32
      %scan3A_278 = arith.constant 80 : i32
      %scan3A_279 = arith.addi %scan3A_277, %scan3A_278 : i32
      %scan3A_280 = arith.constant 1 : i32
      %scan3A_281 = scf.for %scan3A_436 = %scan3A_277 to %scan3A_279 step %scan3A_280 iter_args(%scan3A_437 = %scan3A_276) -> (i32)  : i32 {
        %get3A = arith.constant 0 : i32
        %get3A_438 = arith.index_cast %get3A : i32 to index
        %get3A_439 = arith.index_cast %scan3A_436 : i32 to index
        %get3A_440 = arith.constant 0 : index
        %get3A_441 = tpu.vector_load %arg8[%get3A_438, %get3A_439, %get3A_440] {strides = array<i32>} : memref<2x80x128xf32, #tpu.memory_space<vmem>>, vector<1x1x16xf32>,
        %get3A_442 = vector.shape_cast %get3A_441 : vector<1x1x16xf32> to vector<16xf32>
        %get3A_443 = arith.constant 0 : i32
        %get3A_444 = arith.index_cast %get3A_443 : i32 to index
        %get3A_445 = arith.index_cast %scan3A_436 : i32 to index
        %get3A_446 = arith.constant 0 : index
        %get3A_447 = tpu.vector_load %arg9[%get3A_444, %get3A_445, %get3A_446] {strides = array<i32>} : memref<2x80x128xf32, #tpu.memory_space<vmem>>, vector<1x1x16xf32>,
        %get3A_448 = vector.shape_cast %get3A_447 : vector<1x1x16xf32> to vector<16xf32>
        %add3A_449 = arith.addf %get3A_442, %get3A_448 : vector<16xf32>
        %max3A = arith.constant 0.000000e+00 : f32
        %max3A_450 = vector.broadcast %max3A : f32 to vector<16xf32>
        %max3A_451 = arith.maximumf %add3A_449, %max3A_450 : vector<16xf32>
        %swap3A = arith.constant 0 : i32
        %swap3A_452 = arith.index_cast %swap3A : i32 to index
        %swap3A_453 = arith.index_cast %scan3A_436 : i32 to index
        %swap3A_454 = arith.constant 0 : index
        %swap3A_455 = tpu.vector_load %arg8[%swap3A_452, %swap3A_453, %swap3A_454] {strides = array<i32>} : memref<2x80x128xf32, #tpu.memory_space<vmem>>, vector<1x1x16xf32>,
        %swap3A_456 = vector.shape_cast %swap3A_455 : vector<1x1x16xf32> to vector<16xf32>
        %swap3A_457 = vector.shape_cast %max3A_451 : vector<16xf32> to vector<1x1x16xf32>
        tpu.vector_store %arg8[%swap3A_452, %swap3A_453, %swap3A_454], %swap3A_457 {strides = array<i32>} : memref<2x80x128xf32, #tpu.memory_space<vmem>>, vector<1x1x16xf32>,
        %get3A_458 = arith.constant 0 : i32
        %get3A_459 = arith.index_cast %get3A_458 : i32 to index
        %get3A_460 = arith.index_cast %scan3A_436 : i32 to index
        %get3A_461 = arith.constant 16 : index
        %get3A_462 = tpu.vector_load %arg8[%get3A_459, %get3A_460, %get3A_461] {strides = array<i32>} : memref<2x80x128xf32, #tpu.memory_space<vmem>>, vector<1x1x16xf32>,
        %get3A_463 = vector.shape_cast %get3A_462 : vector<1x1x16xf32> to vector<16xf32>
        %get3A_464 = arith.constant 0 : i32
        %get3A_465 = arith.index_cast %get3A_464 : i32 to index
        %get3A_466 = arith.index_cast %scan3A_436 : i32 to index
        %get3A_467 = arith.constant 16 : index
        %get3A_468 = tpu.vector_load %arg9[%get3A_465, %get3A_466, %get3A_467] {strides = array<i32>} : memref<2x80x128xf32, #tpu.memory_space<vmem>>, vector<1x1x16xf32>,
        %get3A_469 = vector.shape_cast %get3A_468 : vector<1x1x16xf32> to vector<16xf32>
        %add3A_470 = arith.addf %get3A_463, %get3A_469 : vector<16xf32>
        %max3A_471 = arith.constant 0.000000e+00 : f32
        %max3A_472 = vector.broadcast %max3A_471 : f32 to vector<16xf32>
        %max3A_473 = arith.maximumf %add3A_470, %max3A_472 : vector<16xf32>
        %swap3A_474 = arith.constant 0 : i32
        %swap3A_475 = arith.index_cast %swap3A_474 : i32 to index
        %swap3A_476 = arith.index_cast %scan3A_436 : i32 to index
        %swap3A_477 = arith.constant 16 : index
        %swap3A_478 = tpu.vector_load %arg8[%swap3A_475, %swap3A_476, %swap3A_477] {strides = array<i32>} : memref<2x80x128xf32, #tpu.memory_space<vmem>>, vector<1x1x16xf32>,
        %swap3A_479 = vector.shape_cast %swap3A_478 : vector<1x1x16xf32> to vector<16xf32>
        %swap3A_480 = vector.shape_cast %max3A_473 : vector<16xf32> to vector<1x1x16xf32>
        tpu.vector_store %arg8[%swap3A_475, %swap3A_476, %swap3A_477], %swap3A_480 {strides = array<i32>} : memref<2x80x128xf32, #tpu.memory_space<vmem>>, vector<1x1x16xf32>,
        %get3A_481 = arith.constant 0 : i32
        %get3A_482 = arith.index_cast %get3A_481 : i32 to index
        %get3A_483 = arith.index_cast %scan3A_436 : i32 to index
        %get3A_484 = arith.constant 32 : index
        %get3A_485 = tpu.vector_load %arg8[%get3A_482, %get3A_483, %get3A_484] {strides = array<i32>} : memref<2x80x128xf32, #tpu.memory_space<vmem>>, vector<1x1x16xf32>,
        %get3A_486 = vector.shape_cast %get3A_485 : vector<1x1x16xf32> to vector<16xf32>
        %get3A_487 = arith.constant 0 : i32
        %get3A_488 = arith.index_cast %get3A_487 : i32 to index
        %get3A_489 = arith.index_cast %scan3A_436 : i32 to index
        %get3A_490 = arith.constant 32 : index
        %get3A_491 = tpu.vector_load %arg9[%get3A_488, %get3A_489, %get3A_490] {strides = array<i32>} : memref<2x80x128xf32, #tpu.memory_space<vmem>>, vector<1x1x16xf32>,
        %get3A_492 = vector.shape_cast %get3A_491 : vector<1x1x16xf32> to vector<16xf32>
        %add3A_493 = arith.addf %get3A_486, %get3A_492 : vector<16xf32>
        %max3A_494 = arith.constant 0.000000e+00 : f32
        %max3A_495 = vector.broadcast %max3A_494 : f32 to vector<16xf32>
        %max3A_496 = arith.maximumf %add3A_493, %max3A_495 : vector<16xf32>
        %swap3A_497 = arith.constant 0 : i32
        %swap3A_498 = arith.index_cast %swap3A_497 : i32 to index
        %swap3A_499 = arith.index_cast %scan3A_436 : i32 to index
        %swap3A_500 = arith.constant 32 : index
        %swap3A_501 = tpu.vector_load %arg8[%swap3A_498, %swap3A_499, %swap3A_500] {strides = array<i32>} : memref<2x80x128xf32, #tpu.memory_space<vmem>>, vector<1x1x16xf32>,
        %swap3A_502 = vector.shape_cast %swap3A_501 : vector<1x1x16xf32> to vector<16xf32>
        %swap3A_503 = vector.shape_cast %max3A_496 : vector<16xf32> to vector<1x1x16xf32>
        tpu.vector_store %arg8[%swap3A_498, %swap3A_499, %swap3A_500], %swap3A_503 {strides = array<i32>} : memref<2x80x128xf32, #tpu.memory_space<vmem>>, vector<1x1x16xf32>,
        %get3A_504 = arith.constant 0 : i32
        %get3A_505 = arith.index_cast %get3A_504 : i32 to index
        %get3A_506 = arith.index_cast %scan3A_436 : i32 to index
        %get3A_507 = arith.constant 48 : index
        %get3A_508 = tpu.vector_load %arg8[%get3A_505, %get3A_506, %get3A_507] {strides = array<i32>} : memref<2x80x128xf32, #tpu.memory_space<vmem>>, vector<1x1x16xf32>,
        %get3A_509 = vector.shape_cast %get3A_508 : vector<1x1x16xf32> to vector<16xf32>
        %get3A_510 = arith.constant 0 : i32
        %get3A_511 = arith.index_cast %get3A_510 : i32 to index
        %get3A_512 = arith.index_cast %scan3A_436 : i32 to index
        %get3A_513 = arith.constant 48 : index
        %get3A_514 = tpu.vector_load %arg9[%get3A_511, %get3A_512, %get3A_513] {strides = array<i32>} : memref<2x80x128xf32, #tpu.memory_space<vmem>>, vector<1x1x16xf32>,
        %get3A_515 = vector.shape_cast %get3A_514 : vector<1x1x16xf32> to vector<16xf32>
        %add3A_516 = arith.addf %get3A_509, %get3A_515 : vector<16xf32>
        %max3A_517 = arith.constant 0.000000e+00 : f32
        %max3A_518 = vector.broadcast %max3A_517 : f32 to vector<16xf32>
        %max3A_519 = arith.maximumf %add3A_516, %max3A_518 : vector<16xf32>
        %swap3A_520 = arith.constant 0 : i32
        %swap3A_521 = arith.index_cast %swap3A_520 : i32 to index
        %swap3A_522 = arith.index_cast %scan3A_436 : i32 to index
        %swap3A_523 = arith.constant 48 : index
        %swap3A_524 = tpu.vector_load %arg8[%swap3A_521, %swap3A_522, %swap3A_523] {strides = array<i32>} : memref<2x80x128xf32, #tpu.memory_space<vmem>>, vector<1x1x16xf32>,
        %swap3A_525 = vector.shape_cast %swap3A_524 : vector<1x1x16xf32> to vector<16xf32>
        %swap3A_526 = vector.shape_cast %max3A_519 : vector<16xf32> to vector<1x1x16xf32>
        tpu.vector_store %arg8[%swap3A_521, %swap3A_522, %swap3A_523], %swap3A_526 {strides = array<i32>} : memref<2x80x128xf32, #tpu.memory_space<vmem>>, vector<1x1x16xf32>,
        %get3A_527 = arith.constant 0 : i32
        %get3A_528 = arith.index_cast %get3A_527 : i32 to index
        %get3A_529 = arith.index_cast %scan3A_436 : i32 to index
        %get3A_530 = arith.constant 64 : index
        %get3A_531 = tpu.vector_load %arg8[%get3A_528, %get3A_529, %get3A_530] {strides = array<i32>} : memref<2x80x128xf32, #tpu.memory_space<vmem>>, vector<1x1x16xf32>,
        %get3A_532 = vector.shape_cast %get3A_531 : vector<1x1x16xf32> to vector<16xf32>
        %get3A_533 = arith.constant 0 : i32
        %get3A_534 = arith.index_cast %get3A_533 : i32 to index
        %get3A_535 = arith.index_cast %scan3A_436 : i32 to index
        %get3A_536 = arith.constant 64 : index
        %get3A_537 = tpu.vector_load %arg9[%get3A_534, %get3A_535, %get3A_536] {strides = array<i32>} : memref<2x80x128xf32, #tpu.memory_space<vmem>>, vector<1x1x16xf32>,
        %get3A_538 = vector.shape_cast %get3A_537 : vector<1x1x16xf32> to vector<16xf32>
        %add3A_539 = arith.addf %get3A_532, %get3A_538 : vector<16xf32>
        %max3A_540 = arith.constant 0.000000e+00 : f32
        %max3A_541 = vector.broadcast %max3A_540 : f32 to vector<16xf32>
        %max3A_542 = arith.maximumf %add3A_539, %max3A_541 : vector<16xf32>
        %swap3A_543 = arith.constant 0 : i32
        %swap3A_544 = arith.index_cast %swap3A_543 : i32 to index
        %swap3A_545 = arith.index_cast %scan3A_436 : i32 to index
        %swap3A_546 = arith.constant 64 : index
        %swap3A_547 = tpu.vector_load %arg8[%swap3A_544, %swap3A_545, %swap3A_546] {strides = array<i32>} : memref<2x80x128xf32, #tpu.memory_space<vmem>>, vector<1x1x16xf32>,
        %swap3A_548 = vector.shape_cast %swap3A_547 : vector<1x1x16xf32> to vector<16xf32>
        %swap3A_549 = vector.shape_cast %max3A_542 : vector<16xf32> to vector<1x1x16xf32>
        tpu.vector_store %arg8[%swap3A_544, %swap3A_545, %swap3A_546], %swap3A_549 {strides = array<i32>} : memref<2x80x128xf32, #tpu.memory_space<vmem>>, vector<1x1x16xf32>,
        %get3A_550 = arith.constant 0 : i32
        %get3A_551 = arith.index_cast %get3A_550 : i32 to index
        %get3A_552 = arith.index_cast %scan3A_436 : i32 to index
        %get3A_553 = arith.constant 80 : index
        %get3A_554 = tpu.vector_load %arg8[%get3A_551, %get3A_552, %get3A_553] {strides = array<i32>} : memref<2x80x128xf32, #tpu.memory_space<vmem>>, vector<1x1x16xf32>,
        %get3A_555 = vector.shape_cast %get3A_554 : vector<1x1x16xf32> to vector<16xf32>
        %get3A_556 = arith.constant 0 : i32
        %get3A_557 = arith.index_cast %get3A_556 : i32 to index
        %get3A_558 = arith.index_cast %scan3A_436 : i32 to index
        %get3A_559 = arith.constant 80 : index
        %get3A_560 = tpu.vector_load %arg9[%get3A_557, %get3A_558, %get3A_559] {strides = array<i32>} : memref<2x80x128xf32, #tpu.memory_space<vmem>>, vector<1x1x16xf32>,
        %get3A_561 = vector.shape_cast %get3A_560 : vector<1x1x16xf32> to vector<16xf32>
        %add3A_562 = arith.addf %get3A_555, %get3A_561 : vector<16xf32>
        %max3A_563 = arith.constant 0.000000e+00 : f32
        %max3A_564 = vector.broadcast %max3A_563 : f32 to vector<16xf32>
        %max3A_565 = arith.maximumf %add3A_562, %max3A_564 : vector<16xf32>
        %swap3A_566 = arith.constant 0 : i32
        %swap3A_567 = arith.index_cast %swap3A_566 : i32 to index
        %swap3A_568 = arith.index_cast %scan3A_436 : i32 to index
        %swap3A_569 = arith.constant 80 : index
        %swap3A_570 = tpu.vector_load %arg8[%swap3A_567, %swap3A_568, %swap3A_569] {strides = array<i32>} : memref<2x80x128xf32, #tpu.memory_space<vmem>>, vector<1x1x16xf32>,
        %swap3A_571 = vector.shape_cast %swap3A_570 : vector<1x1x16xf32> to vector<16xf32>
        %swap3A_572 = vector.shape_cast %max3A_565 : vector<16xf32> to vector<1x1x16xf32>
        tpu.vector_store %arg8[%swap3A_567, %swap3A_568, %swap3A_569], %swap3A_572 {strides = array<i32>} : memref<2x80x128xf32, #tpu.memory_space<vmem>>, vector<1x1x16xf32>,
        %get3A_573 = arith.constant 0 : i32
        %get3A_574 = arith.index_cast %get3A_573 : i32 to index
        %get3A_575 = arith.index_cast %scan3A_436 : i32 to index
        %get3A_576 = arith.constant 96 : index
        %get3A_577 = tpu.vector_load %arg8[%get3A_574, %get3A_575, %get3A_576] {strides = array<i32>} : memref<2x80x128xf32, #tpu.memory_space<vmem>>, vector<1x1x16xf32>,
        %get3A_578 = vector.shape_cast %get3A_577 : vector<1x1x16xf32> to vector<16xf32>
        %get3A_579 = arith.constant 0 : i32
        %get3A_580 = arith.index_cast %get3A_579 : i32 to index
        %get3A_581 = arith.index_cast %scan3A_436 : i32 to index
        %get3A_582 = arith.constant 96 : index
        %get3A_583 = tpu.vector_load %arg9[%get3A_580, %get3A_581, %get3A_582] {strides = array<i32>} : memref<2x80x128xf32, #tpu.memory_space<vmem>>, vector<1x1x16xf32>,
        %get3A_584 = vector.shape_cast %get3A_583 : vector<1x1x16xf32> to vector<16xf32>
        %add3A_585 = arith.addf %get3A_578, %get3A_584 : vector<16xf32>
        %max3A_586 = arith.constant 0.000000e+00 : f32
        %max3A_587 = vector.broadcast %max3A_586 : f32 to vector<16xf32>
        %max3A_588 = arith.maximumf %add3A_585, %max3A_587 : vector<16xf32>
        %swap3A_589 = arith.constant 0 : i32
        %swap3A_590 = arith.index_cast %swap3A_589 : i32 to index
        %swap3A_591 = arith.index_cast %scan3A_436 : i32 to index
        %swap3A_592 = arith.constant 96 : index
        %swap3A_593 = tpu.vector_load %arg8[%swap3A_590, %swap3A_591, %swap3A_592] {strides = array<i32>} : memref<2x80x128xf32, #tpu.memory_space<vmem>>, vector<1x1x16xf32>,
        %swap3A_594 = vector.shape_cast %swap3A_593 : vector<1x1x16xf32> to vector<16xf32>
        %swap3A_595 = vector.shape_cast %max3A_588 : vector<16xf32> to vector<1x1x16xf32>
        tpu.vector_store %arg8[%swap3A_590, %swap3A_591, %swap3A_592], %swap3A_595 {strides = array<i32>} : memref<2x80x128xf32, #tpu.memory_space<vmem>>, vector<1x1x16xf32>,
        %get3A_596 = arith.constant 0 : i32
        %get3A_597 = arith.index_cast %get3A_596 : i32 to index
        %get3A_598 = arith.index_cast %scan3A_436 : i32 to index
        %get3A_599 = arith.constant 112 : index
        %get3A_600 = tpu.vector_load %arg8[%get3A_597, %get3A_598, %get3A_599] {strides = array<i32>} : memref<2x80x128xf32, #tpu.memory_space<vmem>>, vector<1x1x16xf32>,
        %get3A_601 = vector.shape_cast %get3A_600 : vector<1x1x16xf32> to vector<16xf32>
        %get3A_602 = arith.constant 0 : i32
        %get3A_603 = arith.index_cast %get3A_602 : i32 to index
        %get3A_604 = arith.index_cast %scan3A_436 : i32 to index
        %get3A_605 = arith.constant 112 : index
        %get3A_606 = tpu.vector_load %arg9[%get3A_603, %get3A_604, %get3A_605] {strides = array<i32>} : memref<2x80x128xf32, #tpu.memory_space<vmem>>, vector<1x1x16xf32>,
        %get3A_607 = vector.shape_cast %get3A_606 : vector<1x1x16xf32> to vector<16xf32>
        %add3A_608 = arith.addf %get3A_601, %get3A_607 : vector<16xf32>
        %max3A_609 = arith.constant 0.000000e+00 : f32
        %max3A_610 = vector.broadcast %max3A_609 : f32 to vector<16xf32>
        %max3A_611 = arith.maximumf %add3A_608, %max3A_610 : vector<16xf32>
        %swap3A_612 = arith.constant 0 : i32
        %swap3A_613 = arith.index_cast %swap3A_612 : i32 to index
        %swap3A_614 = arith.index_cast %scan3A_436 : i32 to index
        %swap3A_615 = arith.constant 112 : index
        %swap3A_616 = tpu.vector_load %arg8[%swap3A_613, %swap3A_614, %swap3A_615] {strides = array<i32>} : memref<2x80x128xf32, #tpu.memory_space<vmem>>, vector<1x1x16xf32>,
        %swap3A_617 = vector.shape_cast %swap3A_616 : vector<1x1x16xf32> to vector<16xf32>
        %swap3A_618 = vector.shape_cast %max3A_611 : vector<16xf32> to vector<1x1x16xf32>
        tpu.vector_store %arg8[%swap3A_613, %swap3A_614, %swap3A_615], %swap3A_618 {strides = array<i32>} : memref<2x80x128xf32, #tpu.memory_space<vmem>>, vector<1x1x16xf32>,
        %scan3A_619 = arith.constant 0 : i32
        scf.yield %scan3A_619 : i32
      }
      %scan3A_282 = arith.constant 80 : i32
      %run_scoped3A_283 = arith.constant 0 : i32
      %run_scoped3A_284 = arith.constant 0 : i32
      %run_scoped3A_285 = arith.constant 1 : i32
      "tpu.region"() ({
        %run_scoped3A_436 = tpu.sem_alloc : memref<!tpu.dma_semaphore, #tpu.memory_space<semaphore_mem>>
        %dma_start3A_437 = arith.constant 0 : i32
        %dma_start3A_438 = arith.constant 0 : i32
        %dma_start3A_439 = tpu.memref_slice %arg8[%run_scoped3A_283, %dma_start3A_437, %dma_start3A_438] : memref<2x80x128xf32, #tpu.memory_space<vmem>> -> memref<1x80x128xf32, #tpu.memory_space<vmem>>
        %dma_start3A_440 = tpu.memref_squeeze %dma_start3A_439 : memref<1x80x128xf32, #tpu.memory_space<vmem>> -> memref<80x128xf32, #tpu.memory_space<vmem>>
        %dma_start3A_441 = arith.constant 0 : i32
        %dma_start3A_442 = tpu.memref_slice %arg7[%run_scoped3A_284, %run_scoped3A_285, %dma_start3A_441] : memref<2x2x80xi32, #tpu.memory_space<vmem>> -> memref<1x1x80xi32, #tpu.memory_space<vmem>>
        %dma_start3A_443 = tpu.memref_squeeze %dma_start3A_442 : memref<1x1x80xi32, #tpu.memory_space<vmem>> -> memref<80xi32, #tpu.memory_space<vmem>>
        %dma_start3A_444 = arith.constant 0 : i32
        %dma_start3A_445 = arith.constant 0 : i32
        %dma_start3A_446 = tpu.memref_slice %arg10[%dma_start3A_444, %dma_start3A_445] : memref<10240x128xf32, #tpu.memory_space<vmem_shared>> -> memref<10240x128xf32, #tpu.memory_space<vmem_shared>>
        tpu.enqueue_indirect_dma source(%dma_start3A_440 : memref<80x128xf32, #tpu.memory_space<vmem>>) target(%dma_start3A_446 : memref<10240x128xf32, #tpu.memory_space<vmem_shared>>) offsets(%dma_start3A_443 : memref<80xi32, #tpu.memory_space<vmem>>) semaphore(%run_scoped3A_436 : memref<!tpu.dma_semaphore, #tpu.memory_space<semaphore_mem>>) {add = true}
        %dma_wait3A_447 = arith.constant 0 : i32
        %dma_wait3A_448 = arith.constant 0 : i32
        %dma_wait3A_449 = tpu.memref_slice %arg8[%run_scoped3A_283, %dma_wait3A_447, %dma_wait3A_448] : memref<2x80x128xf32, #tpu.memory_space<vmem>> -> memref<1x80x128xf32, #tpu.memory_space<vmem>>
        %dma_wait3A_450 = tpu.memref_squeeze %dma_wait3A_449 : memref<1x80x128xf32, #tpu.memory_space<vmem>> -> memref<80x128xf32, #tpu.memory_space<vmem>>
        %dma_wait3A_451 = arith.constant 0 : i32
        %dma_wait3A_452 = tpu.memref_slice %arg7[%run_scoped3A_284, %run_scoped3A_285, %dma_wait3A_451] : memref<2x2x80xi32, #tpu.memory_space<vmem>> -> memref<1x1x80xi32, #tpu.memory_space<vmem>>
        %dma_wait3A_453 = tpu.memref_squeeze %dma_wait3A_452 : memref<1x1x80xi32, #tpu.memory_space<vmem>> -> memref<80xi32, #tpu.memory_space<vmem>>
        %dma_wait3A_454 = arith.constant 0 : i32
        %dma_wait3A_455 = arith.constant 0 : i32
        %dma_wait3A_456 = tpu.memref_slice %arg10[%dma_wait3A_454, %dma_wait3A_455] : memref<10240x128xf32, #tpu.memory_space<vmem_shared>> -> memref<10240x128xf32, #tpu.memory_space<vmem_shared>>
        tpu.wait_indirect_dma semaphore(%run_scoped3A_436 : memref<!tpu.dma_semaphore, #tpu.memory_space<semaphore_mem>>) src(%dma_wait3A_450 : memref<80x128xf32, #tpu.memory_space<vmem>>) dst(%dma_wait3A_456 : memref<10240x128xf32, #tpu.memory_space<vmem_shared>>)
        tpu.yield
      }) : () -> ()
      %add3A_286 = arith.constant 2 : i32
      %add3A_287 = arith.addi %add3A_190, %add3A_286 : i32
      %mul3A_288 = arith.constant 80 : i32
      %mul3A_289 = arith.muli %add3A_287, %mul3A_288 : i32
      %add3A_290 = arith.addi %mul3A_15, %mul3A_289 : i32
      %dma_start3A_291 = arith.constant 0 : i32
      %dma_start3A_292 = arith.constant 0 : i32
      %dma_start3A_293 = arith.constant 0 : i32
      %dma_start3A_294 = tpu.memref_slice %arg7[%dma_start3A_291, %dma_start3A_292, %dma_start3A_293] : memref<2x2x80xi32, #tpu.memory_space<vmem>> -> memref<1x1x80xi32, #tpu.memory_space<vmem>>
      %dma_start3A_295 = tpu.memref_squeeze %dma_start3A_294 : memref<1x1x80xi32, #tpu.memory_space<vmem>> -> memref<80xi32, #tpu.memory_space<vmem>>
      %dma_start3A_296 = tpu.memref_slice %arg4[%add3A_290] : memref<320080xi32, #tpu.memory_space<hbm>> -> memref<80xi32, #tpu.memory_space<hbm>>
      %dma_start3A_297 = arith.constant 0 : i32
      %dma_start3A_298 = tpu.memref_slice %arg7[%dma_start3A_291, %dma_start3A_292, %dma_start3A_297] : memref<2x2x80xi32, #tpu.memory_space<vmem>> -> memref<1x1x80xi32, #tpu.memory_space<vmem>>
      %dma_start3A_299 = tpu.memref_squeeze %dma_start3A_298 : memref<1x1x80xi32, #tpu.memory_space<vmem>> -> memref<80xi32, #tpu.memory_space<vmem>>
      %dma_start3A_300 = tpu.memref_slice %arg4[%add3A_290] : memref<320080xi32, #tpu.memory_space<hbm>> -> memref<80xi32, #tpu.memory_space<hbm>>
      tpu.enqueue_dma source(%dma_start3A_300 : memref<80xi32, #tpu.memory_space<hbm>>) target(%dma_start3A_299 : memref<80xi32, #tpu.memory_space<vmem>>) target_semaphore(%arg11 : memref<!tpu.dma_semaphore, #tpu.memory_space<semaphore_mem>>)
      %dma_start3A_301 = arith.constant 0 : i32
      %dma_start3A_302 = arith.constant 1 : i32
      %dma_start3A_303 = arith.constant 0 : i32
      %dma_start3A_304 = tpu.memref_slice %arg7[%dma_start3A_301, %dma_start3A_302, %dma_start3A_303] : memref<2x2x80xi32, #tpu.memory_space<vmem>> -> memref<1x1x80xi32, #tpu.memory_space<vmem>>
      %dma_start3A_305 = tpu.memref_squeeze %dma_start3A_304 : memref<1x1x80xi32, #tpu.memory_space<vmem>> -> memref<80xi32, #tpu.memory_space<vmem>>
      %dma_start3A_306 = tpu.memref_slice %arg5[%add3A_290] : memref<320080xi32, #tpu.memory_space<hbm>> -> memref<80xi32, #tpu.memory_space<hbm>>
      %dma_start3A_307 = arith.constant 0 : i32
      %dma_start3A_308 = tpu.memref_slice %arg7[%dma_start3A_301, %dma_start3A_302, %dma_start3A_307] : memref<2x2x80xi32, #tpu.memory_space<vmem>> -> memref<1x1x80xi32, #tpu.memory_space<vmem>>
      %dma_start3A_309 = tpu.memref_squeeze %dma_start3A_308 : memref<1x1x80xi32, #tpu.memory_space<vmem>> -> memref<80xi32, #tpu.memory_space<vmem>>
      %dma_start3A_310 = tpu.memref_slice %arg5[%add3A_290] : memref<320080xi32, #tpu.memory_space<hbm>> -> memref<80xi32, #tpu.memory_space<hbm>>
      tpu.enqueue_dma source(%dma_start3A_310 : memref<80xi32, #tpu.memory_space<hbm>>) target(%dma_start3A_309 : memref<80xi32, #tpu.memory_space<vmem>>) target_semaphore(%arg11 : memref<!tpu.dma_semaphore, #tpu.memory_space<semaphore_mem>>)
      %mul3A_311 = arith.constant 2 : i32
      %mul3A_312 = arith.muli %mul3A_311, %scan3A_185 : i32
      %add3A_313 = arith.constant 1 : i32
      %add3A_314 = arith.addi %mul3A_312, %add3A_313 : i32
      %dma_wait3A_315 = arith.constant 0 : i32
      %dma_wait3A_316 = arith.constant 0 : i32
      %dma_wait3A_317 = arith.constant 0 : i32
      %dma_wait3A_318 = tpu.memref_slice %arg7[%dma_wait3A_315, %dma_wait3A_316, %dma_wait3A_317] : memref<2x2x80xi32, #tpu.memory_space<vmem>> -> memref<1x1x80xi32, #tpu.memory_space<vmem>>
      %dma_wait3A_319 = tpu.memref_squeeze %dma_wait3A_318 : memref<1x1x80xi32, #tpu.memory_space<vmem>> -> memref<80xi32, #tpu.memory_space<vmem>>
      %dma_wait3A_320 = arith.constant 0 : i32
      %dma_wait3A_321 = tpu.memref_slice %arg4[%dma_wait3A_320] : memref<320080xi32, #tpu.memory_space<hbm>> -> memref<80xi32, #tpu.memory_space<hbm>>
      %dma_wait3A_322 = arith.constant 0 : i32
      %dma_wait3A_323 = tpu.memref_slice %arg7[%dma_wait3A_315, %dma_wait3A_316, %dma_wait3A_322] : memref<2x2x80xi32, #tpu.memory_space<vmem>> -> memref<1x1x80xi32, #tpu.memory_space<vmem>>
      %dma_wait3A_324 = tpu.memref_squeeze %dma_wait3A_323 : memref<1x1x80xi32, #tpu.memory_space<vmem>> -> memref<80xi32, #tpu.memory_space<vmem>>
      %dma_wait3A_325 = arith.constant 0 : i32
      %dma_wait3A_326 = tpu.memref_slice %arg4[%dma_wait3A_325] : memref<320080xi32, #tpu.memory_space<hbm>> -> memref<80xi32, #tpu.memory_space<hbm>>
      tpu.wait_dma2 semaphore(%arg11 : memref<!tpu.dma_semaphore, #tpu.memory_space<semaphore_mem>>) src(%dma_wait3A_326 : memref<80xi32, #tpu.memory_space<hbm>>) dst(%dma_wait3A_324 : memref<80xi32, #tpu.memory_space<vmem>>)
      %dma_wait3A_327 = arith.constant 0 : i32
      %dma_wait3A_328 = arith.constant 1 : i32
      %dma_wait3A_329 = arith.constant 0 : i32
      %dma_wait3A_330 = tpu.memref_slice %arg7[%dma_wait3A_327, %dma_wait3A_328, %dma_wait3A_329] : memref<2x2x80xi32, #tpu.memory_space<vmem>> -> memref<1x1x80xi32, #tpu.memory_space<vmem>>
      %dma_wait3A_331 = tpu.memref_squeeze %dma_wait3A_330 : memref<1x1x80xi32, #tpu.memory_space<vmem>> -> memref<80xi32, #tpu.memory_space<vmem>>
      %dma_wait3A_332 = arith.constant 0 : i32
      %dma_wait3A_333 = tpu.memref_slice %arg5[%dma_wait3A_332] : memref<320080xi32, #tpu.memory_space<hbm>> -> memref<80xi32, #tpu.memory_space<hbm>>
      %dma_wait3A_334 = arith.constant 0 : i32
      %dma_wait3A_335 = tpu.memref_slice %arg7[%dma_wait3A_327, %dma_wait3A_328, %dma_wait3A_334] : memref<2x2x80xi32, #tpu.memory_space<vmem>> -> memref<1x1x80xi32, #tpu.memory_space<vmem>>
      %dma_wait3A_336 = tpu.memref_squeeze %dma_wait3A_335 : memref<1x1x80xi32, #tpu.memory_space<vmem>> -> memref<80xi32, #tpu.memory_space<vmem>>
      %dma_wait3A_337 = arith.constant 0 : i32
      %dma_wait3A_338 = tpu.memref_slice %arg5[%dma_wait3A_337] : memref<320080xi32, #tpu.memory_space<hbm>> -> memref<80xi32, #tpu.memory_space<hbm>>
      tpu.wait_dma2 semaphore(%arg11 : memref<!tpu.dma_semaphore, #tpu.memory_space<semaphore_mem>>) src(%dma_wait3A_338 : memref<80xi32, #tpu.memory_space<hbm>>) dst(%dma_wait3A_336 : memref<80xi32, #tpu.memory_space<vmem>>)
      %add3A_339 = arith.constant 1 : i32
      %add3A_340 = arith.addi %add3A_314, %add3A_339 : i32
      %dma_start3A_341 = arith.constant 0 : i32
      %dma_start3A_342 = arith.constant 0 : i32
      %dma_start3A_343 = arith.constant 0 : i32
      %dma_start3A_344 = arith.constant 0 : i32
      %dma_start3A_345 = arith.constant 0 : i32
      %dma_start3A_346 = tpu.memref_slice %arg8[%dma_start3A_343, %dma_start3A_344, %dma_start3A_345] : memref<2x80x128xf32, #tpu.memory_space<vmem>> -> memref<1x80x128xf32, #tpu.memory_space<vmem>>
      %dma_start3A_347 = tpu.memref_squeeze %dma_start3A_346 : memref<1x80x128xf32, #tpu.memory_space<vmem>> -> memref<80x128xf32, #tpu.memory_space<vmem>>
      %dma_start3A_348 = arith.constant 0 : i32
      %dma_start3A_349 = tpu.memref_slice %arg7[%dma_start3A_341, %dma_start3A_342, %dma_start3A_348] : memref<2x2x80xi32, #tpu.memory_space<vmem>> -> memref<1x1x80xi32, #tpu.memory_space<vmem>>
      %dma_start3A_350 = tpu.memref_squeeze %dma_start3A_349 : memref<1x1x80xi32, #tpu.memory_space<vmem>> -> memref<80xi32, #tpu.memory_space<vmem>>
      %dma_start3A_351 = arith.constant 0 : i32
      %dma_start3A_352 = arith.constant 0 : i32
      %dma_start3A_353 = tpu.memref_slice %arg2[%dma_start3A_351, %dma_start3A_352] : memref<10000x128xf32, #tpu.memory_space<hbm>> -> memref<10000x128xf32, #tpu.memory_space<hbm>>
      tpu.enqueue_indirect_dma source(%dma_start3A_353 : memref<10000x128xf32, #tpu.memory_space<hbm>>) target(%dma_start3A_347 : memref<80x128xf32, #tpu.memory_space<vmem>>) offsets(%dma_start3A_350 : memref<80xi32, #tpu.memory_space<vmem>>) semaphore(%arg13 : memref<!tpu.dma_semaphore, #tpu.memory_space<semaphore_mem>>)
      %mul3A_354 = arith.constant 80 : i32
      %mul3A_355 = arith.muli %add3A_340, %mul3A_354 : i32
      %add3A_356 = arith.addi %mul3A_15, %mul3A_355 : i32
      %dma_start3A_357 = arith.constant 0 : i32
      %dma_start3A_358 = arith.constant 0 : i32
      %dma_start3A_359 = arith.constant 0 : i32
      %dma_start3A_360 = tpu.memref_slice %arg9[%dma_start3A_357, %dma_start3A_358, %dma_start3A_359] : memref<2x80x128xf32, #tpu.memory_space<vmem>> -> memref<1x80x128xf32, #tpu.memory_space<vmem>>
      %dma_start3A_361 = tpu.memref_squeeze %dma_start3A_360 : memref<1x80x128xf32, #tpu.memory_space<vmem>> -> memref<80x128xf32, #tpu.memory_space<vmem>>
      %dma_start3A_362 = arith.constant 0 : i32
      %dma_start3A_363 = tpu.memref_slice %arg3[%add3A_356, %dma_start3A_362] : memref<320000x128xf32, #tpu.memory_space<hbm>> -> memref<80x128xf32, #tpu.memory_space<hbm>>
      %dma_start3A_364 = arith.constant 0 : i32
      %dma_start3A_365 = arith.constant 0 : i32
      %dma_start3A_366 = tpu.memref_slice %arg9[%dma_start3A_357, %dma_start3A_364, %dma_start3A_365] : memref<2x80x128xf32, #tpu.memory_space<vmem>> -> memref<1x80x128xf32, #tpu.memory_space<vmem>>
      %dma_start3A_367 = tpu.memref_squeeze %dma_start3A_366 : memref<1x80x128xf32, #tpu.memory_space<vmem>> -> memref<80x128xf32, #tpu.memory_space<vmem>>
      %dma_start3A_368 = arith.constant 0 : i32
      %dma_start3A_369 = tpu.memref_slice %arg3[%add3A_356, %dma_start3A_368] : memref<320000x128xf32, #tpu.memory_space<hbm>> -> memref<80x128xf32, #tpu.memory_space<hbm>>
      tpu.enqueue_dma source(%dma_start3A_369 : memref<80x128xf32, #tpu.memory_space<hbm>>) target(%dma_start3A_367 : memref<80x128xf32, #tpu.memory_space<vmem>>) target_semaphore(%arg15 : memref<!tpu.dma_semaphore, #tpu.memory_space<semaphore_mem>>)
      %dma_wait3A_370 = arith.constant 1 : i32
      %dma_wait3A_371 = arith.constant 0 : i32
      %dma_wait3A_372 = arith.constant 0 : i32
      %dma_wait3A_373 = tpu.memref_slice %arg8[%dma_wait3A_370, %dma_wait3A_371, %dma_wait3A_372] : memref<2x80x128xf32, #tpu.memory_space<vmem>> -> memref<1x80x128xf32, #tpu.memory_space<vmem>>
      %dma_wait3A_374 = tpu.memref_squeeze %dma_wait3A_373 : memref<1x80x128xf32, #tpu.memory_space<vmem>> -> memref<80x128xf32, #tpu.memory_space<vmem>>
      %dma_wait3A_375 = arith.constant 0 : i32
      %dma_wait3A_376 = arith.constant 0 : i32
      %dma_wait3A_377 = tpu.memref_slice %arg3[%dma_wait3A_375, %dma_wait3A_376] : memref<320000x128xf32, #tpu.memory_space<hbm>> -> memref<80x128xf32, #tpu.memory_space<hbm>>
      %dma_wait3A_378 = arith.constant 0 : i32
      %dma_wait3A_379 = arith.constant 0 : i32
      %dma_wait3A_380 = tpu.memref_slice %arg8[%dma_wait3A_370, %dma_wait3A_378, %dma_wait3A_379] : memref<2x80x128xf32, #tpu.memory_space<vmem>> -> memref<1x80x128xf32, #tpu.memory_space<vmem>>
      %dma_wait3A_381 = tpu.memref_squeeze %dma_wait3A_380 : memref<1x80x128xf32, #tpu.memory_space<vmem>> -> memref<80x128xf32, #tpu.memory_space<vmem>>
      %dma_wait3A_382 = arith.constant 0 : i32
      %dma_wait3A_383 = arith.constant 0 : i32
      %dma_wait3A_384 = tpu.memref_slice %arg3[%dma_wait3A_382, %dma_wait3A_383] : memref<320000x128xf32, #tpu.memory_space<hbm>> -> memref<80x128xf32, #tpu.memory_space<hbm>>
      tpu.wait_dma2 semaphore(%arg14 : memref<!tpu.dma_semaphore, #tpu.memory_space<semaphore_mem>>) src(%dma_wait3A_384 : memref<80x128xf32, #tpu.memory_space<hbm>>) dst(%dma_wait3A_381 : memref<80x128xf32, #tpu.memory_space<vmem>>)
      %dma_wait3A_385 = arith.constant 1 : i32
      %dma_wait3A_386 = arith.constant 0 : i32
      %dma_wait3A_387 = arith.constant 0 : i32
      %dma_wait3A_388 = tpu.memref_slice %arg9[%dma_wait3A_385, %dma_wait3A_386, %dma_wait3A_387] : memref<2x80x128xf32, #tpu.memory_space<vmem>> -> memref<1x80x128xf32, #tpu.memory_space<vmem>>
      %dma_wait3A_389 = tpu.memref_squeeze %dma_wait3A_388 : memref<1x80x128xf32, #tpu.memory_space<vmem>> -> memref<80x128xf32, #tpu.memory_space<vmem>>
      %dma_wait3A_390 = arith.constant 0 : i32
      %dma_wait3A_391 = arith.constant 0 : i32
      %dma_wait3A_392 = tpu.memref_slice %arg3[%dma_wait3A_390, %dma_wait3A_391] : memref<320000x128xf32, #tpu.memory_space<hbm>> -> memref<80x128xf32, #tpu.memory_space<hbm>>
      %dma_wait3A_393 = arith.constant 0 : i32
      %dma_wait3A_394 = arith.constant 0 : i32
      %dma_wait3A_395 = tpu.memref_slice %arg9[%dma_wait3A_385, %dma_wait3A_393, %dma_wait3A_394] : memref<2x80x128xf32, #tpu.memory_space<vmem>> -> memref<1x80x128xf32, #tpu.memory_space<vmem>>
      %dma_wait3A_396 = tpu.memref_squeeze %dma_wait3A_395 : memref<1x80x128xf32, #tpu.memory_space<vmem>> -> memref<80x128xf32, #tpu.memory_space<vmem>>
      %dma_wait3A_397 = arith.constant 0 : i32
      %dma_wait3A_398 = arith.constant 0 : i32
      %dma_wait3A_399 = tpu.memref_slice %arg3[%dma_wait3A_397, %dma_wait3A_398] : memref<320000x128xf32, #tpu.memory_space<hbm>> -> memref<80x128xf32, #tpu.memory_space<hbm>>
      tpu.wait_dma2 semaphore(%arg16 : memref<!tpu.dma_semaphore, #tpu.memory_space<semaphore_mem>>) src(%dma_wait3A_399 : memref<80x128xf32, #tpu.memory_space<hbm>>) dst(%dma_wait3A_396 : memref<80x128xf32, #tpu.memory_space<vmem>>)
      %scan3A_400 = arith.constant 0 : i32
      %scan3A_401 = arith.constant 0 : i32
      %scan3A_402 = arith.constant 80 : i32
      %scan3A_403 = arith.addi %scan3A_401, %scan3A_402 : i32
      %scan3A_404 = arith.constant 1 : i32
      %scan3A_405 = scf.for %scan3A_436 = %scan3A_401 to %scan3A_403 step %scan3A_404 iter_args(%scan3A_437 = %scan3A_400) -> (i32)  : i32 {
        %get3A = arith.constant 1 : i32
        %get3A_438 = arith.index_cast %get3A : i32 to index
        %get3A_439 = arith.index_cast %scan3A_436 : i32 to index
        %get3A_440 = arith.constant 0 : index
        %get3A_441 = tpu.vector_load %arg8[%get3A_438, %get3A_439, %get3A_440] {strides = array<i32>} : memref<2x80x128xf32, #tpu.memory_space<vmem>>, vector<1x1x16xf32>,
        %get3A_442 = vector.shape_cast %get3A_441 : vector<1x1x16xf32> to vector<16xf32>
        %get3A_443 = arith.constant 1 : i32
        %get3A_444 = arith.index_cast %get3A_443 : i32 to index
        %get3A_445 = arith.index_cast %scan3A_436 : i32 to index
        %get3A_446 = arith.constant 0 : index
        %get3A_447 = tpu.vector_load %arg9[%get3A_444, %get3A_445, %get3A_446] {strides = array<i32>} : memref<2x80x128xf32, #tpu.memory_space<vmem>>, vector<1x1x16xf32>,
        %get3A_448 = vector.shape_cast %get3A_447 : vector<1x1x16xf32> to vector<16xf32>
        %add3A_449 = arith.addf %get3A_442, %get3A_448 : vector<16xf32>
        %max3A = arith.constant 0.000000e+00 : f32
        %max3A_450 = vector.broadcast %max3A : f32 to vector<16xf32>
        %max3A_451 = arith.maximumf %add3A_449, %max3A_450 : vector<16xf32>
        %swap3A = arith.constant 1 : i32
        %swap3A_452 = arith.index_cast %swap3A : i32 to index
        %swap3A_453 = arith.index_cast %scan3A_436 : i32 to index
        %swap3A_454 = arith.constant 0 : index
        %swap3A_455 = tpu.vector_load %arg8[%swap3A_452, %swap3A_453, %swap3A_454] {strides = array<i32>} : memref<2x80x128xf32, #tpu.memory_space<vmem>>, vector<1x1x16xf32>,
        %swap3A_456 = vector.shape_cast %swap3A_455 : vector<1x1x16xf32> to vector<16xf32>
        %swap3A_457 = vector.shape_cast %max3A_451 : vector<16xf32> to vector<1x1x16xf32>
        tpu.vector_store %arg8[%swap3A_452, %swap3A_453, %swap3A_454], %swap3A_457 {strides = array<i32>} : memref<2x80x128xf32, #tpu.memory_space<vmem>>, vector<1x1x16xf32>,
        %get3A_458 = arith.constant 1 : i32
        %get3A_459 = arith.index_cast %get3A_458 : i32 to index
        %get3A_460 = arith.index_cast %scan3A_436 : i32 to index
        %get3A_461 = arith.constant 16 : index
        %get3A_462 = tpu.vector_load %arg8[%get3A_459, %get3A_460, %get3A_461] {strides = array<i32>} : memref<2x80x128xf32, #tpu.memory_space<vmem>>, vector<1x1x16xf32>,
        %get3A_463 = vector.shape_cast %get3A_462 : vector<1x1x16xf32> to vector<16xf32>
        %get3A_464 = arith.constant 1 : i32
        %get3A_465 = arith.index_cast %get3A_464 : i32 to index
        %get3A_466 = arith.index_cast %scan3A_436 : i32 to index
        %get3A_467 = arith.constant 16 : index
        %get3A_468 = tpu.vector_load %arg9[%get3A_465, %get3A_466, %get3A_467] {strides = array<i32>} : memref<2x80x128xf32, #tpu.memory_space<vmem>>, vector<1x1x16xf32>,
        %get3A_469 = vector.shape_cast %get3A_468 : vector<1x1x16xf32> to vector<16xf32>
        %add3A_470 = arith.addf %get3A_463, %get3A_469 : vector<16xf32>
        %max3A_471 = arith.constant 0.000000e+00 : f32
        %max3A_472 = vector.broadcast %max3A_471 : f32 to vector<16xf32>
        %max3A_473 = arith.maximumf %add3A_470, %max3A_472 : vector<16xf32>
        %swap3A_474 = arith.constant 1 : i32
        %swap3A_475 = arith.index_cast %swap3A_474 : i32 to index
        %swap3A_476 = arith.index_cast %scan3A_436 : i32 to index
        %swap3A_477 = arith.constant 16 : index
        %swap3A_478 = tpu.vector_load %arg8[%swap3A_475, %swap3A_476, %swap3A_477] {strides = array<i32>} : memref<2x80x128xf32, #tpu.memory_space<vmem>>, vector<1x1x16xf32>,
        %swap3A_479 = vector.shape_cast %swap3A_478 : vector<1x1x16xf32> to vector<16xf32>
        %swap3A_480 = vector.shape_cast %max3A_473 : vector<16xf32> to vector<1x1x16xf32>
        tpu.vector_store %arg8[%swap3A_475, %swap3A_476, %swap3A_477], %swap3A_480 {strides = array<i32>} : memref<2x80x128xf32, #tpu.memory_space<vmem>>, vector<1x1x16xf32>,
        %get3A_481 = arith.constant 1 : i32
        %get3A_482 = arith.index_cast %get3A_481 : i32 to index
        %get3A_483 = arith.index_cast %scan3A_436 : i32 to index
        %get3A_484 = arith.constant 32 : index
        %get3A_485 = tpu.vector_load %arg8[%get3A_482, %get3A_483, %get3A_484] {strides = array<i32>} : memref<2x80x128xf32, #tpu.memory_space<vmem>>, vector<1x1x16xf32>,
        %get3A_486 = vector.shape_cast %get3A_485 : vector<1x1x16xf32> to vector<16xf32>
        %get3A_487 = arith.constant 1 : i32
        %get3A_488 = arith.index_cast %get3A_487 : i32 to index
        %get3A_489 = arith.index_cast %scan3A_436 : i32 to index
        %get3A_490 = arith.constant 32 : index
        %get3A_491 = tpu.vector_load %arg9[%get3A_488, %get3A_489, %get3A_490] {strides = array<i32>} : memref<2x80x128xf32, #tpu.memory_space<vmem>>, vector<1x1x16xf32>,
        %get3A_492 = vector.shape_cast %get3A_491 : vector<1x1x16xf32> to vector<16xf32>
        %add3A_493 = arith.addf %get3A_486, %get3A_492 : vector<16xf32>
        %max3A_494 = arith.constant 0.000000e+00 : f32
        %max3A_495 = vector.broadcast %max3A_494 : f32 to vector<16xf32>
        %max3A_496 = arith.maximumf %add3A_493, %max3A_495 : vector<16xf32>
        %swap3A_497 = arith.constant 1 : i32
        %swap3A_498 = arith.index_cast %swap3A_497 : i32 to index
        %swap3A_499 = arith.index_cast %scan3A_436 : i32 to index
        %swap3A_500 = arith.constant 32 : index
        %swap3A_501 = tpu.vector_load %arg8[%swap3A_498, %swap3A_499, %swap3A_500] {strides = array<i32>} : memref<2x80x128xf32, #tpu.memory_space<vmem>>, vector<1x1x16xf32>,
        %swap3A_502 = vector.shape_cast %swap3A_501 : vector<1x1x16xf32> to vector<16xf32>
        %swap3A_503 = vector.shape_cast %max3A_496 : vector<16xf32> to vector<1x1x16xf32>
        tpu.vector_store %arg8[%swap3A_498, %swap3A_499, %swap3A_500], %swap3A_503 {strides = array<i32>} : memref<2x80x128xf32, #tpu.memory_space<vmem>>, vector<1x1x16xf32>,
        %get3A_504 = arith.constant 1 : i32
        %get3A_505 = arith.index_cast %get3A_504 : i32 to index
        %get3A_506 = arith.index_cast %scan3A_436 : i32 to index
        %get3A_507 = arith.constant 48 : index
        %get3A_508 = tpu.vector_load %arg8[%get3A_505, %get3A_506, %get3A_507] {strides = array<i32>} : memref<2x80x128xf32, #tpu.memory_space<vmem>>, vector<1x1x16xf32>,
        %get3A_509 = vector.shape_cast %get3A_508 : vector<1x1x16xf32> to vector<16xf32>
        %get3A_510 = arith.constant 1 : i32
        %get3A_511 = arith.index_cast %get3A_510 : i32 to index
        %get3A_512 = arith.index_cast %scan3A_436 : i32 to index
        %get3A_513 = arith.constant 48 : index
        %get3A_514 = tpu.vector_load %arg9[%get3A_511, %get3A_512, %get3A_513] {strides = array<i32>} : memref<2x80x128xf32, #tpu.memory_space<vmem>>, vector<1x1x16xf32>,
        %get3A_515 = vector.shape_cast %get3A_514 : vector<1x1x16xf32> to vector<16xf32>
        %add3A_516 = arith.addf %get3A_509, %get3A_515 : vector<16xf32>
        %max3A_517 = arith.constant 0.000000e+00 : f32
        %max3A_518 = vector.broadcast %max3A_517 : f32 to vector<16xf32>
        %max3A_519 = arith.maximumf %add3A_516, %max3A_518 : vector<16xf32>
        %swap3A_520 = arith.constant 1 : i32
        %swap3A_521 = arith.index_cast %swap3A_520 : i32 to index
        %swap3A_522 = arith.index_cast %scan3A_436 : i32 to index
        %swap3A_523 = arith.constant 48 : index
        %swap3A_524 = tpu.vector_load %arg8[%swap3A_521, %swap3A_522, %swap3A_523] {strides = array<i32>} : memref<2x80x128xf32, #tpu.memory_space<vmem>>, vector<1x1x16xf32>,
        %swap3A_525 = vector.shape_cast %swap3A_524 : vector<1x1x16xf32> to vector<16xf32>
        %swap3A_526 = vector.shape_cast %max3A_519 : vector<16xf32> to vector<1x1x16xf32>
        tpu.vector_store %arg8[%swap3A_521, %swap3A_522, %swap3A_523], %swap3A_526 {strides = array<i32>} : memref<2x80x128xf32, #tpu.memory_space<vmem>>, vector<1x1x16xf32>,
        %get3A_527 = arith.constant 1 : i32
        %get3A_528 = arith.index_cast %get3A_527 : i32 to index
        %get3A_529 = arith.index_cast %scan3A_436 : i32 to index
        %get3A_530 = arith.constant 64 : index
        %get3A_531 = tpu.vector_load %arg8[%get3A_528, %get3A_529, %get3A_530] {strides = array<i32>} : memref<2x80x128xf32, #tpu.memory_space<vmem>>, vector<1x1x16xf32>,
        %get3A_532 = vector.shape_cast %get3A_531 : vector<1x1x16xf32> to vector<16xf32>
        %get3A_533 = arith.constant 1 : i32
        %get3A_534 = arith.index_cast %get3A_533 : i32 to index
        %get3A_535 = arith.index_cast %scan3A_436 : i32 to index
        %get3A_536 = arith.constant 64 : index
        %get3A_537 = tpu.vector_load %arg9[%get3A_534, %get3A_535, %get3A_536] {strides = array<i32>} : memref<2x80x128xf32, #tpu.memory_space<vmem>>, vector<1x1x16xf32>,
        %get3A_538 = vector.shape_cast %get3A_537 : vector<1x1x16xf32> to vector<16xf32>
        %add3A_539 = arith.addf %get3A_532, %get3A_538 : vector<16xf32>
        %max3A_540 = arith.constant 0.000000e+00 : f32
        %max3A_541 = vector.broadcast %max3A_540 : f32 to vector<16xf32>
        %max3A_542 = arith.maximumf %add3A_539, %max3A_541 : vector<16xf32>
        %swap3A_543 = arith.constant 1 : i32
        %swap3A_544 = arith.index_cast %swap3A_543 : i32 to index
        %swap3A_545 = arith.index_cast %scan3A_436 : i32 to index
        %swap3A_546 = arith.constant 64 : index
        %swap3A_547 = tpu.vector_load %arg8[%swap3A_544, %swap3A_545, %swap3A_546] {strides = array<i32>} : memref<2x80x128xf32, #tpu.memory_space<vmem>>, vector<1x1x16xf32>,
        %swap3A_548 = vector.shape_cast %swap3A_547 : vector<1x1x16xf32> to vector<16xf32>
        %swap3A_549 = vector.shape_cast %max3A_542 : vector<16xf32> to vector<1x1x16xf32>
        tpu.vector_store %arg8[%swap3A_544, %swap3A_545, %swap3A_546], %swap3A_549 {strides = array<i32>} : memref<2x80x128xf32, #tpu.memory_space<vmem>>, vector<1x1x16xf32>,
        %get3A_550 = arith.constant 1 : i32
        %get3A_551 = arith.index_cast %get3A_550 : i32 to index
        %get3A_552 = arith.index_cast %scan3A_436 : i32 to index
        %get3A_553 = arith.constant 80 : index
        %get3A_554 = tpu.vector_load %arg8[%get3A_551, %get3A_552, %get3A_553] {strides = array<i32>} : memref<2x80x128xf32, #tpu.memory_space<vmem>>, vector<1x1x16xf32>,
        %get3A_555 = vector.shape_cast %get3A_554 : vector<1x1x16xf32> to vector<16xf32>
        %get3A_556 = arith.constant 1 : i32
        %get3A_557 = arith.index_cast %get3A_556 : i32 to index
        %get3A_558 = arith.index_cast %scan3A_436 : i32 to index
        %get3A_559 = arith.constant 80 : index
        %get3A_560 = tpu.vector_load %arg9[%get3A_557, %get3A_558, %get3A_559] {strides = array<i32>} : memref<2x80x128xf32, #tpu.memory_space<vmem>>, vector<1x1x16xf32>,
        %get3A_561 = vector.shape_cast %get3A_560 : vector<1x1x16xf32> to vector<16xf32>
        %add3A_562 = arith.addf %get3A_555, %get3A_561 : vector<16xf32>
        %max3A_563 = arith.constant 0.000000e+00 : f32
        %max3A_564 = vector.broadcast %max3A_563 : f32 to vector<16xf32>
        %max3A_565 = arith.maximumf %add3A_562, %max3A_564 : vector<16xf32>
        %swap3A_566 = arith.constant 1 : i32
        %swap3A_567 = arith.index_cast %swap3A_566 : i32 to index
        %swap3A_568 = arith.index_cast %scan3A_436 : i32 to index
        %swap3A_569 = arith.constant 80 : index
        %swap3A_570 = tpu.vector_load %arg8[%swap3A_567, %swap3A_568, %swap3A_569] {strides = array<i32>} : memref<2x80x128xf32, #tpu.memory_space<vmem>>, vector<1x1x16xf32>,
        %swap3A_571 = vector.shape_cast %swap3A_570 : vector<1x1x16xf32> to vector<16xf32>
        %swap3A_572 = vector.shape_cast %max3A_565 : vector<16xf32> to vector<1x1x16xf32>
        tpu.vector_store %arg8[%swap3A_567, %swap3A_568, %swap3A_569], %swap3A_572 {strides = array<i32>} : memref<2x80x128xf32, #tpu.memory_space<vmem>>, vector<1x1x16xf32>,
        %get3A_573 = arith.constant 1 : i32
        %get3A_574 = arith.index_cast %get3A_573 : i32 to index
        %get3A_575 = arith.index_cast %scan3A_436 : i32 to index
        %get3A_576 = arith.constant 96 : index
        %get3A_577 = tpu.vector_load %arg8[%get3A_574, %get3A_575, %get3A_576] {strides = array<i32>} : memref<2x80x128xf32, #tpu.memory_space<vmem>>, vector<1x1x16xf32>,
        %get3A_578 = vector.shape_cast %get3A_577 : vector<1x1x16xf32> to vector<16xf32>
        %get3A_579 = arith.constant 1 : i32
        %get3A_580 = arith.index_cast %get3A_579 : i32 to index
        %get3A_581 = arith.index_cast %scan3A_436 : i32 to index
        %get3A_582 = arith.constant 96 : index
        %get3A_583 = tpu.vector_load %arg9[%get3A_580, %get3A_581, %get3A_582] {strides = array<i32>} : memref<2x80x128xf32, #tpu.memory_space<vmem>>, vector<1x1x16xf32>,
        %get3A_584 = vector.shape_cast %get3A_583 : vector<1x1x16xf32> to vector<16xf32>
        %add3A_585 = arith.addf %get3A_578, %get3A_584 : vector<16xf32>
        %max3A_586 = arith.constant 0.000000e+00 : f32
        %max3A_587 = vector.broadcast %max3A_586 : f32 to vector<16xf32>
        %max3A_588 = arith.maximumf %add3A_585, %max3A_587 : vector<16xf32>
        %swap3A_589 = arith.constant 1 : i32
        %swap3A_590 = arith.index_cast %swap3A_589 : i32 to index
        %swap3A_591 = arith.index_cast %scan3A_436 : i32 to index
        %swap3A_592 = arith.constant 96 : index
        %swap3A_593 = tpu.vector_load %arg8[%swap3A_590, %swap3A_591, %swap3A_592] {strides = array<i32>} : memref<2x80x128xf32, #tpu.memory_space<vmem>>, vector<1x1x16xf32>,
        %swap3A_594 = vector.shape_cast %swap3A_593 : vector<1x1x16xf32> to vector<16xf32>
        %swap3A_595 = vector.shape_cast %max3A_588 : vector<16xf32> to vector<1x1x16xf32>
        tpu.vector_store %arg8[%swap3A_590, %swap3A_591, %swap3A_592], %swap3A_595 {strides = array<i32>} : memref<2x80x128xf32, #tpu.memory_space<vmem>>, vector<1x1x16xf32>,
        %get3A_596 = arith.constant 1 : i32
        %get3A_597 = arith.index_cast %get3A_596 : i32 to index
        %get3A_598 = arith.index_cast %scan3A_436 : i32 to index
        %get3A_599 = arith.constant 112 : index
        %get3A_600 = tpu.vector_load %arg8[%get3A_597, %get3A_598, %get3A_599] {strides = array<i32>} : memref<2x80x128xf32, #tpu.memory_space<vmem>>, vector<1x1x16xf32>,
        %get3A_601 = vector.shape_cast %get3A_600 : vector<1x1x16xf32> to vector<16xf32>
        %get3A_602 = arith.constant 1 : i32
        %get3A_603 = arith.index_cast %get3A_602 : i32 to index
        %get3A_604 = arith.index_cast %scan3A_436 : i32 to index
        %get3A_605 = arith.constant 112 : index
        %get3A_606 = tpu.vector_load %arg9[%get3A_603, %get3A_604, %get3A_605] {strides = array<i32>} : memref<2x80x128xf32, #tpu.memory_space<vmem>>, vector<1x1x16xf32>,
        %get3A_607 = vector.shape_cast %get3A_606 : vector<1x1x16xf32> to vector<16xf32>
        %add3A_608 = arith.addf %get3A_601, %get3A_607 : vector<16xf32>
        %max3A_609 = arith.constant 0.000000e+00 : f32
        %max3A_610 = vector.broadcast %max3A_609 : f32 to vector<16xf32>
        %max3A_611 = arith.maximumf %add3A_608, %max3A_610 : vector<16xf32>
        %swap3A_612 = arith.constant 1 : i32
        %swap3A_613 = arith.index_cast %swap3A_612 : i32 to index
        %swap3A_614 = arith.index_cast %scan3A_436 : i32 to index
        %swap3A_615 = arith.constant 112 : index
        %swap3A_616 = tpu.vector_load %arg8[%swap3A_613, %swap3A_614, %swap3A_615] {strides = array<i32>} : memref<2x80x128xf32, #tpu.memory_space<vmem>>, vector<1x1x16xf32>,
        %swap3A_617 = vector.shape_cast %swap3A_616 : vector<1x1x16xf32> to vector<16xf32>
        %swap3A_618 = vector.shape_cast %max3A_611 : vector<16xf32> to vector<1x1x16xf32>
        tpu.vector_store %arg8[%swap3A_613, %swap3A_614, %swap3A_615], %swap3A_618 {strides = array<i32>} : memref<2x80x128xf32, #tpu.memory_space<vmem>>, vector<1x1x16xf32>,
        %scan3A_619 = arith.constant 0 : i32
        scf.yield %scan3A_619 : i32
      }
      %scan3A_406 = arith.constant 80 : i32
      %run_scoped3A_407 = arith.constant 1 : i32
      %run_scoped3A_408 = arith.constant 1 : i32
      %run_scoped3A_409 = arith.constant 1 : i32
      "tpu.region"() ({
        %run_scoped3A_436 = tpu.sem_alloc : memref<!tpu.dma_semaphore, #tpu.memory_space<semaphore_mem>>
        %dma_start3A_437 = arith.constant 0 : i32
        %dma_start3A_438 = arith.constant 0 : i32
        %dma_start3A_439 = tpu.memref_slice %arg8[%run_scoped3A_407, %dma_start3A_437, %dma_start3A_438] : memref<2x80x128xf32, #tpu.memory_space<vmem>> -> memref<1x80x128xf32, #tpu.memory_space<vmem>>
        %dma_start3A_440 = tpu.memref_squeeze %dma_start3A_439 : memref<1x80x128xf32, #tpu.memory_space<vmem>> -> memref<80x128xf32, #tpu.memory_space<vmem>>
        %dma_start3A_441 = arith.constant 0 : i32
        %dma_start3A_442 = tpu.memref_slice %arg7[%run_scoped3A_408, %run_scoped3A_409, %dma_start3A_441] : memref<2x2x80xi32, #tpu.memory_space<vmem>> -> memref<1x1x80xi32, #tpu.memory_space<vmem>>
        %dma_start3A_443 = tpu.memref_squeeze %dma_start3A_442 : memref<1x1x80xi32, #tpu.memory_space<vmem>> -> memref<80xi32, #tpu.memory_space<vmem>>
        %dma_start3A_444 = arith.constant 0 : i32
        %dma_start3A_445 = arith.constant 0 : i32
        %dma_start3A_446 = tpu.memref_slice %arg10[%dma_start3A_444, %dma_start3A_445] : memref<10240x128xf32, #tpu.memory_space<vmem_shared>> -> memref<10240x128xf32, #tpu.memory_space<vmem_shared>>
        tpu.enqueue_indirect_dma source(%dma_start3A_440 : memref<80x128xf32, #tpu.memory_space<vmem>>) target(%dma_start3A_446 : memref<10240x128xf32, #tpu.memory_space<vmem_shared>>) offsets(%dma_start3A_443 : memref<80xi32, #tpu.memory_space<vmem>>) semaphore(%run_scoped3A_436 : memref<!tpu.dma_semaphore, #tpu.memory_space<semaphore_mem>>) {add = true}
        %dma_wait3A_447 = arith.constant 0 : i32
        %dma_wait3A_448 = arith.constant 0 : i32
        %dma_wait3A_449 = tpu.memref_slice %arg8[%run_scoped3A_407, %dma_wait3A_447, %dma_wait3A_448] : memref<2x80x128xf32, #tpu.memory_space<vmem>> -> memref<1x80x128xf32, #tpu.memory_space<vmem>>
        %dma_wait3A_450 = tpu.memref_squeeze %dma_wait3A_449 : memref<1x80x128xf32, #tpu.memory_space<vmem>> -> memref<80x128xf32, #tpu.memory_space<vmem>>
        %dma_wait3A_451 = arith.constant 0 : i32
        %dma_wait3A_452 = tpu.memref_slice %arg7[%run_scoped3A_408, %run_scoped3A_409, %dma_wait3A_451] : memref<2x2x80xi32, #tpu.memory_space<vmem>> -> memref<1x1x80xi32, #tpu.memory_space<vmem>>
        %dma_wait3A_453 = tpu.memref_squeeze %dma_wait3A_452 : memref<1x1x80xi32, #tpu.memory_space<vmem>> -> memref<80xi32, #tpu.memory_space<vmem>>
        %dma_wait3A_454 = arith.constant 0 : i32
        %dma_wait3A_455 = arith.constant 0 : i32
        %dma_wait3A_456 = tpu.memref_slice %arg10[%dma_wait3A_454, %dma_wait3A_455] : memref<10240x128xf32, #tpu.memory_space<vmem_shared>> -> memref<10240x128xf32, #tpu.memory_space<vmem_shared>>
        tpu.wait_indirect_dma semaphore(%run_scoped3A_436 : memref<!tpu.dma_semaphore, #tpu.memory_space<semaphore_mem>>) src(%dma_wait3A_450 : memref<80x128xf32, #tpu.memory_space<vmem>>) dst(%dma_wait3A_456 : memref<10240x128xf32, #tpu.memory_space<vmem_shared>>)
        tpu.yield
      }) : () -> ()
      %add3A_410 = arith.constant 2 : i32
      %add3A_411 = arith.addi %add3A_314, %add3A_410 : i32
      %mul3A_412 = arith.constant 80 : i32
      %mul3A_413 = arith.muli %add3A_411, %mul3A_412 : i32
      %add3A_414 = arith.addi %mul3A_15, %mul3A_413 : i32
      %dma_start3A_415 = arith.constant 1 : i32
      %dma_start3A_416 = arith.constant 0 : i32
      %dma_start3A_417 = arith.constant 0 : i32
      %dma_start3A_418 = tpu.memref_slice %arg7[%dma_start3A_415, %dma_start3A_416, %dma_start3A_417] : memref<2x2x80xi32, #tpu.memory_space<vmem>> -> memref<1x1x80xi32, #tpu.memory_space<vmem>>
      %dma_start3A_419 = tpu.memref_squeeze %dma_start3A_418 : memref<1x1x80xi32, #tpu.memory_space<vmem>> -> memref<80xi32, #tpu.memory_space<vmem>>
      %dma_start3A_420 = tpu.memref_slice %arg4[%add3A_414] : memref<320080xi32, #tpu.memory_space<hbm>> -> memref<80xi32, #tpu.memory_space<hbm>>
      %dma_start3A_421 = arith.constant 0 : i32
      %dma_start3A_422 = tpu.memref_slice %arg7[%dma_start3A_415, %dma_start3A_416, %dma_start3A_421] : memref<2x2x80xi32, #tpu.memory_space<vmem>> -> memref<1x1x80xi32, #tpu.memory_space<vmem>>
      %dma_start3A_423 = tpu.memref_squeeze %dma_start3A_422 : memref<1x1x80xi32, #tpu.memory_space<vmem>> -> memref<80xi32, #tpu.memory_space<vmem>>
      %dma_start3A_424 = tpu.memref_slice %arg4[%add3A_414] : memref<320080xi32, #tpu.memory_space<hbm>> -> memref<80xi32, #tpu.memory_space<hbm>>
      tpu.enqueue_dma source(%dma_start3A_424 : memref<80xi32, #tpu.memory_space<hbm>>) target(%dma_start3A_423 : memref<80xi32, #tpu.memory_space<vmem>>) target_semaphore(%arg12 : memref<!tpu.dma_semaphore, #tpu.memory_space<semaphore_mem>>)
      %dma_start3A_425 = arith.constant 1 : i32
      %dma_start3A_426 = arith.constant 1 : i32
      %dma_start3A_427 = arith.constant 0 : i32
      %dma_start3A_428 = tpu.memref_slice %arg7[%dma_start3A_425, %dma_start3A_426, %dma_start3A_427] : memref<2x2x80xi32, #tpu.memory_space<vmem>> -> memref<1x1x80xi32, #tpu.memory_space<vmem>>
      %dma_start3A_429 = tpu.memref_squeeze %dma_start3A_428 : memref<1x1x80xi32, #tpu.memory_space<vmem>> -> memref<80xi32, #tpu.memory_space<vmem>>
      %dma_start3A_430 = tpu.memref_slice %arg5[%add3A_414] : memref<320080xi32, #tpu.memory_space<hbm>> -> memref<80xi32, #tpu.memory_space<hbm>>
      %dma_start3A_431 = arith.constant 0 : i32
      %dma_start3A_432 = tpu.memref_slice %arg7[%dma_start3A_425, %dma_start3A_426, %dma_start3A_431] : memref<2x2x80xi32, #tpu.memory_space<vmem>> -> memref<1x1x80xi32, #tpu.memory_space<vmem>>
      %dma_start3A_433 = tpu.memref_squeeze %dma_start3A_432 : memref<1x1x80xi32, #tpu.memory_space<vmem>> -> memref<80xi32, #tpu.memory_space<vmem>>
      %dma_start3A_434 = tpu.memref_slice %arg5[%add3A_414] : memref<320080xi32, #tpu.memory_space<hbm>> -> memref<80xi32, #tpu.memory_space<hbm>>
      tpu.enqueue_dma source(%dma_start3A_434 : memref<80xi32, #tpu.memory_space<hbm>>) target(%dma_start3A_433 : memref<80xi32, #tpu.memory_space<vmem>>) target_semaphore(%arg12 : memref<!tpu.dma_semaphore, #tpu.memory_space<semaphore_mem>>)
      %scan3A_435 = arith.constant 0 : i32
      scf.yield %scan3A_435 : i32
    }
    %scan3A_116 = arith.constant 62 : i32
    %dma_wait3A_117 = arith.constant 0 : i32
    %dma_wait3A_118 = arith.constant 0 : i32
    %dma_wait3A_119 = arith.constant 0 : i32
    %dma_wait3A_120 = tpu.memref_slice %arg8[%dma_wait3A_117, %dma_wait3A_118, %dma_wait3A_119] : memref<2x80x128xf32, #tpu.memory_space<vmem>> -> memref<1x80x128xf32, #tpu.memory_space<vmem>>
    %dma_wait3A_121 = tpu.memref_squeeze %dma_wait3A_120 : memref<1x80x128xf32, #tpu.memory_space<vmem>> -> memref<80x128xf32, #tpu.memory_space<vmem>>
    %dma_wait3A_122 = arith.constant 0 : i32
    %dma_wait3A_123 = arith.constant 0 : i32
    %dma_wait3A_124 = tpu.memref_slice %arg3[%dma_wait3A_122, %dma_wait3A_123] : memref<320000x128xf32, #tpu.memory_space<hbm>> -> memref<80x128xf32, #tpu.memory_space<hbm>>
    %dma_wait3A_125 = arith.constant 0 : i32
    %dma_wait3A_126 = arith.constant 0 : i32
    %dma_wait3A_127 = tpu.memref_slice %arg8[%dma_wait3A_117, %dma_wait3A_125, %dma_wait3A_126] : memref<2x80x128xf32, #tpu.memory_space<vmem>> -> memref<1x80x128xf32, #tpu.memory_space<vmem>>
    %dma_wait3A_128 = tpu.memref_squeeze %dma_wait3A_127 : memref<1x80x128xf32, #tpu.memory_space<vmem>> -> memref<80x128xf32, #tpu.memory_space<vmem>>
    %dma_wait3A_129 = arith.constant 0 : i32
    %dma_wait3A_130 = arith.constant 0 : i32
    %dma_wait3A_131 = tpu.memref_slice %arg3[%dma_wait3A_129, %dma_wait3A_130] : memref<320000x128xf32, #tpu.memory_space<hbm>> -> memref<80x128xf32, #tpu.memory_space<hbm>>
    tpu.wait_dma2 semaphore(%arg13 : memref<!tpu.dma_semaphore, #tpu.memory_space<semaphore_mem>>) src(%dma_wait3A_131 : memref<80x128xf32, #tpu.memory_space<hbm>>) dst(%dma_wait3A_128 : memref<80x128xf32, #tpu.memory_space<vmem>>)
    %dma_wait3A_132 = arith.constant 0 : i32
    %dma_wait3A_133 = arith.constant 0 : i32
    %dma_wait3A_134 = arith.constant 0 : i32
    %dma_wait3A_135 = tpu.memref_slice %arg9[%dma_wait3A_132, %dma_wait3A_133, %dma_wait3A_134] : memref<2x80x128xf32, #tpu.memory_space<vmem>> -> memref<1x80x128xf32, #tpu.memory_space<vmem>>
    %dma_wait3A_136 = tpu.memref_squeeze %dma_wait3A_135 : memref<1x80x128xf32, #tpu.memory_space<vmem>> -> memref<80x128xf32, #tpu.memory_space<vmem>>
    %dma_wait3A_137 = arith.constant 0 : i32
    %dma_wait3A_138 = arith.constant 0 : i32
    %dma_wait3A_139 = tpu.memref_slice %arg3[%dma_wait3A_137, %dma_wait3A_138] : memref<320000x128xf32, #tpu.memory_space<hbm>> -> memref<80x128xf32, #tpu.memory_space<hbm>>
    %dma_wait3A_140 = arith.constant 0 : i32
    %dma_wait3A_141 = arith.constant 0 : i32
    %dma_wait3A_142 = tpu.memref_slice %arg9[%dma_wait3A_132, %dma_wait3A_140, %dma_wait3A_141] : memref<2x80x128xf32, #tpu.memory_space<vmem>> -> memref<1x80x128xf32, #tpu.memory_space<vmem>>
    %dma_wait3A_143 = tpu.memref_squeeze %dma_wait3A_142 : memref<1x80x128xf32, #tpu.memory_space<vmem>> -> memref<80x128xf32, #tpu.memory_space<vmem>>
    %dma_wait3A_144 = arith.constant 0 : i32
    %dma_wait3A_145 = arith.constant 0 : i32
    %dma_wait3A_146 = tpu.memref_slice %arg3[%dma_wait3A_144, %dma_wait3A_145] : memref<320000x128xf32, #tpu.memory_space<hbm>> -> memref<80x128xf32, #tpu.memory_space<hbm>>
    tpu.wait_dma2 semaphore(%arg15 : memref<!tpu.dma_semaphore, #tpu.memory_space<semaphore_mem>>) src(%dma_wait3A_146 : memref<80x128xf32, #tpu.memory_space<hbm>>) dst(%dma_wait3A_143 : memref<80x128xf32, #tpu.memory_space<vmem>>)
    %scan3A_147 = arith.constant 0 : i32
    %scan3A_148 = arith.constant 0 : i32
    %scan3A_149 = arith.constant 80 : i32
    %scan3A_150 = arith.addi %scan3A_148, %scan3A_149 : i32
    %scan3A_151 = arith.constant 1 : i32
    %scan3A_152 = scf.for %scan3A_185 = %scan3A_148 to %scan3A_150 step %scan3A_151 iter_args(%scan3A_186 = %scan3A_147) -> (i32)  : i32 {
      %get3A = arith.constant 0 : i32
      %get3A_187 = arith.index_cast %get3A : i32 to index
      %get3A_188 = arith.index_cast %scan3A_185 : i32 to index
      %get3A_189 = arith.constant 0 : index
      %get3A_190 = tpu.vector_load %arg8[%get3A_187, %get3A_188, %get3A_189] {strides = array<i32>} : memref<2x80x128xf32, #tpu.memory_space<vmem>>, vector<1x1x16xf32>,
      %get3A_191 = vector.shape_cast %get3A_190 : vector<1x1x16xf32> to vector<16xf32>
      %get3A_192 = arith.constant 0 : i32
      %get3A_193 = arith.index_cast %get3A_192 : i32 to index
      %get3A_194 = arith.index_cast %scan3A_185 : i32 to index
      %get3A_195 = arith.constant 0 : index
      %get3A_196 = tpu.vector_load %arg9[%get3A_193, %get3A_194, %get3A_195] {strides = array<i32>} : memref<2x80x128xf32, #tpu.memory_space<vmem>>, vector<1x1x16xf32>,
      %get3A_197 = vector.shape_cast %get3A_196 : vector<1x1x16xf32> to vector<16xf32>
      %add3A_198 = arith.addf %get3A_191, %get3A_197 : vector<16xf32>
      %max3A = arith.constant 0.000000e+00 : f32
      %max3A_199 = vector.broadcast %max3A : f32 to vector<16xf32>
      %max3A_200 = arith.maximumf %add3A_198, %max3A_199 : vector<16xf32>
      %swap3A = arith.constant 0 : i32
      %swap3A_201 = arith.index_cast %swap3A : i32 to index
      %swap3A_202 = arith.index_cast %scan3A_185 : i32 to index
      %swap3A_203 = arith.constant 0 : index
      %swap3A_204 = tpu.vector_load %arg8[%swap3A_201, %swap3A_202, %swap3A_203] {strides = array<i32>} : memref<2x80x128xf32, #tpu.memory_space<vmem>>, vector<1x1x16xf32>,
      %swap3A_205 = vector.shape_cast %swap3A_204 : vector<1x1x16xf32> to vector<16xf32>
      %swap3A_206 = vector.shape_cast %max3A_200 : vector<16xf32> to vector<1x1x16xf32>
      tpu.vector_store %arg8[%swap3A_201, %swap3A_202, %swap3A_203], %swap3A_206 {strides = array<i32>} : memref<2x80x128xf32, #tpu.memory_space<vmem>>, vector<1x1x16xf32>,
      %get3A_207 = arith.constant 0 : i32
      %get3A_208 = arith.index_cast %get3A_207 : i32 to index
      %get3A_209 = arith.index_cast %scan3A_185 : i32 to index
      %get3A_210 = arith.constant 16 : index
      %get3A_211 = tpu.vector_load %arg8[%get3A_208, %get3A_209, %get3A_210] {strides = array<i32>} : memref<2x80x128xf32, #tpu.memory_space<vmem>>, vector<1x1x16xf32>,
      %get3A_212 = vector.shape_cast %get3A_211 : vector<1x1x16xf32> to vector<16xf32>
      %get3A_213 = arith.constant 0 : i32
      %get3A_214 = arith.index_cast %get3A_213 : i32 to index
      %get3A_215 = arith.index_cast %scan3A_185 : i32 to index
      %get3A_216 = arith.constant 16 : index
      %get3A_217 = tpu.vector_load %arg9[%get3A_214, %get3A_215, %get3A_216] {strides = array<i32>} : memref<2x80x128xf32, #tpu.memory_space<vmem>>, vector<1x1x16xf32>,
      %get3A_218 = vector.shape_cast %get3A_217 : vector<1x1x16xf32> to vector<16xf32>
      %add3A_219 = arith.addf %get3A_212, %get3A_218 : vector<16xf32>
      %max3A_220 = arith.constant 0.000000e+00 : f32
      %max3A_221 = vector.broadcast %max3A_220 : f32 to vector<16xf32>
      %max3A_222 = arith.maximumf %add3A_219, %max3A_221 : vector<16xf32>
      %swap3A_223 = arith.constant 0 : i32
      %swap3A_224 = arith.index_cast %swap3A_223 : i32 to index
      %swap3A_225 = arith.index_cast %scan3A_185 : i32 to index
      %swap3A_226 = arith.constant 16 : index
      %swap3A_227 = tpu.vector_load %arg8[%swap3A_224, %swap3A_225, %swap3A_226] {strides = array<i32>} : memref<2x80x128xf32, #tpu.memory_space<vmem>>, vector<1x1x16xf32>,
      %swap3A_228 = vector.shape_cast %swap3A_227 : vector<1x1x16xf32> to vector<16xf32>
      %swap3A_229 = vector.shape_cast %max3A_222 : vector<16xf32> to vector<1x1x16xf32>
      tpu.vector_store %arg8[%swap3A_224, %swap3A_225, %swap3A_226], %swap3A_229 {strides = array<i32>} : memref<2x80x128xf32, #tpu.memory_space<vmem>>, vector<1x1x16xf32>,
      %get3A_230 = arith.constant 0 : i32
      %get3A_231 = arith.index_cast %get3A_230 : i32 to index
      %get3A_232 = arith.index_cast %scan3A_185 : i32 to index
      %get3A_233 = arith.constant 32 : index
      %get3A_234 = tpu.vector_load %arg8[%get3A_231, %get3A_232, %get3A_233] {strides = array<i32>} : memref<2x80x128xf32, #tpu.memory_space<vmem>>, vector<1x1x16xf32>,
      %get3A_235 = vector.shape_cast %get3A_234 : vector<1x1x16xf32> to vector<16xf32>
      %get3A_236 = arith.constant 0 : i32
      %get3A_237 = arith.index_cast %get3A_236 : i32 to index
      %get3A_238 = arith.index_cast %scan3A_185 : i32 to index
      %get3A_239 = arith.constant 32 : index
      %get3A_240 = tpu.vector_load %arg9[%get3A_237, %get3A_238, %get3A_239] {strides = array<i32>} : memref<2x80x128xf32, #tpu.memory_space<vmem>>, vector<1x1x16xf32>,
      %get3A_241 = vector.shape_cast %get3A_240 : vector<1x1x16xf32> to vector<16xf32>
      %add3A_242 = arith.addf %get3A_235, %get3A_241 : vector<16xf32>
      %max3A_243 = arith.constant 0.000000e+00 : f32
      %max3A_244 = vector.broadcast %max3A_243 : f32 to vector<16xf32>
      %max3A_245 = arith.maximumf %add3A_242, %max3A_244 : vector<16xf32>
      %swap3A_246 = arith.constant 0 : i32
      %swap3A_247 = arith.index_cast %swap3A_246 : i32 to index
      %swap3A_248 = arith.index_cast %scan3A_185 : i32 to index
      %swap3A_249 = arith.constant 32 : index
      %swap3A_250 = tpu.vector_load %arg8[%swap3A_247, %swap3A_248, %swap3A_249] {strides = array<i32>} : memref<2x80x128xf32, #tpu.memory_space<vmem>>, vector<1x1x16xf32>,
      %swap3A_251 = vector.shape_cast %swap3A_250 : vector<1x1x16xf32> to vector<16xf32>
      %swap3A_252 = vector.shape_cast %max3A_245 : vector<16xf32> to vector<1x1x16xf32>
      tpu.vector_store %arg8[%swap3A_247, %swap3A_248, %swap3A_249], %swap3A_252 {strides = array<i32>} : memref<2x80x128xf32, #tpu.memory_space<vmem>>, vector<1x1x16xf32>,
      %get3A_253 = arith.constant 0 : i32
      %get3A_254 = arith.index_cast %get3A_253 : i32 to index
      %get3A_255 = arith.index_cast %scan3A_185 : i32 to index
      %get3A_256 = arith.constant 48 : index
      %get3A_257 = tpu.vector_load %arg8[%get3A_254, %get3A_255, %get3A_256] {strides = array<i32>} : memref<2x80x128xf32, #tpu.memory_space<vmem>>, vector<1x1x16xf32>,
      %get3A_258 = vector.shape_cast %get3A_257 : vector<1x1x16xf32> to vector<16xf32>
      %get3A_259 = arith.constant 0 : i32
      %get3A_260 = arith.index_cast %get3A_259 : i32 to index
      %get3A_261 = arith.index_cast %scan3A_185 : i32 to index
      %get3A_262 = arith.constant 48 : index
      %get3A_263 = tpu.vector_load %arg9[%get3A_260, %get3A_261, %get3A_262] {strides = array<i32>} : memref<2x80x128xf32, #tpu.memory_space<vmem>>, vector<1x1x16xf32>,
      %get3A_264 = vector.shape_cast %get3A_263 : vector<1x1x16xf32> to vector<16xf32>
      %add3A_265 = arith.addf %get3A_258, %get3A_264 : vector<16xf32>
      %max3A_266 = arith.constant 0.000000e+00 : f32
      %max3A_267 = vector.broadcast %max3A_266 : f32 to vector<16xf32>
      %max3A_268 = arith.maximumf %add3A_265, %max3A_267 : vector<16xf32>
      %swap3A_269 = arith.constant 0 : i32
      %swap3A_270 = arith.index_cast %swap3A_269 : i32 to index
      %swap3A_271 = arith.index_cast %scan3A_185 : i32 to index
      %swap3A_272 = arith.constant 48 : index
      %swap3A_273 = tpu.vector_load %arg8[%swap3A_270, %swap3A_271, %swap3A_272] {strides = array<i32>} : memref<2x80x128xf32, #tpu.memory_space<vmem>>, vector<1x1x16xf32>,
      %swap3A_274 = vector.shape_cast %swap3A_273 : vector<1x1x16xf32> to vector<16xf32>
      %swap3A_275 = vector.shape_cast %max3A_268 : vector<16xf32> to vector<1x1x16xf32>
      tpu.vector_store %arg8[%swap3A_270, %swap3A_271, %swap3A_272], %swap3A_275 {strides = array<i32>} : memref<2x80x128xf32, #tpu.memory_space<vmem>>, vector<1x1x16xf32>,
      %get3A_276 = arith.constant 0 : i32
      %get3A_277 = arith.index_cast %get3A_276 : i32 to index
      %get3A_278 = arith.index_cast %scan3A_185 : i32 to index
      %get3A_279 = arith.constant 64 : index
      %get3A_280 = tpu.vector_load %arg8[%get3A_277, %get3A_278, %get3A_279] {strides = array<i32>} : memref<2x80x128xf32, #tpu.memory_space<vmem>>, vector<1x1x16xf32>,
      %get3A_281 = vector.shape_cast %get3A_280 : vector<1x1x16xf32> to vector<16xf32>
      %get3A_282 = arith.constant 0 : i32
      %get3A_283 = arith.index_cast %get3A_282 : i32 to index
      %get3A_284 = arith.index_cast %scan3A_185 : i32 to index
      %get3A_285 = arith.constant 64 : index
      %get3A_286 = tpu.vector_load %arg9[%get3A_283, %get3A_284, %get3A_285] {strides = array<i32>} : memref<2x80x128xf32, #tpu.memory_space<vmem>>, vector<1x1x16xf32>,
      %get3A_287 = vector.shape_cast %get3A_286 : vector<1x1x16xf32> to vector<16xf32>
      %add3A_288 = arith.addf %get3A_281, %get3A_287 : vector<16xf32>
      %max3A_289 = arith.constant 0.000000e+00 : f32
      %max3A_290 = vector.broadcast %max3A_289 : f32 to vector<16xf32>
      %max3A_291 = arith.maximumf %add3A_288, %max3A_290 : vector<16xf32>
      %swap3A_292 = arith.constant 0 : i32
      %swap3A_293 = arith.index_cast %swap3A_292 : i32 to index
      %swap3A_294 = arith.index_cast %scan3A_185 : i32 to index
      %swap3A_295 = arith.constant 64 : index
      %swap3A_296 = tpu.vector_load %arg8[%swap3A_293, %swap3A_294, %swap3A_295] {strides = array<i32>} : memref<2x80x128xf32, #tpu.memory_space<vmem>>, vector<1x1x16xf32>,
      %swap3A_297 = vector.shape_cast %swap3A_296 : vector<1x1x16xf32> to vector<16xf32>
      %swap3A_298 = vector.shape_cast %max3A_291 : vector<16xf32> to vector<1x1x16xf32>
      tpu.vector_store %arg8[%swap3A_293, %swap3A_294, %swap3A_295], %swap3A_298 {strides = array<i32>} : memref<2x80x128xf32, #tpu.memory_space<vmem>>, vector<1x1x16xf32>,
      %get3A_299 = arith.constant 0 : i32
      %get3A_300 = arith.index_cast %get3A_299 : i32 to index
      %get3A_301 = arith.index_cast %scan3A_185 : i32 to index
      %get3A_302 = arith.constant 80 : index
      %get3A_303 = tpu.vector_load %arg8[%get3A_300, %get3A_301, %get3A_302] {strides = array<i32>} : memref<2x80x128xf32, #tpu.memory_space<vmem>>, vector<1x1x16xf32>,
      %get3A_304 = vector.shape_cast %get3A_303 : vector<1x1x16xf32> to vector<16xf32>
      %get3A_305 = arith.constant 0 : i32
      %get3A_306 = arith.index_cast %get3A_305 : i32 to index
      %get3A_307 = arith.index_cast %scan3A_185 : i32 to index
      %get3A_308 = arith.constant 80 : index
      %get3A_309 = tpu.vector_load %arg9[%get3A_306, %get3A_307, %get3A_308] {strides = array<i32>} : memref<2x80x128xf32, #tpu.memory_space<vmem>>, vector<1x1x16xf32>,
      %get3A_310 = vector.shape_cast %get3A_309 : vector<1x1x16xf32> to vector<16xf32>
      %add3A_311 = arith.addf %get3A_304, %get3A_310 : vector<16xf32>
      %max3A_312 = arith.constant 0.000000e+00 : f32
      %max3A_313 = vector.broadcast %max3A_312 : f32 to vector<16xf32>
      %max3A_314 = arith.maximumf %add3A_311, %max3A_313 : vector<16xf32>
      %swap3A_315 = arith.constant 0 : i32
      %swap3A_316 = arith.index_cast %swap3A_315 : i32 to index
      %swap3A_317 = arith.index_cast %scan3A_185 : i32 to index
      %swap3A_318 = arith.constant 80 : index
      %swap3A_319 = tpu.vector_load %arg8[%swap3A_316, %swap3A_317, %swap3A_318] {strides = array<i32>} : memref<2x80x128xf32, #tpu.memory_space<vmem>>, vector<1x1x16xf32>,
      %swap3A_320 = vector.shape_cast %swap3A_319 : vector<1x1x16xf32> to vector<16xf32>
      %swap3A_321 = vector.shape_cast %max3A_314 : vector<16xf32> to vector<1x1x16xf32>
      tpu.vector_store %arg8[%swap3A_316, %swap3A_317, %swap3A_318], %swap3A_321 {strides = array<i32>} : memref<2x80x128xf32, #tpu.memory_space<vmem>>, vector<1x1x16xf32>,
      %get3A_322 = arith.constant 0 : i32
      %get3A_323 = arith.index_cast %get3A_322 : i32 to index
      %get3A_324 = arith.index_cast %scan3A_185 : i32 to index
      %get3A_325 = arith.constant 96 : index
      %get3A_326 = tpu.vector_load %arg8[%get3A_323, %get3A_324, %get3A_325] {strides = array<i32>} : memref<2x80x128xf32, #tpu.memory_space<vmem>>, vector<1x1x16xf32>,
      %get3A_327 = vector.shape_cast %get3A_326 : vector<1x1x16xf32> to vector<16xf32>
      %get3A_328 = arith.constant 0 : i32
      %get3A_329 = arith.index_cast %get3A_328 : i32 to index
      %get3A_330 = arith.index_cast %scan3A_185 : i32 to index
      %get3A_331 = arith.constant 96 : index
      %get3A_332 = tpu.vector_load %arg9[%get3A_329, %get3A_330, %get3A_331] {strides = array<i32>} : memref<2x80x128xf32, #tpu.memory_space<vmem>>, vector<1x1x16xf32>,
      %get3A_333 = vector.shape_cast %get3A_332 : vector<1x1x16xf32> to vector<16xf32>
      %add3A_334 = arith.addf %get3A_327, %get3A_333 : vector<16xf32>
      %max3A_335 = arith.constant 0.000000e+00 : f32
      %max3A_336 = vector.broadcast %max3A_335 : f32 to vector<16xf32>
      %max3A_337 = arith.maximumf %add3A_334, %max3A_336 : vector<16xf32>
      %swap3A_338 = arith.constant 0 : i32
      %swap3A_339 = arith.index_cast %swap3A_338 : i32 to index
      %swap3A_340 = arith.index_cast %scan3A_185 : i32 to index
      %swap3A_341 = arith.constant 96 : index
      %swap3A_342 = tpu.vector_load %arg8[%swap3A_339, %swap3A_340, %swap3A_341] {strides = array<i32>} : memref<2x80x128xf32, #tpu.memory_space<vmem>>, vector<1x1x16xf32>,
      %swap3A_343 = vector.shape_cast %swap3A_342 : vector<1x1x16xf32> to vector<16xf32>
      %swap3A_344 = vector.shape_cast %max3A_337 : vector<16xf32> to vector<1x1x16xf32>
      tpu.vector_store %arg8[%swap3A_339, %swap3A_340, %swap3A_341], %swap3A_344 {strides = array<i32>} : memref<2x80x128xf32, #tpu.memory_space<vmem>>, vector<1x1x16xf32>,
      %get3A_345 = arith.constant 0 : i32
      %get3A_346 = arith.index_cast %get3A_345 : i32 to index
      %get3A_347 = arith.index_cast %scan3A_185 : i32 to index
      %get3A_348 = arith.constant 112 : index
      %get3A_349 = tpu.vector_load %arg8[%get3A_346, %get3A_347, %get3A_348] {strides = array<i32>} : memref<2x80x128xf32, #tpu.memory_space<vmem>>, vector<1x1x16xf32>,
      %get3A_350 = vector.shape_cast %get3A_349 : vector<1x1x16xf32> to vector<16xf32>
      %get3A_351 = arith.constant 0 : i32
      %get3A_352 = arith.index_cast %get3A_351 : i32 to index
      %get3A_353 = arith.index_cast %scan3A_185 : i32 to index
      %get3A_354 = arith.constant 112 : index
      %get3A_355 = tpu.vector_load %arg9[%get3A_352, %get3A_353, %get3A_354] {strides = array<i32>} : memref<2x80x128xf32, #tpu.memory_space<vmem>>, vector<1x1x16xf32>,
      %get3A_356 = vector.shape_cast %get3A_355 : vector<1x1x16xf32> to vector<16xf32>
      %add3A_357 = arith.addf %get3A_350, %get3A_356 : vector<16xf32>
      %max3A_358 = arith.constant 0.000000e+00 : f32
      %max3A_359 = vector.broadcast %max3A_358 : f32 to vector<16xf32>
      %max3A_360 = arith.maximumf %add3A_357, %max3A_359 : vector<16xf32>
      %swap3A_361 = arith.constant 0 : i32
      %swap3A_362 = arith.index_cast %swap3A_361 : i32 to index
      %swap3A_363 = arith.index_cast %scan3A_185 : i32 to index
      %swap3A_364 = arith.constant 112 : index
      %swap3A_365 = tpu.vector_load %arg8[%swap3A_362, %swap3A_363, %swap3A_364] {strides = array<i32>} : memref<2x80x128xf32, #tpu.memory_space<vmem>>, vector<1x1x16xf32>,
      %swap3A_366 = vector.shape_cast %swap3A_365 : vector<1x1x16xf32> to vector<16xf32>
      %swap3A_367 = vector.shape_cast %max3A_360 : vector<16xf32> to vector<1x1x16xf32>
      tpu.vector_store %arg8[%swap3A_362, %swap3A_363, %swap3A_364], %swap3A_367 {strides = array<i32>} : memref<2x80x128xf32, #tpu.memory_space<vmem>>, vector<1x1x16xf32>,
      %scan3A_368 = arith.constant 0 : i32
      scf.yield %scan3A_368 : i32
    }
    %scan3A_153 = arith.constant 80 : i32
    %run_scoped3A = arith.constant 0 : i32
    %run_scoped3A_154 = arith.constant 0 : i32
    %run_scoped3A_155 = arith.constant 1 : i32
    "tpu.region"() ({
      %run_scoped3A_185 = tpu.sem_alloc : memref<!tpu.dma_semaphore, #tpu.memory_space<semaphore_mem>>
      %dma_start3A_186 = arith.constant 0 : i32
      %dma_start3A_187 = arith.constant 0 : i32
      %dma_start3A_188 = tpu.memref_slice %arg8[%run_scoped3A, %dma_start3A_186, %dma_start3A_187] : memref<2x80x128xf32, #tpu.memory_space<vmem>> -> memref<1x80x128xf32, #tpu.memory_space<vmem>>
      %dma_start3A_189 = tpu.memref_squeeze %dma_start3A_188 : memref<1x80x128xf32, #tpu.memory_space<vmem>> -> memref<80x128xf32, #tpu.memory_space<vmem>>
      %dma_start3A_190 = arith.constant 0 : i32
      %dma_start3A_191 = tpu.memref_slice %arg7[%run_scoped3A_154, %run_scoped3A_155, %dma_start3A_190] : memref<2x2x80xi32, #tpu.memory_space<vmem>> -> memref<1x1x80xi32, #tpu.memory_space<vmem>>
      %dma_start3A_192 = tpu.memref_squeeze %dma_start3A_191 : memref<1x1x80xi32, #tpu.memory_space<vmem>> -> memref<80xi32, #tpu.memory_space<vmem>>
      %dma_start3A_193 = arith.constant 0 : i32
      %dma_start3A_194 = arith.constant 0 : i32
      %dma_start3A_195 = tpu.memref_slice %arg10[%dma_start3A_193, %dma_start3A_194] : memref<10240x128xf32, #tpu.memory_space<vmem_shared>> -> memref<10240x128xf32, #tpu.memory_space<vmem_shared>>
      tpu.enqueue_indirect_dma source(%dma_start3A_189 : memref<80x128xf32, #tpu.memory_space<vmem>>) target(%dma_start3A_195 : memref<10240x128xf32, #tpu.memory_space<vmem_shared>>) offsets(%dma_start3A_192 : memref<80xi32, #tpu.memory_space<vmem>>) semaphore(%run_scoped3A_185 : memref<!tpu.dma_semaphore, #tpu.memory_space<semaphore_mem>>) {add = true}
      %dma_wait3A_196 = arith.constant 0 : i32
      %dma_wait3A_197 = arith.constant 0 : i32
      %dma_wait3A_198 = tpu.memref_slice %arg8[%run_scoped3A, %dma_wait3A_196, %dma_wait3A_197] : memref<2x80x128xf32, #tpu.memory_space<vmem>> -> memref<1x80x128xf32, #tpu.memory_space<vmem>>
      %dma_wait3A_199 = tpu.memref_squeeze %dma_wait3A_198 : memref<1x80x128xf32, #tpu.memory_space<vmem>> -> memref<80x128xf32, #tpu.memory_space<vmem>>
      %dma_wait3A_200 = arith.constant 0 : i32
      %dma_wait3A_201 = tpu.memref_slice %arg7[%run_scoped3A_154, %run_scoped3A_155, %dma_wait3A_200] : memref<2x2x80xi32, #tpu.memory_space<vmem>> -> memref<1x1x80xi32, #tpu.memory_space<vmem>>
      %dma_wait3A_202 = tpu.memref_squeeze %dma_wait3A_201 : memref<1x1x80xi32, #tpu.memory_space<vmem>> -> memref<80xi32, #tpu.memory_space<vmem>>
      %dma_wait3A_203 = arith.constant 0 : i32
      %dma_wait3A_204 = arith.constant 0 : i32
      %dma_wait3A_205 = tpu.memref_slice %arg10[%dma_wait3A_203, %dma_wait3A_204] : memref<10240x128xf32, #tpu.memory_space<vmem_shared>> -> memref<10240x128xf32, #tpu.memory_space<vmem_shared>>
      tpu.wait_indirect_dma semaphore(%run_scoped3A_185 : memref<!tpu.dma_semaphore, #tpu.memory_space<semaphore_mem>>) src(%dma_wait3A_199 : memref<80x128xf32, #tpu.memory_space<vmem>>) dst(%dma_wait3A_205 : memref<10240x128xf32, #tpu.memory_space<vmem_shared>>)
      tpu.yield
    }) : () -> ()
    %dma_wait3A_156 = arith.constant 1 : i32
    %dma_wait3A_157 = arith.constant 0 : i32
    %dma_wait3A_158 = arith.constant 0 : i32
    %dma_wait3A_159 = tpu.memref_slice %arg7[%dma_wait3A_156, %dma_wait3A_157, %dma_wait3A_158] : memref<2x2x80xi32, #tpu.memory_space<vmem>> -> memref<1x1x80xi32, #tpu.memory_space<vmem>>
    %dma_wait3A_160 = tpu.memref_squeeze %dma_wait3A_159 : memref<1x1x80xi32, #tpu.memory_space<vmem>> -> memref<80xi32, #tpu.memory_space<vmem>>
    %dma_wait3A_161 = arith.constant 0 : i32
    %dma_wait3A_162 = tpu.memref_slice %arg4[%dma_wait3A_161] : memref<320080xi32, #tpu.memory_space<hbm>> -> memref<80xi32, #tpu.memory_space<hbm>>
    %dma_wait3A_163 = arith.constant 0 : i32
    %dma_wait3A_164 = tpu.memref_slice %arg7[%dma_wait3A_156, %dma_wait3A_157, %dma_wait3A_163] : memref<2x2x80xi32, #tpu.memory_space<vmem>> -> memref<1x1x80xi32, #tpu.memory_space<vmem>>
    %dma_wait3A_165 = tpu.memref_squeeze %dma_wait3A_164 : memref<1x1x80xi32, #tpu.memory_space<vmem>> -> memref<80xi32, #tpu.memory_space<vmem>>
    %dma_wait3A_166 = arith.constant 0 : i32
    %dma_wait3A_167 = tpu.memref_slice %arg4[%dma_wait3A_166] : memref<320080xi32, #tpu.memory_space<hbm>> -> memref<80xi32, #tpu.memory_space<hbm>>
    tpu.wait_dma2 semaphore(%arg12 : memref<!tpu.dma_semaphore, #tpu.memory_space<semaphore_mem>>) src(%dma_wait3A_167 : memref<80xi32, #tpu.memory_space<hbm>>) dst(%dma_wait3A_165 : memref<80xi32, #tpu.memory_space<vmem>>)
    %dma_wait3A_168 = arith.constant 1 : i32
    %dma_wait3A_169 = arith.constant 1 : i32
    %dma_wait3A_170 = arith.constant 0 : i32
    %dma_wait3A_171 = tpu.memref_slice %arg7[%dma_wait3A_168, %dma_wait3A_169, %dma_wait3A_170] : memref<2x2x80xi32, #tpu.memory_space<vmem>> -> memref<1x1x80xi32, #tpu.memory_space<vmem>>
    %dma_wait3A_172 = tpu.memref_squeeze %dma_wait3A_171 : memref<1x1x80xi32, #tpu.memory_space<vmem>> -> memref<80xi32, #tpu.memory_space<vmem>>
    %dma_wait3A_173 = arith.constant 0 : i32
    %dma_wait3A_174 = tpu.memref_slice %arg5[%dma_wait3A_173] : memref<320080xi32, #tpu.memory_space<hbm>> -> memref<80xi32, #tpu.memory_space<hbm>>
    %dma_wait3A_175 = arith.constant 0 : i32
    %dma_wait3A_176 = tpu.memref_slice %arg7[%dma_wait3A_168, %dma_wait3A_169, %dma_wait3A_175] : memref<2x2x80xi32, #tpu.memory_space<vmem>> -> memref<1x1x80xi32, #tpu.memory_space<vmem>>
    %dma_wait3A_177 = tpu.memref_squeeze %dma_wait3A_176 : memref<1x1x80xi32, #tpu.memory_space<vmem>> -> memref<80xi32, #tpu.memory_space<vmem>>
    %dma_wait3A_178 = arith.constant 0 : i32
    %dma_wait3A_179 = tpu.memref_slice %arg5[%dma_wait3A_178] : memref<320080xi32, #tpu.memory_space<hbm>> -> memref<80xi32, #tpu.memory_space<hbm>>
    tpu.wait_dma2 semaphore(%arg12 : memref<!tpu.dma_semaphore, #tpu.memory_space<semaphore_mem>>) src(%dma_wait3A_179 : memref<80xi32, #tpu.memory_space<hbm>>) dst(%dma_wait3A_177 : memref<80xi32, #tpu.memory_space<vmem>>)
    %barrier3A_180 = arith.constant 0 : index
    tpu.barrier barrier_id(%barrier3A_180)
    %mul3A_181 = arith.constant 640 : i32
    %mul3A_182 = arith.muli %arg1, %mul3A_181 : i32
    %mul3A_183 = arith.constant 640 : i32
    %mul3A_184 = arith.muli %arg1, %mul3A_183 : i32
    "tpu.region"() ({
      %run_scoped3A_185 = tpu.sem_alloc : memref<!tpu.dma_semaphore, #tpu.memory_space<semaphore_mem>>
      %dma_start3A_186 = arith.constant 0 : i32
      %dma_start3A_187 = tpu.memref_slice %arg6[%arg0, %mul3A_184, %dma_start3A_186] : memref<2x10240x128xf32, #tpu.memory_space<hbm>> -> memref<1x640x128xf32, #tpu.memory_space<hbm>>
      %dma_start3A_188 = tpu.memref_squeeze %dma_start3A_187 : memref<1x640x128xf32, #tpu.memory_space<hbm>> -> memref<640x128xf32, #tpu.memory_space<hbm>>
      %dma_start3A_189 = arith.constant 0 : i32
      %dma_start3A_190 = tpu.memref_slice %arg10[%mul3A_182, %dma_start3A_189] : memref<10240x128xf32, #tpu.memory_space<vmem_shared>> -> memref<640x128xf32, #tpu.memory_space<vmem_shared>>
      tpu.enqueue_dma source(%dma_start3A_190 : memref<640x128xf32, #tpu.memory_space<vmem_shared>>) target(%dma_start3A_188 : memref<640x128xf32, #tpu.memory_space<hbm>>) target_semaphore(%run_scoped3A_185 : memref<!tpu.dma_semaphore, #tpu.memory_space<semaphore_mem>>)
      %dma_wait3A_191 = arith.constant 0 : i32
      %dma_wait3A_192 = tpu.memref_slice %arg6[%arg0, %mul3A_184, %dma_wait3A_191] : memref<2x10240x128xf32, #tpu.memory_space<hbm>> -> memref<1x640x128xf32, #tpu.memory_space<hbm>>
      %dma_wait3A_193 = tpu.memref_squeeze %dma_wait3A_192 : memref<1x640x128xf32, #tpu.memory_space<hbm>> -> memref<640x128xf32, #tpu.memory_space<hbm>>
      %dma_wait3A_194 = arith.constant 0 : i32
      %dma_wait3A_195 = tpu.memref_slice %arg10[%mul3A_182, %dma_wait3A_194] : memref<10240x128xf32, #tpu.memory_space<vmem_shared>> -> memref<640x128xf32, #tpu.memory_space<vmem_shared>>
      tpu.wait_dma2 semaphore(%run_scoped3A_185 : memref<!tpu.dma_semaphore, #tpu.memory_space<semaphore_mem>>) src(%dma_wait3A_195 : memref<640x128xf32, #tpu.memory_space<vmem_shared>>) dst(%dma_wait3A_193 : memref<640x128xf32, #tpu.memory_space<hbm>>)
      tpu.yield
    }) : () -> ()
    return
  }
}

module attributes {stable_mosaic.version = 14 : i64} {
  func.func @_edge_body(%arg0: i32, %arg1: memref<3200x16xf32, #tpu.memory_space<vmem>>, %arg2: memref<16x128xf32, #tpu.memory_space<vmem>>, %arg3: memref<1x128xf32, #tpu.memory_space<vmem>>, %arg4: memref<128x128xf32, #tpu.memory_space<vmem>>, %arg5: memref<1x128xf32, #tpu.memory_space<vmem>>, %arg6: memref<3200x128xf32, #tpu.memory_space<vmem>>) attributes {dimension_semantics = [#tpu.dimension_semantics<arbitrary>], iteration_bounds = array<i64: 100>, scalar_prefetch = 0 : i64, scratch_operands = 0 : i64, tpu.core_type = #tpu.core_type<tc>, window_params = [{transform_indices = @transform_0, window_bounds = array<i64: 3200, 16>}, {pipeline_mode = #tpu.pipeline_mode<synchronous>, transform_indices = @transform_1, window_bounds = array<i64: 16, 128>}, {pipeline_mode = #tpu.pipeline_mode<synchronous>, transform_indices = @transform_2, window_bounds = array<i64: 1, 128>}, {pipeline_mode = #tpu.pipeline_mode<synchronous>, transform_indices = @transform_3, window_bounds = array<i64: 128, 128>}, {pipeline_mode = #tpu.pipeline_mode<synchronous>, transform_indices = @transform_4, window_bounds = array<i64: 1, 128>}, {transform_indices = @transform_5, window_bounds = array<i64: 3200, 128>}]} {
    %get3A = arith.constant 0 : index
    %get3A_0 = arith.constant 0 : index
    %get3A_1 = vector.load %arg1[%get3A, %get3A_0] : memref<3200x16xf32, #tpu.memory_space<vmem>>, vector<3200x16xf32>
    %get3A_2 = arith.constant 0 : index
    %get3A_3 = arith.constant 0 : index
    %get3A_4 = vector.load %arg2[%get3A_2, %get3A_3] : memref<16x128xf32, #tpu.memory_space<vmem>>, vector<16x128xf32>
    %dot_general3A = arith.constant dense<0.000000e+00> : vector<3200x128xf32>
    %dot_general3A_5 = tpu.matmul %get3A_1, %get3A_4, %dot_general3A {dimension_numbers = #tpu.dot_dimension_numbers<[1], [0], [0], [1], [0, 0, 1, 1], [], []>, transpose_lhs_hint = false} : vector<3200x16xf32>, vector<16x128xf32>, vector<3200x128xf32> -> vector<3200x128xf32>
    %get3A_6 = arith.constant 0 : index
    %get3A_7 = arith.constant 0 : index
    %get3A_8 = vector.load %arg3[%get3A_6, %get3A_7] : memref<1x128xf32, #tpu.memory_space<vmem>>, vector<1x128xf32>
    %add3A = vector.broadcast %get3A_8 : vector<1x128xf32> to vector<3200x128xf32>
    %add3A_9 = arith.addf %dot_general3A_5, %add3A : vector<3200x128xf32>
    %max3A = arith.constant 0.000000e+00 : f32
    %max3A_10 = vector.broadcast %max3A : f32 to vector<3200x128xf32>
    %max3A_11 = arith.maximumf %add3A_9, %max3A_10 : vector<3200x128xf32>
    %get3A_12 = arith.constant 0 : index
    %get3A_13 = arith.constant 0 : index
    %get3A_14 = vector.load %arg4[%get3A_12, %get3A_13] : memref<128x128xf32, #tpu.memory_space<vmem>>, vector<128x128xf32>
    %dot_general3A_15 = arith.constant dense<0.000000e+00> : vector<3200x128xf32>
    %dot_general3A_16 = tpu.matmul %max3A_11, %get3A_14, %dot_general3A_15 {dimension_numbers = #tpu.dot_dimension_numbers<[1], [0], [0], [1], [0, 0, 1, 1], [], []>, transpose_lhs_hint = false} : vector<3200x128xf32>, vector<128x128xf32>, vector<3200x128xf32> -> vector<3200x128xf32>
    %get3A_17 = arith.constant 0 : index
    %get3A_18 = arith.constant 0 : index
    %get3A_19 = vector.load %arg5[%get3A_17, %get3A_18] : memref<1x128xf32, #tpu.memory_space<vmem>>, vector<1x128xf32>
    %add3A_20 = vector.broadcast %get3A_19 : vector<1x128xf32> to vector<3200x128xf32>
    %add3A_21 = arith.addf %dot_general3A_16, %add3A_20 : vector<3200x128xf32>
    %swap3A = arith.constant 0 : index
    %swap3A_22 = arith.constant 0 : index
    %swap3A_23 = vector.load %arg6[%swap3A, %swap3A_22] : memref<3200x128xf32, #tpu.memory_space<vmem>>, vector<3200x128xf32>
    tpu.vector_store %arg6[%swap3A, %swap3A_22], %add3A_21 {strides = array<i32>} : memref<3200x128xf32, #tpu.memory_space<vmem>>, vector<3200x128xf32>,
    return
  }
  func.func @transform_0(%arg0: i32) -> (i32, i32) {
    %c0_i32 = arith.constant 0 : i32
    %c0_i32_0 = arith.constant 0 : i32
    return %arg0, %c0_i32 : i32, i32
  }
  func.func @transform_1(%arg0: i32) -> (i32, i32) {
    %c0_i32 = arith.constant 0 : i32
    %c0_i32_0 = arith.constant 0 : i32
    %c0_i32_1 = arith.constant 0 : i32
    return %c0_i32, %c0_i32_0 : i32, i32
  }
  func.func @transform_2(%arg0: i32) -> (i32, i32) {
    %c0_i32 = arith.constant 0 : i32
    %c0_i32_0 = arith.constant 0 : i32
    %c0_i32_1 = arith.constant 0 : i32
    return %c0_i32, %c0_i32_0 : i32, i32
  }
  func.func @transform_3(%arg0: i32) -> (i32, i32) {
    %c0_i32 = arith.constant 0 : i32
    %c0_i32_0 = arith.constant 0 : i32
    %c0_i32_1 = arith.constant 0 : i32
    return %c0_i32, %c0_i32_0 : i32, i32
  }
  func.func @transform_4(%arg0: i32) -> (i32, i32) {
    %c0_i32 = arith.constant 0 : i32
    %c0_i32_0 = arith.constant 0 : i32
    %c0_i32_1 = arith.constant 0 : i32
    return %c0_i32, %c0_i32_0 : i32, i32
  }
  func.func @transform_5(%arg0: i32) -> (i32, i32) {
    %c0_i32 = arith.constant 0 : i32
    %c0_i32_0 = arith.constant 0 : i32
    return %arg0, %c0_i32 : i32, i32
  }
}

module attributes {stable_mosaic.version = 14 : i64} {
  func.func @_node_body(%arg0: memref<10000x128xf32, #tpu.memory_space<vmem>>, %arg1: memref<2x10240x128xf32, #tpu.memory_space<vmem>>, %arg2: memref<1x1xf32, #tpu.memory_space<vmem>>, %arg3: memref<128x128xf32, #tpu.memory_space<vmem>>, %arg4: memref<1x128xf32, #tpu.memory_space<vmem>>, %arg5: memref<128x128xf32, #tpu.memory_space<vmem>>, %arg6: memref<1x128xf32, #tpu.memory_space<vmem>>, %arg7: memref<1x128xf32, #tpu.memory_space<vmem>>, %arg8: memref<1x128xf32, #tpu.memory_space<vmem>>, %arg9: memref<10000x128xf32, #tpu.memory_space<vmem>>) attributes {dimension_semantics = [], scalar_prefetch = 0 : i64, scratch_operands = 0 : i64, tpu.core_type = #tpu.core_type<tc>} {
    %get3A = arith.constant 0 : index
    %get3A_0 = arith.constant 0 : index
    %get3A_1 = arith.constant 0 : index
    %get3A_2 = vector.load %arg1[%get3A, %get3A_0, %get3A_1] : memref<2x10240x128xf32, #tpu.memory_space<vmem>>, vector<1x10000x128xf32>
    %get3A_3 = vector.shape_cast %get3A_2 : vector<1x10000x128xf32> to vector<10000x128xf32>
    %get3A_4 = arith.constant 1 : index
    %get3A_5 = arith.constant 0 : index
    %get3A_6 = arith.constant 0 : index
    %get3A_7 = vector.load %arg1[%get3A_4, %get3A_5, %get3A_6] : memref<2x10240x128xf32, #tpu.memory_space<vmem>>, vector<1x10000x128xf32>
    %get3A_8 = vector.shape_cast %get3A_7 : vector<1x10000x128xf32> to vector<10000x128xf32>
    %add3A = arith.addf %get3A_3, %get3A_8 : vector<10000x128xf32>
    %get3A_9 = arith.constant 0 : index
    %get3A_10 = arith.constant 0 : index
    %get3A_11 = vector.load %arg0[%get3A_9, %get3A_10] : memref<10000x128xf32, #tpu.memory_space<vmem>>, vector<10000x128xf32>
    %get3A_12 = arith.constant 0 : index
    %get3A_13 = arith.constant 0 : index
    %get3A_14 = vector.load %arg2[%get3A_12, %get3A_13] : memref<1x1xf32, #tpu.memory_space<vmem>>, vector<1x1xf32>
    %add3A_15 = arith.constant 1.000000e+00 : f32
    %add3A_16 = vector.broadcast %add3A_15 : f32 to vector<1x1xf32>
    %add3A_17 = arith.addf %add3A_16, %get3A_14 : vector<1x1xf32>
    %mul3A = vector.broadcast %add3A_17 : vector<1x1xf32> to vector<10000x128xf32>
    %mul3A_18 = arith.mulf %get3A_11, %mul3A : vector<10000x128xf32>
    %add3A_19 = arith.addf %mul3A_18, %add3A : vector<10000x128xf32>
    %get3A_20 = arith.constant 0 : index
    %get3A_21 = arith.constant 0 : index
    %get3A_22 = vector.load %arg3[%get3A_20, %get3A_21] : memref<128x128xf32, #tpu.memory_space<vmem>>, vector<128x128xf32>
    %dot_general3A = arith.constant dense<0.000000e+00> : vector<10000x128xf32>
    %dot_general3A_23 = tpu.matmul %add3A_19, %get3A_22, %dot_general3A {dimension_numbers = #tpu.dot_dimension_numbers<[1], [0], [0], [1], [0, 0, 1, 1], [], []>, transpose_lhs_hint = false} : vector<10000x128xf32>, vector<128x128xf32>, vector<10000x128xf32> -> vector<10000x128xf32>
    %get3A_24 = arith.constant 0 : index
    %get3A_25 = arith.constant 0 : index
    %get3A_26 = vector.load %arg4[%get3A_24, %get3A_25] : memref<1x128xf32, #tpu.memory_space<vmem>>, vector<1x128xf32>
    %add3A_27 = vector.broadcast %get3A_26 : vector<1x128xf32> to vector<10000x128xf32>
    %add3A_28 = arith.addf %dot_general3A_23, %add3A_27 : vector<10000x128xf32>
    %max3A = arith.constant 0.000000e+00 : f32
    %max3A_29 = vector.broadcast %max3A : f32 to vector<10000x128xf32>
    %max3A_30 = arith.maximumf %add3A_28, %max3A_29 : vector<10000x128xf32>
    %get3A_31 = arith.constant 0 : index
    %get3A_32 = arith.constant 0 : index
    %get3A_33 = vector.load %arg5[%get3A_31, %get3A_32] : memref<128x128xf32, #tpu.memory_space<vmem>>, vector<128x128xf32>
    %dot_general3A_34 = arith.constant dense<0.000000e+00> : vector<10000x128xf32>
    %dot_general3A_35 = tpu.matmul %max3A_30, %get3A_33, %dot_general3A_34 {dimension_numbers = #tpu.dot_dimension_numbers<[1], [0], [0], [1], [0, 0, 1, 1], [], []>, transpose_lhs_hint = false} : vector<10000x128xf32>, vector<128x128xf32>, vector<10000x128xf32> -> vector<10000x128xf32>
    %get3A_36 = arith.constant 0 : index
    %get3A_37 = arith.constant 0 : index
    %get3A_38 = vector.load %arg6[%get3A_36, %get3A_37] : memref<1x128xf32, #tpu.memory_space<vmem>>, vector<1x128xf32>
    %add3A_39 = vector.broadcast %get3A_38 : vector<1x128xf32> to vector<10000x128xf32>
    %add3A_40 = arith.addf %dot_general3A_35, %add3A_39 : vector<10000x128xf32>
    %max3A_41 = arith.constant 0.000000e+00 : f32
    %max3A_42 = vector.broadcast %max3A_41 : f32 to vector<10000x128xf32>
    %max3A_43 = arith.maximumf %add3A_40, %max3A_42 : vector<10000x128xf32>
    %reduce_sum3A = arith.constant dense<0.000000e+00> : vector<128xf32>
    %reduce_sum3A_44 = vector.multi_reduction <add>, %max3A_43, %reduce_sum3A [0] : vector<10000x128xf32> to vector<128xf32>
    %broadcast_in_dim3A = vector.shape_cast %reduce_sum3A_44 : vector<128xf32> to vector<1x128xf32>
    %div3A = arith.constant 1.000000e+04 : f32
    %div3A_45 = vector.broadcast %div3A : f32 to vector<1x128xf32>
    %div3A_46 = arith.divf %broadcast_in_dim3A, %div3A_45 : vector<1x128xf32>
    %sub3A = vector.broadcast %div3A_46 : vector<1x128xf32> to vector<10000x128xf32>
    %sub3A_47 = arith.subf %max3A_43, %sub3A : vector<10000x128xf32>
    %sub3A_48 = vector.broadcast %div3A_46 : vector<1x128xf32> to vector<10000x128xf32>
    %sub3A_49 = arith.subf %max3A_43, %sub3A_48 : vector<10000x128xf32>
    %mul3A_50 = arith.mulf %sub3A_47, %sub3A_49 : vector<10000x128xf32>
    %reduce_sum3A_51 = arith.constant dense<0.000000e+00> : vector<128xf32>
    %reduce_sum3A_52 = vector.multi_reduction <add>, %mul3A_50, %reduce_sum3A_51 [0] : vector<10000x128xf32> to vector<128xf32>
    %broadcast_in_dim3A_53 = vector.shape_cast %reduce_sum3A_52 : vector<128xf32> to vector<1x128xf32>
    %div3A_54 = arith.constant 1.000000e+04 : f32
    %div3A_55 = vector.broadcast %div3A_54 : f32 to vector<1x128xf32>
    %div3A_56 = arith.divf %broadcast_in_dim3A_53, %div3A_55 : vector<1x128xf32>
    %sub3A_57 = vector.broadcast %div3A_46 : vector<1x128xf32> to vector<10000x128xf32>
    %sub3A_58 = arith.subf %max3A_43, %sub3A_57 : vector<10000x128xf32>
    %add3A_59 = arith.constant 9.99999974E-6 : f32
    %add3A_60 = vector.broadcast %add3A_59 : f32 to vector<1x128xf32>
    %add3A_61 = arith.addf %div3A_56, %add3A_60 : vector<1x128xf32>
    %rsqrt3A = math.rsqrt %add3A_61 : vector<1x128xf32>
    %mul3A_62 = vector.broadcast %rsqrt3A : vector<1x128xf32> to vector<10000x128xf32>
    %mul3A_63 = arith.mulf %sub3A_58, %mul3A_62 : vector<10000x128xf32>
    %get3A_64 = arith.constant 0 : index
    %get3A_65 = arith.constant 0 : index
    %get3A_66 = vector.load %arg7[%get3A_64, %get3A_65] : memref<1x128xf32, #tpu.memory_space<vmem>>, vector<1x128xf32>
    %mul3A_67 = vector.broadcast %get3A_66 : vector<1x128xf32> to vector<10000x128xf32>
    %mul3A_68 = arith.mulf %mul3A_63, %mul3A_67 : vector<10000x128xf32>
    %get3A_69 = arith.constant 0 : index
    %get3A_70 = arith.constant 0 : index
    %get3A_71 = vector.load %arg8[%get3A_69, %get3A_70] : memref<1x128xf32, #tpu.memory_space<vmem>>, vector<1x128xf32>
    %add3A_72 = vector.broadcast %get3A_71 : vector<1x128xf32> to vector<10000x128xf32>
    %add3A_73 = arith.addf %mul3A_68, %add3A_72 : vector<10000x128xf32>
    %swap3A = arith.constant 0 : index
    %swap3A_74 = arith.constant 0 : index
    %swap3A_75 = vector.load %arg9[%swap3A, %swap3A_74] : memref<10000x128xf32, #tpu.memory_space<vmem>>, vector<10000x128xf32>
    tpu.vector_store %arg9[%swap3A, %swap3A_74], %add3A_73 {strides = array<i32>} : memref<10000x128xf32, #tpu.memory_space<vmem>>, vector<10000x128xf32>,
    return
  }
}

module attributes {stable_mosaic.version = 14 : i64} {
  func.func @_readout_body(%arg0: memref<10000x128xf32, #tpu.memory_space<vmem>>, %arg1: memref<10000x128xf32, #tpu.memory_space<vmem>>, %arg2: memref<128x128xf32, #tpu.memory_space<vmem>>, %arg3: memref<128x128xf32, #tpu.memory_space<vmem>>, %arg4: memref<1x128xf32, #tpu.memory_space<vmem>>, %arg5: memref<128x64xf32, #tpu.memory_space<vmem>>, %arg6: memref<1x64xf32, #tpu.memory_space<vmem>>, %arg7: memref<10000x64xf32, #tpu.memory_space<vmem>>) attributes {dimension_semantics = [], scalar_prefetch = 0 : i64, scratch_operands = 0 : i64, tpu.core_type = #tpu.core_type<tc>} {
    %get3A = arith.constant 0 : index
    %get3A_0 = arith.constant 0 : index
    %get3A_1 = vector.load %arg0[%get3A, %get3A_0] : memref<10000x128xf32, #tpu.memory_space<vmem>>, vector<10000x128xf32>
    %get3A_2 = arith.constant 0 : index
    %get3A_3 = arith.constant 0 : index
    %get3A_4 = vector.load %arg2[%get3A_2, %get3A_3] : memref<128x128xf32, #tpu.memory_space<vmem>>, vector<128x128xf32>
    %dot_general3A = arith.constant dense<0.000000e+00> : vector<10000x128xf32>
    %dot_general3A_5 = tpu.matmul %get3A_1, %get3A_4, %dot_general3A {dimension_numbers = #tpu.dot_dimension_numbers<[1], [0], [0], [1], [0, 0, 1, 1], [], []>, transpose_lhs_hint = false} : vector<10000x128xf32>, vector<128x128xf32>, vector<10000x128xf32> -> vector<10000x128xf32>
    %get3A_6 = arith.constant 0 : index
    %get3A_7 = arith.constant 0 : index
    %get3A_8 = vector.load %arg1[%get3A_6, %get3A_7] : memref<10000x128xf32, #tpu.memory_space<vmem>>, vector<10000x128xf32>
    %get3A_9 = arith.constant 0 : index
    %get3A_10 = arith.constant 0 : index
    %get3A_11 = vector.load %arg3[%get3A_9, %get3A_10] : memref<128x128xf32, #tpu.memory_space<vmem>>, vector<128x128xf32>
    %dot_general3A_12 = arith.constant dense<0.000000e+00> : vector<10000x128xf32>
    %dot_general3A_13 = tpu.matmul %get3A_8, %get3A_11, %dot_general3A_12 {dimension_numbers = #tpu.dot_dimension_numbers<[1], [0], [0], [1], [0, 0, 1, 1], [], []>, transpose_lhs_hint = false} : vector<10000x128xf32>, vector<128x128xf32>, vector<10000x128xf32> -> vector<10000x128xf32>
    %add3A = arith.addf %dot_general3A_5, %dot_general3A_13 : vector<10000x128xf32>
    %get3A_14 = arith.constant 0 : index
    %get3A_15 = arith.constant 0 : index
    %get3A_16 = vector.load %arg4[%get3A_14, %get3A_15] : memref<1x128xf32, #tpu.memory_space<vmem>>, vector<1x128xf32>
    %add3A_17 = vector.broadcast %get3A_16 : vector<1x128xf32> to vector<10000x128xf32>
    %add3A_18 = arith.addf %add3A, %add3A_17 : vector<10000x128xf32>
    %max3A = arith.constant 0.000000e+00 : f32
    %max3A_19 = vector.broadcast %max3A : f32 to vector<10000x128xf32>
    %max3A_20 = arith.maximumf %add3A_18, %max3A_19 : vector<10000x128xf32>
    %get3A_21 = arith.constant 0 : index
    %get3A_22 = arith.constant 0 : index
    %get3A_23 = vector.load %arg5[%get3A_21, %get3A_22] : memref<128x64xf32, #tpu.memory_space<vmem>>, vector<128x64xf32>
    %dot_general3A_24 = arith.constant dense<0.000000e+00> : vector<10000x64xf32>
    %dot_general3A_25 = tpu.matmul %max3A_20, %get3A_23, %dot_general3A_24 {dimension_numbers = #tpu.dot_dimension_numbers<[1], [0], [0], [1], [0, 0, 1, 1], [], []>, transpose_lhs_hint = false} : vector<10000x128xf32>, vector<128x64xf32>, vector<10000x64xf32> -> vector<10000x64xf32>
    %get3A_26 = arith.constant 0 : index
    %get3A_27 = arith.constant 0 : index
    %get3A_28 = vector.load %arg6[%get3A_26, %get3A_27] : memref<1x64xf32, #tpu.memory_space<vmem>>, vector<1x64xf32>
    %add3A_29 = vector.broadcast %get3A_28 : vector<1x64xf32> to vector<10000x64xf32>
    %add3A_30 = arith.addf %dot_general3A_25, %add3A_29 : vector<10000x64xf32>
    %swap3A = arith.constant 0 : index
    %swap3A_31 = arith.constant 0 : index
    %swap3A_32 = vector.load %arg7[%swap3A, %swap3A_31] : memref<10000x64xf32, #tpu.memory_space<vmem>>, vector<10000x64xf32>
    tpu.vector_store %arg7[%swap3A, %swap3A_31], %add3A_30 {strides = array<i32>} : memref<10000x64xf32, #tpu.memory_space<vmem>>, vector<10000x64xf32>,
    return
  }
}

</mosaic_0001>

<sc_bundles>
// kernel: kernel.12.cloned.1.call-start
scs
__scs_entry_jumppad:
0x0: {  	(pc) =	sbr.rel $0x88, $3  }
0x1: {  	(tag) =	ssettag $0x0;
	lr =	simm.s32 $0x1  }
0x2: {  	[smem:$0x3F84] =	sst lr;
	_ =	strace $0xD0000000  }
0x3: {  	_ = 	snop  }
0x4: {  	_ = 	snop  }
0x5: {  	_ = 	snop  }
0x6: {  	_ = 	snop  }
0x7: {  	_ = 	snop  }
__scs_overlays_trampoline_lowered:
0x8: {  	[smem:$0x3F93] =	sst s0  }
0x9: {  	[smem:$0x3F94] =	sst s1  }
0xa: {  	[smem:$0x3F95] =	sst s2  }
0xb: {  	[smem:$0x3F96] =	sst s3  }
0xc: {  	[smem:$0x3F97] =	sst s4  }
0xd: {  	[smem:$0x3F98] =	sst s5  }
0xe: {  	[smem:$0x3F99] =	sst s6  }
0xf: {  	[smem:$0x3F9A] =	sst s7  }
0x10: {  	[smem:$0x3F9B] =	sst s8  }
0x11: {  	[smem:$0x3F9C] =	sst s9;
	s0 =	simm.s32 @!p0 $0x0  }
0x12: {  	s1 =	sld [smem:$0x3F82];
	s0 =	simm.s32 @p0 $0x1  }
0x13: {  	[smem:$0x3F9D] =	sst s0;
	s0 =	simm.s32 @!p1 $0x0  }
0x14: {  	s2 =	sld [smem:$0x3F81];
	s0 =	simm.s32 @p1 $0x1  }
0x15: {  	[smem:$0x3F9E] =	sst s0;
	s0 =	simm.s32 @!p2 $0x0  }
0x16: {  	s3 =	sld [smem:$0x3FDB];
	s0 =	simm.s32 @p2 $0x1  }
0x17: {  	s4 =	simm.s32 $0x1BF5;
	[smem:$0x3FA0] =	sst s0  }
0x18: {  	s0 =	sld [smem:$0x3F83];
	_ =	swait.ge [sflag:s4], $0x0  }
0x19: {  	s7 =	sld [smem:$0x3F84]  }
0x1a: {  	s8 =	sadd.s32 $0xFFFFE003, lr  }
0x1b: {  	s9 =	sadd.s32 $0xFFFFFEF7, lr;
	s5 =	simm.s32 $0xFFFFFFFF;
	p2 =	slt.u32 s8, $0xFFFFF086  }
0x1c: {  	p1 =	slt.u32 s9, $0xF7A;
	s5 =	simm.s32 @!p2 $0x0  }
0x1d: {  	s5 =	simm.s32 @p1 $0x1;
	p0 =	seq.s32 s7, s2  }
0x1e: {  	s7 =	smul.u32 @!p0 $0xF7A, s2;
	p2 =	seq.s32 @!p0 s5, $0x0  }
0x1f: {  	s9 =	smul.u32 $0xF7A, s1;
	s8 =	simm.s32 @!p0 $0x1BF5;
	p2 =	por !p2, p0  }
0x20: {  	[sflag:s8] =	ssyncset.s32 @!p0 $0xFFFFF086;
	s6 =	sadd.s32 @!p0 s3, s7;
	s7 =	simm.s32 @!p0 $0x108  }
0x21: {  	s3 =	sadd.s32 s3, s9;
	s6 =	sadd.s32 @!p0 $0x88, s6;
	s7 =	simm.s32 @p2 $0x1082  }
0x22: {  	[simem:s7], [sflag:s8] =	dma.local @!p0 [hbm:s6], $0xF7A  }
0x23: {  	s9 =	sor.u32 $0xD0000000, s2;
	s6 =	simm.s32 $0x108;
	_ =	swait.ge @!p0 [sflag:s8], $0x0  }
0x24: {  	s3 =	sadd.s32 $0x88, s3;
	s6 =	simm.s32 @!p1 $0x1082;
	[sflag:s4] =	ssyncset.s32 $0xFFFFF086  }
0x25: {  	[simem:s6], [sflag:s4] =	dma.local [hbm:s3], $0xF7A  }
0x26: {  	[smem:$0x3F84] =	sst s1;
	(tag) =	ssettag s2;
	_ =	strace s9  }
0x27: {  	s1 =	sld [smem:$0x3F94]  }
0x28: {  	s2 =	sld [smem:$0x3F95]  }
0x29: {  	s4 =	sld [smem:$0x3F97]  }
0x2a: {  	p0 =	seq.s32 s5, $0x0;
	s5 =	sld [smem:$0x3F98]  }
0x2b: {  	s6 =	sld [smem:$0x3F99]  }
0x2c: {  	s7 =	sld [smem:$0x3F9A]  }
0x2d: {  	s3 =	simm.s32 $0x108;
	s8 =	sld [smem:$0x3F9B]  }
0x2e: {  	s3 =	simm.s32 @!p0 $0x1082;
	s9 =	sld [smem:$0x3F9C]  }
0x2f: {  	lr =	sadd.s32 s0, s3;
	s0 =	sld [smem:$0x3F93]  }
0x30: {  	s3 =	sld [smem:$0x3F96]  }
0x31: {  	[smem:$0x3F9F] =	sst s10  }
0x32: {  	s10 =	sld [smem:$0x3F9D];
	_ =	sdelay $0x3  }
0x33: {  	p0 =	seq.s32 s10, $0x1;
	s10 =	sld [smem:$0x3F9F];
	_ =	sdelay $0x3  }
0x34: {  	[smem:$0x3F9F] =	sst s10  }
0x35: {  	s10 =	sld [smem:$0x3F9E];
	_ =	sdelay $0x3  }
0x36: {  	p1 =	seq.s32 s10, $0x1;
	s10 =	sld [smem:$0x3F9F];
	_ =	sdelay $0x3  }
0x37: {  	[smem:$0x3F9F] =	sst s10  }
0x38: {  	s10 =	sld [smem:$0x3FA0]  }
0x39: {  	_ = 	snop;
	(pc) =	sbr.ind lr, $3  }
0x3a: {  	_ = 	snop  }
0x3b: {  	_ = 	snop  }
0x3c: {  	p2 =	seq.s32 s10, $0x1;
	s10 =	sld [smem:$0x3F9F]  }
0x3d: {  	_ =	shalt  }
0x3e: {  	_ =	shalt  }
0x3f: {  	_ =	shalt  }
0x40: {  	_ =	shalt  }
0x41: {  	_ =	shalt  }
0x42: {  	_ =	shalt  }
0x43: {  	_ =	shalt  }
0x44: {  	_ =	shalt  }
0x45: {  	_ =	shalt  }
0x46: {  	_ =	shalt  }
0x47: {  	_ =	shalt  }
0x48: {  	_ =	shalt  }
0x49: {  	_ =	shalt  }
0x4a: {  	_ =	shalt  }
0x4b: {  	_ =	shalt  }
0x4c: {  	_ =	shalt  }
0x4d: {  	_ =	shalt  }
0x4e: {  	_ =	shalt  }
0x4f: {  	_ =	shalt  }
0x50: {  	_ =	shalt  }
0x51: {  	_ =	shalt  }
0x52: {  	_ =	shalt  }
0x53: {  	_ =	shalt  }
0x54: {  	_ =	shalt  }
0x55: {  	_ =	shalt  }
0x56: {  	_ =	shalt  }
0x57: {  	_ =	shalt  }
0x58: {  	_ =	shalt  }
0x59: {  	_ =	shalt  }
0x5a: {  	_ =	shalt  }
0x5b: {  	_ =	shalt  }
0x5c: {  	_ =	shalt  }
0x5d: {  	_ =	shalt  }
0x5e: {  	_ =	shalt  }
0x5f: {  	_ =	shalt  }
0x60: {  	_ =	shalt  }
0x61: {  	_ =	shalt  }
0x62: {  	_ =	shalt  }
0x63: {  	_ =	shalt  }
0x64: {  	_ =	shalt  }
0x65: {  	_ =	shalt  }
0x66: {  	_ =	shalt  }
0x67: {  	_ =	shalt  }
0x68: {  	_ =	shalt  }
0x69: {  	_ =	shalt  }
0x6a: {  	_ =	shalt  }
0x6b: {  	_ =	shalt  }
0x6c: {  	_ =	shalt  }
0x6d: {  	_ =	shalt  }
0x6e: {  	_ =	shalt  }
0x6f: {  	_ =	shalt  }
0x70: {  	_ =	shalt  }
0x71: {  	_ =	shalt  }
0x72: {  	_ =	shalt  }
0x73: {  	_ =	shalt  }
0x74: {  	_ =	shalt  }
0x75: {  	_ =	shalt  }
0x76: {  	_ =	shalt  }
0x77: {  	_ =	shalt  }
0x78: {  	_ =	shalt  }
0x79: {  	_ =	shalt  }
0x7a: {  	_ =	shalt  }
0x7b: {  	_ =	shalt  }
0x7c: {  	_ =	shalt  }
0x7d: {  	_ =	shalt  }
0x7e: {  	_ =	shalt  }
0x7f: {  	_ =	shalt  }
0x80: {  	_ =	shalt  }
0x81: {  	_ =	shalt  }
0x82: {  	_ =	shalt  }
0x83: {  	_ =	shalt  }
0x84: {  	_ =	shalt  }
0x85: {  	_ =	shalt  }
0x86: {  	_ =	shalt  }
0x87: {  	_ =	shalt  }
.Lfunc_end0:
.L_simem_size_0:
called_computation.1_lowered:
.L_overlay_start_0:
0x88: {  	s2 =	sld [smem:$0x3FD9]  }
0x89: {  	s3 =	sld [smem:$0x3FFE];
	_ =	sdelay $0x1  }
0x8a: {  	s1 =	srdreg.scid  }
0x8b: {  	s0 =	sand.u32 $0x1, s1  }
0x8c: {  	s17 =	sshll.u32 s0, $0xA;
	s2 =	sadd.s32 s3, s2  }
0x8d: {  	s2 =	sadd.s32 s2, s17  }
0x8e: {  	[smem:$0x3FAB] =	sst s2  }
0x8f: {  	_ = 	snop  }
0x90: {  	s2 =	sld [smem:$0x3FD0];
	(tm) =	ssettm $0x1  }
0x91: {  	s18 =	sld [smem:$0x3FFB];
	_ =	sdelay $0x3  }
0x92: {  	_ =	strace s18  }
0x93: {  	s3 =	sld [smem:$0x3FFC];
	_ =	sdelay $0x3  }
0x94: {  	_ =	strace s3  }
0x95: {  	s3 =	sld [smem:$0x3FFD];
	_ =	sdelay $0x3  }
0x96: {  	_ =	strace s3  }
0x97: {  	_ =	strace $0x8FFFFFFF  }
0x98: {  	s19 =	sld [smem:$0x3FDB];
	_ =	sdelay $0x1  }
0x99: {  	s4 =	simm.s32 $_scs_section_size  }
0x9a: {  	s5 =	simm.s32 $_size__tile_overlayer_lowered;
	s6 =	simm.s32 $_tile_overlayer_lowered  }
0x9b: {  	s22 =	simm.s32 $0x1BFF;
	s21 =	sshll.u32 s6, $0x1;
	s3 =	sadd.s32 s4, s19  }
0x9c: {  	s7 =	simm.s32 $0x0;
	s20 =	sshll.u32 s5, $0x1;
	s5 =	sadd.s32 s21, s3  }
0x9d: {  	[timem:s7], [sflag:s22] =	dma.local [hbm:s5], s20  }
0x9e: {  	_ =	swait.ge [sflag:s22], s20  }
0x9f: {  	s4 =	ssub.s32 $0x0, s20;
	[sflag:s22] =	ssyncset.done $0x0  }
0xa0: {  	[sflag:s22] =	ssyncadd.s32 s4;
	_ =	sdelay $0x1  }
0xa1: {  	s23 =	simm.s32 $0x1B8B  }
0xa2: {  	_ =	swait.ge [sflag:s23], $0x1  }
0xa3: {  	[sflag:s23] =	ssyncset.done $0x0  }
0xa4: {  	s25 =	simm.s32 $0x1B8E;
	s24 =	sld [smem:$0x3FFE];
	[sflag:s23] =	ssyncadd.s32 $0xFFFFFFFF  }
0xa5: {  	s26 =	simm.s32 $execute0_lowered;
	[smem:$0x3FD2] =	sst s25  }
0xa6: {  	s5 =	sshll.u32 s26, $0x1;
	_ =	strace $0x80000049;
	[dreg:$0x1] =	wrdreg $0xFFFFFFFF  }
0xa7: {  	s28 =	simm.s32 $_size_execute0_lowered;
	s3 =	sadd.s32 s3, s5;
	[dreg:$0x0] =	wrdreg $0x0  }
0xa8: {  	s5 =	sshll.u32 s28, $0x1;
	[dreg:$0x2] =	wrdreg s3  }
0xa9: {  	[dreg:$0x3] =	wrdreg s5  }
0xaa: {  	[dreg:$0x4] =	wrdreg $0xC0  }
0xab: {  	_ =	task [dreg:s7], $0x5FFFF  }
0xac: {  	[dreg:$0x1] =	wrdreg $0xFFFFFFFF  }
0xad: {  	[dreg:$0x0] =	wrdreg $0x60  }
0xae: {  	[dreg:$0x2] =	wrdreg s24  }
0xaf: {  	[dreg:$0x3] =	wrdreg s2  }
0xb0: {  	[dreg:$0x4] =	wrdreg $0xA2000  }
0xb1: {  	[dreg:$0x5] =	wrdreg $0x9  }
0xb2: {  	_ =	task.clear_ibuf [dreg:s7], $0x6FFFF;
	_ =	strace $0x90000049  }
0xb3: {  	s29 =	simm.s32 $0x9;
	_ =	strace $0x8000004B  }
0xb4: {  	_ =	swait.ge [sflag:s29], $0x1  }
0xb5: {  	[sflag:s29] =	ssyncadd.s32 $0xFFFFFFFF  }
0xb6: {  	_ =	strace $0x9000004B  }
0xb7: {  	_ =	sfence  }
0xb8: {  	s30 =	sld [smem:$0x0];
	_ =	sdelay $0x2  }
0xb9: {  	s31 =	sshll.u32 s1, $0xD;
	s1 =	sshrl.u32 s1, $0x2  }
0xba: {  	s3 =	sand.u32 $0x4000, s31;
	s1 =	sadd.s32 s1, s30  }
0xbb: {  	s0 =	sor.u32 s3, s0;
	s1 =	sshll.u32 s1, $0x11  }
0xbc: {  	s0 =	sor.u32 s1, s0  }
0xbd: {  	s0 =	sadd.s32 $0x8F2B, s0  }
0xbe: {  	[sflag:s0] =	ssyncadd.remote.s32 $0x1  }
0xbf: {  	_ =	sfence.sel $0xFFFF  }
0xc0: {  	[dreg:$0x0] =	wrdreg $0xFFFFFFFF;
	(pc) =	sbr.abs _section_cstart, $3  }
0xc1: {  	[dreg:$0x1] =	wrdreg $0xFFFFFFFF  }
0xc2: {  	_ =	task.clear_ibuf [dreg:s7], $0x2FFFF;
	_ =	strace $0x9FFFFFFF  }
0xc3: {  	(tm) =	ssettm $0x7FFFFFFF  }
tec
execute0_lowered:
.L_overlay_start_1:
0x0: {  	(tag) =	ssettag $0x1  }
0x1: {  	s0 =	rddreg [dreg:$0x0]  }
0x2: {  	s1 =	rddreg [dreg:$0x1]  }
0x3: {  	s2 =	rddreg [dreg:$0x2];
	s4 =	simm.s32 $0x0;
	s3 =	srdreg.scid  }
0x4: {  	s13 =	stileid.u32;
	s28 =	simm.s32 $0x7;
	s29 =	simm.s32 $0x80  }
0x5: {  	s30 =	simm.s32 $0x1;
	[smem:$0x7FF] =	sst s4;
	s3 =	sand.u32 $0x1, s3  }
0x6: {  	s8 =	smul.u32 $0x14000, s13;
	s5 =	sadd.s32 $0xE000, s0;
	s6 =	sadd.s32 $0xA22200, s0  }
0x7: {  	s7 =	smul.u32 $0x140000, s3;
	_ =	strace $0x8000004A;
	s9 =	sshll.u32 s3, $0x4  }
0x8: {  	s3 =	ssub.s32 $0x2, s3;
	s22 =	sor.u32 s13, s9;
	s13 =	smul.u32 $0x50000, s13  }
0x9: {  	s10 =	sshrl.u32 s3, $0x1;
	s7 =	sadd.s32 s8, s7;
	s11 =	smul.u32 $0x2710, s22  }
0xa: {  	s3 =	ssub.s32 s3, s10;
	s25 =	smul.u32 $0x27100, s22;
	s23 =	sshrl.u32 s7, $0x3  }
0xb: {  	s7 =	sadd.s32 $0x4200, s0;
	s17 =	sshrl.u32 s13, $0x2;
	s18 =	smax.u32 s3, $0x1  }
0xc: {  	s0 =	sadd.s32 s23, s0;
	s14 =	sadd.s32 s6, s25;
	[dreg:$0xb] =	wrdreg s18  }
0xd: {  	s24 =	sshrl.u32 s11, $0x3;
	s23 =	sadd.s32 s17, s2;
	[dreg:$0x6] =	wrdreg s14  }
0xe: {  	s31 =	simm.s32 $0x50;
	s12 =	sadd.s32 s7, s24;
	[dreg:$0xa] =	wrdreg s23  }
0xf: {  	s10 =	simm.s32 $0x2;
	s9 =	sadd.s32 s1, s24;
	[dreg:$0x4] =	wrdreg s12  }
0x10: {  	s3 =	simm.s32 $0x100;
	s0 =	sadd.s32 $0x35200, s0;
	[dreg:$0x5] =	wrdreg s9  }
0x11: {  	s13 =	simm.s32 $0x3;
	s19 =	sadd.s32 $0x2800, s23;
	[dreg:$0x9] =	wrdreg s0  }
0x12: {  	s8 =	sadd.s32 $0x50, s11;
	s20 =	sadd.s32 $0x5000, s23;
	[dreg:$0xc] =	wrdreg s19  }
0x13: {  	s18 =	simm.s32 $0x4;
	s21 =	sadd.s32 $0x7800, s23;
	[dreg:$0xd] =	wrdreg s20  }
0x14: {  	s26 =	sshrl.u32 s8, $0x3;
	s22 =	sadd.s32 $0xA000, s23;
	[dreg:$0xe] =	wrdreg s21  }
0x15: {  	s14 =	sadd.s32 $0xA0, s11;
	s24 =	sadd.s32 $0xC800, s23;
	[dreg:$0xf] =	wrdreg s22  }
0x16: {  	s25 =	sadd.s32 $0xF000, s23;
	s15 =	sadd.s32 s7, s26;
	[dreg:$0x10] =	wrdreg s24  }
0x17: {  	s16 =	sadd.s32 s1, s26;
	[dreg:$0x11] =	wrdreg s25;
	s26 =	sadd.s32 $0x11800, s23  }
0x18: {  	s0 =	simm.s32 $0x5200;
	s9 =	simm.s32 $0x180;
	[dreg:$0x7] =	wrdreg s15  }
0x19: {  	s12 =	simm.s32 $0x7A00;
	s19 =	simm.s32 $0x6;
	[dreg:$0x8] =	wrdreg s16  }
0x1a: {  	s20 =	simm.s32 $0x0;
	s15 =	sadd.s32 $0xF0, s11;
	[dreg:$0x12] =	wrdreg s26  }
0x1b: {  	v0 =	vimm.f32 $0.0e+00;
	s26 =	simm.s32 $0x200;
	s11 =	simm.s32 $0x2A00;
	s16 =	simm.s32 $0x5  }
.LBB2_1:
0x1c: {  	[dreg:$0x13] =	wrdreg s20;
	s21 =	simm.s32 $0x0;
	s22 =	simm.s32 $0x200  }
.LBB2_2:
0x1d: {  	p0 =	sne.s32 s22, $0x9E00;
	[tilespmem:s21+$0x270] =	vst v0  }
0x1e: {  	[tilespmem:s21+$0x200] =	vst v0  }
0x1f: {  	[tilespmem:s21+$0x210] =	vst v0  }
.Ltmp0:
0x20: {  	[tilespmem:s21+$0x220] =	vst v0;
	(pc) =	sbr.rel @p0 .LBB2_2-.Ltmp0, $4  }
0x21: {  	[tilespmem:s21+$0x230] =	vst v0  }
0x22: {  	[tilespmem:s21+$0x240] =	vst v0  }
0x23: {  	[tilespmem:s21+$0x250] =	vst v0  }
0x24: {  	[tilespmem:s21+$0x260] =	vst v0;
	s21 =	sshra.s32 s22, $0x2;
	s22 =	sadd.s32 $0x200, s22  }
0x25: {  	[tilespmem:s21+$0x270] =	vst v0  }
0x26: {  	[tilespmem:s21+$0x200] =	vst v0  }
0x27: {  	[tilespmem:s21+$0x210] =	vst v0  }
0x28: {  	[tilespmem:s21+$0x220] =	vst v0  }
0x29: {  	[tilespmem:s21+$0x230] =	vst v0  }
0x2a: {  	[tilespmem:s21+$0x240] =	vst v0  }
0x2b: {  	[tilespmem:s21+$0x250] =	vst v0  }
0x2c: {  	[tilespmem:s21+$0x260] =	vst v0  }
0x2d: {  	[spmem:s23] =	stream.linear.scatter [tilespmem:s26], [sflag:$0x7], $0x2800, $0x38;
	[tilespmem:$0x1E200] =	vst v63  }
0x2e: {  	_ =	swait.ge [sflag:s28], $0x2800  }
0x2f: {  	[sflag:s28] =	ssyncset.done $0x0  }
0x30: {  	s17 =	rddreg [dreg:$0xc];
	[sflag:s28] =	ssyncadd.s32 $0xFFFFD800  }
0x31: {  	[spmem:s17] =	stream.linear.scatter [tilespmem:s26], [sflag:$0x7], $0x2800, $0x38;
	[tilespmem:$0x1E200] =	vst v63  }
0x32: {  	_ =	swait.ge [sflag:s28], $0x2800  }
0x33: {  	[sflag:s28] =	ssyncset.done $0x0  }
0x34: {  	s20 =	rddreg [dreg:$0xd];
	[sflag:s28] =	ssyncadd.s32 $0xFFFFD800  }
0x35: {  	[spmem:s20] =	stream.linear.scatter [tilespmem:s26], [sflag:$0x7], $0x2800, $0x38;
	[tilespmem:$0x1E200] =	vst v63  }
0x36: {  	_ =	swait.ge [sflag:s28], $0x2800  }
0x37: {  	[sflag:s28] =	ssyncset.done $0x0  }
0x38: {  	s21 =	rddreg [dreg:$0xe];
	[sflag:s28] =	ssyncadd.s32 $0xFFFFD800  }
0x39: {  	[spmem:s21] =	stream.linear.scatter [tilespmem:s26], [sflag:$0x7], $0x2800, $0x38;
	[tilespmem:$0x1E200] =	vst v63  }
0x3a: {  	_ =	swait.ge [sflag:s28], $0x2800  }
0x3b: {  	[sflag:s28] =	ssyncset.done $0x0  }
0x3c: {  	s22 =	rddreg [dreg:$0xf];
	[sflag:s28] =	ssyncadd.s32 $0xFFFFD800  }
0x3d: {  	[spmem:s22] =	stream.linear.scatter [tilespmem:s26], [sflag:$0x7], $0x2800, $0x38;
	[tilespmem:$0x1E200] =	vst v63  }
0x3e: {  	_ =	swait.ge [sflag:s28], $0x2800  }
0x3f: {  	[sflag:s28] =	ssyncset.done $0x0  }
0x40: {  	s23 =	rddreg [dreg:$0x10];
	[sflag:s28] =	ssyncadd.s32 $0xFFFFD800  }
0x41: {  	[spmem:s23] =	stream.linear.scatter [tilespmem:s26], [sflag:$0x7], $0x2800, $0x38;
	[tilespmem:$0x1E200] =	vst v63  }
0x42: {  	_ =	swait.ge [sflag:s28], $0x2800  }
0x43: {  	[sflag:s28] =	ssyncset.done $0x0  }
0x44: {  	s24 =	rddreg [dreg:$0x11];
	[sflag:s28] =	ssyncadd.s32 $0xFFFFD800  }
0x45: {  	[spmem:s24] =	stream.linear.scatter [tilespmem:s26], [sflag:$0x7], $0x2800, $0x38;
	[tilespmem:$0x1E200] =	vst v63  }
0x46: {  	_ =	swait.ge [sflag:s28], $0x2800  }
0x47: {  	[sflag:s28] =	ssyncset.done $0x0  }
0x48: {  	s25 =	rddreg [dreg:$0x12];
	[sflag:s28] =	ssyncadd.s32 $0xFFFFD800  }
0x49: {  	[spmem:s25] =	stream.linear.scatter [tilespmem:s26], [sflag:$0x7], $0x2800, $0x38;
	[tilespmem:$0x1E200] =	vst v63  }
0x4a: {  	_ =	swait.ge [sflag:s28], $0x2800  }
0x4b: {  	[sflag:s28] =	ssyncset.done $0x0  }
0x4c: {  	[sflag:s28] =	ssyncadd.s32 $0xFFFFD800  }
0x4d: {  	[bflag:$0x0] =	sbarrier.arrive $0xFFFF  }
0x4e: {  	s21 =	simm.s32 $0x0;
	s20 =	rddreg [dreg:$0x4]  }
0x4f: {  	[tilespmem:s21], [sflag:$0x1] =	stream.linear.gather [hbm4b:s20+s21], $0x50, $0x38;
	[tilespmem:$0x1E200] =	vst v63  }
0x50: {  	s22 =	rddreg [dreg:$0x5]  }
0x51: {  	[tilespmem:s29], [sflag:$0x1] =	stream.linear.gather [hbm4b:s22+s21], $0x50, $0x38;
	[tilespmem:$0x1E200] =	vst v63  }
0x52: {  	_ =	swait.ge [sflag:s30], $0x50  }
0x53: {  	[sflag:s30] =	ssyncset.done $0x0  }
0x54: {  	[sflag:s30] =	ssyncadd.s32 $0xFFFFFFB0  }
0x55: {  	_ =	swait.ge [sflag:s30], $0x50  }
0x56: {  	[sflag:s30] =	ssyncset.done $0x0  }
0x57: {  	[sflag:s30] =	ssyncadd.s32 $0xFFFFFFB0  }
0x58: {  	[tilespmem:s26], [sflag:$0x3] =	stream.indirect.gather [hbm4b:s5+s31], $0x80, s21, s31, $0xb8;
	[tilespmem:$0x1E200] =	vst v63  }
0x59: {  	s23 =	rddreg [dreg:$0x6]  }
0x5a: {  	[tilespmem:s0], [sflag:$0x5] =	stream.linear.gather [hbm4b:s23+s21], $0x2800, $0x38;
	[tilespmem:$0x1E200] =	vst v63  }
0x5b: {  	s24 =	rddreg [dreg:$0x7]  }
0x5c: {  	[tilespmem:s3], [sflag:$0x2] =	stream.linear.gather [hbm4b:s24+s21], $0x50, $0x38;
	[tilespmem:$0x1E200] =	vst v63  }
0x5d: {  	s22 =	simm.s32 $0x0;
	s25 =	rddreg [dreg:$0x8]  }
0x5e: {  	[tilespmem:s9], [sflag:$0x2] =	stream.linear.gather [hbm4b:s25+s21], $0x50, $0x38;
	[tilespmem:$0x1E200] =	vst v63  }
.LBB2_4:
0x5f: {  	_ =	swait.ge [sflag:s10], $0x50  }
0x60: {  	[sflag:s10] =	ssyncset.done $0x0  }
0x61: {  	s23 =	smul.u32 $0xA0, s22;
	[sflag:s10] =	ssyncadd.s32 $0xFFFFFFB0  }
0x62: {  	_ =	swait.ge [sflag:s10], $0x50  }
0x63: {  	s24 =	sadd.s32 s23, s8;
	[sflag:s10] =	ssyncset.done $0x0  }
0x64: {  	s24 =	sshll.u32 s24, $0x4;
	[sflag:s10] =	ssyncadd.s32 $0xFFFFFFB0  }
0x65: {  	[tilespmem:s11], [sflag:$0x4] =	stream.indirect.gather [hbm4b:s5+s31], $0x80, s3, s31, $0xb8;
	[tilespmem:$0x1E200] =	vst v63  }
0x66: {  	s24 =	sadd.s32 s6, s24  }
0x67: {  	[tilespmem:s12], [sflag:$0x6] =	stream.linear.gather [hbm4b:s24+s21], $0x2800, $0x38;
	[tilespmem:$0x1E200] =	vst v63  }
0x68: {  	_ =	swait.ge [sflag:s13], $0x2800  }
0x69: {  	[sflag:s13] =	ssyncset.done $0x0  }
0x6a: {  	[sflag:s13] =	ssyncadd.s32 $0xFFFFD800  }
0x6b: {  	_ =	swait.ge [sflag:s16], $0x2800  }
0x6c: {  	[sflag:s16] =	ssyncset.done $0x0  }
0x6d: {  	s24 =	simm.s32 $0x0;
	[sflag:s16] =	ssyncadd.s32 $0xFFFFD800  }
0x6e: {  	v7 =	vld [tilespmem:s24+$0x5200]  }
0x6f: {  	v12 =	vld [tilespmem:s24+$0x5210]  }
0x70: {  	v6 =	vld [tilespmem:s24+$0x5220]  }
0x71: {  	v5 =	vld [tilespmem:s24+$0x5230]  }
0x72: {  	v4 =	vld [tilespmem:s24+$0x5240]  }
0x73: {  	v3 =	vld [tilespmem:s24+$0x5250]  }
0x74: {  	v2 =	vld [tilespmem:s24+$0x5260]  }
0x75: {  	v1 =	vld [tilespmem:s24+$0x5270]  }
0x76: {  	v13 =	vld [tilespmem:s24+$0x200]  }
0x77: {  	v14 =	vld [tilespmem:s24+$0x210]  }
0x78: {  	v11 =	vld [tilespmem:s24+$0x220]  }
0x79: {  	v10 =	vld [tilespmem:s24+$0x230]  }
0x7a: {  	v9 =	vld [tilespmem:s24+$0x240]  }
0x7b: {  	v8 =	vld [tilespmem:s24+$0x250];
	v13 =	vadd.f32 v7, v13  }
0x7c: {  	s25 =	simm.s32 $0x200;
	v12 =	vadd.f32 v12, v14;
	v7 =	vld [tilespmem:s24+$0x260]  }
.LBB2_5:
0x7d: {  	s17 =	sshra.s32 s25, $0x2;
	p0 =	sne.s32 s25, $0x9E00;
	v13 =	vmax.f32 v13, $0.0e+00;
	v6 =	vadd.f32 v6, v11;
	v11 =	vld [tilespmem:s24+$0x270]  }
0x7e: {  	v14 =	vld [tilespmem:s17+$0x5200];
	[tilespmem:s24+$0x200] =	vst v13;
	v12 =	vmax.f32 v12, $0.0e+00;
	v5 =	vadd.f32 v5, v10  }
0x7f: {  	v15 =	vld [tilespmem:s17+$0x5210];
	[tilespmem:s24+$0x210] =	vst v12;
	v10 =	vmax.f32 v6, $0.0e+00;
	v4 =	vadd.f32 v4, v9  }
0x80: {  	v6 =	vld [tilespmem:s17+$0x5220];
	[tilespmem:s24+$0x220] =	vst v10;
	v9 =	vmax.f32 v5, $0.0e+00;
	v3 =	vadd.f32 v3, v8  }
0x81: {  	v5 =	vld [tilespmem:s17+$0x5230];
	[tilespmem:s24+$0x230] =	vst v9;
	v8 =	vmax.f32 v4, $0.0e+00;
	v2 =	vadd.f32 v2, v7  }
0x82: {  	v4 =	vld [tilespmem:s17+$0x5240];
	[tilespmem:s24+$0x240] =	vst v8;
	v7 =	vmax.f32 v3, $0.0e+00;
	v1 =	vadd.f32 v1, v11  }
0x83: {  	v3 =	vld [tilespmem:s17+$0x5250];
	[tilespmem:s24+$0x250] =	vst v7;
	v7 =	vmax.f32 v2, $0.0e+00  }
0x84: {  	v2 =	vld [tilespmem:s17+$0x5260];
	[tilespmem:s24+$0x260] =	vst v7;
	v7 =	vmax.f32 v1, $0.0e+00  }
0x85: {  	v1 =	vld [tilespmem:s17+$0x5270];
	[tilespmem:s24+$0x270] =	vst v7;
	s24 =	smov.u32 s17  }
0x86: {  	v7 =	vld [tilespmem:s24+$0x200]  }
0x87: {  	v12 =	vld [tilespmem:s24+$0x210]  }
.Ltmp1:
0x88: {  	v11 =	vld [tilespmem:s24+$0x220];
	(pc) =	sbr.rel @p0 .LBB2_5-.Ltmp1, $4  }
0x89: {  	v10 =	vld [tilespmem:s24+$0x230]  }
0x8a: {  	v9 =	vld [tilespmem:s24+$0x240]  }
0x8b: {  	v13 =	vadd.f32 v14, v7;
	v8 =	vld [tilespmem:s24+$0x250]  }
0x8c: {  	s25 =	sadd.s32 $0x200, s25;
	v12 =	vadd.f32 v15, v12;
	v7 =	vld [tilespmem:s24+$0x260]  }
0x8d: {  	v13 =	vmax.f32 v13, $0.0e+00;
	v6 =	vadd.f32 v6, v11;
	v11 =	vld [tilespmem:s24+$0x270]  }
0x8e: {  	[tilespmem:s24+$0x200] =	vst v13;
	v12 =	vmax.f32 v12, $0.0e+00;
	v5 =	vadd.f32 v5, v10  }
0x8f: {  	[tilespmem:s24+$0x210] =	vst v12;
	v6 =	vmax.f32 v6, $0.0e+00;
	v4 =	vadd.f32 v4, v9  }
0x90: {  	[tilespmem:s24+$0x220] =	vst v6;
	v5 =	vmax.f32 v5, $0.0e+00;
	v3 =	vadd.f32 v3, v8  }
0x91: {  	[tilespmem:s24+$0x230] =	vst v5;
	v4 =	vmax.f32 v4, $0.0e+00;
	v2 =	vadd.f32 v2, v7  }
0x92: {  	[tilespmem:s24+$0x240] =	vst v4;
	v3 =	vmax.f32 v3, $0.0e+00;
	v1 =	vadd.f32 v1, v11  }
0x93: {  	[tilespmem:s24+$0x250] =	vst v3;
	v2 =	vmax.f32 v2, $0.0e+00  }
0x94: {  	[tilespmem:s24+$0x260] =	vst v2;
	v1 =	vmax.f32 v1, $0.0e+00  }
0x95: {  	[tilespmem:s24+$0x270] =	vst v1  }
0x96: {  	[spmem:s2] =	stream.indirect.scatter.add.f32 [tilespmem:s26], [sflag:$0x7], $0x80, s29, s31, $0xb8;
	[tilespmem:$0x1E200] =	vst v63  }
0x97: {  	s17 =	sadd.s32 s23, s14;
	_ =	swait.ge [sflag:s28], $0x2800  }
0x98: {  	s24 =	sshrl.u32 s17, $0x3;
	[sflag:s28] =	ssyncset.done $0x0  }
0x99: {  	s20 =	simm.s32 $0x0;
	s25 =	sadd.s32 s7, s24;
	[sflag:s28] =	ssyncadd.s32 $0xFFFFD800  }
0x9a: {  	[tilespmem:s20], [sflag:$0x1] =	stream.linear.gather [hbm4b:s25+s20], $0x50, $0x38;
	[tilespmem:$0x1E200] =	vst v63  }
0x9b: {  	s24 =	sadd.s32 s1, s24  }
0x9c: {  	[tilespmem:s29], [sflag:$0x1] =	stream.linear.gather [hbm4b:s24+s20], $0x50, $0x38;
	[tilespmem:$0x1E200] =	vst v63  }
0x9d: {  	_ =	swait.ge [sflag:s30], $0x50  }
0x9e: {  	[sflag:s30] =	ssyncset.done $0x0  }
0x9f: {  	[sflag:s30] =	ssyncadd.s32 $0xFFFFFFB0  }
0xa0: {  	_ =	swait.ge [sflag:s30], $0x50  }
0xa1: {  	[sflag:s30] =	ssyncset.done $0x0  }
0xa2: {  	s17 =	sshll.u32 s17, $0x4;
	[sflag:s30] =	ssyncadd.s32 $0xFFFFFFB0  }
0xa3: {  	[tilespmem:s26], [sflag:$0x3] =	stream.indirect.gather [hbm4b:s5+s31], $0x80, s20, s31, $0xb8;
	[tilespmem:$0x1E200] =	vst v63  }
0xa4: {  	s17 =	sadd.s32 s6, s17  }
0xa5: {  	[tilespmem:s0], [sflag:$0x5] =	stream.linear.gather [hbm4b:s17+s20], $0x2800, $0x38;
	[tilespmem:$0x1E200] =	vst v63  }
0xa6: {  	_ =	swait.ge [sflag:s18], $0x2800  }
0xa7: {  	[sflag:s18] =	ssyncset.done $0x0  }
0xa8: {  	[sflag:s18] =	ssyncadd.s32 $0xFFFFD800  }
0xa9: {  	_ =	swait.ge [sflag:s19], $0x2800  }
0xaa: {  	[sflag:s19] =	ssyncset.done $0x0  }
0xab: {  	s24 =	simm.s32 $0x0;
	[sflag:s19] =	ssyncadd.s32 $0xFFFFD800  }
0xac: {  	v7 =	vld [tilespmem:s24+$0x7A00]  }
0xad: {  	v12 =	vld [tilespmem:s24+$0x7A10]  }
0xae: {  	v6 =	vld [tilespmem:s24+$0x7A20]  }
0xaf: {  	v5 =	vld [tilespmem:s24+$0x7A30]  }
0xb0: {  	v4 =	vld [tilespmem:s24+$0x7A40]  }
0xb1: {  	v3 =	vld [tilespmem:s24+$0x7A50]  }
0xb2: {  	v2 =	vld [tilespmem:s24+$0x7A60]  }
0xb3: {  	v1 =	vld [tilespmem:s24+$0x7A70]  }
0xb4: {  	v13 =	vld [tilespmem:s24+$0x2A00]  }
0xb5: {  	v14 =	vld [tilespmem:s24+$0x2A10]  }
0xb6: {  	v11 =	vld [tilespmem:s24+$0x2A20]  }
0xb7: {  	v10 =	vld [tilespmem:s24+$0x2A30]  }
0xb8: {  	v9 =	vld [tilespmem:s24+$0x2A40]  }
0xb9: {  	v8 =	vld [tilespmem:s24+$0x2A50];
	v13 =	vadd.f32 v7, v13  }
0xba: {  	s25 =	simm.s32 $0x200;
	v12 =	vadd.f32 v12, v14;
	v7 =	vld [tilespmem:s24+$0x2A60]  }
.LBB2_7:
0xbb: {  	s17 =	sshra.s32 s25, $0x2;
	p0 =	sne.s32 s25, $0x9E00;
	v13 =	vmax.f32 v13, $0.0e+00;
	v6 =	vadd.f32 v6, v11;
	v11 =	vld [tilespmem:s24+$0x2A70]  }
0xbc: {  	v14 =	vld [tilespmem:s17+$0x7A00];
	[tilespmem:s24+$0x2A00] =	vst v13;
	v12 =	vmax.f32 v12, $0.0e+00;
	v5 =	vadd.f32 v5, v10  }
0xbd: {  	v15 =	vld [tilespmem:s17+$0x7A10];
	[tilespmem:s24+$0x2A10] =	vst v12;
	v10 =	vmax.f32 v6, $0.0e+00;
	v4 =	vadd.f32 v4, v9  }
0xbe: {  	v6 =	vld [tilespmem:s17+$0x7A20];
	[tilespmem:s24+$0x2A20] =	vst v10;
	v9 =	vmax.f32 v5, $0.0e+00;
	v3 =	vadd.f32 v3, v8  }
0xbf: {  	v5 =	vld [tilespmem:s17+$0x7A30];
	[tilespmem:s24+$0x2A30] =	vst v9;
	v8 =	vmax.f32 v4, $0.0e+00;
	v2 =	vadd.f32 v2, v7  }
0xc0: {  	v4 =	vld [tilespmem:s17+$0x7A40];
	[tilespmem:s24+$0x2A40] =	vst v8;
	v7 =	vmax.f32 v3, $0.0e+00;
	v1 =	vadd.f32 v1, v11  }
0xc1: {  	v3 =	vld [tilespmem:s17+$0x7A50];
	[tilespmem:s24+$0x2A50] =	vst v7;
	v7 =	vmax.f32 v2, $0.0e+00  }
0xc2: {  	v2 =	vld [tilespmem:s17+$0x7A60];
	[tilespmem:s24+$0x2A60] =	vst v7;
	v7 =	vmax.f32 v1, $0.0e+00  }
0xc3: {  	v1 =	vld [tilespmem:s17+$0x7A70];
	[tilespmem:s24+$0x2A70] =	vst v7;
	s24 =	smov.u32 s17  }
0xc4: {  	v7 =	vld [tilespmem:s24+$0x2A00]  }
0xc5: {  	v12 =	vld [tilespmem:s24+$0x2A10]  }
.Ltmp2:
0xc6: {  	v11 =	vld [tilespmem:s24+$0x2A20];
	(pc) =	sbr.rel @p0 .LBB2_7-.Ltmp2, $4  }
0xc7: {  	v10 =	vld [tilespmem:s24+$0x2A30]  }
0xc8: {  	v9 =	vld [tilespmem:s24+$0x2A40]  }
0xc9: {  	v13 =	vadd.f32 v14, v7;
	v8 =	vld [tilespmem:s24+$0x2A50]  }
0xca: {  	s25 =	sadd.s32 $0x200, s25;
	v12 =	vadd.f32 v15, v12;
	v7 =	vld [tilespmem:s24+$0x2A60]  }
0xcb: {  	v13 =	vmax.f32 v13, $0.0e+00;
	v6 =	vadd.f32 v6, v11;
	v63 =	vld [tilespmem:s24+$0x2A70]  }
0xcc: {  	[tilespmem:s24+$0x2A00] =	vst v13;
	v12 =	vmax.f32 v12, $0.0e+00;
	v5 =	vadd.f32 v5, v10  }
0xcd: {  	[tilespmem:s24+$0x2A10] =	vst v12;
	v6 =	vmax.f32 v6, $0.0e+00;
	v4 =	vadd.f32 v4, v9  }
0xce: {  	[tilespmem:s24+$0x2A20] =	vst v6;
	v5 =	vmax.f32 v5, $0.0e+00;
	v3 =	vadd.f32 v3, v8  }
0xcf: {  	[tilespmem:s24+$0x2A30] =	vst v5;
	v4 =	vmax.f32 v4, $0.0e+00;
	v2 =	vadd.f32 v2, v7  }
0xd0: {  	[tilespmem:s24+$0x2A40] =	vst v4;
	v3 =	vmax.f32 v3, $0.0e+00;
	v1 =	vadd.f32 v1, v63  }
0xd1: {  	[tilespmem:s24+$0x2A50] =	vst v3;
	v2 =	vmax.f32 v2, $0.0e+00  }
0xd2: {  	[tilespmem:s24+$0x2A60] =	vst v2;
	v1 =	vmax.f32 v1, $0.0e+00  }
0xd3: {  	s22 =	sadd.s32 $0x1, s22;
	[tilespmem:s24+$0x2A70] =	vst v1  }
0xd4: {  	[spmem:s2] =	stream.indirect.scatter.add.f32 [tilespmem:s11], [sflag:$0x7], $0x80, s9, s31, $0xb8;
	[tilespmem:$0x1E200] =	vst v63  }
0xd5: {  	s17 =	sadd.s32 s23, s15;
	p0 =	sne.s32 s22, $0x3E;
	_ =	swait.ge [sflag:s28], $0x2800  }
.Ltmp3:
0xd6: {  	s17 =	sshrl.u32 s17, $0x3;
	[sflag:s28] =	ssyncset.done $0x0;
	(pc) =	sbr.rel @p0 .LBB2_4-.Ltmp3, $4  }
0xd7: {  	s20 =	sadd.s32 s7, s17;
	[sflag:s28] =	ssyncadd.s32 $0xFFFFD800  }
0xd8: {  	[tilespmem:s3], [sflag:$0x2] =	stream.linear.gather [hbm4b:s20+s4], $0x50, $0x38;
	[tilespmem:$0x1E200] =	vst v63  }
0xd9: {  	s17 =	sadd.s32 s1, s17  }
0xda: {  	[tilespmem:s9], [sflag:$0x2] =	stream.linear.gather [hbm4b:s17+s4], $0x50, $0x38;
	[tilespmem:$0x1E200] =	vst v63  }
0xdb: {  	_ =	swait.ge [sflag:s13], $0x2800  }
0xdc: {  	[sflag:s13] =	ssyncset.done $0x0  }
0xdd: {  	[sflag:s13] =	ssyncadd.s32 $0xFFFFD800  }
0xde: {  	_ =	swait.ge [sflag:s16], $0x2800  }
0xdf: {  	[sflag:s16] =	ssyncset.done $0x0  }
0xe0: {  	s21 =	simm.s32 $0x0;
	[sflag:s16] =	ssyncadd.s32 $0xFFFFD800  }
0xe1: {  	v7 =	vld [tilespmem:s21+$0x5200]  }
0xe2: {  	v12 =	vld [tilespmem:s21+$0x5210]  }
0xe3: {  	v6 =	vld [tilespmem:s21+$0x5220]  }
0xe4: {  	v5 =	vld [tilespmem:s21+$0x5230]  }
0xe5: {  	v4 =	vld [tilespmem:s21+$0x5240]  }
0xe6: {  	v3 =	vld [tilespmem:s21+$0x5250]  }
0xe7: {  	v2 =	vld [tilespmem:s21+$0x5260]  }
0xe8: {  	v1 =	vld [tilespmem:s21+$0x5270]  }
0xe9: {  	v13 =	vld [tilespmem:s21+$0x200]  }
0xea: {  	v14 =	vld [tilespmem:s21+$0x210]  }
0xeb: {  	v11 =	vld [tilespmem:s21+$0x220]  }
0xec: {  	v10 =	vld [tilespmem:s21+$0x230]  }
0xed: {  	v9 =	vld [tilespmem:s21+$0x240]  }
0xee: {  	v8 =	vld [tilespmem:s21+$0x250];
	v13 =	vadd.f32 v7, v13  }
0xef: {  	s22 =	simm.s32 $0x200;
	v12 =	vadd.f32 v12, v14;
	v7 =	vld [tilespmem:s21+$0x260]  }
.LBB2_10:
0xf0: {  	s17 =	sshra.s32 s22, $0x2;
	p0 =	sne.s32 s22, $0x9E00;
	v13 =	vmax.f32 v13, $0.0e+00;
	v6 =	vadd.f32 v6, v11;
	v11 =	vld [tilespmem:s21+$0x270]  }
0xf1: {  	v14 =	vld [tilespmem:s17+$0x5200];
	[tilespmem:s21+$0x200] =	vst v13;
	v12 =	vmax.f32 v12, $0.0e+00;
	v5 =	vadd.f32 v5, v10  }
0xf2: {  	v15 =	vld [tilespmem:s17+$0x5210];
	[tilespmem:s21+$0x210] =	vst v12;
	v10 =	vmax.f32 v6, $0.0e+00;
	v4 =	vadd.f32 v4, v9  }
0xf3: {  	v6 =	vld [tilespmem:s17+$0x5220];
	[tilespmem:s21+$0x220] =	vst v10;
	v9 =	vmax.f32 v5, $0.0e+00;
	v3 =	vadd.f32 v3, v8  }
0xf4: {  	v5 =	vld [tilespmem:s17+$0x5230];
	[tilespmem:s21+$0x230] =	vst v9;
	v8 =	vmax.f32 v4, $0.0e+00;
	v2 =	vadd.f32 v2, v7  }
0xf5: {  	v4 =	vld [tilespmem:s17+$0x5240];
	[tilespmem:s21+$0x240] =	vst v8;
	v7 =	vmax.f32 v3, $0.0e+00;
	v1 =	vadd.f32 v1, v11  }
0xf6: {  	v3 =	vld [tilespmem:s17+$0x5250];
	[tilespmem:s21+$0x250] =	vst v7;
	v7 =	vmax.f32 v2, $0.0e+00  }
0xf7: {  	v2 =	vld [tilespmem:s17+$0x5260];
	[tilespmem:s21+$0x260] =	vst v7;
	v7 =	vmax.f32 v1, $0.0e+00  }
0xf8: {  	v1 =	vld [tilespmem:s17+$0x5270];
	[tilespmem:s21+$0x270] =	vst v7;
	s21 =	smov.u32 s17  }
0xf9: {  	v7 =	vld [tilespmem:s21+$0x200]  }
0xfa: {  	v12 =	vld [tilespmem:s21+$0x210]  }
.Ltmp4:
0xfb: {  	v11 =	vld [tilespmem:s21+$0x220];
	(pc) =	sbr.rel @p0 .LBB2_10-.Ltmp4, $4  }
0xfc: {  	v10 =	vld [tilespmem:s21+$0x230]  }
0xfd: {  	v9 =	vld [tilespmem:s21+$0x240]  }
0xfe: {  	v13 =	vadd.f32 v14, v7;
	v8 =	vld [tilespmem:s21+$0x250]  }
0xff: {  	s22 =	sadd.s32 $0x200, s22;
	v12 =	vadd.f32 v15, v12;
	v7 =	vld [tilespmem:s21+$0x260]  }
0x100: {  	v13 =	vmax.f32 v13, $0.0e+00;
	v6 =	vadd.f32 v6, v11;
	v63 =	vld [tilespmem:s21+$0x270]  }
0x101: {  	[tilespmem:s21+$0x200] =	vst v13;
	v12 =	vmax.f32 v12, $0.0e+00;
	v5 =	vadd.f32 v5, v10  }
0x102: {  	[tilespmem:s21+$0x210] =	vst v12;
	v6 =	vmax.f32 v6, $0.0e+00;
	v4 =	vadd.f32 v4, v9  }
0x103: {  	[tilespmem:s21+$0x220] =	vst v6;
	v5 =	vmax.f32 v5, $0.0e+00;
	v3 =	vadd.f32 v3, v8  }
0x104: {  	[tilespmem:s21+$0x230] =	vst v5;
	v4 =	vmax.f32 v4, $0.0e+00;
	v2 =	vadd.f32 v2, v7  }
0x105: {  	[tilespmem:s21+$0x240] =	vst v4;
	v3 =	vmax.f32 v3, $0.0e+00;
	v1 =	vadd.f32 v1, v63  }
0x106: {  	[tilespmem:s21+$0x250] =	vst v3;
	v2 =	vmax.f32 v2, $0.0e+00  }
0x107: {  	[tilespmem:s21+$0x260] =	vst v2;
	v1 =	vmax.f32 v1, $0.0e+00  }
0x108: {  	[tilespmem:s21+$0x270] =	vst v1  }
0x109: {  	[spmem:s2] =	stream.indirect.scatter.add.f32 [tilespmem:s26], [sflag:$0x7], $0x80, s29, s31, $0xb8;
	[tilespmem:$0x1E200] =	vst v63  }
0x10a: {  	_ =	swait.ge [sflag:s28], $0x2800  }
0x10b: {  	[sflag:s28] =	ssyncset.done $0x0  }
0x10c: {  	[sflag:s28] =	ssyncadd.s32 $0xFFFFD800  }
0x10d: {  	_ =	swait.ge [sflag:s10], $0x50  }
0x10e: {  	[sflag:s10] =	ssyncset.done $0x0  }
0x10f: {  	[sflag:s10] =	ssyncadd.s32 $0xFFFFFFB0  }
0x110: {  	_ =	swait.ge [sflag:s10], $0x50  }
0x111: {  	[sflag:s10] =	ssyncset.done $0x0  }
0x112: {  	[sflag:s10] =	ssyncadd.s32 $0xFFFFFFB0  }
0x113: {  	s17 =	stileid.u32;
	[bflag:$0x0] =	sbarrier.arrive $0xFFFF  }
0x114: {  	s17 =	sshll.u32 s17, $0x6;
	s23 =	rddreg [dreg:$0xa]  }
0x115: {  	s17 =	sor.u32 $0x1C07, s17;
	s22 =	rddreg [dreg:$0x9];
	s20 =	sshrl.u32 s23, $0x3  }
0x116: {  	[hbm:s22], [sflag:s17] =	dma.local [spmem:s20], $0x2800  }
0x117: {  	_ =	swait.ge [sflag:s28], $0x2800  }
0x118: {  	s24 =	rddreg [dreg:$0x13]  }
0x119: {  	s25 =	rddreg [dreg:$0xb];
	s20 =	sadd.s32 $0x1, s24  }
0x11a: {  	p0 =	sne.s32 s20, s25  }
.Ltmp5:
0x11b: {  	_ = 	snop;
	(pc) =	sbr.rel @p0 .LBB2_1-.Ltmp5, $3  }
0x11c: {  	_ =	sdelay $0x1  }
0x11d: {  	[sflag:s28] =	ssyncset.done $0x0  }
0x11e: {  	[sflag:s28] =	ssyncadd.s32 $0xFFFFD800  }
0x11f: {  	_ =	sfence.sel $0x180000  }
0x120: {  	[bflag:$0x0] =	sbarrier.arrive $0xFFFF  }
0x121: {  	_ =	strace $0x9000004A  }
0x122: {  	s0 =	stileid.u32;
	[bflag:$0x2] =	sbarrier.arrive $0xFFFF  }
0x123: {  	p0 =	sne.s32 s0, $0x0;
	s0 =	rddreg [dreg:$0x3]  }
0x124: {  	s0 =	sadd.s32 @!p0 $0x100000, s0  }
0x125: {  	[sflag:s0] =	ssyncadd.tile.s32 @!p0 $0x1;
	_ =	shalt  }
.Lfunc_end2:
_tile_overlayer_lowered:
.L_overlay_start_2:
0x126: {  	(tag) =	ssettag $0x2  }
0x127: {  	s0 =	rddreg [dreg:$0x0];
	s2 =	stileid.u32  }
0x128: {  	s1 =	rddreg [dreg:$0x1];
	p0 =	sne.s32 s2, $0x0  }
0x129: {  	s3 =	rddreg [dreg:$0x2];
	[bflag:$0x3] =	sbarrier.arrive $0xFFFF;
	s2 =	simm.s32 @!p0 $0x1C07  }
0x12a: {  	[timem:s3], [sflag:s2] =	dma.local @!p0 [hbm:s0], s1  }
0x12b: {  	s0 =	simm.s32 @!p0 $0x7  }
0x12c: {  	_ =	swait.ge @!p0 [sflag:s0], s1  }
0x12d: {  	s1 =	ssub.s32 @!p0 $0x0, s1;
	[sflag:s0] =	ssyncset.done @!p0 $0x0  }
0x12e: {  	[sflag:s0] =	ssyncadd.s32 @!p0 s1  }
0x12f: {  	[bflag:$0x3] =	sbarrier.arrive $0xFFFF  }
0x130: {  	_ =	shalt  }

// kernel: kernel.9.cloned.1.call-start
scs
__scs_entry_jumppad:
0x0: {  	(pc) =	sbr.rel $0x88, $3  }
0x1: {  	(tag) =	ssettag $0x0;
	lr =	simm.s32 $0x1  }
0x2: {  	[smem:$0x3F84] =	sst lr;
	_ =	strace $0xD0000000  }
0x3: {  	_ = 	snop  }
0x4: {  	_ = 	snop  }
0x5: {  	_ = 	snop  }
0x6: {  	_ = 	snop  }
0x7: {  	_ = 	snop  }
__scs_overlays_trampoline_lowered:
0x8: {  	[smem:$0x3F93] =	sst s0  }
0x9: {  	[smem:$0x3F94] =	sst s1  }
0xa: {  	[smem:$0x3F95] =	sst s2  }
0xb: {  	[smem:$0x3F96] =	sst s3  }
0xc: {  	[smem:$0x3F97] =	sst s4  }
0xd: {  	[smem:$0x3F98] =	sst s5  }
0xe: {  	[smem:$0x3F99] =	sst s6  }
0xf: {  	[smem:$0x3F9A] =	sst s7  }
0x10: {  	[smem:$0x3F9B] =	sst s8  }
0x11: {  	[smem:$0x3F9C] =	sst s9;
	s0 =	simm.s32 @!p0 $0x0  }
0x12: {  	s1 =	sld [smem:$0x3F82];
	s0 =	simm.s32 @p0 $0x1  }
0x13: {  	[smem:$0x3F9D] =	sst s0;
	s0 =	simm.s32 @!p1 $0x0  }
0x14: {  	s2 =	sld [smem:$0x3F81];
	s0 =	simm.s32 @p1 $0x1  }
0x15: {  	[smem:$0x3F9E] =	sst s0;
	s0 =	simm.s32 @!p2 $0x0  }
0x16: {  	s3 =	sld [smem:$0x3FDB];
	s0 =	simm.s32 @p2 $0x1  }
0x17: {  	s4 =	simm.s32 $0x1BF5;
	[smem:$0x3FA0] =	sst s0  }
0x18: {  	s0 =	sld [smem:$0x3F83];
	_ =	swait.ge [sflag:s4], $0x0  }
0x19: {  	s7 =	sld [smem:$0x3F84]  }
0x1a: {  	s8 =	sadd.s32 $0xFFFFE003, lr  }
0x1b: {  	s9 =	sadd.s32 $0xFFFFFEF7, lr;
	s5 =	simm.s32 $0xFFFFFFFF;
	p2 =	slt.u32 s8, $0xFFFFF086  }
0x1c: {  	p1 =	slt.u32 s9, $0xF7A;
	s5 =	simm.s32 @!p2 $0x0  }
0x1d: {  	s5 =	simm.s32 @p1 $0x1;
	p0 =	seq.s32 s7, s2  }
0x1e: {  	s7 =	smul.u32 @!p0 $0xF7A, s2;
	p2 =	seq.s32 @!p0 s5, $0x0  }
0x1f: {  	s9 =	smul.u32 $0xF7A, s1;
	s8 =	simm.s32 @!p0 $0x1BF5;
	p2 =	por !p2, p0  }
0x20: {  	[sflag:s8] =	ssyncset.s32 @!p0 $0xFFFFF086;
	s6 =	sadd.s32 @!p0 s3, s7;
	s7 =	simm.s32 @!p0 $0x108  }
0x21: {  	s3 =	sadd.s32 s3, s9;
	s6 =	sadd.s32 @!p0 $0x88, s6;
	s7 =	simm.s32 @p2 $0x1082  }
0x22: {  	[simem:s7], [sflag:s8] =	dma.local @!p0 [hbm:s6], $0xF7A  }
0x23: {  	s9 =	sor.u32 $0xD0000000, s2;
	s6 =	simm.s32 $0x108;
	_ =	swait.ge @!p0 [sflag:s8], $0x0  }
0x24: {  	s3 =	sadd.s32 $0x88, s3;
	s6 =	simm.s32 @!p1 $0x1082;
	[sflag:s4] =	ssyncset.s32 $0xFFFFF086  }
0x25: {  	[simem:s6], [sflag:s4] =	dma.local [hbm:s3], $0xF7A  }
0x26: {  	[smem:$0x3F84] =	sst s1;
	(tag) =	ssettag s2;
	_ =	strace s9  }
0x27: {  	s1 =	sld [smem:$0x3F94]  }
0x28: {  	s2 =	sld [smem:$0x3F95]  }
0x29: {  	s4 =	sld [smem:$0x3F97]  }
0x2a: {  	p0 =	seq.s32 s5, $0x0;
	s5 =	sld [smem:$0x3F98]  }
0x2b: {  	s6 =	sld [smem:$0x3F99]  }
0x2c: {  	s7 =	sld [smem:$0x3F9A]  }
0x2d: {  	s3 =	simm.s32 $0x108;
	s8 =	sld [smem:$0x3F9B]  }
0x2e: {  	s3 =	simm.s32 @!p0 $0x1082;
	s9 =	sld [smem:$0x3F9C]  }
0x2f: {  	lr =	sadd.s32 s0, s3;
	s0 =	sld [smem:$0x3F93]  }
0x30: {  	s3 =	sld [smem:$0x3F96]  }
0x31: {  	[smem:$0x3F9F] =	sst s10  }
0x32: {  	s10 =	sld [smem:$0x3F9D];
	_ =	sdelay $0x3  }
0x33: {  	p0 =	seq.s32 s10, $0x1;
	s10 =	sld [smem:$0x3F9F];
	_ =	sdelay $0x3  }
0x34: {  	[smem:$0x3F9F] =	sst s10  }
0x35: {  	s10 =	sld [smem:$0x3F9E];
	_ =	sdelay $0x3  }
0x36: {  	p1 =	seq.s32 s10, $0x1;
	s10 =	sld [smem:$0x3F9F];
	_ =	sdelay $0x3  }
0x37: {  	[smem:$0x3F9F] =	sst s10  }
0x38: {  	s10 =	sld [smem:$0x3FA0]  }
0x39: {  	_ = 	snop;
	(pc) =	sbr.ind lr, $3  }
0x3a: {  	_ = 	snop  }
0x3b: {  	_ = 	snop  }
0x3c: {  	p2 =	seq.s32 s10, $0x1;
	s10 =	sld [smem:$0x3F9F]  }
0x3d: {  	_ =	shalt  }
0x3e: {  	_ =	shalt  }
0x3f: {  	_ =	shalt  }
0x40: {  	_ =	shalt  }
0x41: {  	_ =	shalt  }
0x42: {  	_ =	shalt  }
0x43: {  	_ =	shalt  }
0x44: {  	_ =	shalt  }
0x45: {  	_ =	shalt  }
0x46: {  	_ =	shalt  }
0x47: {  	_ =	shalt  }
0x48: {  	_ =	shalt  }
0x49: {  	_ =	shalt  }
0x4a: {  	_ =	shalt  }
0x4b: {  	_ =	shalt  }
0x4c: {  	_ =	shalt  }
0x4d: {  	_ =	shalt  }
0x4e: {  	_ =	shalt  }
0x4f: {  	_ =	shalt  }
0x50: {  	_ =	shalt  }
0x51: {  	_ =	shalt  }
0x52: {  	_ =	shalt  }
0x53: {  	_ =	shalt  }
0x54: {  	_ =	shalt  }
0x55: {  	_ =	shalt  }
0x56: {  	_ =	shalt  }
0x57: {  	_ =	shalt  }
0x58: {  	_ =	shalt  }
0x59: {  	_ =	shalt  }
0x5a: {  	_ =	shalt  }
0x5b: {  	_ =	shalt  }
0x5c: {  	_ =	shalt  }
0x5d: {  	_ =	shalt  }
0x5e: {  	_ =	shalt  }
0x5f: {  	_ =	shalt  }
0x60: {  	_ =	shalt  }
0x61: {  	_ =	shalt  }
0x62: {  	_ =	shalt  }
0x63: {  	_ =	shalt  }
0x64: {  	_ =	shalt  }
0x65: {  	_ =	shalt  }
0x66: {  	_ =	shalt  }
0x67: {  	_ =	shalt  }
0x68: {  	_ =	shalt  }
0x69: {  	_ =	shalt  }
0x6a: {  	_ =	shalt  }
0x6b: {  	_ =	shalt  }
0x6c: {  	_ =	shalt  }
0x6d: {  	_ =	shalt  }
0x6e: {  	_ =	shalt  }
0x6f: {  	_ =	shalt  }
0x70: {  	_ =	shalt  }
0x71: {  	_ =	shalt  }
0x72: {  	_ =	shalt  }
0x73: {  	_ =	shalt  }
0x74: {  	_ =	shalt  }
0x75: {  	_ =	shalt  }
0x76: {  	_ =	shalt  }
0x77: {  	_ =	shalt  }
0x78: {  	_ =	shalt  }
0x79: {  	_ =	shalt  }
0x7a: {  	_ =	shalt  }
0x7b: {  	_ =	shalt  }
0x7c: {  	_ =	shalt  }
0x7d: {  	_ =	shalt  }
0x7e: {  	_ =	shalt  }
0x7f: {  	_ =	shalt  }
0x80: {  	_ =	shalt  }
0x81: {  	_ =	shalt  }
0x82: {  	_ =	shalt  }
0x83: {  	_ =	shalt  }
0x84: {  	_ =	shalt  }
0x85: {  	_ =	shalt  }
0x86: {  	_ =	shalt  }
0x87: {  	_ =	shalt  }
.Lfunc_end0:
.L_simem_size_0:
called_computation_lowered:
.L_overlay_start_0:
0x88: {  	s2 =	sld [smem:$0x3FD9]  }
0x89: {  	s3 =	sld [smem:$0x3FFE];
	_ =	sdelay $0x1  }
0x8a: {  	s1 =	srdreg.scid  }
0x8b: {  	s0 =	sand.u32 $0x1, s1  }
0x8c: {  	s17 =	sshll.u32 s0, $0xA;
	s2 =	sadd.s32 s3, s2  }
0x8d: {  	s2 =	sadd.s32 s2, s17  }
0x8e: {  	[smem:$0x3FAB] =	sst s2  }
0x8f: {  	_ = 	snop  }
0x90: {  	s2 =	sld [smem:$0x3FC9]  }
0x91: {  	s18 =	sld [smem:$0x3FD0];
	(tm) =	ssettm $0x1  }
0x92: {  	s4 =	sld [smem:$0x3FFB];
	_ =	sdelay $0x3  }
0x93: {  	_ =	strace s4  }
0x94: {  	s4 =	sld [smem:$0x3FFC];
	_ =	sdelay $0x3  }
0x95: {  	_ =	strace s4  }
0x96: {  	s4 =	sld [smem:$0x3FFD];
	_ =	sdelay $0x3  }
0x97: {  	_ =	strace s4  }
0x98: {  	_ =	strace $0x8FFFFFFF  }
0x99: {  	s19 =	sld [smem:$0x3FDB];
	_ =	sdelay $0x1  }
0x9a: {  	s5 =	simm.s32 $_scs_section_size  }
0x9b: {  	s6 =	simm.s32 $_size__tile_overlayer_lowered;
	s7 =	simm.s32 $_tile_overlayer_lowered  }
0x9c: {  	s22 =	simm.s32 $0x1BFF;
	s21 =	sshll.u32 s7, $0x1;
	s4 =	sadd.s32 s5, s19  }
0x9d: {  	s8 =	simm.s32 $0x0;
	s20 =	sshll.u32 s6, $0x1;
	s6 =	sadd.s32 s21, s4  }
0x9e: {  	[timem:s8], [sflag:s22] =	dma.local [hbm:s6], s20  }
0x9f: {  	_ =	swait.ge [sflag:s22], s20  }
0xa0: {  	s5 =	ssub.s32 $0x0, s20;
	[sflag:s22] =	ssyncset.done $0x0  }
0xa1: {  	[sflag:s22] =	ssyncadd.s32 s5;
	_ =	sdelay $0x1  }
0xa2: {  	s23 =	simm.s32 $0x1B8B  }
0xa3: {  	_ =	swait.ge [sflag:s23], $0x1  }
0xa4: {  	[sflag:s23] =	ssyncset.done $0x0  }
0xa5: {  	s25 =	simm.s32 $0x1B8E;
	s24 =	sld [smem:$0x3FFE];
	[sflag:s23] =	ssyncadd.s32 $0xFFFFFFFF  }
0xa6: {  	s26 =	simm.s32 $execute0_lowered;
	[smem:$0x3FD2] =	sst s25  }
0xa7: {  	s6 =	sshll.u32 s26, $0x1;
	_ =	strace $0x80000046;
	[dreg:$0x1] =	wrdreg $0xFFFFFFFF  }
0xa8: {  	s28 =	simm.s32 $_size_execute0_lowered;
	s4 =	sadd.s32 s4, s6;
	[dreg:$0x0] =	wrdreg $0x0  }
0xa9: {  	s6 =	sshll.u32 s28, $0x1;
	[dreg:$0x2] =	wrdreg s4  }
0xaa: {  	[dreg:$0x3] =	wrdreg s6  }
0xab: {  	[dreg:$0x4] =	wrdreg $0xC0  }
0xac: {  	_ =	task [dreg:s8], $0x5FFFF  }
0xad: {  	[dreg:$0x1] =	wrdreg $0xFFFFFFFF  }
0xae: {  	[dreg:$0x0] =	wrdreg $0x60  }
0xaf: {  	[dreg:$0x2] =	wrdreg s2  }
0xb0: {  	[dreg:$0x3] =	wrdreg s24  }
0xb1: {  	[dreg:$0x4] =	wrdreg s18  }
0xb2: {  	[dreg:$0x5] =	wrdreg $0xA2000  }
0xb3: {  	[dreg:$0x6] =	wrdreg $0x9  }
0xb4: {  	_ =	task.clear_ibuf [dreg:s8], $0x7FFFF;
	_ =	strace $0x90000046  }
0xb5: {  	s29 =	simm.s32 $0x9;
	_ =	strace $0x80000048  }
0xb6: {  	_ =	swait.ge [sflag:s29], $0x1  }
0xb7: {  	[sflag:s29] =	ssyncadd.s32 $0xFFFFFFFF  }
0xb8: {  	_ =	strace $0x90000048  }
0xb9: {  	_ =	sfence  }
0xba: {  	s30 =	sld [smem:$0x0];
	_ =	sdelay $0x2  }
0xbb: {  	s31 =	sshll.u32 s1, $0xD;
	s1 =	sshrl.u32 s1, $0x2  }
0xbc: {  	s3 =	sand.u32 $0x4000, s31;
	s1 =	sadd.s32 s1, s30  }
0xbd: {  	s0 =	sor.u32 s3, s0;
	s1 =	sshll.u32 s1, $0x11  }
0xbe: {  	s0 =	sor.u32 s1, s0  }
0xbf: {  	s0 =	sadd.s32 $0x8F2B, s0  }
0xc0: {  	[sflag:s0] =	ssyncadd.remote.s32 $0x1  }
0xc1: {  	_ =	sfence.sel $0xFFFF  }
0xc2: {  	[dreg:$0x0] =	wrdreg $0xFFFFFFFF;
	(pc) =	sbr.abs _section_cstart, $3  }
0xc3: {  	[dreg:$0x1] =	wrdreg $0xFFFFFFFF  }
0xc4: {  	_ =	task.clear_ibuf [dreg:s8], $0x2FFFF;
	_ =	strace $0x9FFFFFFF  }
0xc5: {  	(tm) =	ssettm $0x7FFFFFFF  }
tec
execute0_lowered:
.L_overlay_start_1:
0x0: {  	(tag) =	ssettag $0x1  }
0x1: {  	s1 =	rddreg [dreg:$0x0]  }
0x2: {  	s0 =	rddreg [dreg:$0x1]  }
0x3: {  	s2 =	rddreg [dreg:$0x2]  }
0x4: {  	s3 =	rddreg [dreg:$0x3];
	s4 =	srdreg.scid  }
0x5: {  	s5 =	simm.s32 $0x0;
	s13 =	stileid.u32;
	s28 =	simm.s32 $0x7  }
0x6: {  	s29 =	simm.s32 $0x80;
	s30 =	simm.s32 $0x1;
	s4 =	sand.u32 $0x1, s4  }
0x7: {  	[smem:$0x7FF] =	sst s5;
	s8 =	smul.u32 $0x14000, s13;
	s6 =	sadd.s32 $0x4F0000, s0  }
0x8: {  	s7 =	smul.u32 $0x140000, s4;
	_ =	strace $0x80000047;
	s9 =	sshll.u32 s4, $0x4  }
0x9: {  	s4 =	ssub.s32 $0x2, s4;
	s22 =	sor.u32 s13, s9;
	s13 =	smul.u32 $0x50000, s13  }
0xa: {  	s10 =	sshrl.u32 s4, $0x1;
	s7 =	sadd.s32 s8, s7;
	s11 =	smul.u32 $0x2710, s22  }
0xb: {  	s4 =	ssub.s32 s4, s10;
	s25 =	smul.u32 $0x27100, s22;
	s23 =	sshrl.u32 s7, $0x3  }
0xc: {  	s7 =	sadd.s32 $0x4200, s0;
	s17 =	sshrl.u32 s13, $0x2;
	s18 =	smax.u32 s4, $0x1  }
0xd: {  	s0 =	sadd.s32 s23, s0;
	s14 =	sadd.s32 s6, s25;
	[dreg:$0xc] =	wrdreg s18  }
0xe: {  	s24 =	sshrl.u32 s11, $0x3;
	s23 =	sadd.s32 s17, s3;
	[dreg:$0x7] =	wrdreg s14  }
0xf: {  	s31 =	simm.s32 $0x50;
	s12 =	sadd.s32 s7, s24;
	[dreg:$0xb] =	wrdreg s23  }
0x10: {  	s10 =	simm.s32 $0x2;
	s9 =	sadd.s32 s2, s24;
	[dreg:$0x5] =	wrdreg s12  }
0x11: {  	s4 =	simm.s32 $0x100;
	s0 =	sadd.s32 $0x9D2000, s0;
	[dreg:$0x6] =	wrdreg s9  }
0x12: {  	s13 =	simm.s32 $0x3;
	s19 =	sadd.s32 $0x2800, s23;
	[dreg:$0xa] =	wrdreg s0  }
0x13: {  	s8 =	sadd.s32 $0x50, s11;
	s20 =	sadd.s32 $0x5000, s23;
	[dreg:$0xd] =	wrdreg s19  }
0x14: {  	s18 =	simm.s32 $0x4;
	s21 =	sadd.s32 $0x7800, s23;
	[dreg:$0xe] =	wrdreg s20  }
0x15: {  	s26 =	sshrl.u32 s8, $0x3;
	s22 =	sadd.s32 $0xA000, s23;
	[dreg:$0xf] =	wrdreg s21  }
0x16: {  	s14 =	sadd.s32 $0xA0, s11;
	s24 =	sadd.s32 $0xC800, s23;
	[dreg:$0x10] =	wrdreg s22  }
0x17: {  	s25 =	sadd.s32 $0xF000, s23;
	s15 =	sadd.s32 s7, s26;
	[dreg:$0x11] =	wrdreg s24  }
0x18: {  	s16 =	sadd.s32 s2, s26;
	[dreg:$0x12] =	wrdreg s25;
	s26 =	sadd.s32 $0x11800, s23  }
0x19: {  	s0 =	simm.s32 $0x5200;
	s9 =	simm.s32 $0x180;
	[dreg:$0x8] =	wrdreg s15  }
0x1a: {  	s12 =	simm.s32 $0x7A00;
	s19 =	simm.s32 $0x6;
	[dreg:$0x9] =	wrdreg s16  }
0x1b: {  	s20 =	simm.s32 $0x0;
	s15 =	sadd.s32 $0xF0, s11;
	[dreg:$0x13] =	wrdreg s26  }
0x1c: {  	v0 =	vimm.f32 $0.0e+00;
	s26 =	simm.s32 $0x200;
	s11 =	simm.s32 $0x2A00;
	s16 =	simm.s32 $0x5  }
.LBB2_1:
0x1d: {  	[dreg:$0x14] =	wrdreg s20;
	s21 =	simm.s32 $0x0;
	s22 =	simm.s32 $0x200  }
.LBB2_2:
0x1e: {  	p0 =	sne.s32 s22, $0x9E00;
	[tilespmem:s21+$0x270] =	vst v0  }
0x1f: {  	[tilespmem:s21+$0x200] =	vst v0  }
0x20: {  	[tilespmem:s21+$0x210] =	vst v0  }
.Ltmp0:
0x21: {  	[tilespmem:s21+$0x220] =	vst v0;
	(pc) =	sbr.rel @p0 .LBB2_2-.Ltmp0, $4  }
0x22: {  	[tilespmem:s21+$0x230] =	vst v0  }
0x23: {  	[tilespmem:s21+$0x240] =	vst v0  }
0x24: {  	[tilespmem:s21+$0x250] =	vst v0  }
0x25: {  	[tilespmem:s21+$0x260] =	vst v0;
	s21 =	sshra.s32 s22, $0x2;
	s22 =	sadd.s32 $0x200, s22  }
0x26: {  	[tilespmem:s21+$0x270] =	vst v0  }
0x27: {  	[tilespmem:s21+$0x200] =	vst v0  }
0x28: {  	[tilespmem:s21+$0x210] =	vst v0  }
0x29: {  	[tilespmem:s21+$0x220] =	vst v0  }
0x2a: {  	[tilespmem:s21+$0x230] =	vst v0  }
0x2b: {  	[tilespmem:s21+$0x240] =	vst v0  }
0x2c: {  	[tilespmem:s21+$0x250] =	vst v0  }
0x2d: {  	[tilespmem:s21+$0x260] =	vst v0  }
0x2e: {  	[spmem:s23] =	stream.linear.scatter [tilespmem:s26], [sflag:$0x7], $0x2800, $0x38;
	[tilespmem:$0x1E200] =	vst v63  }
0x2f: {  	_ =	swait.ge [sflag:s28], $0x2800  }
0x30: {  	[sflag:s28] =	ssyncset.done $0x0  }
0x31: {  	s17 =	rddreg [dreg:$0xd];
	[sflag:s28] =	ssyncadd.s32 $0xFFFFD800  }
0x32: {  	[spmem:s17] =	stream.linear.scatter [tilespmem:s26], [sflag:$0x7], $0x2800, $0x38;
	[tilespmem:$0x1E200] =	vst v63  }
0x33: {  	_ =	swait.ge [sflag:s28], $0x2800  }
0x34: {  	[sflag:s28] =	ssyncset.done $0x0  }
0x35: {  	s20 =	rddreg [dreg:$0xe];
	[sflag:s28] =	ssyncadd.s32 $0xFFFFD800  }
0x36: {  	[spmem:s20] =	stream.linear.scatter [tilespmem:s26], [sflag:$0x7], $0x2800, $0x38;
	[tilespmem:$0x1E200] =	vst v63  }
0x37: {  	_ =	swait.ge [sflag:s28], $0x2800  }
0x38: {  	[sflag:s28] =	ssyncset.done $0x0  }
0x39: {  	s21 =	rddreg [dreg:$0xf];
	[sflag:s28] =	ssyncadd.s32 $0xFFFFD800  }
0x3a: {  	[spmem:s21] =	stream.linear.scatter [tilespmem:s26], [sflag:$0x7], $0x2800, $0x38;
	[tilespmem:$0x1E200] =	vst v63  }
0x3b: {  	_ =	swait.ge [sflag:s28], $0x2800  }
0x3c: {  	[sflag:s28] =	ssyncset.done $0x0  }
0x3d: {  	s22 =	rddreg [dreg:$0x10];
	[sflag:s28] =	ssyncadd.s32 $0xFFFFD800  }
0x3e: {  	[spmem:s22] =	stream.linear.scatter [tilespmem:s26], [sflag:$0x7], $0x2800, $0x38;
	[tilespmem:$0x1E200] =	vst v63  }
0x3f: {  	_ =	swait.ge [sflag:s28], $0x2800  }
0x40: {  	[sflag:s28] =	ssyncset.done $0x0  }
0x41: {  	s23 =	rddreg [dreg:$0x11];
	[sflag:s28] =	ssyncadd.s32 $0xFFFFD800  }
0x42: {  	[spmem:s23] =	stream.linear.scatter [tilespmem:s26], [sflag:$0x7], $0x2800, $0x38;
	[tilespmem:$0x1E200] =	vst v63  }
0x43: {  	_ =	swait.ge [sflag:s28], $0x2800  }
0x44: {  	[sflag:s28] =	ssyncset.done $0x0  }
0x45: {  	s24 =	rddreg [dreg:$0x12];
	[sflag:s28] =	ssyncadd.s32 $0xFFFFD800  }
0x46: {  	[spmem:s24] =	stream.linear.scatter [tilespmem:s26], [sflag:$0x7], $0x2800, $0x38;
	[tilespmem:$0x1E200] =	vst v63  }
0x47: {  	_ =	swait.ge [sflag:s28], $0x2800  }
0x48: {  	[sflag:s28] =	ssyncset.done $0x0  }
0x49: {  	s25 =	rddreg [dreg:$0x13];
	[sflag:s28] =	ssyncadd.s32 $0xFFFFD800  }
0x4a: {  	[spmem:s25] =	stream.linear.scatter [tilespmem:s26], [sflag:$0x7], $0x2800, $0x38;
	[tilespmem:$0x1E200] =	vst v63  }
0x4b: {  	_ =	swait.ge [sflag:s28], $0x2800  }
0x4c: {  	[sflag:s28] =	ssyncset.done $0x0  }
0x4d: {  	[sflag:s28] =	ssyncadd.s32 $0xFFFFD800  }
0x4e: {  	[bflag:$0x0] =	sbarrier.arrive $0xFFFF  }
0x4f: {  	s21 =	simm.s32 $0x0;
	s20 =	rddreg [dreg:$0x5]  }
0x50: {  	[tilespmem:s21], [sflag:$0x1] =	stream.linear.gather [hbm4b:s20+s21], $0x50, $0x38;
	[tilespmem:$0x1E200] =	vst v63  }
0x51: {  	s22 =	rddreg [dreg:$0x6]  }
0x52: {  	[tilespmem:s29], [sflag:$0x1] =	stream.linear.gather [hbm4b:s22+s21], $0x50, $0x38;
	[tilespmem:$0x1E200] =	vst v63  }
0x53: {  	_ =	swait.ge [sflag:s30], $0x50  }
0x54: {  	[sflag:s30] =	ssyncset.done $0x0  }
0x55: {  	[sflag:s30] =	ssyncadd.s32 $0xFFFFFFB0  }
0x56: {  	_ =	swait.ge [sflag:s30], $0x50  }
0x57: {  	[sflag:s30] =	ssyncset.done $0x0  }
0x58: {  	[sflag:s30] =	ssyncadd.s32 $0xFFFFFFB0  }
0x59: {  	[tilespmem:s26], [sflag:$0x3] =	stream.indirect.gather [hbm4b:s1+s31], $0x80, s21, s31, $0xb8;
	[tilespmem:$0x1E200] =	vst v63  }
0x5a: {  	s23 =	rddreg [dreg:$0x7]  }
0x5b: {  	[tilespmem:s0], [sflag:$0x5] =	stream.linear.gather [hbm4b:s23+s21], $0x2800, $0x38;
	[tilespmem:$0x1E200] =	vst v63  }
0x5c: {  	s24 =	rddreg [dreg:$0x8]  }
0x5d: {  	[tilespmem:s4], [sflag:$0x2] =	stream.linear.gather [hbm4b:s24+s21], $0x50, $0x38;
	[tilespmem:$0x1E200] =	vst v63  }
0x5e: {  	s22 =	simm.s32 $0x0;
	s25 =	rddreg [dreg:$0x9]  }
0x5f: {  	[tilespmem:s9], [sflag:$0x2] =	stream.linear.gather [hbm4b:s25+s21], $0x50, $0x38;
	[tilespmem:$0x1E200] =	vst v63  }
.LBB2_4:
0x60: {  	_ =	swait.ge [sflag:s10], $0x50  }
0x61: {  	[sflag:s10] =	ssyncset.done $0x0  }
0x62: {  	s23 =	smul.u32 $0xA0, s22;
	[sflag:s10] =	ssyncadd.s32 $0xFFFFFFB0  }
0x63: {  	_ =	swait.ge [sflag:s10], $0x50  }
0x64: {  	s24 =	sadd.s32 s23, s8;
	[sflag:s10] =	ssyncset.done $0x0  }
0x65: {  	s24 =	sshll.u32 s24, $0x4;
	[sflag:s10] =	ssyncadd.s32 $0xFFFFFFB0  }
0x66: {  	[tilespmem:s11], [sflag:$0x4] =	stream.indirect.gather [hbm4b:s1+s31], $0x80, s4, s31, $0xb8;
	[tilespmem:$0x1E200] =	vst v63  }
0x67: {  	s24 =	sadd.s32 s6, s24  }
0x68: {  	[tilespmem:s12], [sflag:$0x6] =	stream.linear.gather [hbm4b:s24+s21], $0x2800, $0x38;
	[tilespmem:$0x1E200] =	vst v63  }
0x69: {  	_ =	swait.ge [sflag:s13], $0x2800  }
0x6a: {  	[sflag:s13] =	ssyncset.done $0x0  }
0x6b: {  	[sflag:s13] =	ssyncadd.s32 $0xFFFFD800  }
0x6c: {  	_ =	swait.ge [sflag:s16], $0x2800  }
0x6d: {  	[sflag:s16] =	ssyncset.done $0x0  }
0x6e: {  	s24 =	simm.s32 $0x0;
	[sflag:s16] =	ssyncadd.s32 $0xFFFFD800  }
0x6f: {  	v7 =	vld [tilespmem:s24+$0x5200]  }
0x70: {  	v12 =	vld [tilespmem:s24+$0x5210]  }
0x71: {  	v6 =	vld [tilespmem:s24+$0x5220]  }
0x72: {  	v5 =	vld [tilespmem:s24+$0x5230]  }
0x73: {  	v4 =	vld [tilespmem:s24+$0x5240]  }
0x74: {  	v3 =	vld [tilespmem:s24+$0x5250]  }
0x75: {  	v2 =	vld [tilespmem:s24+$0x5260]  }
0x76: {  	v1 =	vld [tilespmem:s24+$0x5270]  }
0x77: {  	v13 =	vld [tilespmem:s24+$0x200]  }
0x78: {  	v14 =	vld [tilespmem:s24+$0x210]  }
0x79: {  	v11 =	vld [tilespmem:s24+$0x220]  }
0x7a: {  	v10 =	vld [tilespmem:s24+$0x230]  }
0x7b: {  	v9 =	vld [tilespmem:s24+$0x240]  }
0x7c: {  	v8 =	vld [tilespmem:s24+$0x250];
	v13 =	vadd.f32 v7, v13  }
0x7d: {  	s25 =	simm.s32 $0x200;
	v12 =	vadd.f32 v12, v14;
	v7 =	vld [tilespmem:s24+$0x260]  }
.LBB2_5:
0x7e: {  	s17 =	sshra.s32 s25, $0x2;
	p0 =	sne.s32 s25, $0x9E00;
	v13 =	vmax.f32 v13, $0.0e+00;
	v6 =	vadd.f32 v6, v11;
	v11 =	vld [tilespmem:s24+$0x270]  }
0x7f: {  	v14 =	vld [tilespmem:s17+$0x5200];
	[tilespmem:s24+$0x200] =	vst v13;
	v12 =	vmax.f32 v12, $0.0e+00;
	v5 =	vadd.f32 v5, v10  }
0x80: {  	v15 =	vld [tilespmem:s17+$0x5210];
	[tilespmem:s24+$0x210] =	vst v12;
	v10 =	vmax.f32 v6, $0.0e+00;
	v4 =	vadd.f32 v4, v9  }
0x81: {  	v6 =	vld [tilespmem:s17+$0x5220];
	[tilespmem:s24+$0x220] =	vst v10;
	v9 =	vmax.f32 v5, $0.0e+00;
	v3 =	vadd.f32 v3, v8  }
0x82: {  	v5 =	vld [tilespmem:s17+$0x5230];
	[tilespmem:s24+$0x230] =	vst v9;
	v8 =	vmax.f32 v4, $0.0e+00;
	v2 =	vadd.f32 v2, v7  }
0x83: {  	v4 =	vld [tilespmem:s17+$0x5240];
	[tilespmem:s24+$0x240] =	vst v8;
	v7 =	vmax.f32 v3, $0.0e+00;
	v1 =	vadd.f32 v1, v11  }
0x84: {  	v3 =	vld [tilespmem:s17+$0x5250];
	[tilespmem:s24+$0x250] =	vst v7;
	v7 =	vmax.f32 v2, $0.0e+00  }
0x85: {  	v2 =	vld [tilespmem:s17+$0x5260];
	[tilespmem:s24+$0x260] =	vst v7;
	v7 =	vmax.f32 v1, $0.0e+00  }
0x86: {  	v1 =	vld [tilespmem:s17+$0x5270];
	[tilespmem:s24+$0x270] =	vst v7;
	s24 =	smov.u32 s17  }
0x87: {  	v7 =	vld [tilespmem:s24+$0x200]  }
0x88: {  	v12 =	vld [tilespmem:s24+$0x210]  }
.Ltmp1:
0x89: {  	v11 =	vld [tilespmem:s24+$0x220];
	(pc) =	sbr.rel @p0 .LBB2_5-.Ltmp1, $4  }
0x8a: {  	v10 =	vld [tilespmem:s24+$0x230]  }
0x8b: {  	v9 =	vld [tilespmem:s24+$0x240]  }
0x8c: {  	v13 =	vadd.f32 v14, v7;
	v8 =	vld [tilespmem:s24+$0x250]  }
0x8d: {  	s25 =	sadd.s32 $0x200, s25;
	v12 =	vadd.f32 v15, v12;
	v7 =	vld [tilespmem:s24+$0x260]  }
0x8e: {  	v13 =	vmax.f32 v13, $0.0e+00;
	v6 =	vadd.f32 v6, v11;
	v11 =	vld [tilespmem:s24+$0x270]  }
0x8f: {  	[tilespmem:s24+$0x200] =	vst v13;
	v12 =	vmax.f32 v12, $0.0e+00;
	v5 =	vadd.f32 v5, v10  }
0x90: {  	[tilespmem:s24+$0x210] =	vst v12;
	v6 =	vmax.f32 v6, $0.0e+00;
	v4 =	vadd.f32 v4, v9  }
0x91: {  	[tilespmem:s24+$0x220] =	vst v6;
	v5 =	vmax.f32 v5, $0.0e+00;
	v3 =	vadd.f32 v3, v8  }
0x92: {  	[tilespmem:s24+$0x230] =	vst v5;
	v4 =	vmax.f32 v4, $0.0e+00;
	v2 =	vadd.f32 v2, v7  }
0x93: {  	[tilespmem:s24+$0x240] =	vst v4;
	v3 =	vmax.f32 v3, $0.0e+00;
	v1 =	vadd.f32 v1, v11  }
0x94: {  	[tilespmem:s24+$0x250] =	vst v3;
	v2 =	vmax.f32 v2, $0.0e+00  }
0x95: {  	[tilespmem:s24+$0x260] =	vst v2;
	v1 =	vmax.f32 v1, $0.0e+00  }
0x96: {  	[tilespmem:s24+$0x270] =	vst v1  }
0x97: {  	[spmem:s3] =	stream.indirect.scatter.add.f32 [tilespmem:s26], [sflag:$0x7], $0x80, s29, s31, $0xb8;
	[tilespmem:$0x1E200] =	vst v63  }
0x98: {  	s17 =	sadd.s32 s23, s14;
	_ =	swait.ge [sflag:s28], $0x2800  }
0x99: {  	s24 =	sshrl.u32 s17, $0x3;
	[sflag:s28] =	ssyncset.done $0x0  }
0x9a: {  	s20 =	simm.s32 $0x0;
	s25 =	sadd.s32 s7, s24;
	[sflag:s28] =	ssyncadd.s32 $0xFFFFD800  }
0x9b: {  	[tilespmem:s20], [sflag:$0x1] =	stream.linear.gather [hbm4b:s25+s20], $0x50, $0x38;
	[tilespmem:$0x1E200] =	vst v63  }
0x9c: {  	s24 =	sadd.s32 s2, s24  }
0x9d: {  	[tilespmem:s29], [sflag:$0x1] =	stream.linear.gather [hbm4b:s24+s20], $0x50, $0x38;
	[tilespmem:$0x1E200] =	vst v63  }
0x9e: {  	_ =	swait.ge [sflag:s30], $0x50  }
0x9f: {  	[sflag:s30] =	ssyncset.done $0x0  }
0xa0: {  	[sflag:s30] =	ssyncadd.s32 $0xFFFFFFB0  }
0xa1: {  	_ =	swait.ge [sflag:s30], $0x50  }
0xa2: {  	[sflag:s30] =	ssyncset.done $0x0  }
0xa3: {  	s17 =	sshll.u32 s17, $0x4;
	[sflag:s30] =	ssyncadd.s32 $0xFFFFFFB0  }
0xa4: {  	[tilespmem:s26], [sflag:$0x3] =	stream.indirect.gather [hbm4b:s1+s31], $0x80, s20, s31, $0xb8;
	[tilespmem:$0x1E200] =	vst v63  }
0xa5: {  	s17 =	sadd.s32 s6, s17  }
0xa6: {  	[tilespmem:s0], [sflag:$0x5] =	stream.linear.gather [hbm4b:s17+s20], $0x2800, $0x38;
	[tilespmem:$0x1E200] =	vst v63  }
0xa7: {  	_ =	swait.ge [sflag:s18], $0x2800  }
0xa8: {  	[sflag:s18] =	ssyncset.done $0x0  }
0xa9: {  	[sflag:s18] =	ssyncadd.s32 $0xFFFFD800  }
0xaa: {  	_ =	swait.ge [sflag:s19], $0x2800  }
0xab: {  	[sflag:s19] =	ssyncset.done $0x0  }
0xac: {  	s24 =	simm.s32 $0x0;
	[sflag:s19] =	ssyncadd.s32 $0xFFFFD800  }
0xad: {  	v7 =	vld [tilespmem:s24+$0x7A00]  }
0xae: {  	v12 =	vld [tilespmem:s24+$0x7A10]  }
0xaf: {  	v6 =	vld [tilespmem:s24+$0x7A20]  }
0xb0: {  	v5 =	vld [tilespmem:s24+$0x7A30]  }
0xb1: {  	v4 =	vld [tilespmem:s24+$0x7A40]  }
0xb2: {  	v3 =	vld [tilespmem:s24+$0x7A50]  }
0xb3: {  	v2 =	vld [tilespmem:s24+$0x7A60]  }
0xb4: {  	v1 =	vld [tilespmem:s24+$0x7A70]  }
0xb5: {  	v13 =	vld [tilespmem:s24+$0x2A00]  }
0xb6: {  	v14 =	vld [tilespmem:s24+$0x2A10]  }
0xb7: {  	v11 =	vld [tilespmem:s24+$0x2A20]  }
0xb8: {  	v10 =	vld [tilespmem:s24+$0x2A30]  }
0xb9: {  	v9 =	vld [tilespmem:s24+$0x2A40]  }
0xba: {  	v8 =	vld [tilespmem:s24+$0x2A50];
	v13 =	vadd.f32 v7, v13  }
0xbb: {  	s25 =	simm.s32 $0x200;
	v12 =	vadd.f32 v12, v14;
	v7 =	vld [tilespmem:s24+$0x2A60]  }
.LBB2_7:
0xbc: {  	s17 =	sshra.s32 s25, $0x2;
	p0 =	sne.s32 s25, $0x9E00;
	v13 =	vmax.f32 v13, $0.0e+00;
	v6 =	vadd.f32 v6, v11;
	v11 =	vld [tilespmem:s24+$0x2A70]  }
0xbd: {  	v14 =	vld [tilespmem:s17+$0x7A00];
	[tilespmem:s24+$0x2A00] =	vst v13;
	v12 =	vmax.f32 v12, $0.0e+00;
	v5 =	vadd.f32 v5, v10  }
0xbe: {  	v15 =	vld [tilespmem:s17+$0x7A10];
	[tilespmem:s24+$0x2A10] =	vst v12;
	v10 =	vmax.f32 v6, $0.0e+00;
	v4 =	vadd.f32 v4, v9  }
0xbf: {  	v6 =	vld [tilespmem:s17+$0x7A20];
	[tilespmem:s24+$0x2A20] =	vst v10;
	v9 =	vmax.f32 v5, $0.0e+00;
	v3 =	vadd.f32 v3, v8  }
0xc0: {  	v5 =	vld [tilespmem:s17+$0x7A30];
	[tilespmem:s24+$0x2A30] =	vst v9;
	v8 =	vmax.f32 v4, $0.0e+00;
	v2 =	vadd.f32 v2, v7  }
0xc1: {  	v4 =	vld [tilespmem:s17+$0x7A40];
	[tilespmem:s24+$0x2A40] =	vst v8;
	v7 =	vmax.f32 v3, $0.0e+00;
	v1 =	vadd.f32 v1, v11  }
0xc2: {  	v3 =	vld [tilespmem:s17+$0x7A50];
	[tilespmem:s24+$0x2A50] =	vst v7;
	v7 =	vmax.f32 v2, $0.0e+00  }
0xc3: {  	v2 =	vld [tilespmem:s17+$0x7A60];
	[tilespmem:s24+$0x2A60] =	vst v7;
	v7 =	vmax.f32 v1, $0.0e+00  }
0xc4: {  	v1 =	vld [tilespmem:s17+$0x7A70];
	[tilespmem:s24+$0x2A70] =	vst v7;
	s24 =	smov.u32 s17  }
0xc5: {  	v7 =	vld [tilespmem:s24+$0x2A00]  }
0xc6: {  	v12 =	vld [tilespmem:s24+$0x2A10]  }
.Ltmp2:
0xc7: {  	v11 =	vld [tilespmem:s24+$0x2A20];
	(pc) =	sbr.rel @p0 .LBB2_7-.Ltmp2, $4  }
0xc8: {  	v10 =	vld [tilespmem:s24+$0x2A30]  }
0xc9: {  	v9 =	vld [tilespmem:s24+$0x2A40]  }
0xca: {  	v13 =	vadd.f32 v14, v7;
	v8 =	vld [tilespmem:s24+$0x2A50]  }
0xcb: {  	s25 =	sadd.s32 $0x200, s25;
	v12 =	vadd.f32 v15, v12;
	v7 =	vld [tilespmem:s24+$0x2A60]  }
0xcc: {  	v13 =	vmax.f32 v13, $0.0e+00;
	v6 =	vadd.f32 v6, v11;
	v63 =	vld [tilespmem:s24+$0x2A70]  }
0xcd: {  	[tilespmem:s24+$0x2A00] =	vst v13;
	v12 =	vmax.f32 v12, $0.0e+00;
	v5 =	vadd.f32 v5, v10  }
0xce: {  	[tilespmem:s24+$0x2A10] =	vst v12;
	v6 =	vmax.f32 v6, $0.0e+00;
	v4 =	vadd.f32 v4, v9  }
0xcf: {  	[tilespmem:s24+$0x2A20] =	vst v6;
	v5 =	vmax.f32 v5, $0.0e+00;
	v3 =	vadd.f32 v3, v8  }
0xd0: {  	[tilespmem:s24+$0x2A30] =	vst v5;
	v4 =	vmax.f32 v4, $0.0e+00;
	v2 =	vadd.f32 v2, v7  }
0xd1: {  	[tilespmem:s24+$0x2A40] =	vst v4;
	v3 =	vmax.f32 v3, $0.0e+00;
	v1 =	vadd.f32 v1, v63  }
0xd2: {  	[tilespmem:s24+$0x2A50] =	vst v3;
	v2 =	vmax.f32 v2, $0.0e+00  }
0xd3: {  	[tilespmem:s24+$0x2A60] =	vst v2;
	v1 =	vmax.f32 v1, $0.0e+00  }
0xd4: {  	s22 =	sadd.s32 $0x1, s22;
	[tilespmem:s24+$0x2A70] =	vst v1  }
0xd5: {  	[spmem:s3] =	stream.indirect.scatter.add.f32 [tilespmem:s11], [sflag:$0x7], $0x80, s9, s31, $0xb8;
	[tilespmem:$0x1E200] =	vst v63  }
0xd6: {  	s17 =	sadd.s32 s23, s15;
	p0 =	sne.s32 s22, $0x3E;
	_ =	swait.ge [sflag:s28], $0x2800  }
.Ltmp3:
0xd7: {  	s17 =	sshrl.u32 s17, $0x3;
	[sflag:s28] =	ssyncset.done $0x0;
	(pc) =	sbr.rel @p0 .LBB2_4-.Ltmp3, $4  }
0xd8: {  	s20 =	sadd.s32 s7, s17;
	[sflag:s28] =	ssyncadd.s32 $0xFFFFD800  }
0xd9: {  	[tilespmem:s4], [sflag:$0x2] =	stream.linear.gather [hbm4b:s20+s5], $0x50, $0x38;
	[tilespmem:$0x1E200] =	vst v63  }
0xda: {  	s17 =	sadd.s32 s2, s17  }
0xdb: {  	[tilespmem:s9], [sflag:$0x2] =	stream.linear.gather [hbm4b:s17+s5], $0x50, $0x38;
	[tilespmem:$0x1E200] =	vst v63  }
0xdc: {  	_ =	swait.ge [sflag:s13], $0x2800  }
0xdd: {  	[sflag:s13] =	ssyncset.done $0x0  }
0xde: {  	[sflag:s13] =	ssyncadd.s32 $0xFFFFD800  }
0xdf: {  	_ =	swait.ge [sflag:s16], $0x2800  }
0xe0: {  	[sflag:s16] =	ssyncset.done $0x0  }
0xe1: {  	s21 =	simm.s32 $0x0;
	[sflag:s16] =	ssyncadd.s32 $0xFFFFD800  }
0xe2: {  	v7 =	vld [tilespmem:s21+$0x5200]  }
0xe3: {  	v12 =	vld [tilespmem:s21+$0x5210]  }
0xe4: {  	v6 =	vld [tilespmem:s21+$0x5220]  }
0xe5: {  	v5 =	vld [tilespmem:s21+$0x5230]  }
0xe6: {  	v4 =	vld [tilespmem:s21+$0x5240]  }
0xe7: {  	v3 =	vld [tilespmem:s21+$0x5250]  }
0xe8: {  	v2 =	vld [tilespmem:s21+$0x5260]  }
0xe9: {  	v1 =	vld [tilespmem:s21+$0x5270]  }
0xea: {  	v13 =	vld [tilespmem:s21+$0x200]  }
0xeb: {  	v14 =	vld [tilespmem:s21+$0x210]  }
0xec: {  	v11 =	vld [tilespmem:s21+$0x220]  }
0xed: {  	v10 =	vld [tilespmem:s21+$0x230]  }
0xee: {  	v9 =	vld [tilespmem:s21+$0x240]  }
0xef: {  	v8 =	vld [tilespmem:s21+$0x250];
	v13 =	vadd.f32 v7, v13  }
0xf0: {  	s22 =	simm.s32 $0x200;
	v12 =	vadd.f32 v12, v14;
	v7 =	vld [tilespmem:s21+$0x260]  }
.LBB2_10:
0xf1: {  	s17 =	sshra.s32 s22, $0x2;
	p0 =	sne.s32 s22, $0x9E00;
	v13 =	vmax.f32 v13, $0.0e+00;
	v6 =	vadd.f32 v6, v11;
	v11 =	vld [tilespmem:s21+$0x270]  }
0xf2: {  	v14 =	vld [tilespmem:s17+$0x5200];
	[tilespmem:s21+$0x200] =	vst v13;
	v12 =	vmax.f32 v12, $0.0e+00;
	v5 =	vadd.f32 v5, v10  }
0xf3: {  	v15 =	vld [tilespmem:s17+$0x5210];
	[tilespmem:s21+$0x210] =	vst v12;
	v10 =	vmax.f32 v6, $0.0e+00;
	v4 =	vadd.f32 v4, v9  }
0xf4: {  	v6 =	vld [tilespmem:s17+$0x5220];
	[tilespmem:s21+$0x220] =	vst v10;
	v9 =	vmax.f32 v5, $0.0e+00;
	v3 =	vadd.f32 v3, v8  }
0xf5: {  	v5 =	vld [tilespmem:s17+$0x5230];
	[tilespmem:s21+$0x230] =	vst v9;
	v8 =	vmax.f32 v4, $0.0e+00;
	v2 =	vadd.f32 v2, v7  }
0xf6: {  	v4 =	vld [tilespmem:s17+$0x5240];
	[tilespmem:s21+$0x240] =	vst v8;
	v7 =	vmax.f32 v3, $0.0e+00;
	v1 =	vadd.f32 v1, v11  }
0xf7: {  	v3 =	vld [tilespmem:s17+$0x5250];
	[tilespmem:s21+$0x250] =	vst v7;
	v7 =	vmax.f32 v2, $0.0e+00  }
0xf8: {  	v2 =	vld [tilespmem:s17+$0x5260];
	[tilespmem:s21+$0x260] =	vst v7;
	v7 =	vmax.f32 v1, $0.0e+00  }
0xf9: {  	v1 =	vld [tilespmem:s17+$0x5270];
	[tilespmem:s21+$0x270] =	vst v7;
	s21 =	smov.u32 s17  }
0xfa: {  	v7 =	vld [tilespmem:s21+$0x200]  }
0xfb: {  	v12 =	vld [tilespmem:s21+$0x210]  }
.Ltmp4:
0xfc: {  	v11 =	vld [tilespmem:s21+$0x220];
	(pc) =	sbr.rel @p0 .LBB2_10-.Ltmp4, $4  }
0xfd: {  	v10 =	vld [tilespmem:s21+$0x230]  }
0xfe: {  	v9 =	vld [tilespmem:s21+$0x240]  }
0xff: {  	v13 =	vadd.f32 v14, v7;
	v8 =	vld [tilespmem:s21+$0x250]  }
0x100: {  	s22 =	sadd.s32 $0x200, s22;
	v12 =	vadd.f32 v15, v12;
	v7 =	vld [tilespmem:s21+$0x260]  }
0x101: {  	v13 =	vmax.f32 v13, $0.0e+00;
	v6 =	vadd.f32 v6, v11;
	v63 =	vld [tilespmem:s21+$0x270]  }
0x102: {  	[tilespmem:s21+$0x200] =	vst v13;
	v12 =	vmax.f32 v12, $0.0e+00;
	v5 =	vadd.f32 v5, v10  }
0x103: {  	[tilespmem:s21+$0x210] =	vst v12;
	v6 =	vmax.f32 v6, $0.0e+00;
	v4 =	vadd.f32 v4, v9  }
0x104: {  	[tilespmem:s21+$0x220] =	vst v6;
	v5 =	vmax.f32 v5, $0.0e+00;
	v3 =	vadd.f32 v3, v8  }
0x105: {  	[tilespmem:s21+$0x230] =	vst v5;
	v4 =	vmax.f32 v4, $0.0e+00;
	v2 =	vadd.f32 v2, v7  }
0x106: {  	[tilespmem:s21+$0x240] =	vst v4;
	v3 =	vmax.f32 v3, $0.0e+00;
	v1 =	vadd.f32 v1, v63  }
0x107: {  	[tilespmem:s21+$0x250] =	vst v3;
	v2 =	vmax.f32 v2, $0.0e+00  }
0x108: {  	[tilespmem:s21+$0x260] =	vst v2;
	v1 =	vmax.f32 v1, $0.0e+00  }
0x109: {  	[tilespmem:s21+$0x270] =	vst v1  }
0x10a: {  	[spmem:s3] =	stream.indirect.scatter.add.f32 [tilespmem:s26], [sflag:$0x7], $0x80, s29, s31, $0xb8;
	[tilespmem:$0x1E200] =	vst v63  }
0x10b: {  	_ =	swait.ge [sflag:s28], $0x2800  }
0x10c: {  	[sflag:s28] =	ssyncset.done $0x0  }
0x10d: {  	[sflag:s28] =	ssyncadd.s32 $0xFFFFD800  }
0x10e: {  	_ =	swait.ge [sflag:s10], $0x50  }
0x10f: {  	[sflag:s10] =	ssyncset.done $0x0  }
0x110: {  	[sflag:s10] =	ssyncadd.s32 $0xFFFFFFB0  }
0x111: {  	_ =	swait.ge [sflag:s10], $0x50  }
0x112: {  	[sflag:s10] =	ssyncset.done $0x0  }
0x113: {  	[sflag:s10] =	ssyncadd.s32 $0xFFFFFFB0  }
0x114: {  	s17 =	stileid.u32;
	[bflag:$0x0] =	sbarrier.arrive $0xFFFF  }
0x115: {  	s17 =	sshll.u32 s17, $0x6;
	s23 =	rddreg [dreg:$0xb]  }
0x116: {  	s17 =	sor.u32 $0x1C07, s17;
	s22 =	rddreg [dreg:$0xa];
	s20 =	sshrl.u32 s23, $0x3  }
0x117: {  	[hbm:s22], [sflag:s17] =	dma.local [spmem:s20], $0x2800  }
0x118: {  	_ =	swait.ge [sflag:s28], $0x2800  }
0x119: {  	s24 =	rddreg [dreg:$0x14]  }
0x11a: {  	s25 =	rddreg [dreg:$0xc];
	s20 =	sadd.s32 $0x1, s24  }
0x11b: {  	p0 =	sne.s32 s20, s25  }
.Ltmp5:
0x11c: {  	_ = 	snop;
	(pc) =	sbr.rel @p0 .LBB2_1-.Ltmp5, $3  }
0x11d: {  	_ =	sdelay $0x1  }
0x11e: {  	[sflag:s28] =	ssyncset.done $0x0  }
0x11f: {  	[sflag:s28] =	ssyncadd.s32 $0xFFFFD800  }
0x120: {  	_ =	sfence.sel $0x180000  }
0x121: {  	[bflag:$0x0] =	sbarrier.arrive $0xFFFF  }
0x122: {  	_ =	strace $0x90000047  }
0x123: {  	s0 =	stileid.u32;
	[bflag:$0x2] =	sbarrier.arrive $0xFFFF  }
0x124: {  	p0 =	sne.s32 s0, $0x0;
	s0 =	rddreg [dreg:$0x4]  }
0x125: {  	s0 =	sadd.s32 @!p0 $0x100000, s0  }
0x126: {  	[sflag:s0] =	ssyncadd.tile.s32 @!p0 $0x1;
	_ =	shalt  }
.Lfunc_end2:
_tile_overlayer_lowered:
.L_overlay_start_2:
0x127: {  	(tag) =	ssettag $0x2  }
0x128: {  	s0 =	rddreg [dreg:$0x0];
	s2 =	stileid.u32  }
0x129: {  	s1 =	rddreg [dreg:$0x1];
	p0 =	sne.s32 s2, $0x0  }
0x12a: {  	s3 =	rddreg [dreg:$0x2];
	[bflag:$0x3] =	sbarrier.arrive $0xFFFF;
	s2 =	simm.s32 @!p0 $0x1C07  }
0x12b: {  	[timem:s3], [sflag:s2] =	dma.local @!p0 [hbm:s0], s1  }
0x12c: {  	s0 =	simm.s32 @!p0 $0x7  }
0x12d: {  	_ =	swait.ge @!p0 [sflag:s0], s1  }
0x12e: {  	s1 =	ssub.s32 @!p0 $0x0, s1;
	[sflag:s0] =	ssyncset.done @!p0 $0x0  }
0x12f: {  	[sflag:s0] =	ssyncadd.s32 @!p0 s1  }
0x130: {  	[bflag:$0x3] =	sbarrier.arrive $0xFFFF  }
0x131: {  	_ =	shalt  }

</sc_bundles>
